<compile_context>
chip_gen: v7x
topology: tpu7x:2x2x1
jax: 0.10.2.dev20260603
libtpu: 0.0.44.dev20260713+nightly
codegen_flags: <defaults>
</compile_context>

<pallas_src>
import jax
import jax.numpy as jnp
from jax import lax
from jax.experimental import pallas as pl
from jax.experimental.pallas import tpu as pltpu
from jax.experimental.pallas import tpu_sc as plsc

_L = 16
_C = 128
_G = _C // _L
_K = 100
_SCORE_THRESH = 0.5
_NMS_THRESH = 0.5


def _nms_body(x1h, y1h, x2h, y2h, sch, lbh, order_hbm,
              out_hbm, outlb_hbm,
              idx_v, cx1, cy1, cx2, cy2, csc, clb, car, alive_v,
              kx1, ky1, kx2, ky2, ksc, klb, kar, sem):
    n = sch.shape[0]
    n_pad = order_hbm.shape[0]
    n_chunks = n_pad // _C
    wid = lax.axis_index("s") * 2 + lax.axis_index("c")

    @pl.when(wid == 0)
    def _run():
        lane = lax.broadcasted_iota(jnp.int32, (_L,), 0)
        zero = jnp.zeros((_L,), jnp.float32)

        alive_v[pl.ds(_C, _L)] = jnp.zeros((_L,), jnp.int32)

        for g in range(_G):
            sl = pl.ds(g * _L, _L)
            kx1[sl] = zero
            ky1[sl] = zero
            kx2[sl] = zero
            ky2[sl] = zero
            ksc[sl] = zero
            klb[sl] = jnp.zeros((_L,), jnp.int32)

        def splat_at(vec, j):
            return vec.at[jnp.full((_L,), j, jnp.int32)].get(
                mode="promise_in_bounds")

        def store_at(ref, pos, val_splat):
            gb = pos & ~(_L - 1)
            grp = ref[pl.ds(gb, _L)]
            ref[pl.ds(gb, _L)] = jnp.where(lane == pos - gb, val_splat, grp)

        def iou_mask(bx1, by1, bx2, by2, ba, sl):
            xx1 = jnp.maximum(cx1[sl], bx1)
            yy1 = jnp.maximum(cy1[sl], by1)
            xx2 = jnp.minimum(cx2[sl], bx2)
            yy2 = jnp.minimum(cy2[sl], by2)
            inter = (jnp.maximum(xx2 - xx1, 0.0)
                     * jnp.maximum(yy2 - yy1, 0.0))
            iou = inter / (ba + car[sl] - inter + 1e-9)
            return iou > _NMS_THRESH

        def load_chunk(chunk):
            pltpu.sync_copy(order_hbm.at[pl.ds(chunk * _C, _C)], idx_v)
            cps = [pltpu.async_copy(h.at[idx_v], v, sem)
                   for h, v in ((x1h, cx1), (y1h, cy1), (x2h, cx2),
                                (y2h, cy2), (sch, csc), (lbh, clb))]
            for cp in cps:
                cp.wait()
            for g in range(_G):
                sl = pl.ds(g * _L, _L)
                car[sl] = (cx2[sl] - cx1[sl]) * (cy2[sl] - cy1[sl])
                alive_v[sl] = jnp.where(
                    (csc[sl] >= _SCORE_THRESH)
                    & (lane < n - (chunk * _C + g * _L)), 1, 0)

        def phase1(count):
            def body(k, _):
                gb = k & ~(_L - 1)
                lidx = k - gb
                sl = pl.ds(gb, _L)
                b1 = splat_at(kx1[sl], lidx)
                b2 = splat_at(ky1[sl], lidx)
                b3 = splat_at(kx2[sl], lidx)
                b4 = splat_at(ky2[sl], lidx)
                ba = splat_at(kar[sl], lidx)
                for g in range(_G):
                    gsl = pl.ds(g * _L, _L)
                    alive_v[gsl] = jnp.where(
                        iou_mask(b1, b2, b3, b4, ba, gsl), 0, alive_v[gsl])
                return 0
            lax.fori_loop(0, count, body, 0)

        def phase2(count):
            gx1 = [cx1[pl.ds(g * _L, _L)] for g in range(_G)]
            gy1 = [cy1[pl.ds(g * _L, _L)] for g in range(_G)]
            gx2 = [cx2[pl.ds(g * _L, _L)] for g in range(_G)]
            gy2 = [cy2[pl.ds(g * _L, _L)] for g in range(_G)]
            gar = [car[pl.ds(g * _L, _L)] for g in range(_G)]

            def body(p, cnt):
                gb = p & ~(_L - 1)
                lidx = p - gb
                sl = pl.ds(gb, _L)
                a = alive_v[pl.ds(p, _L)][0]

                def keep_it(cnt):
                    b1 = splat_at(cx1[sl], lidx)
                    b2 = splat_at(cy1[sl], lidx)
                    b3 = splat_at(cx2[sl], lidx)
                    b4 = splat_at(cy2[sl], lidx)
                    ba = splat_at(car[sl], lidx)
                    store_at(kx1, cnt, b1)
                    store_at(ky1, cnt, b2)
                    store_at(kx2, cnt, b3)
                    store_at(ky2, cnt, b4)
                    store_at(kar, cnt, ba)
                    store_at(ksc, cnt, splat_at(csc[sl], lidx))
                    store_at(klb, cnt, splat_at(clb[sl], lidx))
                    for g in range(_G):
                        gsl = pl.ds(g * _L, _L)
                        xx1 = jnp.maximum(gx1[g], b1)
                        yy1 = jnp.maximum(gy1[g], b2)
                        xx2 = jnp.minimum(gx2[g], b3)
                        yy2 = jnp.minimum(gy2[g], b4)
                        inter = (jnp.maximum(xx2 - xx1, 0.0)
                                 * jnp.maximum(yy2 - yy1, 0.0))
                        iou = inter / (ba + gar[g] - inter + 1e-9)
                        alive_v[gsl] = jnp.where(
                            iou > _NMS_THRESH, 0, alive_v[gsl])
                    return cnt + 1

                return lax.cond((a != 0) & (cnt < _K), keep_it,
                                lambda cnt: cnt, cnt)

            return lax.fori_loop(0, _C, body, count)

        def outer_body(chunk, carry):
            def process(carry):
                count, more = carry
                load_chunk(chunk)
                sc_top = csc[pl.ds(0, _L)][0]

                @pl.when((sc_top >= _SCORE_THRESH) & (count > 0))
                def _p1():
                    phase1(count)

                count = lax.cond(sc_top >= _SCORE_THRESH, phase2,
                                 lambda cnt: cnt, count)
                more = (csc[pl.ds(_C - _L, _L)][_L - 1]
                        >= _SCORE_THRESH).astype(jnp.int32)
                return (count, more)

            count, more = carry
            active = (more != 0) & (count < _K)
            return lax.cond(active, process, lambda c: c, carry)

        count, _ = lax.fori_loop(0, n_chunks, outer_body,
                                 (jnp.int32(0), jnp.int32(1)))

        cnt_f = count.astype(jnp.float32)
        for g in range(_G):
            car[pl.ds(g * _L, _L)] = jnp.full((_L,), cnt_f, jnp.float32)
        pltpu.sync_copy(kx1, out_hbm.at[0])
        pltpu.sync_copy(ky1, out_hbm.at[1])
        pltpu.sync_copy(kx2, out_hbm.at[2])
        pltpu.sync_copy(ky2, out_hbm.at[3])
        pltpu.sync_copy(ksc, out_hbm.at[4])
        pltpu.sync_copy(car, out_hbm.at[5])
        pltpu.sync_copy(klb, outlb_hbm)


def _build_nms():
    mesh = plsc.VectorSubcoreMesh(core_axis_name="c", subcore_axis_name="s",
                                  num_cores=1)
    col = pltpu.VMEM((_C,), jnp.float32)
    coli = pltpu.VMEM((_C,), jnp.int32)
    return pl.kernel(
        _nms_body,
        out_type=(jax.ShapeDtypeStruct((6, _C), jnp.float32),
                  jax.ShapeDtypeStruct((_C,), jnp.int32)),
        mesh=mesh,
        scratch_types=[
            pltpu.VMEM((_C,), jnp.int32),
            col, col, col, col, col,
            coli,
            col,
            pltpu.VMEM((_C + _L,), jnp.int32),
            col, col, col, col, col,
            coli,
            col,
            pltpu.SemaphoreType.DMA,
        ],
    )


@jax.jit
def kernel(boxes, scores, labels, top_k):
    n = boxes.shape[0]
    bt = boxes.T
    lb = labels.astype(jnp.int32)

    vals, idx_top = lax.top_k(scores, _C)
    fast = _build_nms()(bt[0], bt[1], bt[2], bt[3], scores, lb,
                        idx_top.astype(jnp.int32))
    need_more = (fast[0][5, 0] < _K) & (vals[_C - 1] >= _SCORE_THRESH)

    def full_path():
        order = jnp.argsort(-scores).astype(jnp.int32)
        pad = (-n) % _C
        order_p = jnp.concatenate([order, jnp.zeros((pad,), jnp.int32)])
        return _build_nms()(bt[0], bt[1], bt[2], bt[3], scores, lb, order_p)

    rows, lbv = lax.cond(need_more, full_path, lambda: fast)

    out_scores = rows[4, :_K]
    valid = (out_scores > 0.0) & (jnp.arange(_K) < top_k)
    out_boxes = jnp.where(valid[:, None], rows[:4, :_K].T, 0.0)
    out_scores = jnp.where(valid, out_scores, 0.0)
    out_labels = jnp.where(valid, lbv[:_K], -1)
    return out_boxes, out_scores, out_labels

# --- scband reference (transcript-rebuilt; emitter-appended) ---
"""Pipeline reference for scband-tongue-detector-41120016892090 (READ-ONLY COPY).

The authoritative reference and input builder live on the scoring server;
editing this copy changes nothing except your own understanding.
"""

import jax, jax.numpy as jnp
import numpy as np

SCORE_THRESH = 0.5
NMS_THRESH = 0.5
_TOP_K = 100


def setup_inputs(seed: int = 0) -> dict:
    key = jax.random.key(seed)
    k1, k2, k3, k4 = jax.random.split(key, 4)
    N = 20000
    cxy = jax.random.uniform(k1, (N, 2), dtype=jnp.float32) * 1024.0
    wh = jax.random.uniform(k2, (N, 2), dtype=jnp.float32) * 80.0 + 10.0
    x1y1 = cxy - wh / 2.0
    x2y2 = cxy + wh / 2.0
    boxes = jnp.concatenate([x1y1, x2y2], axis=1).astype(jnp.float32)
    scores = jax.random.uniform(k3, (N,), dtype=jnp.float32)
    labels = jax.random.randint(k4, (N,), 0, 2).astype(jnp.int32)
    return {"boxes": boxes, "scores": scores, "labels": labels, "top_k": 100}


def reference(boxes, scores, labels, top_k):
    # TongueDetector._postprocess: score threshold -> greedy NMS -> top_k,
    # implemented with static shapes (padding invalid slots).
    N = boxes.shape[0]
    order = jnp.argsort(-scores)
    b = boxes[order]
    s = scores[order]
    l = labels[order]

    bb = jax.lax.stop_gradient(b)
    ss = jax.lax.stop_gradient(s)
    x1, y1, x2, y2 = bb[:, 0], bb[:, 1], bb[:, 2], bb[:, 3]
    areas = (x2 - x1) * (y2 - y1)
    idxs = jnp.arange(N)
    init_keep = ss >= SCORE_THRESH  # score threshold (keep=False == filtered out)

    def body(i, keep):
        xx1 = jnp.maximum(x1[i], x1)
        yy1 = jnp.maximum(y1[i], y1)
        xx2 = jnp.minimum(x2[i], x2)
        yy2 = jnp.minimum(y2[i], y2)
        inter = jnp.maximum(xx2 - xx1, 0.0) * jnp.maximum(yy2 - yy1, 0.0)
        iou = inter / (areas[i] + areas - inter + 1e-9)
        suppress = (iou > NMS_THRESH) & (idxs > i) & keep
        return jnp.where(keep[i], keep & ~suppress, keep)

    keep = jax.lax.fori_loop(0, N, body, init_keep)

    masked = jnp.where(keep, s, -1e9)
    vals, top_idx = jax.lax.top_k(masked, _TOP_K)
    valid = (vals > -1e8) & (jnp.arange(_TOP_K) < top_k)
    out_boxes = jnp.where(valid[:, None], b[top_idx], 0.0)
    out_scores = jnp.where(valid, vals, 0.0)
    out_labels = jnp.where(valid, l[top_idx], -1)
    return out_boxes, out_scores, out_labels

if __name__ == "__main__":
    import jax
    _d = setup_inputs()
    print(jax.jit(kernel)(*tuple(_d.values())))

</pallas_src>

<mosaic_0001>
#map = affine_map<(d0, d1) -> (0)>
#map1 = affine_map<(d0, d1) -> (0, 0)>
module attributes {stable_mosaic.version = 14 : i64} {
  func.func @_nms_body(%arg0: i32, %arg1: i32, %arg2: memref<20000xf32, #tpu.memory_space<hbm>>, %arg3: memref<20000xf32, #tpu.memory_space<hbm>>, %arg4: memref<20000xf32, #tpu.memory_space<hbm>>, %arg5: memref<20000xf32, #tpu.memory_space<hbm>>, %arg6: memref<20000xf32, #tpu.memory_space<hbm>>, %arg7: memref<20000xi32, #tpu.memory_space<hbm>>, %arg8: memref<128xi32, #tpu.memory_space<hbm>>, %arg9: memref<6x128xf32, #tpu.memory_space<hbm>>, %arg10: memref<128xi32, #tpu.memory_space<hbm>>, %arg11: memref<128xi32, #tpu.memory_space<vmem>>, %arg12: memref<128xf32, #tpu.memory_space<vmem>>, %arg13: memref<128xf32, #tpu.memory_space<vmem>>, %arg14: memref<128xf32, #tpu.memory_space<vmem>>, %arg15: memref<128xf32, #tpu.memory_space<vmem>>, %arg16: memref<128xf32, #tpu.memory_space<vmem>>, %arg17: memref<128xi32, #tpu.memory_space<vmem>>, %arg18: memref<128xf32, #tpu.memory_space<vmem>>, %arg19: memref<144xi32, #tpu.memory_space<vmem>>, %arg20: memref<128xf32, #tpu.memory_space<vmem>>, %arg21: memref<128xf32, #tpu.memory_space<vmem>>, %arg22: memref<128xf32, #tpu.memory_space<vmem>>, %arg23: memref<128xf32, #tpu.memory_space<vmem>>, %arg24: memref<128xf32, #tpu.memory_space<vmem>>, %arg25: memref<128xi32, #tpu.memory_space<vmem>>, %arg26: memref<128xf32, #tpu.memory_space<vmem>>, %arg27: memref<!tpu.dma_semaphore, #tpu.memory_space<semaphore_mem>>) attributes {dimension_semantics = [#tpu.dimension_semantics<core_parallel>, #tpu.dimension_semantics<subcore_parallel>], iteration_bounds = array<i64: 1, 16>, scalar_prefetch = 0 : i64, scratch_operands = 17 : i64, tpu.core_type = #tpu.core_type<sc_vector_subcore>, window_params = [{transform_indices = #map}, {transform_indices = #map}, {transform_indices = #map}, {transform_indices = #map}, {transform_indices = #map}, {transform_indices = #map}, {transform_indices = #map}, {transform_indices = #map1}, {transform_indices = #map}]} {
    %mul3A = arith.constant 2 : i32
    %mul3A_0 = arith.muli %arg1, %mul3A : i32
    %add3A = arith.addi %mul3A_0, %arg0 : i32
    %eq3A = arith.constant 0 : i32
    %eq3A_1 = arith.cmpi eq, %add3A, %eq3A : i32
    %convert_element_type3A = arith.extui %eq3A_1 : i1 to i32
    %cond3A = arith.constant 0 : i32
    %cond3A_2 = arith.cmpi ne, %convert_element_type3A, %cond3A : i32
    scf.if %cond3A_2 {
      %iota3A = tpu.iota {dimensions = array<i32: 0>} : vector<16xi32>
      %broadcast_in_dim3A = arith.constant 0.000000e+00 : f32
      %broadcast_in_dim3A_3 = vector.broadcast %broadcast_in_dim3A : f32 to vector<16xf32>
      %broadcast_in_dim3A_4 = arith.constant 0 : i32
      %broadcast_in_dim3A_5 = vector.broadcast %broadcast_in_dim3A_4 : i32 to vector<16xi32>
      %swap3A = arith.constant 128 : index
      %swap3A_6 = tpu.vector_load %arg19[%swap3A] {strides = array<i32>} : memref<144xi32, #tpu.memory_space<vmem>>, vector<16xi32>,
      %swap3A_7 = vector.shape_cast %swap3A_6 : vector<16xi32> to vector<16xi32>
      %swap3A_8 = vector.shape_cast %broadcast_in_dim3A_5 : vector<16xi32> to vector<16xi32>
      tpu.vector_store %arg19[%swap3A], %swap3A_8 {strides = array<i32>} : memref<144xi32, #tpu.memory_space<vmem>>, vector<16xi32>,
      %swap3A_9 = arith.constant 0 : index
      %swap3A_10 = tpu.vector_load %arg20[%swap3A_9] {strides = array<i32>} : memref<128xf32, #tpu.memory_space<vmem>>, vector<16xf32>,
      %swap3A_11 = vector.shape_cast %swap3A_10 : vector<16xf32> to vector<16xf32>
      %swap3A_12 = vector.shape_cast %broadcast_in_dim3A_3 : vector<16xf32> to vector<16xf32>
      tpu.vector_store %arg20[%swap3A_9], %swap3A_12 {strides = array<i32>} : memref<128xf32, #tpu.memory_space<vmem>>, vector<16xf32>,
      %swap3A_13 = arith.constant 0 : index
      %swap3A_14 = tpu.vector_load %arg21[%swap3A_13] {strides = array<i32>} : memref<128xf32, #tpu.memory_space<vmem>>, vector<16xf32>,
      %swap3A_15 = vector.shape_cast %swap3A_14 : vector<16xf32> to vector<16xf32>
      %swap3A_16 = vector.shape_cast %broadcast_in_dim3A_3 : vector<16xf32> to vector<16xf32>
      tpu.vector_store %arg21[%swap3A_13], %swap3A_16 {strides = array<i32>} : memref<128xf32, #tpu.memory_space<vmem>>, vector<16xf32>,
      %swap3A_17 = arith.constant 0 : index
      %swap3A_18 = tpu.vector_load %arg22[%swap3A_17] {strides = array<i32>} : memref<128xf32, #tpu.memory_space<vmem>>, vector<16xf32>,
      %swap3A_19 = vector.shape_cast %swap3A_18 : vector<16xf32> to vector<16xf32>
      %swap3A_20 = vector.shape_cast %broadcast_in_dim3A_3 : vector<16xf32> to vector<16xf32>
      tpu.vector_store %arg22[%swap3A_17], %swap3A_20 {strides = array<i32>} : memref<128xf32, #tpu.memory_space<vmem>>, vector<16xf32>,
      %swap3A_21 = arith.constant 0 : index
      %swap3A_22 = tpu.vector_load %arg23[%swap3A_21] {strides = array<i32>} : memref<128xf32, #tpu.memory_space<vmem>>, vector<16xf32>,
      %swap3A_23 = vector.shape_cast %swap3A_22 : vector<16xf32> to vector<16xf32>
      %swap3A_24 = vector.shape_cast %broadcast_in_dim3A_3 : vector<16xf32> to vector<16xf32>
      tpu.vector_store %arg23[%swap3A_21], %swap3A_24 {strides = array<i32>} : memref<128xf32, #tpu.memory_space<vmem>>, vector<16xf32>,
      %swap3A_25 = arith.constant 0 : index
      %swap3A_26 = tpu.vector_load %arg24[%swap3A_25] {strides = array<i32>} : memref<128xf32, #tpu.memory_space<vmem>>, vector<16xf32>,
      %swap3A_27 = vector.shape_cast %swap3A_26 : vector<16xf32> to vector<16xf32>
      %swap3A_28 = vector.shape_cast %broadcast_in_dim3A_3 : vector<16xf32> to vector<16xf32>
      tpu.vector_store %arg24[%swap3A_25], %swap3A_28 {strides = array<i32>} : memref<128xf32, #tpu.memory_space<vmem>>, vector<16xf32>,
      %broadcast_in_dim3A_29 = arith.constant 0 : i32
      %broadcast_in_dim3A_30 = vector.broadcast %broadcast_in_dim3A_29 : i32 to vector<16xi32>
      %swap3A_31 = arith.constant 0 : index
      %swap3A_32 = tpu.vector_load %arg25[%swap3A_31] {strides = array<i32>} : memref<128xi32, #tpu.memory_space<vmem>>, vector<16xi32>,
      %swap3A_33 = vector.shape_cast %swap3A_32 : vector<16xi32> to vector<16xi32>
      %swap3A_34 = vector.shape_cast %broadcast_in_dim3A_30 : vector<16xi32> to vector<16xi32>
      tpu.vector_store %arg25[%swap3A_31], %swap3A_34 {strides = array<i32>} : memref<128xi32, #tpu.memory_space<vmem>>, vector<16xi32>,
      %swap3A_35 = arith.constant 16 : index
      %swap3A_36 = tpu.vector_load %arg20[%swap3A_35] {strides = array<i32>} : memref<128xf32, #tpu.memory_space<vmem>>, vector<16xf32>,
      %swap3A_37 = vector.shape_cast %swap3A_36 : vector<16xf32> to vector<16xf32>
      %swap3A_38 = vector.shape_cast %broadcast_in_dim3A_3 : vector<16xf32> to vector<16xf32>
      tpu.vector_store %arg20[%swap3A_35], %swap3A_38 {strides = array<i32>} : memref<128xf32, #tpu.memory_space<vmem>>, vector<16xf32>,
      %swap3A_39 = arith.constant 16 : index
      %swap3A_40 = tpu.vector_load %arg21[%swap3A_39] {strides = array<i32>} : memref<128xf32, #tpu.memory_space<vmem>>, vector<16xf32>,
      %swap3A_41 = vector.shape_cast %swap3A_40 : vector<16xf32> to vector<16xf32>
      %swap3A_42 = vector.shape_cast %broadcast_in_dim3A_3 : vector<16xf32> to vector<16xf32>
      tpu.vector_store %arg21[%swap3A_39], %swap3A_42 {strides = array<i32>} : memref<128xf32, #tpu.memory_space<vmem>>, vector<16xf32>,
      %swap3A_43 = arith.constant 16 : index
      %swap3A_44 = tpu.vector_load %arg22[%swap3A_43] {strides = array<i32>} : memref<128xf32, #tpu.memory_space<vmem>>, vector<16xf32>,
      %swap3A_45 = vector.shape_cast %swap3A_44 : vector<16xf32> to vector<16xf32>
      %swap3A_46 = vector.shape_cast %broadcast_in_dim3A_3 : vector<16xf32> to vector<16xf32>
      tpu.vector_store %arg22[%swap3A_43], %swap3A_46 {strides = array<i32>} : memref<128xf32, #tpu.memory_space<vmem>>, vector<16xf32>,
      %swap3A_47 = arith.constant 16 : index
      %swap3A_48 = tpu.vector_load %arg23[%swap3A_47] {strides = array<i32>} : memref<128xf32, #tpu.memory_space<vmem>>, vector<16xf32>,
      %swap3A_49 = vector.shape_cast %swap3A_48 : vector<16xf32> to vector<16xf32>
      %swap3A_50 = vector.shape_cast %broadcast_in_dim3A_3 : vector<16xf32> to vector<16xf32>
      tpu.vector_store %arg23[%swap3A_47], %swap3A_50 {strides = array<i32>} : memref<128xf32, #tpu.memory_space<vmem>>, vector<16xf32>,
      %swap3A_51 = arith.constant 16 : index
      %swap3A_52 = tpu.vector_load %arg24[%swap3A_51] {strides = array<i32>} : memref<128xf32, #tpu.memory_space<vmem>>, vector<16xf32>,
      %swap3A_53 = vector.shape_cast %swap3A_52 : vector<16xf32> to vector<16xf32>
      %swap3A_54 = vector.shape_cast %broadcast_in_dim3A_3 : vector<16xf32> to vector<16xf32>
      tpu.vector_store %arg24[%swap3A_51], %swap3A_54 {strides = array<i32>} : memref<128xf32, #tpu.memory_space<vmem>>, vector<16xf32>,
      %broadcast_in_dim3A_55 = arith.constant 0 : i32
      %broadcast_in_dim3A_56 = vector.broadcast %broadcast_in_dim3A_55 : i32 to vector<16xi32>
      %swap3A_57 = arith.constant 16 : index
      %swap3A_58 = tpu.vector_load %arg25[%swap3A_57] {strides = array<i32>} : memref<128xi32, #tpu.memory_space<vmem>>, vector<16xi32>,
      %swap3A_59 = vector.shape_cast %swap3A_58 : vector<16xi32> to vector<16xi32>
      %swap3A_60 = vector.shape_cast %broadcast_in_dim3A_56 : vector<16xi32> to vector<16xi32>
      tpu.vector_store %arg25[%swap3A_57], %swap3A_60 {strides = array<i32>} : memref<128xi32, #tpu.memory_space<vmem>>, vector<16xi32>,
      %swap3A_61 = arith.constant 32 : index
      %swap3A_62 = tpu.vector_load %arg20[%swap3A_61] {strides = array<i32>} : memref<128xf32, #tpu.memory_space<vmem>>, vector<16xf32>,
      %swap3A_63 = vector.shape_cast %swap3A_62 : vector<16xf32> to vector<16xf32>
      %swap3A_64 = vector.shape_cast %broadcast_in_dim3A_3 : vector<16xf32> to vector<16xf32>
      tpu.vector_store %arg20[%swap3A_61], %swap3A_64 {strides = array<i32>} : memref<128xf32, #tpu.memory_space<vmem>>, vector<16xf32>,
      %swap3A_65 = arith.constant 32 : index
      %swap3A_66 = tpu.vector_load %arg21[%swap3A_65] {strides = array<i32>} : memref<128xf32, #tpu.memory_space<vmem>>, vector<16xf32>,
      %swap3A_67 = vector.shape_cast %swap3A_66 : vector<16xf32> to vector<16xf32>
      %swap3A_68 = vector.shape_cast %broadcast_in_dim3A_3 : vector<16xf32> to vector<16xf32>
      tpu.vector_store %arg21[%swap3A_65], %swap3A_68 {strides = array<i32>} : memref<128xf32, #tpu.memory_space<vmem>>, vector<16xf32>,
      %swap3A_69 = arith.constant 32 : index
      %swap3A_70 = tpu.vector_load %arg22[%swap3A_69] {strides = array<i32>} : memref<128xf32, #tpu.memory_space<vmem>>, vector<16xf32>,
      %swap3A_71 = vector.shape_cast %swap3A_70 : vector<16xf32> to vector<16xf32>
      %swap3A_72 = vector.shape_cast %broadcast_in_dim3A_3 : vector<16xf32> to vector<16xf32>
      tpu.vector_store %arg22[%swap3A_69], %swap3A_72 {strides = array<i32>} : memref<128xf32, #tpu.memory_space<vmem>>, vector<16xf32>,
      %swap3A_73 = arith.constant 32 : index
      %swap3A_74 = tpu.vector_load %arg23[%swap3A_73] {strides = array<i32>} : memref<128xf32, #tpu.memory_space<vmem>>, vector<16xf32>,
      %swap3A_75 = vector.shape_cast %swap3A_74 : vector<16xf32> to vector<16xf32>
      %swap3A_76 = vector.shape_cast %broadcast_in_dim3A_3 : vector<16xf32> to vector<16xf32>
      tpu.vector_store %arg23[%swap3A_73], %swap3A_76 {strides = array<i32>} : memref<128xf32, #tpu.memory_space<vmem>>, vector<16xf32>,
      %swap3A_77 = arith.constant 32 : index
      %swap3A_78 = tpu.vector_load %arg24[%swap3A_77] {strides = array<i32>} : memref<128xf32, #tpu.memory_space<vmem>>, vector<16xf32>,
      %swap3A_79 = vector.shape_cast %swap3A_78 : vector<16xf32> to vector<16xf32>
      %swap3A_80 = vector.shape_cast %broadcast_in_dim3A_3 : vector<16xf32> to vector<16xf32>
      tpu.vector_store %arg24[%swap3A_77], %swap3A_80 {strides = array<i32>} : memref<128xf32, #tpu.memory_space<vmem>>, vector<16xf32>,
      %broadcast_in_dim3A_81 = arith.constant 0 : i32
      %broadcast_in_dim3A_82 = vector.broadcast %broadcast_in_dim3A_81 : i32 to vector<16xi32>
      %swap3A_83 = arith.constant 32 : index
      %swap3A_84 = tpu.vector_load %arg25[%swap3A_83] {strides = array<i32>} : memref<128xi32, #tpu.memory_space<vmem>>, vector<16xi32>,
      %swap3A_85 = vector.shape_cast %swap3A_84 : vector<16xi32> to vector<16xi32>
      %swap3A_86 = vector.shape_cast %broadcast_in_dim3A_82 : vector<16xi32> to vector<16xi32>
      tpu.vector_store %arg25[%swap3A_83], %swap3A_86 {strides = array<i32>} : memref<128xi32, #tpu.memory_space<vmem>>, vector<16xi32>,
      %swap3A_87 = arith.constant 48 : index
      %swap3A_88 = tpu.vector_load %arg20[%swap3A_87] {strides = array<i32>} : memref<128xf32, #tpu.memory_space<vmem>>, vector<16xf32>,
      %swap3A_89 = vector.shape_cast %swap3A_88 : vector<16xf32> to vector<16xf32>
      %swap3A_90 = vector.shape_cast %broadcast_in_dim3A_3 : vector<16xf32> to vector<16xf32>
      tpu.vector_store %arg20[%swap3A_87], %swap3A_90 {strides = array<i32>} : memref<128xf32, #tpu.memory_space<vmem>>, vector<16xf32>,
      %swap3A_91 = arith.constant 48 : index
      %swap3A_92 = tpu.vector_load %arg21[%swap3A_91] {strides = array<i32>} : memref<128xf32, #tpu.memory_space<vmem>>, vector<16xf32>,
      %swap3A_93 = vector.shape_cast %swap3A_92 : vector<16xf32> to vector<16xf32>
      %swap3A_94 = vector.shape_cast %broadcast_in_dim3A_3 : vector<16xf32> to vector<16xf32>
      tpu.vector_store %arg21[%swap3A_91], %swap3A_94 {strides = array<i32>} : memref<128xf32, #tpu.memory_space<vmem>>, vector<16xf32>,
      %swap3A_95 = arith.constant 48 : index
      %swap3A_96 = tpu.vector_load %arg22[%swap3A_95] {strides = array<i32>} : memref<128xf32, #tpu.memory_space<vmem>>, vector<16xf32>,
      %swap3A_97 = vector.shape_cast %swap3A_96 : vector<16xf32> to vector<16xf32>
      %swap3A_98 = vector.shape_cast %broadcast_in_dim3A_3 : vector<16xf32> to vector<16xf32>
      tpu.vector_store %arg22[%swap3A_95], %swap3A_98 {strides = array<i32>} : memref<128xf32, #tpu.memory_space<vmem>>, vector<16xf32>,
      %swap3A_99 = arith.constant 48 : index
      %swap3A_100 = tpu.vector_load %arg23[%swap3A_99] {strides = array<i32>} : memref<128xf32, #tpu.memory_space<vmem>>, vector<16xf32>,
      %swap3A_101 = vector.shape_cast %swap3A_100 : vector<16xf32> to vector<16xf32>
      %swap3A_102 = vector.shape_cast %broadcast_in_dim3A_3 : vector<16xf32> to vector<16xf32>
      tpu.vector_store %arg23[%swap3A_99], %swap3A_102 {strides = array<i32>} : memref<128xf32, #tpu.memory_space<vmem>>, vector<16xf32>,
      %swap3A_103 = arith.constant 48 : index
      %swap3A_104 = tpu.vector_load %arg24[%swap3A_103] {strides = array<i32>} : memref<128xf32, #tpu.memory_space<vmem>>, vector<16xf32>,
      %swap3A_105 = vector.shape_cast %swap3A_104 : vector<16xf32> to vector<16xf32>
      %swap3A_106 = vector.shape_cast %broadcast_in_dim3A_3 : vector<16xf32> to vector<16xf32>
      tpu.vector_store %arg24[%swap3A_103], %swap3A_106 {strides = array<i32>} : memref<128xf32, #tpu.memory_space<vmem>>, vector<16xf32>,
      %broadcast_in_dim3A_107 = arith.constant 0 : i32
      %broadcast_in_dim3A_108 = vector.broadcast %broadcast_in_dim3A_107 : i32 to vector<16xi32>
      %swap3A_109 = arith.constant 48 : index
      %swap3A_110 = tpu.vector_load %arg25[%swap3A_109] {strides = array<i32>} : memref<128xi32, #tpu.memory_space<vmem>>, vector<16xi32>,
      %swap3A_111 = vector.shape_cast %swap3A_110 : vector<16xi32> to vector<16xi32>
      %swap3A_112 = vector.shape_cast %broadcast_in_dim3A_108 : vector<16xi32> to vector<16xi32>
      tpu.vector_store %arg25[%swap3A_109], %swap3A_112 {strides = array<i32>} : memref<128xi32, #tpu.memory_space<vmem>>, vector<16xi32>,
      %swap3A_113 = arith.constant 64 : index
      %swap3A_114 = tpu.vector_load %arg20[%swap3A_113] {strides = array<i32>} : memref<128xf32, #tpu.memory_space<vmem>>, vector<16xf32>,
      %swap3A_115 = vector.shape_cast %swap3A_114 : vector<16xf32> to vector<16xf32>
      %swap3A_116 = vector.shape_cast %broadcast_in_dim3A_3 : vector<16xf32> to vector<16xf32>
      tpu.vector_store %arg20[%swap3A_113], %swap3A_116 {strides = array<i32>} : memref<128xf32, #tpu.memory_space<vmem>>, vector<16xf32>,
      %swap3A_117 = arith.constant 64 : index
      %swap3A_118 = tpu.vector_load %arg21[%swap3A_117] {strides = array<i32>} : memref<128xf32, #tpu.memory_space<vmem>>, vector<16xf32>,
      %swap3A_119 = vector.shape_cast %swap3A_118 : vector<16xf32> to vector<16xf32>
      %swap3A_120 = vector.shape_cast %broadcast_in_dim3A_3 : vector<16xf32> to vector<16xf32>
      tpu.vector_store %arg21[%swap3A_117], %swap3A_120 {strides = array<i32>} : memref<128xf32, #tpu.memory_space<vmem>>, vector<16xf32>,
      %swap3A_121 = arith.constant 64 : index
      %swap3A_122 = tpu.vector_load %arg22[%swap3A_121] {strides = array<i32>} : memref<128xf32, #tpu.memory_space<vmem>>, vector<16xf32>,
      %swap3A_123 = vector.shape_cast %swap3A_122 : vector<16xf32> to vector<16xf32>
      %swap3A_124 = vector.shape_cast %broadcast_in_dim3A_3 : vector<16xf32> to vector<16xf32>
      tpu.vector_store %arg22[%swap3A_121], %swap3A_124 {strides = array<i32>} : memref<128xf32, #tpu.memory_space<vmem>>, vector<16xf32>,
      %swap3A_125 = arith.constant 64 : index
      %swap3A_126 = tpu.vector_load %arg23[%swap3A_125] {strides = array<i32>} : memref<128xf32, #tpu.memory_space<vmem>>, vector<16xf32>,
      %swap3A_127 = vector.shape_cast %swap3A_126 : vector<16xf32> to vector<16xf32>
      %swap3A_128 = vector.shape_cast %broadcast_in_dim3A_3 : vector<16xf32> to vector<16xf32>
      tpu.vector_store %arg23[%swap3A_125], %swap3A_128 {strides = array<i32>} : memref<128xf32, #tpu.memory_space<vmem>>, vector<16xf32>,
      %swap3A_129 = arith.constant 64 : index
      %swap3A_130 = tpu.vector_load %arg24[%swap3A_129] {strides = array<i32>} : memref<128xf32, #tpu.memory_space<vmem>>, vector<16xf32>,
      %swap3A_131 = vector.shape_cast %swap3A_130 : vector<16xf32> to vector<16xf32>
      %swap3A_132 = vector.shape_cast %broadcast_in_dim3A_3 : vector<16xf32> to vector<16xf32>
      tpu.vector_store %arg24[%swap3A_129], %swap3A_132 {strides = array<i32>} : memref<128xf32, #tpu.memory_space<vmem>>, vector<16xf32>,
      %broadcast_in_dim3A_133 = arith.constant 0 : i32
      %broadcast_in_dim3A_134 = vector.broadcast %broadcast_in_dim3A_133 : i32 to vector<16xi32>
      %swap3A_135 = arith.constant 64 : index
      %swap3A_136 = tpu.vector_load %arg25[%swap3A_135] {strides = array<i32>} : memref<128xi32, #tpu.memory_space<vmem>>, vector<16xi32>,
      %swap3A_137 = vector.shape_cast %swap3A_136 : vector<16xi32> to vector<16xi32>
      %swap3A_138 = vector.shape_cast %broadcast_in_dim3A_134 : vector<16xi32> to vector<16xi32>
      tpu.vector_store %arg25[%swap3A_135], %swap3A_138 {strides = array<i32>} : memref<128xi32, #tpu.memory_space<vmem>>, vector<16xi32>,
      %swap3A_139 = arith.constant 80 : index
      %swap3A_140 = tpu.vector_load %arg20[%swap3A_139] {strides = array<i32>} : memref<128xf32, #tpu.memory_space<vmem>>, vector<16xf32>,
      %swap3A_141 = vector.shape_cast %swap3A_140 : vector<16xf32> to vector<16xf32>
      %swap3A_142 = vector.shape_cast %broadcast_in_dim3A_3 : vector<16xf32> to vector<16xf32>
      tpu.vector_store %arg20[%swap3A_139], %swap3A_142 {strides = array<i32>} : memref<128xf32, #tpu.memory_space<vmem>>, vector<16xf32>,
      %swap3A_143 = arith.constant 80 : index
      %swap3A_144 = tpu.vector_load %arg21[%swap3A_143] {strides = array<i32>} : memref<128xf32, #tpu.memory_space<vmem>>, vector<16xf32>,
      %swap3A_145 = vector.shape_cast %swap3A_144 : vector<16xf32> to vector<16xf32>
      %swap3A_146 = vector.shape_cast %broadcast_in_dim3A_3 : vector<16xf32> to vector<16xf32>
      tpu.vector_store %arg21[%swap3A_143], %swap3A_146 {strides = array<i32>} : memref<128xf32, #tpu.memory_space<vmem>>, vector<16xf32>,
      %swap3A_147 = arith.constant 80 : index
      %swap3A_148 = tpu.vector_load %arg22[%swap3A_147] {strides = array<i32>} : memref<128xf32, #tpu.memory_space<vmem>>, vector<16xf32>,
      %swap3A_149 = vector.shape_cast %swap3A_148 : vector<16xf32> to vector<16xf32>
      %swap3A_150 = vector.shape_cast %broadcast_in_dim3A_3 : vector<16xf32> to vector<16xf32>
      tpu.vector_store %arg22[%swap3A_147], %swap3A_150 {strides = array<i32>} : memref<128xf32, #tpu.memory_space<vmem>>, vector<16xf32>,
      %swap3A_151 = arith.constant 80 : index
      %swap3A_152 = tpu.vector_load %arg23[%swap3A_151] {strides = array<i32>} : memref<128xf32, #tpu.memory_space<vmem>>, vector<16xf32>,
      %swap3A_153 = vector.shape_cast %swap3A_152 : vector<16xf32> to vector<16xf32>
      %swap3A_154 = vector.shape_cast %broadcast_in_dim3A_3 : vector<16xf32> to vector<16xf32>
      tpu.vector_store %arg23[%swap3A_151], %swap3A_154 {strides = array<i32>} : memref<128xf32, #tpu.memory_space<vmem>>, vector<16xf32>,
      %swap3A_155 = arith.constant 80 : index
      %swap3A_156 = tpu.vector_load %arg24[%swap3A_155] {strides = array<i32>} : memref<128xf32, #tpu.memory_space<vmem>>, vector<16xf32>,
      %swap3A_157 = vector.shape_cast %swap3A_156 : vector<16xf32> to vector<16xf32>
      %swap3A_158 = vector.shape_cast %broadcast_in_dim3A_3 : vector<16xf32> to vector<16xf32>
      tpu.vector_store %arg24[%swap3A_155], %swap3A_158 {strides = array<i32>} : memref<128xf32, #tpu.memory_space<vmem>>, vector<16xf32>,
      %broadcast_in_dim3A_159 = arith.constant 0 : i32
      %broadcast_in_dim3A_160 = vector.broadcast %broadcast_in_dim3A_159 : i32 to vector<16xi32>
      %swap3A_161 = arith.constant 80 : index
      %swap3A_162 = tpu.vector_load %arg25[%swap3A_161] {strides = array<i32>} : memref<128xi32, #tpu.memory_space<vmem>>, vector<16xi32>,
      %swap3A_163 = vector.shape_cast %swap3A_162 : vector<16xi32> to vector<16xi32>
      %swap3A_164 = vector.shape_cast %broadcast_in_dim3A_160 : vector<16xi32> to vector<16xi32>
      tpu.vector_store %arg25[%swap3A_161], %swap3A_164 {strides = array<i32>} : memref<128xi32, #tpu.memory_space<vmem>>, vector<16xi32>,
      %swap3A_165 = arith.constant 96 : index
      %swap3A_166 = tpu.vector_load %arg20[%swap3A_165] {strides = array<i32>} : memref<128xf32, #tpu.memory_space<vmem>>, vector<16xf32>,
      %swap3A_167 = vector.shape_cast %swap3A_166 : vector<16xf32> to vector<16xf32>
      %swap3A_168 = vector.shape_cast %broadcast_in_dim3A_3 : vector<16xf32> to vector<16xf32>
      tpu.vector_store %arg20[%swap3A_165], %swap3A_168 {strides = array<i32>} : memref<128xf32, #tpu.memory_space<vmem>>, vector<16xf32>,
      %swap3A_169 = arith.constant 96 : index
      %swap3A_170 = tpu.vector_load %arg21[%swap3A_169] {strides = array<i32>} : memref<128xf32, #tpu.memory_space<vmem>>, vector<16xf32>,
      %swap3A_171 = vector.shape_cast %swap3A_170 : vector<16xf32> to vector<16xf32>
      %swap3A_172 = vector.shape_cast %broadcast_in_dim3A_3 : vector<16xf32> to vector<16xf32>
      tpu.vector_store %arg21[%swap3A_169], %swap3A_172 {strides = array<i32>} : memref<128xf32, #tpu.memory_space<vmem>>, vector<16xf32>,
      %swap3A_173 = arith.constant 96 : index
      %swap3A_174 = tpu.vector_load %arg22[%swap3A_173] {strides = array<i32>} : memref<128xf32, #tpu.memory_space<vmem>>, vector<16xf32>,
      %swap3A_175 = vector.shape_cast %swap3A_174 : vector<16xf32> to vector<16xf32>
      %swap3A_176 = vector.shape_cast %broadcast_in_dim3A_3 : vector<16xf32> to vector<16xf32>
      tpu.vector_store %arg22[%swap3A_173], %swap3A_176 {strides = array<i32>} : memref<128xf32, #tpu.memory_space<vmem>>, vector<16xf32>,
      %swap3A_177 = arith.constant 96 : index
      %swap3A_178 = tpu.vector_load %arg23[%swap3A_177] {strides = array<i32>} : memref<128xf32, #tpu.memory_space<vmem>>, vector<16xf32>,
      %swap3A_179 = vector.shape_cast %swap3A_178 : vector<16xf32> to vector<16xf32>
      %swap3A_180 = vector.shape_cast %broadcast_in_dim3A_3 : vector<16xf32> to vector<16xf32>
      tpu.vector_store %arg23[%swap3A_177], %swap3A_180 {strides = array<i32>} : memref<128xf32, #tpu.memory_space<vmem>>, vector<16xf32>,
      %swap3A_181 = arith.constant 96 : index
      %swap3A_182 = tpu.vector_load %arg24[%swap3A_181] {strides = array<i32>} : memref<128xf32, #tpu.memory_space<vmem>>, vector<16xf32>,
      %swap3A_183 = vector.shape_cast %swap3A_182 : vector<16xf32> to vector<16xf32>
      %swap3A_184 = vector.shape_cast %broadcast_in_dim3A_3 : vector<16xf32> to vector<16xf32>
      tpu.vector_store %arg24[%swap3A_181], %swap3A_184 {strides = array<i32>} : memref<128xf32, #tpu.memory_space<vmem>>, vector<16xf32>,
      %broadcast_in_dim3A_185 = arith.constant 0 : i32
      %broadcast_in_dim3A_186 = vector.broadcast %broadcast_in_dim3A_185 : i32 to vector<16xi32>
      %swap3A_187 = arith.constant 96 : index
      %swap3A_188 = tpu.vector_load %arg25[%swap3A_187] {strides = array<i32>} : memref<128xi32, #tpu.memory_space<vmem>>, vector<16xi32>,
      %swap3A_189 = vector.shape_cast %swap3A_188 : vector<16xi32> to vector<16xi32>
      %swap3A_190 = vector.shape_cast %broadcast_in_dim3A_186 : vector<16xi32> to vector<16xi32>
      tpu.vector_store %arg25[%swap3A_187], %swap3A_190 {strides = array<i32>} : memref<128xi32, #tpu.memory_space<vmem>>, vector<16xi32>,
      %swap3A_191 = arith.constant 112 : index
      %swap3A_192 = tpu.vector_load %arg20[%swap3A_191] {strides = array<i32>} : memref<128xf32, #tpu.memory_space<vmem>>, vector<16xf32>,
      %swap3A_193 = vector.shape_cast %swap3A_192 : vector<16xf32> to vector<16xf32>
      %swap3A_194 = vector.shape_cast %broadcast_in_dim3A_3 : vector<16xf32> to vector<16xf32>
      tpu.vector_store %arg20[%swap3A_191], %swap3A_194 {strides = array<i32>} : memref<128xf32, #tpu.memory_space<vmem>>, vector<16xf32>,
      %swap3A_195 = arith.constant 112 : index
      %swap3A_196 = tpu.vector_load %arg21[%swap3A_195] {strides = array<i32>} : memref<128xf32, #tpu.memory_space<vmem>>, vector<16xf32>,
      %swap3A_197 = vector.shape_cast %swap3A_196 : vector<16xf32> to vector<16xf32>
      %swap3A_198 = vector.shape_cast %broadcast_in_dim3A_3 : vector<16xf32> to vector<16xf32>
      tpu.vector_store %arg21[%swap3A_195], %swap3A_198 {strides = array<i32>} : memref<128xf32, #tpu.memory_space<vmem>>, vector<16xf32>,
      %swap3A_199 = arith.constant 112 : index
      %swap3A_200 = tpu.vector_load %arg22[%swap3A_199] {strides = array<i32>} : memref<128xf32, #tpu.memory_space<vmem>>, vector<16xf32>,
      %swap3A_201 = vector.shape_cast %swap3A_200 : vector<16xf32> to vector<16xf32>
      %swap3A_202 = vector.shape_cast %broadcast_in_dim3A_3 : vector<16xf32> to vector<16xf32>
      tpu.vector_store %arg22[%swap3A_199], %swap3A_202 {strides = array<i32>} : memref<128xf32, #tpu.memory_space<vmem>>, vector<16xf32>,
      %swap3A_203 = arith.constant 112 : index
      %swap3A_204 = tpu.vector_load %arg23[%swap3A_203] {strides = array<i32>} : memref<128xf32, #tpu.memory_space<vmem>>, vector<16xf32>,
      %swap3A_205 = vector.shape_cast %swap3A_204 : vector<16xf32> to vector<16xf32>
      %swap3A_206 = vector.shape_cast %broadcast_in_dim3A_3 : vector<16xf32> to vector<16xf32>
      tpu.vector_store %arg23[%swap3A_203], %swap3A_206 {strides = array<i32>} : memref<128xf32, #tpu.memory_space<vmem>>, vector<16xf32>,
      %swap3A_207 = arith.constant 112 : index
      %swap3A_208 = tpu.vector_load %arg24[%swap3A_207] {strides = array<i32>} : memref<128xf32, #tpu.memory_space<vmem>>, vector<16xf32>,
      %swap3A_209 = vector.shape_cast %swap3A_208 : vector<16xf32> to vector<16xf32>
      %swap3A_210 = vector.shape_cast %broadcast_in_dim3A_3 : vector<16xf32> to vector<16xf32>
      tpu.vector_store %arg24[%swap3A_207], %swap3A_210 {strides = array<i32>} : memref<128xf32, #tpu.memory_space<vmem>>, vector<16xf32>,
      %broadcast_in_dim3A_211 = arith.constant 0 : i32
      %broadcast_in_dim3A_212 = vector.broadcast %broadcast_in_dim3A_211 : i32 to vector<16xi32>
      %swap3A_213 = arith.constant 112 : index
      %swap3A_214 = tpu.vector_load %arg25[%swap3A_213] {strides = array<i32>} : memref<128xi32, #tpu.memory_space<vmem>>, vector<16xi32>,
      %swap3A_215 = vector.shape_cast %swap3A_214 : vector<16xi32> to vector<16xi32>
      %swap3A_216 = vector.shape_cast %broadcast_in_dim3A_212 : vector<16xi32> to vector<16xi32>
      tpu.vector_store %arg25[%swap3A_213], %swap3A_216 {strides = array<i32>} : memref<128xi32, #tpu.memory_space<vmem>>, vector<16xi32>,
      %scan3A = arith.constant 0 : i32
      %scan3A_217 = arith.constant 1 : i32
      %scan3A_218 = arith.constant 0 : i32
      %ne3A = arith.constant 0 : i32
      %ne3A_219 = arith.cmpi ne, %scan3A_217, %ne3A : i32
      %lt3A = arith.constant 100 : i32
      %lt3A_220 = arith.cmpi slt, %scan3A, %lt3A : i32
      %and3A = arith.andi %ne3A_219, %lt3A_220 : i1
      %convert_element_type3A_221 = arith.extui %and3A : i1 to i32
      %cond3A_222 = arith.constant 0 : i32
      %cond3A_223 = arith.cmpi ne, %convert_element_type3A_221, %cond3A_222 : i32
      %cond3A_224:2 = scf.if %cond3A_223 -> (i32, i32) {
        %mul3A_272 = arith.constant 128 : i32
        %mul3A_273 = arith.muli %scan3A_218, %mul3A_272 : i32
        "tpu.region"() ({
          %run_scoped3A_659 = tpu.sem_alloc : memref<!tpu.dma_semaphore, #tpu.memory_space<semaphore_mem>>
          %dma_start3A_660 = tpu.memref_slice %arg8[%mul3A_273] : memref<128xi32, #tpu.memory_space<hbm>> -> memref<128xi32, #tpu.memory_space<hbm>>
          %dma_start3A_661 = tpu.memref_slice %arg8[%mul3A_273] : memref<128xi32, #tpu.memory_space<hbm>> -> memref<128xi32, #tpu.memory_space<hbm>>
          tpu.enqueue_dma source(%dma_start3A_661 : memref<128xi32, #tpu.memory_space<hbm>>) target(%arg11 : memref<128xi32, #tpu.memory_space<vmem>>) target_semaphore(%run_scoped3A_659 : memref<!tpu.dma_semaphore, #tpu.memory_space<semaphore_mem>>)
          %dma_wait3A_662 = tpu.memref_slice %arg8[%mul3A_273] : memref<128xi32, #tpu.memory_space<hbm>> -> memref<128xi32, #tpu.memory_space<hbm>>
          %dma_wait3A_663 = tpu.memref_slice %arg8[%mul3A_273] : memref<128xi32, #tpu.memory_space<hbm>> -> memref<128xi32, #tpu.memory_space<hbm>>
          tpu.wait_dma2 semaphore(%run_scoped3A_659 : memref<!tpu.dma_semaphore, #tpu.memory_space<semaphore_mem>>) src(%dma_wait3A_663 : memref<128xi32, #tpu.memory_space<hbm>>) dst(%arg11 : memref<128xi32, #tpu.memory_space<vmem>>)
          tpu.yield
        }) : () -> ()
        %dma_start3A = arith.constant 0 : i32
        %dma_start3A_274 = tpu.memref_slice %arg2[%dma_start3A] : memref<20000xf32, #tpu.memory_space<hbm>> -> memref<20000xf32, #tpu.memory_space<hbm>>
        tpu.enqueue_indirect_dma source(%dma_start3A_274 : memref<20000xf32, #tpu.memory_space<hbm>>) target(%arg12 : memref<128xf32, #tpu.memory_space<vmem>>) offsets(%arg11 : memref<128xi32, #tpu.memory_space<vmem>>) semaphore(%arg27 : memref<!tpu.dma_semaphore, #tpu.memory_space<semaphore_mem>>)
        %dma_start3A_275 = arith.constant 0 : i32
        %dma_start3A_276 = tpu.memref_slice %arg3[%dma_start3A_275] : memref<20000xf32, #tpu.memory_space<hbm>> -> memref<20000xf32, #tpu.memory_space<hbm>>
        tpu.enqueue_indirect_dma source(%dma_start3A_276 : memref<20000xf32, #tpu.memory_space<hbm>>) target(%arg13 : memref<128xf32, #tpu.memory_space<vmem>>) offsets(%arg11 : memref<128xi32, #tpu.memory_space<vmem>>) semaphore(%arg27 : memref<!tpu.dma_semaphore, #tpu.memory_space<semaphore_mem>>)
        %dma_start3A_277 = arith.constant 0 : i32
        %dma_start3A_278 = tpu.memref_slice %arg4[%dma_start3A_277] : memref<20000xf32, #tpu.memory_space<hbm>> -> memref<20000xf32, #tpu.memory_space<hbm>>
        tpu.enqueue_indirect_dma source(%dma_start3A_278 : memref<20000xf32, #tpu.memory_space<hbm>>) target(%arg14 : memref<128xf32, #tpu.memory_space<vmem>>) offsets(%arg11 : memref<128xi32, #tpu.memory_space<vmem>>) semaphore(%arg27 : memref<!tpu.dma_semaphore, #tpu.memory_space<semaphore_mem>>)
        %dma_start3A_279 = arith.constant 0 : i32
        %dma_start3A_280 = tpu.memref_slice %arg5[%dma_start3A_279] : memref<20000xf32, #tpu.memory_space<hbm>> -> memref<20000xf32, #tpu.memory_space<hbm>>
        tpu.enqueue_indirect_dma source(%dma_start3A_280 : memref<20000xf32, #tpu.memory_space<hbm>>) target(%arg15 : memref<128xf32, #tpu.memory_space<vmem>>) offsets(%arg11 : memref<128xi32, #tpu.memory_space<vmem>>) semaphore(%arg27 : memref<!tpu.dma_semaphore, #tpu.memory_space<semaphore_mem>>)
        %dma_start3A_281 = arith.constant 0 : i32
        %dma_start3A_282 = tpu.memref_slice %arg6[%dma_start3A_281] : memref<20000xf32, #tpu.memory_space<hbm>> -> memref<20000xf32, #tpu.memory_space<hbm>>
        tpu.enqueue_indirect_dma source(%dma_start3A_282 : memref<20000xf32, #tpu.memory_space<hbm>>) target(%arg16 : memref<128xf32, #tpu.memory_space<vmem>>) offsets(%arg11 : memref<128xi32, #tpu.memory_space<vmem>>) semaphore(%arg27 : memref<!tpu.dma_semaphore, #tpu.memory_space<semaphore_mem>>)
        %dma_start3A_283 = arith.constant 0 : i32
        %dma_start3A_284 = tpu.memref_slice %arg7[%dma_start3A_283] : memref<20000xi32, #tpu.memory_space<hbm>> -> memref<20000xi32, #tpu.memory_space<hbm>>
        tpu.enqueue_indirect_dma source(%dma_start3A_284 : memref<20000xi32, #tpu.memory_space<hbm>>) target(%arg17 : memref<128xi32, #tpu.memory_space<vmem>>) offsets(%arg11 : memref<128xi32, #tpu.memory_space<vmem>>) semaphore(%arg27 : memref<!tpu.dma_semaphore, #tpu.memory_space<semaphore_mem>>)
        %dma_wait3A = arith.constant 0 : i32
        %dma_wait3A_285 = tpu.memref_slice %arg2[%dma_wait3A] : memref<20000xf32, #tpu.memory_space<hbm>> -> memref<20000xf32, #tpu.memory_space<hbm>>
        tpu.wait_indirect_dma semaphore(%arg27 : memref<!tpu.dma_semaphore, #tpu.memory_space<semaphore_mem>>) src(%dma_wait3A_285 : memref<20000xf32, #tpu.memory_space<hbm>>) dst(%arg12 : memref<128xf32, #tpu.memory_space<vmem>>)
        %dma_wait3A_286 = arith.constant 0 : i32
        %dma_wait3A_287 = tpu.memref_slice %arg3[%dma_wait3A_286] : memref<20000xf32, #tpu.memory_space<hbm>> -> memref<20000xf32, #tpu.memory_space<hbm>>
        tpu.wait_indirect_dma semaphore(%arg27 : memref<!tpu.dma_semaphore, #tpu.memory_space<semaphore_mem>>) src(%dma_wait3A_287 : memref<20000xf32, #tpu.memory_space<hbm>>) dst(%arg13 : memref<128xf32, #tpu.memory_space<vmem>>)
        %dma_wait3A_288 = arith.constant 0 : i32
        %dma_wait3A_289 = tpu.memref_slice %arg4[%dma_wait3A_288] : memref<20000xf32, #tpu.memory_space<hbm>> -> memref<20000xf32, #tpu.memory_space<hbm>>
        tpu.wait_indirect_dma semaphore(%arg27 : memref<!tpu.dma_semaphore, #tpu.memory_space<semaphore_mem>>) src(%dma_wait3A_289 : memref<20000xf32, #tpu.memory_space<hbm>>) dst(%arg14 : memref<128xf32, #tpu.memory_space<vmem>>)
        %dma_wait3A_290 = arith.constant 0 : i32
        %dma_wait3A_291 = tpu.memref_slice %arg5[%dma_wait3A_290] : memref<20000xf32, #tpu.memory_space<hbm>> -> memref<20000xf32, #tpu.memory_space<hbm>>
        tpu.wait_indirect_dma semaphore(%arg27 : memref<!tpu.dma_semaphore, #tpu.memory_space<semaphore_mem>>) src(%dma_wait3A_291 : memref<20000xf32, #tpu.memory_space<hbm>>) dst(%arg15 : memref<128xf32, #tpu.memory_space<vmem>>)
        %dma_wait3A_292 = arith.constant 0 : i32
        %dma_wait3A_293 = tpu.memref_slice %arg6[%dma_wait3A_292] : memref<20000xf32, #tpu.memory_space<hbm>> -> memref<20000xf32, #tpu.memory_space<hbm>>
        tpu.wait_indirect_dma semaphore(%arg27 : memref<!tpu.dma_semaphore, #tpu.memory_space<semaphore_mem>>) src(%dma_wait3A_293 : memref<20000xf32, #tpu.memory_space<hbm>>) dst(%arg16 : memref<128xf32, #tpu.memory_space<vmem>>)
        %dma_wait3A_294 = arith.constant 0 : i32
        %dma_wait3A_295 = tpu.memref_slice %arg7[%dma_wait3A_294] : memref<20000xi32, #tpu.memory_space<hbm>> -> memref<20000xi32, #tpu.memory_space<hbm>>
        tpu.wait_indirect_dma semaphore(%arg27 : memref<!tpu.dma_semaphore, #tpu.memory_space<semaphore_mem>>) src(%dma_wait3A_295 : memref<20000xi32, #tpu.memory_space<hbm>>) dst(%arg17 : memref<128xi32, #tpu.memory_space<vmem>>)
        %get3A = arith.constant 0 : index
        %get3A_296 = tpu.vector_load %arg14[%get3A] {strides = array<i32>} : memref<128xf32, #tpu.memory_space<vmem>>, vector<16xf32>,
        %get3A_297 = vector.shape_cast %get3A_296 : vector<16xf32> to vector<16xf32>
        %get3A_298 = arith.constant 0 : index
        %get3A_299 = tpu.vector_load %arg12[%get3A_298] {strides = array<i32>} : memref<128xf32, #tpu.memory_space<vmem>>, vector<16xf32>,
        %get3A_300 = vector.shape_cast %get3A_299 : vector<16xf32> to vector<16xf32>
        %sub3A = arith.subf %get3A_297, %get3A_300 : vector<16xf32>
        %get3A_301 = arith.constant 0 : index
        %get3A_302 = tpu.vector_load %arg15[%get3A_301] {strides = array<i32>} : memref<128xf32, #tpu.memory_space<vmem>>, vector<16xf32>,
        %get3A_303 = vector.shape_cast %get3A_302 : vector<16xf32> to vector<16xf32>
        %get3A_304 = arith.constant 0 : index
        %get3A_305 = tpu.vector_load %arg13[%get3A_304] {strides = array<i32>} : memref<128xf32, #tpu.memory_space<vmem>>, vector<16xf32>,
        %get3A_306 = vector.shape_cast %get3A_305 : vector<16xf32> to vector<16xf32>
        %sub3A_307 = arith.subf %get3A_303, %get3A_306 : vector<16xf32>
        %mul3A_308 = arith.mulf %sub3A, %sub3A_307 : vector<16xf32>
        %swap3A_309 = arith.constant 0 : index
        %swap3A_310 = tpu.vector_load %arg18[%swap3A_309] {strides = array<i32>} : memref<128xf32, #tpu.memory_space<vmem>>, vector<16xf32>,
        %swap3A_311 = vector.shape_cast %swap3A_310 : vector<16xf32> to vector<16xf32>
        %swap3A_312 = vector.shape_cast %mul3A_308 : vector<16xf32> to vector<16xf32>
        tpu.vector_store %arg18[%swap3A_309], %swap3A_312 {strides = array<i32>} : memref<128xf32, #tpu.memory_space<vmem>>, vector<16xf32>,
        %get3A_313 = arith.constant 0 : index
        %get3A_314 = tpu.vector_load %arg16[%get3A_313] {strides = array<i32>} : memref<128xf32, #tpu.memory_space<vmem>>, vector<16xf32>,
        %get3A_315 = vector.shape_cast %get3A_314 : vector<16xf32> to vector<16xf32>
        %ge3A = arith.constant 5.000000e-01 : f32
        %ge3A_316 = vector.broadcast %ge3A : f32 to vector<16xf32>
        %ge3A_317 = arith.cmpf oge, %get3A_315, %ge3A_316 : vector<16xf32>
        %mul3A_318 = arith.constant 128 : i32
        %mul3A_319 = arith.muli %scan3A_218, %mul3A_318 : i32
        %add3A_320 = arith.constant 0 : i32
        %add3A_321 = arith.addi %mul3A_319, %add3A_320 : i32
        %sub3A_322 = arith.constant 20000 : i32
        %sub3A_323 = arith.subi %sub3A_322, %add3A_321 : i32
        %lt3A_324 = vector.broadcast %sub3A_323 : i32 to vector<16xi32>
        %lt3A_325 = arith.cmpi slt, %iota3A, %lt3A_324 : vector<16xi32>
        %and3A_326 = arith.andi %ge3A_317, %lt3A_325 : vector<16xi1>
        %jit3A = arith.constant 1 : i32
        %jit3A_327 = arith.constant 0 : i32
        %broadcast_in_dim3A_328 = vector.broadcast %jit3A : i32 to vector<16xi32>
        %broadcast_in_dim3A_329 = vector.broadcast %jit3A_327 : i32 to vector<16xi32>
        %select_n3A = arith.select %and3A_326, %broadcast_in_dim3A_328, %broadcast_in_dim3A_329 : vector<16xi1>, vector<16xi32>
        %swap3A_330 = arith.constant 0 : index
        %swap3A_331 = tpu.vector_load %arg19[%swap3A_330] {strides = array<i32>} : memref<144xi32, #tpu.memory_space<vmem>>, vector<16xi32>,
        %swap3A_332 = vector.shape_cast %swap3A_331 : vector<16xi32> to vector<16xi32>
        %swap3A_333 = vector.shape_cast %select_n3A : vector<16xi32> to vector<16xi32>
        tpu.vector_store %arg19[%swap3A_330], %swap3A_333 {strides = array<i32>} : memref<144xi32, #tpu.memory_space<vmem>>, vector<16xi32>,
        %get3A_334 = arith.constant 16 : index
        %get3A_335 = tpu.vector_load %arg14[%get3A_334] {strides = array<i32>} : memref<128xf32, #tpu.memory_space<vmem>>, vector<16xf32>,
        %get3A_336 = vector.shape_cast %get3A_335 : vector<16xf32> to vector<16xf32>
        %get3A_337 = arith.constant 16 : index
        %get3A_338 = tpu.vector_load %arg12[%get3A_337] {strides = array<i32>} : memref<128xf32, #tpu.memory_space<vmem>>, vector<16xf32>,
        %get3A_339 = vector.shape_cast %get3A_338 : vector<16xf32> to vector<16xf32>
        %sub3A_340 = arith.subf %get3A_336, %get3A_339 : vector<16xf32>
        %get3A_341 = arith.constant 16 : index
        %get3A_342 = tpu.vector_load %arg15[%get3A_341] {strides = array<i32>} : memref<128xf32, #tpu.memory_space<vmem>>, vector<16xf32>,
        %get3A_343 = vector.shape_cast %get3A_342 : vector<16xf32> to vector<16xf32>
        %get3A_344 = arith.constant 16 : index
        %get3A_345 = tpu.vector_load %arg13[%get3A_344] {strides = array<i32>} : memref<128xf32, #tpu.memory_space<vmem>>, vector<16xf32>,
        %get3A_346 = vector.shape_cast %get3A_345 : vector<16xf32> to vector<16xf32>
        %sub3A_347 = arith.subf %get3A_343, %get3A_346 : vector<16xf32>
        %mul3A_348 = arith.mulf %sub3A_340, %sub3A_347 : vector<16xf32>
        %swap3A_349 = arith.constant 16 : index
        %swap3A_350 = tpu.vector_load %arg18[%swap3A_349] {strides = array<i32>} : memref<128xf32, #tpu.memory_space<vmem>>, vector<16xf32>,
        %swap3A_351 = vector.shape_cast %swap3A_350 : vector<16xf32> to vector<16xf32>
        %swap3A_352 = vector.shape_cast %mul3A_348 : vector<16xf32> to vector<16xf32>
        tpu.vector_store %arg18[%swap3A_349], %swap3A_352 {strides = array<i32>} : memref<128xf32, #tpu.memory_space<vmem>>, vector<16xf32>,
        %get3A_353 = arith.constant 16 : index
        %get3A_354 = tpu.vector_load %arg16[%get3A_353] {strides = array<i32>} : memref<128xf32, #tpu.memory_space<vmem>>, vector<16xf32>,
        %get3A_355 = vector.shape_cast %get3A_354 : vector<16xf32> to vector<16xf32>
        %ge3A_356 = arith.constant 5.000000e-01 : f32
        %ge3A_357 = vector.broadcast %ge3A_356 : f32 to vector<16xf32>
        %ge3A_358 = arith.cmpf oge, %get3A_355, %ge3A_357 : vector<16xf32>
        %mul3A_359 = arith.constant 128 : i32
        %mul3A_360 = arith.muli %scan3A_218, %mul3A_359 : i32
        %add3A_361 = arith.constant 16 : i32
        %add3A_362 = arith.addi %mul3A_360, %add3A_361 : i32
        %sub3A_363 = arith.constant 20000 : i32
        %sub3A_364 = arith.subi %sub3A_363, %add3A_362 : i32
        %lt3A_365 = vector.broadcast %sub3A_364 : i32 to vector<16xi32>
        %lt3A_366 = arith.cmpi slt, %iota3A, %lt3A_365 : vector<16xi32>
        %and3A_367 = arith.andi %ge3A_358, %lt3A_366 : vector<16xi1>
        %jit3A_368 = arith.constant 1 : i32
        %jit3A_369 = arith.constant 0 : i32
        %broadcast_in_dim3A_370 = vector.broadcast %jit3A_368 : i32 to vector<16xi32>
        %broadcast_in_dim3A_371 = vector.broadcast %jit3A_369 : i32 to vector<16xi32>
        %select_n3A_372 = arith.select %and3A_367, %broadcast_in_dim3A_370, %broadcast_in_dim3A_371 : vector<16xi1>, vector<16xi32>
        %swap3A_373 = arith.constant 16 : index
        %swap3A_374 = tpu.vector_load %arg19[%swap3A_373] {strides = array<i32>} : memref<144xi32, #tpu.memory_space<vmem>>, vector<16xi32>,
        %swap3A_375 = vector.shape_cast %swap3A_374 : vector<16xi32> to vector<16xi32>
        %swap3A_376 = vector.shape_cast %select_n3A_372 : vector<16xi32> to vector<16xi32>
        tpu.vector_store %arg19[%swap3A_373], %swap3A_376 {strides = array<i32>} : memref<144xi32, #tpu.memory_space<vmem>>, vector<16xi32>,
        %get3A_377 = arith.constant 32 : index
        %get3A_378 = tpu.vector_load %arg14[%get3A_377] {strides = array<i32>} : memref<128xf32, #tpu.memory_space<vmem>>, vector<16xf32>,
        %get3A_379 = vector.shape_cast %get3A_378 : vector<16xf32> to vector<16xf32>
        %get3A_380 = arith.constant 32 : index
        %get3A_381 = tpu.vector_load %arg12[%get3A_380] {strides = array<i32>} : memref<128xf32, #tpu.memory_space<vmem>>, vector<16xf32>,
        %get3A_382 = vector.shape_cast %get3A_381 : vector<16xf32> to vector<16xf32>
        %sub3A_383 = arith.subf %get3A_379, %get3A_382 : vector<16xf32>
        %get3A_384 = arith.constant 32 : index
        %get3A_385 = tpu.vector_load %arg15[%get3A_384] {strides = array<i32>} : memref<128xf32, #tpu.memory_space<vmem>>, vector<16xf32>,
        %get3A_386 = vector.shape_cast %get3A_385 : vector<16xf32> to vector<16xf32>
        %get3A_387 = arith.constant 32 : index
        %get3A_388 = tpu.vector_load %arg13[%get3A_387] {strides = array<i32>} : memref<128xf32, #tpu.memory_space<vmem>>, vector<16xf32>,
        %get3A_389 = vector.shape_cast %get3A_388 : vector<16xf32> to vector<16xf32>
        %sub3A_390 = arith.subf %get3A_386, %get3A_389 : vector<16xf32>
        %mul3A_391 = arith.mulf %sub3A_383, %sub3A_390 : vector<16xf32>
        %swap3A_392 = arith.constant 32 : index
        %swap3A_393 = tpu.vector_load %arg18[%swap3A_392] {strides = array<i32>} : memref<128xf32, #tpu.memory_space<vmem>>, vector<16xf32>,
        %swap3A_394 = vector.shape_cast %swap3A_393 : vector<16xf32> to vector<16xf32>
        %swap3A_395 = vector.shape_cast %mul3A_391 : vector<16xf32> to vector<16xf32>
        tpu.vector_store %arg18[%swap3A_392], %swap3A_395 {strides = array<i32>} : memref<128xf32, #tpu.memory_space<vmem>>, vector<16xf32>,
        %get3A_396 = arith.constant 32 : index
        %get3A_397 = tpu.vector_load %arg16[%get3A_396] {strides = array<i32>} : memref<128xf32, #tpu.memory_space<vmem>>, vector<16xf32>,
        %get3A_398 = vector.shape_cast %get3A_397 : vector<16xf32> to vector<16xf32>
        %ge3A_399 = arith.constant 5.000000e-01 : f32
        %ge3A_400 = vector.broadcast %ge3A_399 : f32 to vector<16xf32>
        %ge3A_401 = arith.cmpf oge, %get3A_398, %ge3A_400 : vector<16xf32>
        %mul3A_402 = arith.constant 128 : i32
        %mul3A_403 = arith.muli %scan3A_218, %mul3A_402 : i32
        %add3A_404 = arith.constant 32 : i32
        %add3A_405 = arith.addi %mul3A_403, %add3A_404 : i32
        %sub3A_406 = arith.constant 20000 : i32
        %sub3A_407 = arith.subi %sub3A_406, %add3A_405 : i32
        %lt3A_408 = vector.broadcast %sub3A_407 : i32 to vector<16xi32>
        %lt3A_409 = arith.cmpi slt, %iota3A, %lt3A_408 : vector<16xi32>
        %and3A_410 = arith.andi %ge3A_401, %lt3A_409 : vector<16xi1>
        %jit3A_411 = arith.constant 1 : i32
        %jit3A_412 = arith.constant 0 : i32
        %broadcast_in_dim3A_413 = vector.broadcast %jit3A_411 : i32 to vector<16xi32>
        %broadcast_in_dim3A_414 = vector.broadcast %jit3A_412 : i32 to vector<16xi32>
        %select_n3A_415 = arith.select %and3A_410, %broadcast_in_dim3A_413, %broadcast_in_dim3A_414 : vector<16xi1>, vector<16xi32>
        %swap3A_416 = arith.constant 32 : index
        %swap3A_417 = tpu.vector_load %arg19[%swap3A_416] {strides = array<i32>} : memref<144xi32, #tpu.memory_space<vmem>>, vector<16xi32>,
        %swap3A_418 = vector.shape_cast %swap3A_417 : vector<16xi32> to vector<16xi32>
        %swap3A_419 = vector.shape_cast %select_n3A_415 : vector<16xi32> to vector<16xi32>
        tpu.vector_store %arg19[%swap3A_416], %swap3A_419 {strides = array<i32>} : memref<144xi32, #tpu.memory_space<vmem>>, vector<16xi32>,
        %get3A_420 = arith.constant 48 : index
        %get3A_421 = tpu.vector_load %arg14[%get3A_420] {strides = array<i32>} : memref<128xf32, #tpu.memory_space<vmem>>, vector<16xf32>,
        %get3A_422 = vector.shape_cast %get3A_421 : vector<16xf32> to vector<16xf32>
        %get3A_423 = arith.constant 48 : index
        %get3A_424 = tpu.vector_load %arg12[%get3A_423] {strides = array<i32>} : memref<128xf32, #tpu.memory_space<vmem>>, vector<16xf32>,
        %get3A_425 = vector.shape_cast %get3A_424 : vector<16xf32> to vector<16xf32>
        %sub3A_426 = arith.subf %get3A_422, %get3A_425 : vector<16xf32>
        %get3A_427 = arith.constant 48 : index
        %get3A_428 = tpu.vector_load %arg15[%get3A_427] {strides = array<i32>} : memref<128xf32, #tpu.memory_space<vmem>>, vector<16xf32>,
        %get3A_429 = vector.shape_cast %get3A_428 : vector<16xf32> to vector<16xf32>
        %get3A_430 = arith.constant 48 : index
        %get3A_431 = tpu.vector_load %arg13[%get3A_430] {strides = array<i32>} : memref<128xf32, #tpu.memory_space<vmem>>, vector<16xf32>,
        %get3A_432 = vector.shape_cast %get3A_431 : vector<16xf32> to vector<16xf32>
        %sub3A_433 = arith.subf %get3A_429, %get3A_432 : vector<16xf32>
        %mul3A_434 = arith.mulf %sub3A_426, %sub3A_433 : vector<16xf32>
        %swap3A_435 = arith.constant 48 : index
        %swap3A_436 = tpu.vector_load %arg18[%swap3A_435] {strides = array<i32>} : memref<128xf32, #tpu.memory_space<vmem>>, vector<16xf32>,
        %swap3A_437 = vector.shape_cast %swap3A_436 : vector<16xf32> to vector<16xf32>
        %swap3A_438 = vector.shape_cast %mul3A_434 : vector<16xf32> to vector<16xf32>
        tpu.vector_store %arg18[%swap3A_435], %swap3A_438 {strides = array<i32>} : memref<128xf32, #tpu.memory_space<vmem>>, vector<16xf32>,
        %get3A_439 = arith.constant 48 : index
        %get3A_440 = tpu.vector_load %arg16[%get3A_439] {strides = array<i32>} : memref<128xf32, #tpu.memory_space<vmem>>, vector<16xf32>,
        %get3A_441 = vector.shape_cast %get3A_440 : vector<16xf32> to vector<16xf32>
        %ge3A_442 = arith.constant 5.000000e-01 : f32
        %ge3A_443 = vector.broadcast %ge3A_442 : f32 to vector<16xf32>
        %ge3A_444 = arith.cmpf oge, %get3A_441, %ge3A_443 : vector<16xf32>
        %mul3A_445 = arith.constant 128 : i32
        %mul3A_446 = arith.muli %scan3A_218, %mul3A_445 : i32
        %add3A_447 = arith.constant 48 : i32
        %add3A_448 = arith.addi %mul3A_446, %add3A_447 : i32
        %sub3A_449 = arith.constant 20000 : i32
        %sub3A_450 = arith.subi %sub3A_449, %add3A_448 : i32
        %lt3A_451 = vector.broadcast %sub3A_450 : i32 to vector<16xi32>
        %lt3A_452 = arith.cmpi slt, %iota3A, %lt3A_451 : vector<16xi32>
        %and3A_453 = arith.andi %ge3A_444, %lt3A_452 : vector<16xi1>
        %jit3A_454 = arith.constant 1 : i32
        %jit3A_455 = arith.constant 0 : i32
        %broadcast_in_dim3A_456 = vector.broadcast %jit3A_454 : i32 to vector<16xi32>
        %broadcast_in_dim3A_457 = vector.broadcast %jit3A_455 : i32 to vector<16xi32>
        %select_n3A_458 = arith.select %and3A_453, %broadcast_in_dim3A_456, %broadcast_in_dim3A_457 : vector<16xi1>, vector<16xi32>
        %swap3A_459 = arith.constant 48 : index
        %swap3A_460 = tpu.vector_load %arg19[%swap3A_459] {strides = array<i32>} : memref<144xi32, #tpu.memory_space<vmem>>, vector<16xi32>,
        %swap3A_461 = vector.shape_cast %swap3A_460 : vector<16xi32> to vector<16xi32>
        %swap3A_462 = vector.shape_cast %select_n3A_458 : vector<16xi32> to vector<16xi32>
        tpu.vector_store %arg19[%swap3A_459], %swap3A_462 {strides = array<i32>} : memref<144xi32, #tpu.memory_space<vmem>>, vector<16xi32>,
        %get3A_463 = arith.constant 64 : index
        %get3A_464 = tpu.vector_load %arg14[%get3A_463] {strides = array<i32>} : memref<128xf32, #tpu.memory_space<vmem>>, vector<16xf32>,
        %get3A_465 = vector.shape_cast %get3A_464 : vector<16xf32> to vector<16xf32>
        %get3A_466 = arith.constant 64 : index
        %get3A_467 = tpu.vector_load %arg12[%get3A_466] {strides = array<i32>} : memref<128xf32, #tpu.memory_space<vmem>>, vector<16xf32>,
        %get3A_468 = vector.shape_cast %get3A_467 : vector<16xf32> to vector<16xf32>
        %sub3A_469 = arith.subf %get3A_465, %get3A_468 : vector<16xf32>
        %get3A_470 = arith.constant 64 : index
        %get3A_471 = tpu.vector_load %arg15[%get3A_470] {strides = array<i32>} : memref<128xf32, #tpu.memory_space<vmem>>, vector<16xf32>,
        %get3A_472 = vector.shape_cast %get3A_471 : vector<16xf32> to vector<16xf32>
        %get3A_473 = arith.constant 64 : index
        %get3A_474 = tpu.vector_load %arg13[%get3A_473] {strides = array<i32>} : memref<128xf32, #tpu.memory_space<vmem>>, vector<16xf32>,
        %get3A_475 = vector.shape_cast %get3A_474 : vector<16xf32> to vector<16xf32>
        %sub3A_476 = arith.subf %get3A_472, %get3A_475 : vector<16xf32>
        %mul3A_477 = arith.mulf %sub3A_469, %sub3A_476 : vector<16xf32>
        %swap3A_478 = arith.constant 64 : index
        %swap3A_479 = tpu.vector_load %arg18[%swap3A_478] {strides = array<i32>} : memref<128xf32, #tpu.memory_space<vmem>>, vector<16xf32>,
        %swap3A_480 = vector.shape_cast %swap3A_479 : vector<16xf32> to vector<16xf32>
        %swap3A_481 = vector.shape_cast %mul3A_477 : vector<16xf32> to vector<16xf32>
        tpu.vector_store %arg18[%swap3A_478], %swap3A_481 {strides = array<i32>} : memref<128xf32, #tpu.memory_space<vmem>>, vector<16xf32>,
        %get3A_482 = arith.constant 64 : index
        %get3A_483 = tpu.vector_load %arg16[%get3A_482] {strides = array<i32>} : memref<128xf32, #tpu.memory_space<vmem>>, vector<16xf32>,
        %get3A_484 = vector.shape_cast %get3A_483 : vector<16xf32> to vector<16xf32>
        %ge3A_485 = arith.constant 5.000000e-01 : f32
        %ge3A_486 = vector.broadcast %ge3A_485 : f32 to vector<16xf32>
        %ge3A_487 = arith.cmpf oge, %get3A_484, %ge3A_486 : vector<16xf32>
        %mul3A_488 = arith.constant 128 : i32
        %mul3A_489 = arith.muli %scan3A_218, %mul3A_488 : i32
        %add3A_490 = arith.constant 64 : i32
        %add3A_491 = arith.addi %mul3A_489, %add3A_490 : i32
        %sub3A_492 = arith.constant 20000 : i32
        %sub3A_493 = arith.subi %sub3A_492, %add3A_491 : i32
        %lt3A_494 = vector.broadcast %sub3A_493 : i32 to vector<16xi32>
        %lt3A_495 = arith.cmpi slt, %iota3A, %lt3A_494 : vector<16xi32>
        %and3A_496 = arith.andi %ge3A_487, %lt3A_495 : vector<16xi1>
        %jit3A_497 = arith.constant 1 : i32
        %jit3A_498 = arith.constant 0 : i32
        %broadcast_in_dim3A_499 = vector.broadcast %jit3A_497 : i32 to vector<16xi32>
        %broadcast_in_dim3A_500 = vector.broadcast %jit3A_498 : i32 to vector<16xi32>
        %select_n3A_501 = arith.select %and3A_496, %broadcast_in_dim3A_499, %broadcast_in_dim3A_500 : vector<16xi1>, vector<16xi32>
        %swap3A_502 = arith.constant 64 : index
        %swap3A_503 = tpu.vector_load %arg19[%swap3A_502] {strides = array<i32>} : memref<144xi32, #tpu.memory_space<vmem>>, vector<16xi32>,
        %swap3A_504 = vector.shape_cast %swap3A_503 : vector<16xi32> to vector<16xi32>
        %swap3A_505 = vector.shape_cast %select_n3A_501 : vector<16xi32> to vector<16xi32>
        tpu.vector_store %arg19[%swap3A_502], %swap3A_505 {strides = array<i32>} : memref<144xi32, #tpu.memory_space<vmem>>, vector<16xi32>,
        %get3A_506 = arith.constant 80 : index
        %get3A_507 = tpu.vector_load %arg14[%get3A_506] {strides = array<i32>} : memref<128xf32, #tpu.memory_space<vmem>>, vector<16xf32>,
        %get3A_508 = vector.shape_cast %get3A_507 : vector<16xf32> to vector<16xf32>
        %get3A_509 = arith.constant 80 : index
        %get3A_510 = tpu.vector_load %arg12[%get3A_509] {strides = array<i32>} : memref<128xf32, #tpu.memory_space<vmem>>, vector<16xf32>,
        %get3A_511 = vector.shape_cast %get3A_510 : vector<16xf32> to vector<16xf32>
        %sub3A_512 = arith.subf %get3A_508, %get3A_511 : vector<16xf32>
        %get3A_513 = arith.constant 80 : index
        %get3A_514 = tpu.vector_load %arg15[%get3A_513] {strides = array<i32>} : memref<128xf32, #tpu.memory_space<vmem>>, vector<16xf32>,
        %get3A_515 = vector.shape_cast %get3A_514 : vector<16xf32> to vector<16xf32>
        %get3A_516 = arith.constant 80 : index
        %get3A_517 = tpu.vector_load %arg13[%get3A_516] {strides = array<i32>} : memref<128xf32, #tpu.memory_space<vmem>>, vector<16xf32>,
        %get3A_518 = vector.shape_cast %get3A_517 : vector<16xf32> to vector<16xf32>
        %sub3A_519 = arith.subf %get3A_515, %get3A_518 : vector<16xf32>
        %mul3A_520 = arith.mulf %sub3A_512, %sub3A_519 : vector<16xf32>
        %swap3A_521 = arith.constant 80 : index
        %swap3A_522 = tpu.vector_load %arg18[%swap3A_521] {strides = array<i32>} : memref<128xf32, #tpu.memory_space<vmem>>, vector<16xf32>,
        %swap3A_523 = vector.shape_cast %swap3A_522 : vector<16xf32> to vector<16xf32>
        %swap3A_524 = vector.shape_cast %mul3A_520 : vector<16xf32> to vector<16xf32>
        tpu.vector_store %arg18[%swap3A_521], %swap3A_524 {strides = array<i32>} : memref<128xf32, #tpu.memory_space<vmem>>, vector<16xf32>,
        %get3A_525 = arith.constant 80 : index
        %get3A_526 = tpu.vector_load %arg16[%get3A_525] {strides = array<i32>} : memref<128xf32, #tpu.memory_space<vmem>>, vector<16xf32>,
        %get3A_527 = vector.shape_cast %get3A_526 : vector<16xf32> to vector<16xf32>
        %ge3A_528 = arith.constant 5.000000e-01 : f32
        %ge3A_529 = vector.broadcast %ge3A_528 : f32 to vector<16xf32>
        %ge3A_530 = arith.cmpf oge, %get3A_527, %ge3A_529 : vector<16xf32>
        %mul3A_531 = arith.constant 128 : i32
        %mul3A_532 = arith.muli %scan3A_218, %mul3A_531 : i32
        %add3A_533 = arith.constant 80 : i32
        %add3A_534 = arith.addi %mul3A_532, %add3A_533 : i32
        %sub3A_535 = arith.constant 20000 : i32
        %sub3A_536 = arith.subi %sub3A_535, %add3A_534 : i32
        %lt3A_537 = vector.broadcast %sub3A_536 : i32 to vector<16xi32>
        %lt3A_538 = arith.cmpi slt, %iota3A, %lt3A_537 : vector<16xi32>
        %and3A_539 = arith.andi %ge3A_530, %lt3A_538 : vector<16xi1>
        %jit3A_540 = arith.constant 1 : i32
        %jit3A_541 = arith.constant 0 : i32
        %broadcast_in_dim3A_542 = vector.broadcast %jit3A_540 : i32 to vector<16xi32>
        %broadcast_in_dim3A_543 = vector.broadcast %jit3A_541 : i32 to vector<16xi32>
        %select_n3A_544 = arith.select %and3A_539, %broadcast_in_dim3A_542, %broadcast_in_dim3A_543 : vector<16xi1>, vector<16xi32>
        %swap3A_545 = arith.constant 80 : index
        %swap3A_546 = tpu.vector_load %arg19[%swap3A_545] {strides = array<i32>} : memref<144xi32, #tpu.memory_space<vmem>>, vector<16xi32>,
        %swap3A_547 = vector.shape_cast %swap3A_546 : vector<16xi32> to vector<16xi32>
        %swap3A_548 = vector.shape_cast %select_n3A_544 : vector<16xi32> to vector<16xi32>
        tpu.vector_store %arg19[%swap3A_545], %swap3A_548 {strides = array<i32>} : memref<144xi32, #tpu.memory_space<vmem>>, vector<16xi32>,
        %get3A_549 = arith.constant 96 : index
        %get3A_550 = tpu.vector_load %arg14[%get3A_549] {strides = array<i32>} : memref<128xf32, #tpu.memory_space<vmem>>, vector<16xf32>,
        %get3A_551 = vector.shape_cast %get3A_550 : vector<16xf32> to vector<16xf32>
        %get3A_552 = arith.constant 96 : index
        %get3A_553 = tpu.vector_load %arg12[%get3A_552] {strides = array<i32>} : memref<128xf32, #tpu.memory_space<vmem>>, vector<16xf32>,
        %get3A_554 = vector.shape_cast %get3A_553 : vector<16xf32> to vector<16xf32>
        %sub3A_555 = arith.subf %get3A_551, %get3A_554 : vector<16xf32>
        %get3A_556 = arith.constant 96 : index
        %get3A_557 = tpu.vector_load %arg15[%get3A_556] {strides = array<i32>} : memref<128xf32, #tpu.memory_space<vmem>>, vector<16xf32>,
        %get3A_558 = vector.shape_cast %get3A_557 : vector<16xf32> to vector<16xf32>
        %get3A_559 = arith.constant 96 : index
        %get3A_560 = tpu.vector_load %arg13[%get3A_559] {strides = array<i32>} : memref<128xf32, #tpu.memory_space<vmem>>, vector<16xf32>,
        %get3A_561 = vector.shape_cast %get3A_560 : vector<16xf32> to vector<16xf32>
        %sub3A_562 = arith.subf %get3A_558, %get3A_561 : vector<16xf32>
        %mul3A_563 = arith.mulf %sub3A_555, %sub3A_562 : vector<16xf32>
        %swap3A_564 = arith.constant 96 : index
        %swap3A_565 = tpu.vector_load %arg18[%swap3A_564] {strides = array<i32>} : memref<128xf32, #tpu.memory_space<vmem>>, vector<16xf32>,
        %swap3A_566 = vector.shape_cast %swap3A_565 : vector<16xf32> to vector<16xf32>
        %swap3A_567 = vector.shape_cast %mul3A_563 : vector<16xf32> to vector<16xf32>
        tpu.vector_store %arg18[%swap3A_564], %swap3A_567 {strides = array<i32>} : memref<128xf32, #tpu.memory_space<vmem>>, vector<16xf32>,
        %get3A_568 = arith.constant 96 : index
        %get3A_569 = tpu.vector_load %arg16[%get3A_568] {strides = array<i32>} : memref<128xf32, #tpu.memory_space<vmem>>, vector<16xf32>,
        %get3A_570 = vector.shape_cast %get3A_569 : vector<16xf32> to vector<16xf32>
        %ge3A_571 = arith.constant 5.000000e-01 : f32
        %ge3A_572 = vector.broadcast %ge3A_571 : f32 to vector<16xf32>
        %ge3A_573 = arith.cmpf oge, %get3A_570, %ge3A_572 : vector<16xf32>
        %mul3A_574 = arith.constant 128 : i32
        %mul3A_575 = arith.muli %scan3A_218, %mul3A_574 : i32
        %add3A_576 = arith.constant 96 : i32
        %add3A_577 = arith.addi %mul3A_575, %add3A_576 : i32
        %sub3A_578 = arith.constant 20000 : i32
        %sub3A_579 = arith.subi %sub3A_578, %add3A_577 : i32
        %lt3A_580 = vector.broadcast %sub3A_579 : i32 to vector<16xi32>
        %lt3A_581 = arith.cmpi slt, %iota3A, %lt3A_580 : vector<16xi32>
        %and3A_582 = arith.andi %ge3A_573, %lt3A_581 : vector<16xi1>
        %jit3A_583 = arith.constant 1 : i32
        %jit3A_584 = arith.constant 0 : i32
        %broadcast_in_dim3A_585 = vector.broadcast %jit3A_583 : i32 to vector<16xi32>
        %broadcast_in_dim3A_586 = vector.broadcast %jit3A_584 : i32 to vector<16xi32>
        %select_n3A_587 = arith.select %and3A_582, %broadcast_in_dim3A_585, %broadcast_in_dim3A_586 : vector<16xi1>, vector<16xi32>
        %swap3A_588 = arith.constant 96 : index
        %swap3A_589 = tpu.vector_load %arg19[%swap3A_588] {strides = array<i32>} : memref<144xi32, #tpu.memory_space<vmem>>, vector<16xi32>,
        %swap3A_590 = vector.shape_cast %swap3A_589 : vector<16xi32> to vector<16xi32>
        %swap3A_591 = vector.shape_cast %select_n3A_587 : vector<16xi32> to vector<16xi32>
        tpu.vector_store %arg19[%swap3A_588], %swap3A_591 {strides = array<i32>} : memref<144xi32, #tpu.memory_space<vmem>>, vector<16xi32>,
        %get3A_592 = arith.constant 112 : index
        %get3A_593 = tpu.vector_load %arg14[%get3A_592] {strides = array<i32>} : memref<128xf32, #tpu.memory_space<vmem>>, vector<16xf32>,
        %get3A_594 = vector.shape_cast %get3A_593 : vector<16xf32> to vector<16xf32>
        %get3A_595 = arith.constant 112 : index
        %get3A_596 = tpu.vector_load %arg12[%get3A_595] {strides = array<i32>} : memref<128xf32, #tpu.memory_space<vmem>>, vector<16xf32>,
        %get3A_597 = vector.shape_cast %get3A_596 : vector<16xf32> to vector<16xf32>
        %sub3A_598 = arith.subf %get3A_594, %get3A_597 : vector<16xf32>
        %get3A_599 = arith.constant 112 : index
        %get3A_600 = tpu.vector_load %arg15[%get3A_599] {strides = array<i32>} : memref<128xf32, #tpu.memory_space<vmem>>, vector<16xf32>,
        %get3A_601 = vector.shape_cast %get3A_600 : vector<16xf32> to vector<16xf32>
        %get3A_602 = arith.constant 112 : index
        %get3A_603 = tpu.vector_load %arg13[%get3A_602] {strides = array<i32>} : memref<128xf32, #tpu.memory_space<vmem>>, vector<16xf32>,
        %get3A_604 = vector.shape_cast %get3A_603 : vector<16xf32> to vector<16xf32>
        %sub3A_605 = arith.subf %get3A_601, %get3A_604 : vector<16xf32>
        %mul3A_606 = arith.mulf %sub3A_598, %sub3A_605 : vector<16xf32>
        %swap3A_607 = arith.constant 112 : index
        %swap3A_608 = tpu.vector_load %arg18[%swap3A_607] {strides = array<i32>} : memref<128xf32, #tpu.memory_space<vmem>>, vector<16xf32>,
        %swap3A_609 = vector.shape_cast %swap3A_608 : vector<16xf32> to vector<16xf32>
        %swap3A_610 = vector.shape_cast %mul3A_606 : vector<16xf32> to vector<16xf32>
        tpu.vector_store %arg18[%swap3A_607], %swap3A_610 {strides = array<i32>} : memref<128xf32, #tpu.memory_space<vmem>>, vector<16xf32>,
        %get3A_611 = arith.constant 112 : index
        %get3A_612 = tpu.vector_load %arg16[%get3A_611] {strides = array<i32>} : memref<128xf32, #tpu.memory_space<vmem>>, vector<16xf32>,
        %get3A_613 = vector.shape_cast %get3A_612 : vector<16xf32> to vector<16xf32>
        %ge3A_614 = arith.constant 5.000000e-01 : f32
        %ge3A_615 = vector.broadcast %ge3A_614 : f32 to vector<16xf32>
        %ge3A_616 = arith.cmpf oge, %get3A_613, %ge3A_615 : vector<16xf32>
        %mul3A_617 = arith.constant 128 : i32
        %mul3A_618 = arith.muli %scan3A_218, %mul3A_617 : i32
        %add3A_619 = arith.constant 112 : i32
        %add3A_620 = arith.addi %mul3A_618, %add3A_619 : i32
        %sub3A_621 = arith.constant 20000 : i32
        %sub3A_622 = arith.subi %sub3A_621, %add3A_620 : i32
        %lt3A_623 = vector.broadcast %sub3A_622 : i32 to vector<16xi32>
        %lt3A_624 = arith.cmpi slt, %iota3A, %lt3A_623 : vector<16xi32>
        %and3A_625 = arith.andi %ge3A_616, %lt3A_624 : vector<16xi1>
        %jit3A_626 = arith.constant 1 : i32
        %jit3A_627 = arith.constant 0 : i32
        %broadcast_in_dim3A_628 = vector.broadcast %jit3A_626 : i32 to vector<16xi32>
        %broadcast_in_dim3A_629 = vector.broadcast %jit3A_627 : i32 to vector<16xi32>
        %select_n3A_630 = arith.select %and3A_625, %broadcast_in_dim3A_628, %broadcast_in_dim3A_629 : vector<16xi1>, vector<16xi32>
        %swap3A_631 = arith.constant 112 : index
        %swap3A_632 = tpu.vector_load %arg19[%swap3A_631] {strides = array<i32>} : memref<144xi32, #tpu.memory_space<vmem>>, vector<16xi32>,
        %swap3A_633 = vector.shape_cast %swap3A_632 : vector<16xi32> to vector<16xi32>
        %swap3A_634 = vector.shape_cast %select_n3A_630 : vector<16xi32> to vector<16xi32>
        tpu.vector_store %arg19[%swap3A_631], %swap3A_634 {strides = array<i32>} : memref<144xi32, #tpu.memory_space<vmem>>, vector<16xi32>,
        %get3A_635 = arith.constant 0 : index
        %get3A_636 = tpu.vector_load %arg16[%get3A_635] {strides = array<i32>} : memref<128xf32, #tpu.memory_space<vmem>>, vector<16xf32>,
        %get3A_637 = vector.shape_cast %get3A_636 : vector<16xf32> to vector<16xf32>
        %slice3A = vector.extract_strided_slice %get3A_637 {offsets = [0], sizes = [1], strides = [1]} : vector<16xf32> to vector<1xf32>
        %squeeze3A = vector.extract %slice3A[0] : f32 from vector<1xf32>
        %ge3A_638 = arith.constant 5.000000e-01 : f32
        %ge3A_639 = arith.cmpf oge, %squeeze3A, %ge3A_638 : f32
        %gt3A = arith.constant 0 : i32
        %gt3A_640 = arith.cmpi sgt, %scan3A, %gt3A : i32
        %and3A_641 = arith.andi %ge3A_639, %gt3A_640 : i1
        %convert_element_type3A_642 = arith.extui %and3A_641 : i1 to i32
        %cond3A_643 = arith.constant 0 : i32
        %cond3A_644 = arith.cmpi ne, %convert_element_type3A_642, %cond3A_643 : i32
        scf.if %cond3A_644 {
          %while3A = arith.constant 0 : i32
          %while3A_659 = arith.constant 0 : i32
          %while3A_660 = arith.subi %scan3A, %while3A : i32
          %while3A_661 = arith.addi %while3A, %while3A_660 : i32
          %while3A_662 = arith.constant 1 : i32
          %while3A_663 = arith.divsi %while3A_660, %while3A_662 : i32
          %while3A_664 = arith.muli %while3A_663, %while3A_662 : i32
          %while3A_665 = arith.addi %while3A, %while3A_664 : i32
          %while3A_666 = arith.constant 1 : i32
          %while3A_667 = scf.for %while3A_670 = %while3A to %while3A_665 step %while3A_666 iter_args(%while3A_671 = %while3A_659) -> (i32)  : i32 {
            %and3A_672 = arith.constant -16 : i32
            %and3A_673 = arith.andi %while3A_670, %and3A_672 : i32
            %sub3A_674 = arith.subi %while3A_670, %and3A_673 : i32
            %get3A_675 = arith.index_cast %and3A_673 : i32 to index
            %get3A_676 = tpu.vector_load %arg20[%get3A_675] {strides = array<i32>} : memref<128xf32, #tpu.memory_space<vmem>>, vector<16xf32>,
            %get3A_677 = vector.shape_cast %get3A_676 : vector<16xf32> to vector<16xf32>
            %broadcast_in_dim3A_678 = vector.broadcast %sub3A_674 : i32 to vector<16xi32>
            %lt3A_679 = arith.constant 0 : i32
            %lt3A_680 = vector.broadcast %lt3A_679 : i32 to vector<16xi32>
            %lt3A_681 = arith.cmpi slt, %broadcast_in_dim3A_678, %lt3A_680 : vector<16xi32>
            %add3A_682 = arith.constant 16 : i32
            %add3A_683 = vector.broadcast %add3A_682 : i32 to vector<16xi32>
            %add3A_684 = arith.addi %broadcast_in_dim3A_678, %add3A_683 : vector<16xi32>
            %select_n3A_685 = arith.select %lt3A_681, %add3A_684, %broadcast_in_dim3A_678 : vector<16xi1>, vector<16xi32>
            %broadcast_in_dim3A_686 = vector.shape_cast %select_n3A_685 : vector<16xi32> to vector<16x1xi32>
            %gather3A = vector.shape_cast %broadcast_in_dim3A_686 : vector<16x1xi32> to vector<16xi32>
            %gather3A_687 = tpu.dynamic_gather %get3A_677[%gather3A] in [0] : vector<16xf32>, vector<16xi32> -> vector<16xf32>
            %get3A_688 = arith.index_cast %and3A_673 : i32 to index
            %get3A_689 = tpu.vector_load %arg21[%get3A_688] {strides = array<i32>} : memref<128xf32, #tpu.memory_space<vmem>>, vector<16xf32>,
            %get3A_690 = vector.shape_cast %get3A_689 : vector<16xf32> to vector<16xf32>
            %broadcast_in_dim3A_691 = vector.broadcast %sub3A_674 : i32 to vector<16xi32>
            %lt3A_692 = arith.constant 0 : i32
            %lt3A_693 = vector.broadcast %lt3A_692 : i32 to vector<16xi32>
            %lt3A_694 = arith.cmpi slt, %broadcast_in_dim3A_691, %lt3A_693 : vector<16xi32>
            %add3A_695 = arith.constant 16 : i32
            %add3A_696 = vector.broadcast %add3A_695 : i32 to vector<16xi32>
            %add3A_697 = arith.addi %broadcast_in_dim3A_691, %add3A_696 : vector<16xi32>
            %select_n3A_698 = arith.select %lt3A_694, %add3A_697, %broadcast_in_dim3A_691 : vector<16xi1>, vector<16xi32>
            %broadcast_in_dim3A_699 = vector.shape_cast %select_n3A_698 : vector<16xi32> to vector<16x1xi32>
            %gather3A_700 = vector.shape_cast %broadcast_in_dim3A_699 : vector<16x1xi32> to vector<16xi32>
            %gather3A_701 = tpu.dynamic_gather %get3A_690[%gather3A_700] in [0] : vector<16xf32>, vector<16xi32> -> vector<16xf32>
            %get3A_702 = arith.index_cast %and3A_673 : i32 to index
            %get3A_703 = tpu.vector_load %arg22[%get3A_702] {strides = array<i32>} : memref<128xf32, #tpu.memory_space<vmem>>, vector<16xf32>,
            %get3A_704 = vector.shape_cast %get3A_703 : vector<16xf32> to vector<16xf32>
            %broadcast_in_dim3A_705 = vector.broadcast %sub3A_674 : i32 to vector<16xi32>
            %lt3A_706 = arith.constant 0 : i32
            %lt3A_707 = vector.broadcast %lt3A_706 : i32 to vector<16xi32>
            %lt3A_708 = arith.cmpi slt, %broadcast_in_dim3A_705, %lt3A_707 : vector<16xi32>
            %add3A_709 = arith.constant 16 : i32
            %add3A_710 = vector.broadcast %add3A_709 : i32 to vector<16xi32>
            %add3A_711 = arith.addi %broadcast_in_dim3A_705, %add3A_710 : vector<16xi32>
            %select_n3A_712 = arith.select %lt3A_708, %add3A_711, %broadcast_in_dim3A_705 : vector<16xi1>, vector<16xi32>
            %broadcast_in_dim3A_713 = vector.shape_cast %select_n3A_712 : vector<16xi32> to vector<16x1xi32>
            %gather3A_714 = vector.shape_cast %broadcast_in_dim3A_713 : vector<16x1xi32> to vector<16xi32>
            %gather3A_715 = tpu.dynamic_gather %get3A_704[%gather3A_714] in [0] : vector<16xf32>, vector<16xi32> -> vector<16xf32>
            %get3A_716 = arith.index_cast %and3A_673 : i32 to index
            %get3A_717 = tpu.vector_load %arg23[%get3A_716] {strides = array<i32>} : memref<128xf32, #tpu.memory_space<vmem>>, vector<16xf32>,
            %get3A_718 = vector.shape_cast %get3A_717 : vector<16xf32> to vector<16xf32>
            %broadcast_in_dim3A_719 = vector.broadcast %sub3A_674 : i32 to vector<16xi32>
            %lt3A_720 = arith.constant 0 : i32
            %lt3A_721 = vector.broadcast %lt3A_720 : i32 to vector<16xi32>
            %lt3A_722 = arith.cmpi slt, %broadcast_in_dim3A_719, %lt3A_721 : vector<16xi32>
            %add3A_723 = arith.constant 16 : i32
            %add3A_724 = vector.broadcast %add3A_723 : i32 to vector<16xi32>
            %add3A_725 = arith.addi %broadcast_in_dim3A_719, %add3A_724 : vector<16xi32>
            %select_n3A_726 = arith.select %lt3A_722, %add3A_725, %broadcast_in_dim3A_719 : vector<16xi1>, vector<16xi32>
            %broadcast_in_dim3A_727 = vector.shape_cast %select_n3A_726 : vector<16xi32> to vector<16x1xi32>
            %gather3A_728 = vector.shape_cast %broadcast_in_dim3A_727 : vector<16x1xi32> to vector<16xi32>
            %gather3A_729 = tpu.dynamic_gather %get3A_718[%gather3A_728] in [0] : vector<16xf32>, vector<16xi32> -> vector<16xf32>
            %get3A_730 = arith.index_cast %and3A_673 : i32 to index
            %get3A_731 = tpu.vector_load %arg26[%get3A_730] {strides = array<i32>} : memref<128xf32, #tpu.memory_space<vmem>>, vector<16xf32>,
            %get3A_732 = vector.shape_cast %get3A_731 : vector<16xf32> to vector<16xf32>
            %broadcast_in_dim3A_733 = vector.broadcast %sub3A_674 : i32 to vector<16xi32>
            %lt3A_734 = arith.constant 0 : i32
            %lt3A_735 = vector.broadcast %lt3A_734 : i32 to vector<16xi32>
            %lt3A_736 = arith.cmpi slt, %broadcast_in_dim3A_733, %lt3A_735 : vector<16xi32>
            %add3A_737 = arith.constant 16 : i32
            %add3A_738 = vector.broadcast %add3A_737 : i32 to vector<16xi32>
            %add3A_739 = arith.addi %broadcast_in_dim3A_733, %add3A_738 : vector<16xi32>
            %select_n3A_740 = arith.select %lt3A_736, %add3A_739, %broadcast_in_dim3A_733 : vector<16xi1>, vector<16xi32>
            %broadcast_in_dim3A_741 = vector.shape_cast %select_n3A_740 : vector<16xi32> to vector<16x1xi32>
            %gather3A_742 = vector.shape_cast %broadcast_in_dim3A_741 : vector<16x1xi32> to vector<16xi32>
            %gather3A_743 = tpu.dynamic_gather %get3A_732[%gather3A_742] in [0] : vector<16xf32>, vector<16xi32> -> vector<16xf32>
            %get3A_744 = arith.constant 0 : index
            %get3A_745 = tpu.vector_load %arg12[%get3A_744] {strides = array<i32>} : memref<128xf32, #tpu.memory_space<vmem>>, vector<16xf32>,
            %get3A_746 = vector.shape_cast %get3A_745 : vector<16xf32> to vector<16xf32>
            %max3A = arith.maximumf %get3A_746, %gather3A_687 : vector<16xf32>
            %get3A_747 = arith.constant 0 : index
            %get3A_748 = tpu.vector_load %arg13[%get3A_747] {strides = array<i32>} : memref<128xf32, #tpu.memory_space<vmem>>, vector<16xf32>,
            %get3A_749 = vector.shape_cast %get3A_748 : vector<16xf32> to vector<16xf32>
            %max3A_750 = arith.maximumf %get3A_749, %gather3A_701 : vector<16xf32>
            %get3A_751 = arith.constant 0 : index
            %get3A_752 = tpu.vector_load %arg14[%get3A_751] {strides = array<i32>} : memref<128xf32, #tpu.memory_space<vmem>>, vector<16xf32>,
            %get3A_753 = vector.shape_cast %get3A_752 : vector<16xf32> to vector<16xf32>
            %min3A = arith.minimumf %get3A_753, %gather3A_715 : vector<16xf32>
            %get3A_754 = arith.constant 0 : index
            %get3A_755 = tpu.vector_load %arg15[%get3A_754] {strides = array<i32>} : memref<128xf32, #tpu.memory_space<vmem>>, vector<16xf32>,
            %get3A_756 = vector.shape_cast %get3A_755 : vector<16xf32> to vector<16xf32>
            %min3A_757 = arith.minimumf %get3A_756, %gather3A_729 : vector<16xf32>
            %sub3A_758 = arith.subf %min3A, %max3A : vector<16xf32>
            %max3A_759 = arith.constant 0.000000e+00 : f32
            %max3A_760 = vector.broadcast %max3A_759 : f32 to vector<16xf32>
            %max3A_761 = arith.maximumf %sub3A_758, %max3A_760 : vector<16xf32>
            %sub3A_762 = arith.subf %min3A_757, %max3A_750 : vector<16xf32>
            %max3A_763 = arith.constant 0.000000e+00 : f32
            %max3A_764 = vector.broadcast %max3A_763 : f32 to vector<16xf32>
            %max3A_765 = arith.maximumf %sub3A_762, %max3A_764 : vector<16xf32>
            %mul3A_766 = arith.mulf %max3A_761, %max3A_765 : vector<16xf32>
            %get3A_767 = arith.constant 0 : index
            %get3A_768 = tpu.vector_load %arg18[%get3A_767] {strides = array<i32>} : memref<128xf32, #tpu.memory_space<vmem>>, vector<16xf32>,
            %get3A_769 = vector.shape_cast %get3A_768 : vector<16xf32> to vector<16xf32>
            %add3A_770 = arith.addf %gather3A_743, %get3A_769 : vector<16xf32>
            %sub3A_771 = arith.subf %add3A_770, %mul3A_766 : vector<16xf32>
            %add3A_772 = arith.constant 9.99999971E-10 : f32
            %add3A_773 = vector.broadcast %add3A_772 : f32 to vector<16xf32>
            %add3A_774 = arith.addf %sub3A_771, %add3A_773 : vector<16xf32>
            %div3A = arith.divf %mul3A_766, %add3A_774 : vector<16xf32>
            %gt3A_775 = arith.constant 5.000000e-01 : f32
            %gt3A_776 = vector.broadcast %gt3A_775 : f32 to vector<16xf32>
            %gt3A_777 = arith.cmpf ogt, %div3A, %gt3A_776 : vector<16xf32>
            %get3A_778 = arith.constant 0 : index
            %get3A_779 = tpu.vector_load %arg19[%get3A_778] {strides = array<i32>} : memref<144xi32, #tpu.memory_space<vmem>>, vector<16xi32>,
            %get3A_780 = vector.shape_cast %get3A_779 : vector<16xi32> to vector<16xi32>
            %jit3A_781 = arith.constant 0 : i32
            %broadcast_in_dim3A_782 = vector.broadcast %jit3A_781 : i32 to vector<16xi32>
            %select_n3A_783 = arith.select %gt3A_777, %broadcast_in_dim3A_782, %get3A_780 : vector<16xi1>, vector<16xi32>
            %swap3A_784 = arith.constant 0 : index
            %swap3A_785 = tpu.vector_load %arg19[%swap3A_784] {strides = array<i32>} : memref<144xi32, #tpu.memory_space<vmem>>, vector<16xi32>,
            %swap3A_786 = vector.shape_cast %swap3A_785 : vector<16xi32> to vector<16xi32>
            %swap3A_787 = vector.shape_cast %select_n3A_783 : vector<16xi32> to vector<16xi32>
            tpu.vector_store %arg19[%swap3A_784], %swap3A_787 {strides = array<i32>} : memref<144xi32, #tpu.memory_space<vmem>>, vector<16xi32>,
            %get3A_788 = arith.constant 16 : index
            %get3A_789 = tpu.vector_load %arg12[%get3A_788] {strides = array<i32>} : memref<128xf32, #tpu.memory_space<vmem>>, vector<16xf32>,
            %get3A_790 = vector.shape_cast %get3A_789 : vector<16xf32> to vector<16xf32>
            %max3A_791 = arith.maximumf %get3A_790, %gather3A_687 : vector<16xf32>
            %get3A_792 = arith.constant 16 : index
            %get3A_793 = tpu.vector_load %arg13[%get3A_792] {strides = array<i32>} : memref<128xf32, #tpu.memory_space<vmem>>, vector<16xf32>,
            %get3A_794 = vector.shape_cast %get3A_793 : vector<16xf32> to vector<16xf32>
            %max3A_795 = arith.maximumf %get3A_794, %gather3A_701 : vector<16xf32>
            %get3A_796 = arith.constant 16 : index
            %get3A_797 = tpu.vector_load %arg14[%get3A_796] {strides = array<i32>} : memref<128xf32, #tpu.memory_space<vmem>>, vector<16xf32>,
            %get3A_798 = vector.shape_cast %get3A_797 : vector<16xf32> to vector<16xf32>
            %min3A_799 = arith.minimumf %get3A_798, %gather3A_715 : vector<16xf32>
            %get3A_800 = arith.constant 16 : index
            %get3A_801 = tpu.vector_load %arg15[%get3A_800] {strides = array<i32>} : memref<128xf32, #tpu.memory_space<vmem>>, vector<16xf32>,
            %get3A_802 = vector.shape_cast %get3A_801 : vector<16xf32> to vector<16xf32>
            %min3A_803 = arith.minimumf %get3A_802, %gather3A_729 : vector<16xf32>
            %sub3A_804 = arith.subf %min3A_799, %max3A_791 : vector<16xf32>
            %max3A_805 = arith.constant 0.000000e+00 : f32
            %max3A_806 = vector.broadcast %max3A_805 : f32 to vector<16xf32>
            %max3A_807 = arith.maximumf %sub3A_804, %max3A_806 : vector<16xf32>
            %sub3A_808 = arith.subf %min3A_803, %max3A_795 : vector<16xf32>
            %max3A_809 = arith.constant 0.000000e+00 : f32
            %max3A_810 = vector.broadcast %max3A_809 : f32 to vector<16xf32>
            %max3A_811 = arith.maximumf %sub3A_808, %max3A_810 : vector<16xf32>
            %mul3A_812 = arith.mulf %max3A_807, %max3A_811 : vector<16xf32>
            %get3A_813 = arith.constant 16 : index
            %get3A_814 = tpu.vector_load %arg18[%get3A_813] {strides = array<i32>} : memref<128xf32, #tpu.memory_space<vmem>>, vector<16xf32>,
            %get3A_815 = vector.shape_cast %get3A_814 : vector<16xf32> to vector<16xf32>
            %add3A_816 = arith.addf %gather3A_743, %get3A_815 : vector<16xf32>
            %sub3A_817 = arith.subf %add3A_816, %mul3A_812 : vector<16xf32>
            %add3A_818 = arith.constant 9.99999971E-10 : f32
            %add3A_819 = vector.broadcast %add3A_818 : f32 to vector<16xf32>
            %add3A_820 = arith.addf %sub3A_817, %add3A_819 : vector<16xf32>
            %div3A_821 = arith.divf %mul3A_812, %add3A_820 : vector<16xf32>
            %gt3A_822 = arith.constant 5.000000e-01 : f32
            %gt3A_823 = vector.broadcast %gt3A_822 : f32 to vector<16xf32>
            %gt3A_824 = arith.cmpf ogt, %div3A_821, %gt3A_823 : vector<16xf32>
            %get3A_825 = arith.constant 16 : index
            %get3A_826 = tpu.vector_load %arg19[%get3A_825] {strides = array<i32>} : memref<144xi32, #tpu.memory_space<vmem>>, vector<16xi32>,
            %get3A_827 = vector.shape_cast %get3A_826 : vector<16xi32> to vector<16xi32>
            %jit3A_828 = arith.constant 0 : i32
            %broadcast_in_dim3A_829 = vector.broadcast %jit3A_828 : i32 to vector<16xi32>
            %select_n3A_830 = arith.select %gt3A_824, %broadcast_in_dim3A_829, %get3A_827 : vector<16xi1>, vector<16xi32>
            %swap3A_831 = arith.constant 16 : index
            %swap3A_832 = tpu.vector_load %arg19[%swap3A_831] {strides = array<i32>} : memref<144xi32, #tpu.memory_space<vmem>>, vector<16xi32>,
            %swap3A_833 = vector.shape_cast %swap3A_832 : vector<16xi32> to vector<16xi32>
            %swap3A_834 = vector.shape_cast %select_n3A_830 : vector<16xi32> to vector<16xi32>
            tpu.vector_store %arg19[%swap3A_831], %swap3A_834 {strides = array<i32>} : memref<144xi32, #tpu.memory_space<vmem>>, vector<16xi32>,
            %get3A_835 = arith.constant 32 : index
            %get3A_836 = tpu.vector_load %arg12[%get3A_835] {strides = array<i32>} : memref<128xf32, #tpu.memory_space<vmem>>, vector<16xf32>,
            %get3A_837 = vector.shape_cast %get3A_836 : vector<16xf32> to vector<16xf32>
            %max3A_838 = arith.maximumf %get3A_837, %gather3A_687 : vector<16xf32>
            %get3A_839 = arith.constant 32 : index
            %get3A_840 = tpu.vector_load %arg13[%get3A_839] {strides = array<i32>} : memref<128xf32, #tpu.memory_space<vmem>>, vector<16xf32>,
            %get3A_841 = vector.shape_cast %get3A_840 : vector<16xf32> to vector<16xf32>
            %max3A_842 = arith.maximumf %get3A_841, %gather3A_701 : vector<16xf32>
            %get3A_843 = arith.constant 32 : index
            %get3A_844 = tpu.vector_load %arg14[%get3A_843] {strides = array<i32>} : memref<128xf32, #tpu.memory_space<vmem>>, vector<16xf32>,
            %get3A_845 = vector.shape_cast %get3A_844 : vector<16xf32> to vector<16xf32>
            %min3A_846 = arith.minimumf %get3A_845, %gather3A_715 : vector<16xf32>
            %get3A_847 = arith.constant 32 : index
            %get3A_848 = tpu.vector_load %arg15[%get3A_847] {strides = array<i32>} : memref<128xf32, #tpu.memory_space<vmem>>, vector<16xf32>,
            %get3A_849 = vector.shape_cast %get3A_848 : vector<16xf32> to vector<16xf32>
            %min3A_850 = arith.minimumf %get3A_849, %gather3A_729 : vector<16xf32>
            %sub3A_851 = arith.subf %min3A_846, %max3A_838 : vector<16xf32>
            %max3A_852 = arith.constant 0.000000e+00 : f32
            %max3A_853 = vector.broadcast %max3A_852 : f32 to vector<16xf32>
            %max3A_854 = arith.maximumf %sub3A_851, %max3A_853 : vector<16xf32>
            %sub3A_855 = arith.subf %min3A_850, %max3A_842 : vector<16xf32>
            %max3A_856 = arith.constant 0.000000e+00 : f32
            %max3A_857 = vector.broadcast %max3A_856 : f32 to vector<16xf32>
            %max3A_858 = arith.maximumf %sub3A_855, %max3A_857 : vector<16xf32>
            %mul3A_859 = arith.mulf %max3A_854, %max3A_858 : vector<16xf32>
            %get3A_860 = arith.constant 32 : index
            %get3A_861 = tpu.vector_load %arg18[%get3A_860] {strides = array<i32>} : memref<128xf32, #tpu.memory_space<vmem>>, vector<16xf32>,
            %get3A_862 = vector.shape_cast %get3A_861 : vector<16xf32> to vector<16xf32>
            %add3A_863 = arith.addf %gather3A_743, %get3A_862 : vector<16xf32>
            %sub3A_864 = arith.subf %add3A_863, %mul3A_859 : vector<16xf32>
            %add3A_865 = arith.constant 9.99999971E-10 : f32
            %add3A_866 = vector.broadcast %add3A_865 : f32 to vector<16xf32>
            %add3A_867 = arith.addf %sub3A_864, %add3A_866 : vector<16xf32>
            %div3A_868 = arith.divf %mul3A_859, %add3A_867 : vector<16xf32>
            %gt3A_869 = arith.constant 5.000000e-01 : f32
            %gt3A_870 = vector.broadcast %gt3A_869 : f32 to vector<16xf32>
            %gt3A_871 = arith.cmpf ogt, %div3A_868, %gt3A_870 : vector<16xf32>
            %get3A_872 = arith.constant 32 : index
            %get3A_873 = tpu.vector_load %arg19[%get3A_872] {strides = array<i32>} : memref<144xi32, #tpu.memory_space<vmem>>, vector<16xi32>,
            %get3A_874 = vector.shape_cast %get3A_873 : vector<16xi32> to vector<16xi32>
            %jit3A_875 = arith.constant 0 : i32
            %broadcast_in_dim3A_876 = vector.broadcast %jit3A_875 : i32 to vector<16xi32>
            %select_n3A_877 = arith.select %gt3A_871, %broadcast_in_dim3A_876, %get3A_874 : vector<16xi1>, vector<16xi32>
            %swap3A_878 = arith.constant 32 : index
            %swap3A_879 = tpu.vector_load %arg19[%swap3A_878] {strides = array<i32>} : memref<144xi32, #tpu.memory_space<vmem>>, vector<16xi32>,
            %swap3A_880 = vector.shape_cast %swap3A_879 : vector<16xi32> to vector<16xi32>
            %swap3A_881 = vector.shape_cast %select_n3A_877 : vector<16xi32> to vector<16xi32>
            tpu.vector_store %arg19[%swap3A_878], %swap3A_881 {strides = array<i32>} : memref<144xi32, #tpu.memory_space<vmem>>, vector<16xi32>,
            %get3A_882 = arith.constant 48 : index
            %get3A_883 = tpu.vector_load %arg12[%get3A_882] {strides = array<i32>} : memref<128xf32, #tpu.memory_space<vmem>>, vector<16xf32>,
            %get3A_884 = vector.shape_cast %get3A_883 : vector<16xf32> to vector<16xf32>
            %max3A_885 = arith.maximumf %get3A_884, %gather3A_687 : vector<16xf32>
            %get3A_886 = arith.constant 48 : index
            %get3A_887 = tpu.vector_load %arg13[%get3A_886] {strides = array<i32>} : memref<128xf32, #tpu.memory_space<vmem>>, vector<16xf32>,
            %get3A_888 = vector.shape_cast %get3A_887 : vector<16xf32> to vector<16xf32>
            %max3A_889 = arith.maximumf %get3A_888, %gather3A_701 : vector<16xf32>
            %get3A_890 = arith.constant 48 : index
            %get3A_891 = tpu.vector_load %arg14[%get3A_890] {strides = array<i32>} : memref<128xf32, #tpu.memory_space<vmem>>, vector<16xf32>,
            %get3A_892 = vector.shape_cast %get3A_891 : vector<16xf32> to vector<16xf32>
            %min3A_893 = arith.minimumf %get3A_892, %gather3A_715 : vector<16xf32>
            %get3A_894 = arith.constant 48 : index
            %get3A_895 = tpu.vector_load %arg15[%get3A_894] {strides = array<i32>} : memref<128xf32, #tpu.memory_space<vmem>>, vector<16xf32>,
            %get3A_896 = vector.shape_cast %get3A_895 : vector<16xf32> to vector<16xf32>
            %min3A_897 = arith.minimumf %get3A_896, %gather3A_729 : vector<16xf32>
            %sub3A_898 = arith.subf %min3A_893, %max3A_885 : vector<16xf32>
            %max3A_899 = arith.constant 0.000000e+00 : f32
            %max3A_900 = vector.broadcast %max3A_899 : f32 to vector<16xf32>
            %max3A_901 = arith.maximumf %sub3A_898, %max3A_900 : vector<16xf32>
            %sub3A_902 = arith.subf %min3A_897, %max3A_889 : vector<16xf32>
            %max3A_903 = arith.constant 0.000000e+00 : f32
            %max3A_904 = vector.broadcast %max3A_903 : f32 to vector<16xf32>
            %max3A_905 = arith.maximumf %sub3A_902, %max3A_904 : vector<16xf32>
            %mul3A_906 = arith.mulf %max3A_901, %max3A_905 : vector<16xf32>
            %get3A_907 = arith.constant 48 : index
            %get3A_908 = tpu.vector_load %arg18[%get3A_907] {strides = array<i32>} : memref<128xf32, #tpu.memory_space<vmem>>, vector<16xf32>,
            %get3A_909 = vector.shape_cast %get3A_908 : vector<16xf32> to vector<16xf32>
            %add3A_910 = arith.addf %gather3A_743, %get3A_909 : vector<16xf32>
            %sub3A_911 = arith.subf %add3A_910, %mul3A_906 : vector<16xf32>
            %add3A_912 = arith.constant 9.99999971E-10 : f32
            %add3A_913 = vector.broadcast %add3A_912 : f32 to vector<16xf32>
            %add3A_914 = arith.addf %sub3A_911, %add3A_913 : vector<16xf32>
            %div3A_915 = arith.divf %mul3A_906, %add3A_914 : vector<16xf32>
            %gt3A_916 = arith.constant 5.000000e-01 : f32
            %gt3A_917 = vector.broadcast %gt3A_916 : f32 to vector<16xf32>
            %gt3A_918 = arith.cmpf ogt, %div3A_915, %gt3A_917 : vector<16xf32>
            %get3A_919 = arith.constant 48 : index
            %get3A_920 = tpu.vector_load %arg19[%get3A_919] {strides = array<i32>} : memref<144xi32, #tpu.memory_space<vmem>>, vector<16xi32>,
            %get3A_921 = vector.shape_cast %get3A_920 : vector<16xi32> to vector<16xi32>
            %jit3A_922 = arith.constant 0 : i32
            %broadcast_in_dim3A_923 = vector.broadcast %jit3A_922 : i32 to vector<16xi32>
            %select_n3A_924 = arith.select %gt3A_918, %broadcast_in_dim3A_923, %get3A_921 : vector<16xi1>, vector<16xi32>
            %swap3A_925 = arith.constant 48 : index
            %swap3A_926 = tpu.vector_load %arg19[%swap3A_925] {strides = array<i32>} : memref<144xi32, #tpu.memory_space<vmem>>, vector<16xi32>,
            %swap3A_927 = vector.shape_cast %swap3A_926 : vector<16xi32> to vector<16xi32>
            %swap3A_928 = vector.shape_cast %select_n3A_924 : vector<16xi32> to vector<16xi32>
            tpu.vector_store %arg19[%swap3A_925], %swap3A_928 {strides = array<i32>} : memref<144xi32, #tpu.memory_space<vmem>>, vector<16xi32>,
            %get3A_929 = arith.constant 64 : index
            %get3A_930 = tpu.vector_load %arg12[%get3A_929] {strides = array<i32>} : memref<128xf32, #tpu.memory_space<vmem>>, vector<16xf32>,
            %get3A_931 = vector.shape_cast %get3A_930 : vector<16xf32> to vector<16xf32>
            %max3A_932 = arith.maximumf %get3A_931, %gather3A_687 : vector<16xf32>
            %get3A_933 = arith.constant 64 : index
            %get3A_934 = tpu.vector_load %arg13[%get3A_933] {strides = array<i32>} : memref<128xf32, #tpu.memory_space<vmem>>, vector<16xf32>,
            %get3A_935 = vector.shape_cast %get3A_934 : vector<16xf32> to vector<16xf32>
            %max3A_936 = arith.maximumf %get3A_935, %gather3A_701 : vector<16xf32>
            %get3A_937 = arith.constant 64 : index
            %get3A_938 = tpu.vector_load %arg14[%get3A_937] {strides = array<i32>} : memref<128xf32, #tpu.memory_space<vmem>>, vector<16xf32>,
            %get3A_939 = vector.shape_cast %get3A_938 : vector<16xf32> to vector<16xf32>
            %min3A_940 = arith.minimumf %get3A_939, %gather3A_715 : vector<16xf32>
            %get3A_941 = arith.constant 64 : index
            %get3A_942 = tpu.vector_load %arg15[%get3A_941] {strides = array<i32>} : memref<128xf32, #tpu.memory_space<vmem>>, vector<16xf32>,
            %get3A_943 = vector.shape_cast %get3A_942 : vector<16xf32> to vector<16xf32>
            %min3A_944 = arith.minimumf %get3A_943, %gather3A_729 : vector<16xf32>
            %sub3A_945 = arith.subf %min3A_940, %max3A_932 : vector<16xf32>
            %max3A_946 = arith.constant 0.000000e+00 : f32
            %max3A_947 = vector.broadcast %max3A_946 : f32 to vector<16xf32>
            %max3A_948 = arith.maximumf %sub3A_945, %max3A_947 : vector<16xf32>
            %sub3A_949 = arith.subf %min3A_944, %max3A_936 : vector<16xf32>
            %max3A_950 = arith.constant 0.000000e+00 : f32
            %max3A_951 = vector.broadcast %max3A_950 : f32 to vector<16xf32>
            %max3A_952 = arith.maximumf %sub3A_949, %max3A_951 : vector<16xf32>
            %mul3A_953 = arith.mulf %max3A_948, %max3A_952 : vector<16xf32>
            %get3A_954 = arith.constant 64 : index
            %get3A_955 = tpu.vector_load %arg18[%get3A_954] {strides = array<i32>} : memref<128xf32, #tpu.memory_space<vmem>>, vector<16xf32>,
            %get3A_956 = vector.shape_cast %get3A_955 : vector<16xf32> to vector<16xf32>
            %add3A_957 = arith.addf %gather3A_743, %get3A_956 : vector<16xf32>
            %sub3A_958 = arith.subf %add3A_957, %mul3A_953 : vector<16xf32>
            %add3A_959 = arith.constant 9.99999971E-10 : f32
            %add3A_960 = vector.broadcast %add3A_959 : f32 to vector<16xf32>
            %add3A_961 = arith.addf %sub3A_958, %add3A_960 : vector<16xf32>
            %div3A_962 = arith.divf %mul3A_953, %add3A_961 : vector<16xf32>
            %gt3A_963 = arith.constant 5.000000e-01 : f32
            %gt3A_964 = vector.broadcast %gt3A_963 : f32 to vector<16xf32>
            %gt3A_965 = arith.cmpf ogt, %div3A_962, %gt3A_964 : vector<16xf32>
            %get3A_966 = arith.constant 64 : index
            %get3A_967 = tpu.vector_load %arg19[%get3A_966] {strides = array<i32>} : memref<144xi32, #tpu.memory_space<vmem>>, vector<16xi32>,
            %get3A_968 = vector.shape_cast %get3A_967 : vector<16xi32> to vector<16xi32>
            %jit3A_969 = arith.constant 0 : i32
            %broadcast_in_dim3A_970 = vector.broadcast %jit3A_969 : i32 to vector<16xi32>
            %select_n3A_971 = arith.select %gt3A_965, %broadcast_in_dim3A_970, %get3A_968 : vector<16xi1>, vector<16xi32>
            %swap3A_972 = arith.constant 64 : index
            %swap3A_973 = tpu.vector_load %arg19[%swap3A_972] {strides = array<i32>} : memref<144xi32, #tpu.memory_space<vmem>>, vector<16xi32>,
            %swap3A_974 = vector.shape_cast %swap3A_973 : vector<16xi32> to vector<16xi32>
            %swap3A_975 = vector.shape_cast %select_n3A_971 : vector<16xi32> to vector<16xi32>
            tpu.vector_store %arg19[%swap3A_972], %swap3A_975 {strides = array<i32>} : memref<144xi32, #tpu.memory_space<vmem>>, vector<16xi32>,
            %get3A_976 = arith.constant 80 : index
            %get3A_977 = tpu.vector_load %arg12[%get3A_976] {strides = array<i32>} : memref<128xf32, #tpu.memory_space<vmem>>, vector<16xf32>,
            %get3A_978 = vector.shape_cast %get3A_977 : vector<16xf32> to vector<16xf32>
            %max3A_979 = arith.maximumf %get3A_978, %gather3A_687 : vector<16xf32>
            %get3A_980 = arith.constant 80 : index
            %get3A_981 = tpu.vector_load %arg13[%get3A_980] {strides = array<i32>} : memref<128xf32, #tpu.memory_space<vmem>>, vector<16xf32>,
            %get3A_982 = vector.shape_cast %get3A_981 : vector<16xf32> to vector<16xf32>
            %max3A_983 = arith.maximumf %get3A_982, %gather3A_701 : vector<16xf32>
            %get3A_984 = arith.constant 80 : index
            %get3A_985 = tpu.vector_load %arg14[%get3A_984] {strides = array<i32>} : memref<128xf32, #tpu.memory_space<vmem>>, vector<16xf32>,
            %get3A_986 = vector.shape_cast %get3A_985 : vector<16xf32> to vector<16xf32>
            %min3A_987 = arith.minimumf %get3A_986, %gather3A_715 : vector<16xf32>
            %get3A_988 = arith.constant 80 : index
            %get3A_989 = tpu.vector_load %arg15[%get3A_988] {strides = array<i32>} : memref<128xf32, #tpu.memory_space<vmem>>, vector<16xf32>,
            %get3A_990 = vector.shape_cast %get3A_989 : vector<16xf32> to vector<16xf32>
            %min3A_991 = arith.minimumf %get3A_990, %gather3A_729 : vector<16xf32>
            %sub3A_992 = arith.subf %min3A_987, %max3A_979 : vector<16xf32>
            %max3A_993 = arith.constant 0.000000e+00 : f32
            %max3A_994 = vector.broadcast %max3A_993 : f32 to vector<16xf32>
            %max3A_995 = arith.maximumf %sub3A_992, %max3A_994 : vector<16xf32>
            %sub3A_996 = arith.subf %min3A_991, %max3A_983 : vector<16xf32>
            %max3A_997 = arith.constant 0.000000e+00 : f32
            %max3A_998 = vector.broadcast %max3A_997 : f32 to vector<16xf32>
            %max3A_999 = arith.maximumf %sub3A_996, %max3A_998 : vector<16xf32>
            %mul3A_1000 = arith.mulf %max3A_995, %max3A_999 : vector<16xf32>
            %get3A_1001 = arith.constant 80 : index
            %get3A_1002 = tpu.vector_load %arg18[%get3A_1001] {strides = array<i32>} : memref<128xf32, #tpu.memory_space<vmem>>, vector<16xf32>,
            %get3A_1003 = vector.shape_cast %get3A_1002 : vector<16xf32> to vector<16xf32>
            %add3A_1004 = arith.addf %gather3A_743, %get3A_1003 : vector<16xf32>
            %sub3A_1005 = arith.subf %add3A_1004, %mul3A_1000 : vector<16xf32>
            %add3A_1006 = arith.constant 9.99999971E-10 : f32
            %add3A_1007 = vector.broadcast %add3A_1006 : f32 to vector<16xf32>
            %add3A_1008 = arith.addf %sub3A_1005, %add3A_1007 : vector<16xf32>
            %div3A_1009 = arith.divf %mul3A_1000, %add3A_1008 : vector<16xf32>
            %gt3A_1010 = arith.constant 5.000000e-01 : f32
            %gt3A_1011 = vector.broadcast %gt3A_1010 : f32 to vector<16xf32>
            %gt3A_1012 = arith.cmpf ogt, %div3A_1009, %gt3A_1011 : vector<16xf32>
            %get3A_1013 = arith.constant 80 : index
            %get3A_1014 = tpu.vector_load %arg19[%get3A_1013] {strides = array<i32>} : memref<144xi32, #tpu.memory_space<vmem>>, vector<16xi32>,
            %get3A_1015 = vector.shape_cast %get3A_1014 : vector<16xi32> to vector<16xi32>
            %jit3A_1016 = arith.constant 0 : i32
            %broadcast_in_dim3A_1017 = vector.broadcast %jit3A_1016 : i32 to vector<16xi32>
            %select_n3A_1018 = arith.select %gt3A_1012, %broadcast_in_dim3A_1017, %get3A_1015 : vector<16xi1>, vector<16xi32>
            %swap3A_1019 = arith.constant 80 : index
            %swap3A_1020 = tpu.vector_load %arg19[%swap3A_1019] {strides = array<i32>} : memref<144xi32, #tpu.memory_space<vmem>>, vector<16xi32>,
            %swap3A_1021 = vector.shape_cast %swap3A_1020 : vector<16xi32> to vector<16xi32>
            %swap3A_1022 = vector.shape_cast %select_n3A_1018 : vector<16xi32> to vector<16xi32>
            tpu.vector_store %arg19[%swap3A_1019], %swap3A_1022 {strides = array<i32>} : memref<144xi32, #tpu.memory_space<vmem>>, vector<16xi32>,
            %get3A_1023 = arith.constant 96 : index
            %get3A_1024 = tpu.vector_load %arg12[%get3A_1023] {strides = array<i32>} : memref<128xf32, #tpu.memory_space<vmem>>, vector<16xf32>,
            %get3A_1025 = vector.shape_cast %get3A_1024 : vector<16xf32> to vector<16xf32>
            %max3A_1026 = arith.maximumf %get3A_1025, %gather3A_687 : vector<16xf32>
            %get3A_1027 = arith.constant 96 : index
            %get3A_1028 = tpu.vector_load %arg13[%get3A_1027] {strides = array<i32>} : memref<128xf32, #tpu.memory_space<vmem>>, vector<16xf32>,
            %get3A_1029 = vector.shape_cast %get3A_1028 : vector<16xf32> to vector<16xf32>
            %max3A_1030 = arith.maximumf %get3A_1029, %gather3A_701 : vector<16xf32>
            %get3A_1031 = arith.constant 96 : index
            %get3A_1032 = tpu.vector_load %arg14[%get3A_1031] {strides = array<i32>} : memref<128xf32, #tpu.memory_space<vmem>>, vector<16xf32>,
            %get3A_1033 = vector.shape_cast %get3A_1032 : vector<16xf32> to vector<16xf32>
            %min3A_1034 = arith.minimumf %get3A_1033, %gather3A_715 : vector<16xf32>
            %get3A_1035 = arith.constant 96 : index
            %get3A_1036 = tpu.vector_load %arg15[%get3A_1035] {strides = array<i32>} : memref<128xf32, #tpu.memory_space<vmem>>, vector<16xf32>,
            %get3A_1037 = vector.shape_cast %get3A_1036 : vector<16xf32> to vector<16xf32>
            %min3A_1038 = arith.minimumf %get3A_1037, %gather3A_729 : vector<16xf32>
            %sub3A_1039 = arith.subf %min3A_1034, %max3A_1026 : vector<16xf32>
            %max3A_1040 = arith.constant 0.000000e+00 : f32
            %max3A_1041 = vector.broadcast %max3A_1040 : f32 to vector<16xf32>
            %max3A_1042 = arith.maximumf %sub3A_1039, %max3A_1041 : vector<16xf32>
            %sub3A_1043 = arith.subf %min3A_1038, %max3A_1030 : vector<16xf32>
            %max3A_1044 = arith.constant 0.000000e+00 : f32
            %max3A_1045 = vector.broadcast %max3A_1044 : f32 to vector<16xf32>
            %max3A_1046 = arith.maximumf %sub3A_1043, %max3A_1045 : vector<16xf32>
            %mul3A_1047 = arith.mulf %max3A_1042, %max3A_1046 : vector<16xf32>
            %get3A_1048 = arith.constant 96 : index
            %get3A_1049 = tpu.vector_load %arg18[%get3A_1048] {strides = array<i32>} : memref<128xf32, #tpu.memory_space<vmem>>, vector<16xf32>,
            %get3A_1050 = vector.shape_cast %get3A_1049 : vector<16xf32> to vector<16xf32>
            %add3A_1051 = arith.addf %gather3A_743, %get3A_1050 : vector<16xf32>
            %sub3A_1052 = arith.subf %add3A_1051, %mul3A_1047 : vector<16xf32>
            %add3A_1053 = arith.constant 9.99999971E-10 : f32
            %add3A_1054 = vector.broadcast %add3A_1053 : f32 to vector<16xf32>
            %add3A_1055 = arith.addf %sub3A_1052, %add3A_1054 : vector<16xf32>
            %div3A_1056 = arith.divf %mul3A_1047, %add3A_1055 : vector<16xf32>
            %gt3A_1057 = arith.constant 5.000000e-01 : f32
            %gt3A_1058 = vector.broadcast %gt3A_1057 : f32 to vector<16xf32>
            %gt3A_1059 = arith.cmpf ogt, %div3A_1056, %gt3A_1058 : vector<16xf32>
            %get3A_1060 = arith.constant 96 : index
            %get3A_1061 = tpu.vector_load %arg19[%get3A_1060] {strides = array<i32>} : memref<144xi32, #tpu.memory_space<vmem>>, vector<16xi32>,
            %get3A_1062 = vector.shape_cast %get3A_1061 : vector<16xi32> to vector<16xi32>
            %jit3A_1063 = arith.constant 0 : i32
            %broadcast_in_dim3A_1064 = vector.broadcast %jit3A_1063 : i32 to vector<16xi32>
            %select_n3A_1065 = arith.select %gt3A_1059, %broadcast_in_dim3A_1064, %get3A_1062 : vector<16xi1>, vector<16xi32>
            %swap3A_1066 = arith.constant 96 : index
            %swap3A_1067 = tpu.vector_load %arg19[%swap3A_1066] {strides = array<i32>} : memref<144xi32, #tpu.memory_space<vmem>>, vector<16xi32>,
            %swap3A_1068 = vector.shape_cast %swap3A_1067 : vector<16xi32> to vector<16xi32>
            %swap3A_1069 = vector.shape_cast %select_n3A_1065 : vector<16xi32> to vector<16xi32>
            tpu.vector_store %arg19[%swap3A_1066], %swap3A_1069 {strides = array<i32>} : memref<144xi32, #tpu.memory_space<vmem>>, vector<16xi32>,
            %get3A_1070 = arith.constant 112 : index
            %get3A_1071 = tpu.vector_load %arg12[%get3A_1070] {strides = array<i32>} : memref<128xf32, #tpu.memory_space<vmem>>, vector<16xf32>,
            %get3A_1072 = vector.shape_cast %get3A_1071 : vector<16xf32> to vector<16xf32>
            %max3A_1073 = arith.maximumf %get3A_1072, %gather3A_687 : vector<16xf32>
            %get3A_1074 = arith.constant 112 : index
            %get3A_1075 = tpu.vector_load %arg13[%get3A_1074] {strides = array<i32>} : memref<128xf32, #tpu.memory_space<vmem>>, vector<16xf32>,
            %get3A_1076 = vector.shape_cast %get3A_1075 : vector<16xf32> to vector<16xf32>
            %max3A_1077 = arith.maximumf %get3A_1076, %gather3A_701 : vector<16xf32>
            %get3A_1078 = arith.constant 112 : index
            %get3A_1079 = tpu.vector_load %arg14[%get3A_1078] {strides = array<i32>} : memref<128xf32, #tpu.memory_space<vmem>>, vector<16xf32>,
            %get3A_1080 = vector.shape_cast %get3A_1079 : vector<16xf32> to vector<16xf32>
            %min3A_1081 = arith.minimumf %get3A_1080, %gather3A_715 : vector<16xf32>
            %get3A_1082 = arith.constant 112 : index
            %get3A_1083 = tpu.vector_load %arg15[%get3A_1082] {strides = array<i32>} : memref<128xf32, #tpu.memory_space<vmem>>, vector<16xf32>,
            %get3A_1084 = vector.shape_cast %get3A_1083 : vector<16xf32> to vector<16xf32>
            %min3A_1085 = arith.minimumf %get3A_1084, %gather3A_729 : vector<16xf32>
            %sub3A_1086 = arith.subf %min3A_1081, %max3A_1073 : vector<16xf32>
            %max3A_1087 = arith.constant 0.000000e+00 : f32
            %max3A_1088 = vector.broadcast %max3A_1087 : f32 to vector<16xf32>
            %max3A_1089 = arith.maximumf %sub3A_1086, %max3A_1088 : vector<16xf32>
            %sub3A_1090 = arith.subf %min3A_1085, %max3A_1077 : vector<16xf32>
            %max3A_1091 = arith.constant 0.000000e+00 : f32
            %max3A_1092 = vector.broadcast %max3A_1091 : f32 to vector<16xf32>
            %max3A_1093 = arith.maximumf %sub3A_1090, %max3A_1092 : vector<16xf32>
            %mul3A_1094 = arith.mulf %max3A_1089, %max3A_1093 : vector<16xf32>
            %get3A_1095 = arith.constant 112 : index
            %get3A_1096 = tpu.vector_load %arg18[%get3A_1095] {strides = array<i32>} : memref<128xf32, #tpu.memory_space<vmem>>, vector<16xf32>,
            %get3A_1097 = vector.shape_cast %get3A_1096 : vector<16xf32> to vector<16xf32>
            %add3A_1098 = arith.addf %gather3A_743, %get3A_1097 : vector<16xf32>
            %sub3A_1099 = arith.subf %add3A_1098, %mul3A_1094 : vector<16xf32>
            %add3A_1100 = arith.constant 9.99999971E-10 : f32
            %add3A_1101 = vector.broadcast %add3A_1100 : f32 to vector<16xf32>
            %add3A_1102 = arith.addf %sub3A_1099, %add3A_1101 : vector<16xf32>
            %div3A_1103 = arith.divf %mul3A_1094, %add3A_1102 : vector<16xf32>
            %gt3A_1104 = arith.constant 5.000000e-01 : f32
            %gt3A_1105 = vector.broadcast %gt3A_1104 : f32 to vector<16xf32>
            %gt3A_1106 = arith.cmpf ogt, %div3A_1103, %gt3A_1105 : vector<16xf32>
            %get3A_1107 = arith.constant 112 : index
            %get3A_1108 = tpu.vector_load %arg19[%get3A_1107] {strides = array<i32>} : memref<144xi32, #tpu.memory_space<vmem>>, vector<16xi32>,
            %get3A_1109 = vector.shape_cast %get3A_1108 : vector<16xi32> to vector<16xi32>
            %jit3A_1110 = arith.constant 0 : i32
            %broadcast_in_dim3A_1111 = vector.broadcast %jit3A_1110 : i32 to vector<16xi32>
            %select_n3A_1112 = arith.select %gt3A_1106, %broadcast_in_dim3A_1111, %get3A_1109 : vector<16xi1>, vector<16xi32>
            %swap3A_1113 = arith.constant 112 : index
            %swap3A_1114 = tpu.vector_load %arg19[%swap3A_1113] {strides = array<i32>} : memref<144xi32, #tpu.memory_space<vmem>>, vector<16xi32>,
            %swap3A_1115 = vector.shape_cast %swap3A_1114 : vector<16xi32> to vector<16xi32>
            %swap3A_1116 = vector.shape_cast %select_n3A_1112 : vector<16xi32> to vector<16xi32>
            tpu.vector_store %arg19[%swap3A_1113], %swap3A_1116 {strides = array<i32>} : memref<144xi32, #tpu.memory_space<vmem>>, vector<16xi32>,
            %while3A_1117 = arith.constant 0 : i32
            scf.yield %while3A_1117 : i32
          }
          %while3A_668 = arith.constant 1 : i32
          %while3A_669 = scf.for %while3A_670 = %while3A_665 to %while3A_661 step %while3A_668 iter_args(%while3A_671 = %while3A_667) -> (i32)  : i32 {
            %and3A_672 = arith.constant -16 : i32
            %and3A_673 = arith.andi %while3A_670, %and3A_672 : i32
            %sub3A_674 = arith.subi %while3A_670, %and3A_673 : i32
            %get3A_675 = arith.index_cast %and3A_673 : i32 to index
            %get3A_676 = tpu.vector_load %arg20[%get3A_675] {strides = array<i32>} : memref<128xf32, #tpu.memory_space<vmem>>, vector<16xf32>,
            %get3A_677 = vector.shape_cast %get3A_676 : vector<16xf32> to vector<16xf32>
            %broadcast_in_dim3A_678 = vector.broadcast %sub3A_674 : i32 to vector<16xi32>
            %lt3A_679 = arith.constant 0 : i32
            %lt3A_680 = vector.broadcast %lt3A_679 : i32 to vector<16xi32>
            %lt3A_681 = arith.cmpi slt, %broadcast_in_dim3A_678, %lt3A_680 : vector<16xi32>
            %add3A_682 = arith.constant 16 : i32
            %add3A_683 = vector.broadcast %add3A_682 : i32 to vector<16xi32>
            %add3A_684 = arith.addi %broadcast_in_dim3A_678, %add3A_683 : vector<16xi32>
            %select_n3A_685 = arith.select %lt3A_681, %add3A_684, %broadcast_in_dim3A_678 : vector<16xi1>, vector<16xi32>
            %broadcast_in_dim3A_686 = vector.shape_cast %select_n3A_685 : vector<16xi32> to vector<16x1xi32>
            %gather3A = vector.shape_cast %broadcast_in_dim3A_686 : vector<16x1xi32> to vector<16xi32>
            %gather3A_687 = tpu.dynamic_gather %get3A_677[%gather3A] in [0] : vector<16xf32>, vector<16xi32> -> vector<16xf32>
            %get3A_688 = arith.index_cast %and3A_673 : i32 to index
            %get3A_689 = tpu.vector_load %arg21[%get3A_688] {strides = array<i32>} : memref<128xf32, #tpu.memory_space<vmem>>, vector<16xf32>,
            %get3A_690 = vector.shape_cast %get3A_689 : vector<16xf32> to vector<16xf32>
            %broadcast_in_dim3A_691 = vector.broadcast %sub3A_674 : i32 to vector<16xi32>
            %lt3A_692 = arith.constant 0 : i32
            %lt3A_693 = vector.broadcast %lt3A_692 : i32 to vector<16xi32>
            %lt3A_694 = arith.cmpi slt, %broadcast_in_dim3A_691, %lt3A_693 : vector<16xi32>
            %add3A_695 = arith.constant 16 : i32
            %add3A_696 = vector.broadcast %add3A_695 : i32 to vector<16xi32>
            %add3A_697 = arith.addi %broadcast_in_dim3A_691, %add3A_696 : vector<16xi32>
            %select_n3A_698 = arith.select %lt3A_694, %add3A_697, %broadcast_in_dim3A_691 : vector<16xi1>, vector<16xi32>
            %broadcast_in_dim3A_699 = vector.shape_cast %select_n3A_698 : vector<16xi32> to vector<16x1xi32>
            %gather3A_700 = vector.shape_cast %broadcast_in_dim3A_699 : vector<16x1xi32> to vector<16xi32>
            %gather3A_701 = tpu.dynamic_gather %get3A_690[%gather3A_700] in [0] : vector<16xf32>, vector<16xi32> -> vector<16xf32>
            %get3A_702 = arith.index_cast %and3A_673 : i32 to index
            %get3A_703 = tpu.vector_load %arg22[%get3A_702] {strides = array<i32>} : memref<128xf32, #tpu.memory_space<vmem>>, vector<16xf32>,
            %get3A_704 = vector.shape_cast %get3A_703 : vector<16xf32> to vector<16xf32>
            %broadcast_in_dim3A_705 = vector.broadcast %sub3A_674 : i32 to vector<16xi32>
            %lt3A_706 = arith.constant 0 : i32
            %lt3A_707 = vector.broadcast %lt3A_706 : i32 to vector<16xi32>
            %lt3A_708 = arith.cmpi slt, %broadcast_in_dim3A_705, %lt3A_707 : vector<16xi32>
            %add3A_709 = arith.constant 16 : i32
            %add3A_710 = vector.broadcast %add3A_709 : i32 to vector<16xi32>
            %add3A_711 = arith.addi %broadcast_in_dim3A_705, %add3A_710 : vector<16xi32>
            %select_n3A_712 = arith.select %lt3A_708, %add3A_711, %broadcast_in_dim3A_705 : vector<16xi1>, vector<16xi32>
            %broadcast_in_dim3A_713 = vector.shape_cast %select_n3A_712 : vector<16xi32> to vector<16x1xi32>
            %gather3A_714 = vector.shape_cast %broadcast_in_dim3A_713 : vector<16x1xi32> to vector<16xi32>
            %gather3A_715 = tpu.dynamic_gather %get3A_704[%gather3A_714] in [0] : vector<16xf32>, vector<16xi32> -> vector<16xf32>
            %get3A_716 = arith.index_cast %and3A_673 : i32 to index
            %get3A_717 = tpu.vector_load %arg23[%get3A_716] {strides = array<i32>} : memref<128xf32, #tpu.memory_space<vmem>>, vector<16xf32>,
            %get3A_718 = vector.shape_cast %get3A_717 : vector<16xf32> to vector<16xf32>
            %broadcast_in_dim3A_719 = vector.broadcast %sub3A_674 : i32 to vector<16xi32>
            %lt3A_720 = arith.constant 0 : i32
            %lt3A_721 = vector.broadcast %lt3A_720 : i32 to vector<16xi32>
            %lt3A_722 = arith.cmpi slt, %broadcast_in_dim3A_719, %lt3A_721 : vector<16xi32>
            %add3A_723 = arith.constant 16 : i32
            %add3A_724 = vector.broadcast %add3A_723 : i32 to vector<16xi32>
            %add3A_725 = arith.addi %broadcast_in_dim3A_719, %add3A_724 : vector<16xi32>
            %select_n3A_726 = arith.select %lt3A_722, %add3A_725, %broadcast_in_dim3A_719 : vector<16xi1>, vector<16xi32>
            %broadcast_in_dim3A_727 = vector.shape_cast %select_n3A_726 : vector<16xi32> to vector<16x1xi32>
            %gather3A_728 = vector.shape_cast %broadcast_in_dim3A_727 : vector<16x1xi32> to vector<16xi32>
            %gather3A_729 = tpu.dynamic_gather %get3A_718[%gather3A_728] in [0] : vector<16xf32>, vector<16xi32> -> vector<16xf32>
            %get3A_730 = arith.index_cast %and3A_673 : i32 to index
            %get3A_731 = tpu.vector_load %arg26[%get3A_730] {strides = array<i32>} : memref<128xf32, #tpu.memory_space<vmem>>, vector<16xf32>,
            %get3A_732 = vector.shape_cast %get3A_731 : vector<16xf32> to vector<16xf32>
            %broadcast_in_dim3A_733 = vector.broadcast %sub3A_674 : i32 to vector<16xi32>
            %lt3A_734 = arith.constant 0 : i32
            %lt3A_735 = vector.broadcast %lt3A_734 : i32 to vector<16xi32>
            %lt3A_736 = arith.cmpi slt, %broadcast_in_dim3A_733, %lt3A_735 : vector<16xi32>
            %add3A_737 = arith.constant 16 : i32
            %add3A_738 = vector.broadcast %add3A_737 : i32 to vector<16xi32>
            %add3A_739 = arith.addi %broadcast_in_dim3A_733, %add3A_738 : vector<16xi32>
            %select_n3A_740 = arith.select %lt3A_736, %add3A_739, %broadcast_in_dim3A_733 : vector<16xi1>, vector<16xi32>
            %broadcast_in_dim3A_741 = vector.shape_cast %select_n3A_740 : vector<16xi32> to vector<16x1xi32>
            %gather3A_742 = vector.shape_cast %broadcast_in_dim3A_741 : vector<16x1xi32> to vector<16xi32>
            %gather3A_743 = tpu.dynamic_gather %get3A_732[%gather3A_742] in [0] : vector<16xf32>, vector<16xi32> -> vector<16xf32>
            %get3A_744 = arith.constant 0 : index
            %get3A_745 = tpu.vector_load %arg12[%get3A_744] {strides = array<i32>} : memref<128xf32, #tpu.memory_space<vmem>>, vector<16xf32>,
            %get3A_746 = vector.shape_cast %get3A_745 : vector<16xf32> to vector<16xf32>
            %max3A = arith.maximumf %get3A_746, %gather3A_687 : vector<16xf32>
            %get3A_747 = arith.constant 0 : index
            %get3A_748 = tpu.vector_load %arg13[%get3A_747] {strides = array<i32>} : memref<128xf32, #tpu.memory_space<vmem>>, vector<16xf32>,
            %get3A_749 = vector.shape_cast %get3A_748 : vector<16xf32> to vector<16xf32>
            %max3A_750 = arith.maximumf %get3A_749, %gather3A_701 : vector<16xf32>
            %get3A_751 = arith.constant 0 : index
            %get3A_752 = tpu.vector_load %arg14[%get3A_751] {strides = array<i32>} : memref<128xf32, #tpu.memory_space<vmem>>, vector<16xf32>,
            %get3A_753 = vector.shape_cast %get3A_752 : vector<16xf32> to vector<16xf32>
            %min3A = arith.minimumf %get3A_753, %gather3A_715 : vector<16xf32>
            %get3A_754 = arith.constant 0 : index
            %get3A_755 = tpu.vector_load %arg15[%get3A_754] {strides = array<i32>} : memref<128xf32, #tpu.memory_space<vmem>>, vector<16xf32>,
            %get3A_756 = vector.shape_cast %get3A_755 : vector<16xf32> to vector<16xf32>
            %min3A_757 = arith.minimumf %get3A_756, %gather3A_729 : vector<16xf32>
            %sub3A_758 = arith.subf %min3A, %max3A : vector<16xf32>
            %max3A_759 = arith.constant 0.000000e+00 : f32
            %max3A_760 = vector.broadcast %max3A_759 : f32 to vector<16xf32>
            %max3A_761 = arith.maximumf %sub3A_758, %max3A_760 : vector<16xf32>
            %sub3A_762 = arith.subf %min3A_757, %max3A_750 : vector<16xf32>
            %max3A_763 = arith.constant 0.000000e+00 : f32
            %max3A_764 = vector.broadcast %max3A_763 : f32 to vector<16xf32>
            %max3A_765 = arith.maximumf %sub3A_762, %max3A_764 : vector<16xf32>
            %mul3A_766 = arith.mulf %max3A_761, %max3A_765 : vector<16xf32>
            %get3A_767 = arith.constant 0 : index
            %get3A_768 = tpu.vector_load %arg18[%get3A_767] {strides = array<i32>} : memref<128xf32, #tpu.memory_space<vmem>>, vector<16xf32>,
            %get3A_769 = vector.shape_cast %get3A_768 : vector<16xf32> to vector<16xf32>
            %add3A_770 = arith.addf %gather3A_743, %get3A_769 : vector<16xf32>
            %sub3A_771 = arith.subf %add3A_770, %mul3A_766 : vector<16xf32>
            %add3A_772 = arith.constant 9.99999971E-10 : f32
            %add3A_773 = vector.broadcast %add3A_772 : f32 to vector<16xf32>
            %add3A_774 = arith.addf %sub3A_771, %add3A_773 : vector<16xf32>
            %div3A = arith.divf %mul3A_766, %add3A_774 : vector<16xf32>
            %gt3A_775 = arith.constant 5.000000e-01 : f32
            %gt3A_776 = vector.broadcast %gt3A_775 : f32 to vector<16xf32>
            %gt3A_777 = arith.cmpf ogt, %div3A, %gt3A_776 : vector<16xf32>
            %get3A_778 = arith.constant 0 : index
            %get3A_779 = tpu.vector_load %arg19[%get3A_778] {strides = array<i32>} : memref<144xi32, #tpu.memory_space<vmem>>, vector<16xi32>,
            %get3A_780 = vector.shape_cast %get3A_779 : vector<16xi32> to vector<16xi32>
            %jit3A_781 = arith.constant 0 : i32
            %broadcast_in_dim3A_782 = vector.broadcast %jit3A_781 : i32 to vector<16xi32>
            %select_n3A_783 = arith.select %gt3A_777, %broadcast_in_dim3A_782, %get3A_780 : vector<16xi1>, vector<16xi32>
            %swap3A_784 = arith.constant 0 : index
            %swap3A_785 = tpu.vector_load %arg19[%swap3A_784] {strides = array<i32>} : memref<144xi32, #tpu.memory_space<vmem>>, vector<16xi32>,
            %swap3A_786 = vector.shape_cast %swap3A_785 : vector<16xi32> to vector<16xi32>
            %swap3A_787 = vector.shape_cast %select_n3A_783 : vector<16xi32> to vector<16xi32>
            tpu.vector_store %arg19[%swap3A_784], %swap3A_787 {strides = array<i32>} : memref<144xi32, #tpu.memory_space<vmem>>, vector<16xi32>,
            %get3A_788 = arith.constant 16 : index
            %get3A_789 = tpu.vector_load %arg12[%get3A_788] {strides = array<i32>} : memref<128xf32, #tpu.memory_space<vmem>>, vector<16xf32>,
            %get3A_790 = vector.shape_cast %get3A_789 : vector<16xf32> to vector<16xf32>
            %max3A_791 = arith.maximumf %get3A_790, %gather3A_687 : vector<16xf32>
            %get3A_792 = arith.constant 16 : index
            %get3A_793 = tpu.vector_load %arg13[%get3A_792] {strides = array<i32>} : memref<128xf32, #tpu.memory_space<vmem>>, vector<16xf32>,
            %get3A_794 = vector.shape_cast %get3A_793 : vector<16xf32> to vector<16xf32>
            %max3A_795 = arith.maximumf %get3A_794, %gather3A_701 : vector<16xf32>
            %get3A_796 = arith.constant 16 : index
            %get3A_797 = tpu.vector_load %arg14[%get3A_796] {strides = array<i32>} : memref<128xf32, #tpu.memory_space<vmem>>, vector<16xf32>,
            %get3A_798 = vector.shape_cast %get3A_797 : vector<16xf32> to vector<16xf32>
            %min3A_799 = arith.minimumf %get3A_798, %gather3A_715 : vector<16xf32>
            %get3A_800 = arith.constant 16 : index
            %get3A_801 = tpu.vector_load %arg15[%get3A_800] {strides = array<i32>} : memref<128xf32, #tpu.memory_space<vmem>>, vector<16xf32>,
            %get3A_802 = vector.shape_cast %get3A_801 : vector<16xf32> to vector<16xf32>
            %min3A_803 = arith.minimumf %get3A_802, %gather3A_729 : vector<16xf32>
            %sub3A_804 = arith.subf %min3A_799, %max3A_791 : vector<16xf32>
            %max3A_805 = arith.constant 0.000000e+00 : f32
            %max3A_806 = vector.broadcast %max3A_805 : f32 to vector<16xf32>
            %max3A_807 = arith.maximumf %sub3A_804, %max3A_806 : vector<16xf32>
            %sub3A_808 = arith.subf %min3A_803, %max3A_795 : vector<16xf32>
            %max3A_809 = arith.constant 0.000000e+00 : f32
            %max3A_810 = vector.broadcast %max3A_809 : f32 to vector<16xf32>
            %max3A_811 = arith.maximumf %sub3A_808, %max3A_810 : vector<16xf32>
            %mul3A_812 = arith.mulf %max3A_807, %max3A_811 : vector<16xf32>
            %get3A_813 = arith.constant 16 : index
            %get3A_814 = tpu.vector_load %arg18[%get3A_813] {strides = array<i32>} : memref<128xf32, #tpu.memory_space<vmem>>, vector<16xf32>,
            %get3A_815 = vector.shape_cast %get3A_814 : vector<16xf32> to vector<16xf32>
            %add3A_816 = arith.addf %gather3A_743, %get3A_815 : vector<16xf32>
            %sub3A_817 = arith.subf %add3A_816, %mul3A_812 : vector<16xf32>
            %add3A_818 = arith.constant 9.99999971E-10 : f32
            %add3A_819 = vector.broadcast %add3A_818 : f32 to vector<16xf32>
            %add3A_820 = arith.addf %sub3A_817, %add3A_819 : vector<16xf32>
            %div3A_821 = arith.divf %mul3A_812, %add3A_820 : vector<16xf32>
            %gt3A_822 = arith.constant 5.000000e-01 : f32
            %gt3A_823 = vector.broadcast %gt3A_822 : f32 to vector<16xf32>
            %gt3A_824 = arith.cmpf ogt, %div3A_821, %gt3A_823 : vector<16xf32>
            %get3A_825 = arith.constant 16 : index
            %get3A_826 = tpu.vector_load %arg19[%get3A_825] {strides = array<i32>} : memref<144xi32, #tpu.memory_space<vmem>>, vector<16xi32>,
            %get3A_827 = vector.shape_cast %get3A_826 : vector<16xi32> to vector<16xi32>
            %jit3A_828 = arith.constant 0 : i32
            %broadcast_in_dim3A_829 = vector.broadcast %jit3A_828 : i32 to vector<16xi32>
            %select_n3A_830 = arith.select %gt3A_824, %broadcast_in_dim3A_829, %get3A_827 : vector<16xi1>, vector<16xi32>
            %swap3A_831 = arith.constant 16 : index
            %swap3A_832 = tpu.vector_load %arg19[%swap3A_831] {strides = array<i32>} : memref<144xi32, #tpu.memory_space<vmem>>, vector<16xi32>,
            %swap3A_833 = vector.shape_cast %swap3A_832 : vector<16xi32> to vector<16xi32>
            %swap3A_834 = vector.shape_cast %select_n3A_830 : vector<16xi32> to vector<16xi32>
            tpu.vector_store %arg19[%swap3A_831], %swap3A_834 {strides = array<i32>} : memref<144xi32, #tpu.memory_space<vmem>>, vector<16xi32>,
            %get3A_835 = arith.constant 32 : index
            %get3A_836 = tpu.vector_load %arg12[%get3A_835] {strides = array<i32>} : memref<128xf32, #tpu.memory_space<vmem>>, vector<16xf32>,
            %get3A_837 = vector.shape_cast %get3A_836 : vector<16xf32> to vector<16xf32>
            %max3A_838 = arith.maximumf %get3A_837, %gather3A_687 : vector<16xf32>
            %get3A_839 = arith.constant 32 : index
            %get3A_840 = tpu.vector_load %arg13[%get3A_839] {strides = array<i32>} : memref<128xf32, #tpu.memory_space<vmem>>, vector<16xf32>,
            %get3A_841 = vector.shape_cast %get3A_840 : vector<16xf32> to vector<16xf32>
            %max3A_842 = arith.maximumf %get3A_841, %gather3A_701 : vector<16xf32>
            %get3A_843 = arith.constant 32 : index
            %get3A_844 = tpu.vector_load %arg14[%get3A_843] {strides = array<i32>} : memref<128xf32, #tpu.memory_space<vmem>>, vector<16xf32>,
            %get3A_845 = vector.shape_cast %get3A_844 : vector<16xf32> to vector<16xf32>
            %min3A_846 = arith.minimumf %get3A_845, %gather3A_715 : vector<16xf32>
            %get3A_847 = arith.constant 32 : index
            %get3A_848 = tpu.vector_load %arg15[%get3A_847] {strides = array<i32>} : memref<128xf32, #tpu.memory_space<vmem>>, vector<16xf32>,
            %get3A_849 = vector.shape_cast %get3A_848 : vector<16xf32> to vector<16xf32>
            %min3A_850 = arith.minimumf %get3A_849, %gather3A_729 : vector<16xf32>
            %sub3A_851 = arith.subf %min3A_846, %max3A_838 : vector<16xf32>
            %max3A_852 = arith.constant 0.000000e+00 : f32
            %max3A_853 = vector.broadcast %max3A_852 : f32 to vector<16xf32>
            %max3A_854 = arith.maximumf %sub3A_851, %max3A_853 : vector<16xf32>
            %sub3A_855 = arith.subf %min3A_850, %max3A_842 : vector<16xf32>
            %max3A_856 = arith.constant 0.000000e+00 : f32
            %max3A_857 = vector.broadcast %max3A_856 : f32 to vector<16xf32>
            %max3A_858 = arith.maximumf %sub3A_855, %max3A_857 : vector<16xf32>
            %mul3A_859 = arith.mulf %max3A_854, %max3A_858 : vector<16xf32>
            %get3A_860 = arith.constant 32 : index
            %get3A_861 = tpu.vector_load %arg18[%get3A_860] {strides = array<i32>} : memref<128xf32, #tpu.memory_space<vmem>>, vector<16xf32>,
            %get3A_862 = vector.shape_cast %get3A_861 : vector<16xf32> to vector<16xf32>
            %add3A_863 = arith.addf %gather3A_743, %get3A_862 : vector<16xf32>
            %sub3A_864 = arith.subf %add3A_863, %mul3A_859 : vector<16xf32>
            %add3A_865 = arith.constant 9.99999971E-10 : f32
            %add3A_866 = vector.broadcast %add3A_865 : f32 to vector<16xf32>
            %add3A_867 = arith.addf %sub3A_864, %add3A_866 : vector<16xf32>
            %div3A_868 = arith.divf %mul3A_859, %add3A_867 : vector<16xf32>
            %gt3A_869 = arith.constant 5.000000e-01 : f32
            %gt3A_870 = vector.broadcast %gt3A_869 : f32 to vector<16xf32>
            %gt3A_871 = arith.cmpf ogt, %div3A_868, %gt3A_870 : vector<16xf32>
            %get3A_872 = arith.constant 32 : index
            %get3A_873 = tpu.vector_load %arg19[%get3A_872] {strides = array<i32>} : memref<144xi32, #tpu.memory_space<vmem>>, vector<16xi32>,
            %get3A_874 = vector.shape_cast %get3A_873 : vector<16xi32> to vector<16xi32>
            %jit3A_875 = arith.constant 0 : i32
            %broadcast_in_dim3A_876 = vector.broadcast %jit3A_875 : i32 to vector<16xi32>
            %select_n3A_877 = arith.select %gt3A_871, %broadcast_in_dim3A_876, %get3A_874 : vector<16xi1>, vector<16xi32>
            %swap3A_878 = arith.constant 32 : index
            %swap3A_879 = tpu.vector_load %arg19[%swap3A_878] {strides = array<i32>} : memref<144xi32, #tpu.memory_space<vmem>>, vector<16xi32>,
            %swap3A_880 = vector.shape_cast %swap3A_879 : vector<16xi32> to vector<16xi32>
            %swap3A_881 = vector.shape_cast %select_n3A_877 : vector<16xi32> to vector<16xi32>
            tpu.vector_store %arg19[%swap3A_878], %swap3A_881 {strides = array<i32>} : memref<144xi32, #tpu.memory_space<vmem>>, vector<16xi32>,
            %get3A_882 = arith.constant 48 : index
            %get3A_883 = tpu.vector_load %arg12[%get3A_882] {strides = array<i32>} : memref<128xf32, #tpu.memory_space<vmem>>, vector<16xf32>,
            %get3A_884 = vector.shape_cast %get3A_883 : vector<16xf32> to vector<16xf32>
            %max3A_885 = arith.maximumf %get3A_884, %gather3A_687 : vector<16xf32>
            %get3A_886 = arith.constant 48 : index
            %get3A_887 = tpu.vector_load %arg13[%get3A_886] {strides = array<i32>} : memref<128xf32, #tpu.memory_space<vmem>>, vector<16xf32>,
            %get3A_888 = vector.shape_cast %get3A_887 : vector<16xf32> to vector<16xf32>
            %max3A_889 = arith.maximumf %get3A_888, %gather3A_701 : vector<16xf32>
            %get3A_890 = arith.constant 48 : index
            %get3A_891 = tpu.vector_load %arg14[%get3A_890] {strides = array<i32>} : memref<128xf32, #tpu.memory_space<vmem>>, vector<16xf32>,
            %get3A_892 = vector.shape_cast %get3A_891 : vector<16xf32> to vector<16xf32>
            %min3A_893 = arith.minimumf %get3A_892, %gather3A_715 : vector<16xf32>
            %get3A_894 = arith.constant 48 : index
            %get3A_895 = tpu.vector_load %arg15[%get3A_894] {strides = array<i32>} : memref<128xf32, #tpu.memory_space<vmem>>, vector<16xf32>,
            %get3A_896 = vector.shape_cast %get3A_895 : vector<16xf32> to vector<16xf32>
            %min3A_897 = arith.minimumf %get3A_896, %gather3A_729 : vector<16xf32>
            %sub3A_898 = arith.subf %min3A_893, %max3A_885 : vector<16xf32>
            %max3A_899 = arith.constant 0.000000e+00 : f32
            %max3A_900 = vector.broadcast %max3A_899 : f32 to vector<16xf32>
            %max3A_901 = arith.maximumf %sub3A_898, %max3A_900 : vector<16xf32>
            %sub3A_902 = arith.subf %min3A_897, %max3A_889 : vector<16xf32>
            %max3A_903 = arith.constant 0.000000e+00 : f32
            %max3A_904 = vector.broadcast %max3A_903 : f32 to vector<16xf32>
            %max3A_905 = arith.maximumf %sub3A_902, %max3A_904 : vector<16xf32>
            %mul3A_906 = arith.mulf %max3A_901, %max3A_905 : vector<16xf32>
            %get3A_907 = arith.constant 48 : index
            %get3A_908 = tpu.vector_load %arg18[%get3A_907] {strides = array<i32>} : memref<128xf32, #tpu.memory_space<vmem>>, vector<16xf32>,
            %get3A_909 = vector.shape_cast %get3A_908 : vector<16xf32> to vector<16xf32>
            %add3A_910 = arith.addf %gather3A_743, %get3A_909 : vector<16xf32>
            %sub3A_911 = arith.subf %add3A_910, %mul3A_906 : vector<16xf32>
            %add3A_912 = arith.constant 9.99999971E-10 : f32
            %add3A_913 = vector.broadcast %add3A_912 : f32 to vector<16xf32>
            %add3A_914 = arith.addf %sub3A_911, %add3A_913 : vector<16xf32>
            %div3A_915 = arith.divf %mul3A_906, %add3A_914 : vector<16xf32>
            %gt3A_916 = arith.constant 5.000000e-01 : f32
            %gt3A_917 = vector.broadcast %gt3A_916 : f32 to vector<16xf32>
            %gt3A_918 = arith.cmpf ogt, %div3A_915, %gt3A_917 : vector<16xf32>
            %get3A_919 = arith.constant 48 : index
            %get3A_920 = tpu.vector_load %arg19[%get3A_919] {strides = array<i32>} : memref<144xi32, #tpu.memory_space<vmem>>, vector<16xi32>,
            %get3A_921 = vector.shape_cast %get3A_920 : vector<16xi32> to vector<16xi32>
            %jit3A_922 = arith.constant 0 : i32
            %broadcast_in_dim3A_923 = vector.broadcast %jit3A_922 : i32 to vector<16xi32>
            %select_n3A_924 = arith.select %gt3A_918, %broadcast_in_dim3A_923, %get3A_921 : vector<16xi1>, vector<16xi32>
            %swap3A_925 = arith.constant 48 : index
            %swap3A_926 = tpu.vector_load %arg19[%swap3A_925] {strides = array<i32>} : memref<144xi32, #tpu.memory_space<vmem>>, vector<16xi32>,
            %swap3A_927 = vector.shape_cast %swap3A_926 : vector<16xi32> to vector<16xi32>
            %swap3A_928 = vector.shape_cast %select_n3A_924 : vector<16xi32> to vector<16xi32>
            tpu.vector_store %arg19[%swap3A_925], %swap3A_928 {strides = array<i32>} : memref<144xi32, #tpu.memory_space<vmem>>, vector<16xi32>,
            %get3A_929 = arith.constant 64 : index
            %get3A_930 = tpu.vector_load %arg12[%get3A_929] {strides = array<i32>} : memref<128xf32, #tpu.memory_space<vmem>>, vector<16xf32>,
            %get3A_931 = vector.shape_cast %get3A_930 : vector<16xf32> to vector<16xf32>
            %max3A_932 = arith.maximumf %get3A_931, %gather3A_687 : vector<16xf32>
            %get3A_933 = arith.constant 64 : index
            %get3A_934 = tpu.vector_load %arg13[%get3A_933] {strides = array<i32>} : memref<128xf32, #tpu.memory_space<vmem>>, vector<16xf32>,
            %get3A_935 = vector.shape_cast %get3A_934 : vector<16xf32> to vector<16xf32>
            %max3A_936 = arith.maximumf %get3A_935, %gather3A_701 : vector<16xf32>
            %get3A_937 = arith.constant 64 : index
            %get3A_938 = tpu.vector_load %arg14[%get3A_937] {strides = array<i32>} : memref<128xf32, #tpu.memory_space<vmem>>, vector<16xf32>,
            %get3A_939 = vector.shape_cast %get3A_938 : vector<16xf32> to vector<16xf32>
            %min3A_940 = arith.minimumf %get3A_939, %gather3A_715 : vector<16xf32>
            %get3A_941 = arith.constant 64 : index
            %get3A_942 = tpu.vector_load %arg15[%get3A_941] {strides = array<i32>} : memref<128xf32, #tpu.memory_space<vmem>>, vector<16xf32>,
            %get3A_943 = vector.shape_cast %get3A_942 : vector<16xf32> to vector<16xf32>
            %min3A_944 = arith.minimumf %get3A_943, %gather3A_729 : vector<16xf32>
            %sub3A_945 = arith.subf %min3A_940, %max3A_932 : vector<16xf32>
            %max3A_946 = arith.constant 0.000000e+00 : f32
            %max3A_947 = vector.broadcast %max3A_946 : f32 to vector<16xf32>
            %max3A_948 = arith.maximumf %sub3A_945, %max3A_947 : vector<16xf32>
            %sub3A_949 = arith.subf %min3A_944, %max3A_936 : vector<16xf32>
            %max3A_950 = arith.constant 0.000000e+00 : f32
            %max3A_951 = vector.broadcast %max3A_950 : f32 to vector<16xf32>
            %max3A_952 = arith.maximumf %sub3A_949, %max3A_951 : vector<16xf32>
            %mul3A_953 = arith.mulf %max3A_948, %max3A_952 : vector<16xf32>
            %get3A_954 = arith.constant 64 : index
            %get3A_955 = tpu.vector_load %arg18[%get3A_954] {strides = array<i32>} : memref<128xf32, #tpu.memory_space<vmem>>, vector<16xf32>,
            %get3A_956 = vector.shape_cast %get3A_955 : vector<16xf32> to vector<16xf32>
            %add3A_957 = arith.addf %gather3A_743, %get3A_956 : vector<16xf32>
            %sub3A_958 = arith.subf %add3A_957, %mul3A_953 : vector<16xf32>
            %add3A_959 = arith.constant 9.99999971E-10 : f32
            %add3A_960 = vector.broadcast %add3A_959 : f32 to vector<16xf32>
            %add3A_961 = arith.addf %sub3A_958, %add3A_960 : vector<16xf32>
            %div3A_962 = arith.divf %mul3A_953, %add3A_961 : vector<16xf32>
            %gt3A_963 = arith.constant 5.000000e-01 : f32
            %gt3A_964 = vector.broadcast %gt3A_963 : f32 to vector<16xf32>
            %gt3A_965 = arith.cmpf ogt, %div3A_962, %gt3A_964 : vector<16xf32>
            %get3A_966 = arith.constant 64 : index
            %get3A_967 = tpu.vector_load %arg19[%get3A_966] {strides = array<i32>} : memref<144xi32, #tpu.memory_space<vmem>>, vector<16xi32>,
            %get3A_968 = vector.shape_cast %get3A_967 : vector<16xi32> to vector<16xi32>
            %jit3A_969 = arith.constant 0 : i32
            %broadcast_in_dim3A_970 = vector.broadcast %jit3A_969 : i32 to vector<16xi32>
            %select_n3A_971 = arith.select %gt3A_965, %broadcast_in_dim3A_970, %get3A_968 : vector<16xi1>, vector<16xi32>
            %swap3A_972 = arith.constant 64 : index
            %swap3A_973 = tpu.vector_load %arg19[%swap3A_972] {strides = array<i32>} : memref<144xi32, #tpu.memory_space<vmem>>, vector<16xi32>,
            %swap3A_974 = vector.shape_cast %swap3A_973 : vector<16xi32> to vector<16xi32>
            %swap3A_975 = vector.shape_cast %select_n3A_971 : vector<16xi32> to vector<16xi32>
            tpu.vector_store %arg19[%swap3A_972], %swap3A_975 {strides = array<i32>} : memref<144xi32, #tpu.memory_space<vmem>>, vector<16xi32>,
            %get3A_976 = arith.constant 80 : index
            %get3A_977 = tpu.vector_load %arg12[%get3A_976] {strides = array<i32>} : memref<128xf32, #tpu.memory_space<vmem>>, vector<16xf32>,
            %get3A_978 = vector.shape_cast %get3A_977 : vector<16xf32> to vector<16xf32>
            %max3A_979 = arith.maximumf %get3A_978, %gather3A_687 : vector<16xf32>
            %get3A_980 = arith.constant 80 : index
            %get3A_981 = tpu.vector_load %arg13[%get3A_980] {strides = array<i32>} : memref<128xf32, #tpu.memory_space<vmem>>, vector<16xf32>,
            %get3A_982 = vector.shape_cast %get3A_981 : vector<16xf32> to vector<16xf32>
            %max3A_983 = arith.maximumf %get3A_982, %gather3A_701 : vector<16xf32>
            %get3A_984 = arith.constant 80 : index
            %get3A_985 = tpu.vector_load %arg14[%get3A_984] {strides = array<i32>} : memref<128xf32, #tpu.memory_space<vmem>>, vector<16xf32>,
            %get3A_986 = vector.shape_cast %get3A_985 : vector<16xf32> to vector<16xf32>
            %min3A_987 = arith.minimumf %get3A_986, %gather3A_715 : vector<16xf32>
            %get3A_988 = arith.constant 80 : index
            %get3A_989 = tpu.vector_load %arg15[%get3A_988] {strides = array<i32>} : memref<128xf32, #tpu.memory_space<vmem>>, vector<16xf32>,
            %get3A_990 = vector.shape_cast %get3A_989 : vector<16xf32> to vector<16xf32>
            %min3A_991 = arith.minimumf %get3A_990, %gather3A_729 : vector<16xf32>
            %sub3A_992 = arith.subf %min3A_987, %max3A_979 : vector<16xf32>
            %max3A_993 = arith.constant 0.000000e+00 : f32
            %max3A_994 = vector.broadcast %max3A_993 : f32 to vector<16xf32>
            %max3A_995 = arith.maximumf %sub3A_992, %max3A_994 : vector<16xf32>
            %sub3A_996 = arith.subf %min3A_991, %max3A_983 : vector<16xf32>
            %max3A_997 = arith.constant 0.000000e+00 : f32
            %max3A_998 = vector.broadcast %max3A_997 : f32 to vector<16xf32>
            %max3A_999 = arith.maximumf %sub3A_996, %max3A_998 : vector<16xf32>
            %mul3A_1000 = arith.mulf %max3A_995, %max3A_999 : vector<16xf32>
            %get3A_1001 = arith.constant 80 : index
            %get3A_1002 = tpu.vector_load %arg18[%get3A_1001] {strides = array<i32>} : memref<128xf32, #tpu.memory_space<vmem>>, vector<16xf32>,
            %get3A_1003 = vector.shape_cast %get3A_1002 : vector<16xf32> to vector<16xf32>
            %add3A_1004 = arith.addf %gather3A_743, %get3A_1003 : vector<16xf32>
            %sub3A_1005 = arith.subf %add3A_1004, %mul3A_1000 : vector<16xf32>
            %add3A_1006 = arith.constant 9.99999971E-10 : f32
            %add3A_1007 = vector.broadcast %add3A_1006 : f32 to vector<16xf32>
            %add3A_1008 = arith.addf %sub3A_1005, %add3A_1007 : vector<16xf32>
            %div3A_1009 = arith.divf %mul3A_1000, %add3A_1008 : vector<16xf32>
            %gt3A_1010 = arith.constant 5.000000e-01 : f32
            %gt3A_1011 = vector.broadcast %gt3A_1010 : f32 to vector<16xf32>
            %gt3A_1012 = arith.cmpf ogt, %div3A_1009, %gt3A_1011 : vector<16xf32>
            %get3A_1013 = arith.constant 80 : index
            %get3A_1014 = tpu.vector_load %arg19[%get3A_1013] {strides = array<i32>} : memref<144xi32, #tpu.memory_space<vmem>>, vector<16xi32>,
            %get3A_1015 = vector.shape_cast %get3A_1014 : vector<16xi32> to vector<16xi32>
            %jit3A_1016 = arith.constant 0 : i32
            %broadcast_in_dim3A_1017 = vector.broadcast %jit3A_1016 : i32 to vector<16xi32>
            %select_n3A_1018 = arith.select %gt3A_1012, %broadcast_in_dim3A_1017, %get3A_1015 : vector<16xi1>, vector<16xi32>
            %swap3A_1019 = arith.constant 80 : index
            %swap3A_1020 = tpu.vector_load %arg19[%swap3A_1019] {strides = array<i32>} : memref<144xi32, #tpu.memory_space<vmem>>, vector<16xi32>,
            %swap3A_1021 = vector.shape_cast %swap3A_1020 : vector<16xi32> to vector<16xi32>
            %swap3A_1022 = vector.shape_cast %select_n3A_1018 : vector<16xi32> to vector<16xi32>
            tpu.vector_store %arg19[%swap3A_1019], %swap3A_1022 {strides = array<i32>} : memref<144xi32, #tpu.memory_space<vmem>>, vector<16xi32>,
            %get3A_1023 = arith.constant 96 : index
            %get3A_1024 = tpu.vector_load %arg12[%get3A_1023] {strides = array<i32>} : memref<128xf32, #tpu.memory_space<vmem>>, vector<16xf32>,
            %get3A_1025 = vector.shape_cast %get3A_1024 : vector<16xf32> to vector<16xf32>
            %max3A_1026 = arith.maximumf %get3A_1025, %gather3A_687 : vector<16xf32>
            %get3A_1027 = arith.constant 96 : index
            %get3A_1028 = tpu.vector_load %arg13[%get3A_1027] {strides = array<i32>} : memref<128xf32, #tpu.memory_space<vmem>>, vector<16xf32>,
            %get3A_1029 = vector.shape_cast %get3A_1028 : vector<16xf32> to vector<16xf32>
            %max3A_1030 = arith.maximumf %get3A_1029, %gather3A_701 : vector<16xf32>
            %get3A_1031 = arith.constant 96 : index
            %get3A_1032 = tpu.vector_load %arg14[%get3A_1031] {strides = array<i32>} : memref<128xf32, #tpu.memory_space<vmem>>, vector<16xf32>,
            %get3A_1033 = vector.shape_cast %get3A_1032 : vector<16xf32> to vector<16xf32>
            %min3A_1034 = arith.minimumf %get3A_1033, %gather3A_715 : vector<16xf32>
            %get3A_1035 = arith.constant 96 : index
            %get3A_1036 = tpu.vector_load %arg15[%get3A_1035] {strides = array<i32>} : memref<128xf32, #tpu.memory_space<vmem>>, vector<16xf32>,
            %get3A_1037 = vector.shape_cast %get3A_1036 : vector<16xf32> to vector<16xf32>
            %min3A_1038 = arith.minimumf %get3A_1037, %gather3A_729 : vector<16xf32>
            %sub3A_1039 = arith.subf %min3A_1034, %max3A_1026 : vector<16xf32>
            %max3A_1040 = arith.constant 0.000000e+00 : f32
            %max3A_1041 = vector.broadcast %max3A_1040 : f32 to vector<16xf32>
            %max3A_1042 = arith.maximumf %sub3A_1039, %max3A_1041 : vector<16xf32>
            %sub3A_1043 = arith.subf %min3A_1038, %max3A_1030 : vector<16xf32>
            %max3A_1044 = arith.constant 0.000000e+00 : f32
            %max3A_1045 = vector.broadcast %max3A_1044 : f32 to vector<16xf32>
            %max3A_1046 = arith.maximumf %sub3A_1043, %max3A_1045 : vector<16xf32>
            %mul3A_1047 = arith.mulf %max3A_1042, %max3A_1046 : vector<16xf32>
            %get3A_1048 = arith.constant 96 : index
            %get3A_1049 = tpu.vector_load %arg18[%get3A_1048] {strides = array<i32>} : memref<128xf32, #tpu.memory_space<vmem>>, vector<16xf32>,
            %get3A_1050 = vector.shape_cast %get3A_1049 : vector<16xf32> to vector<16xf32>
            %add3A_1051 = arith.addf %gather3A_743, %get3A_1050 : vector<16xf32>
            %sub3A_1052 = arith.subf %add3A_1051, %mul3A_1047 : vector<16xf32>
            %add3A_1053 = arith.constant 9.99999971E-10 : f32
            %add3A_1054 = vector.broadcast %add3A_1053 : f32 to vector<16xf32>
            %add3A_1055 = arith.addf %sub3A_1052, %add3A_1054 : vector<16xf32>
            %div3A_1056 = arith.divf %mul3A_1047, %add3A_1055 : vector<16xf32>
            %gt3A_1057 = arith.constant 5.000000e-01 : f32
            %gt3A_1058 = vector.broadcast %gt3A_1057 : f32 to vector<16xf32>
            %gt3A_1059 = arith.cmpf ogt, %div3A_1056, %gt3A_1058 : vector<16xf32>
            %get3A_1060 = arith.constant 96 : index
            %get3A_1061 = tpu.vector_load %arg19[%get3A_1060] {strides = array<i32>} : memref<144xi32, #tpu.memory_space<vmem>>, vector<16xi32>,
            %get3A_1062 = vector.shape_cast %get3A_1061 : vector<16xi32> to vector<16xi32>
            %jit3A_1063 = arith.constant 0 : i32
            %broadcast_in_dim3A_1064 = vector.broadcast %jit3A_1063 : i32 to vector<16xi32>
            %select_n3A_1065 = arith.select %gt3A_1059, %broadcast_in_dim3A_1064, %get3A_1062 : vector<16xi1>, vector<16xi32>
            %swap3A_1066 = arith.constant 96 : index
            %swap3A_1067 = tpu.vector_load %arg19[%swap3A_1066] {strides = array<i32>} : memref<144xi32, #tpu.memory_space<vmem>>, vector<16xi32>,
            %swap3A_1068 = vector.shape_cast %swap3A_1067 : vector<16xi32> to vector<16xi32>
            %swap3A_1069 = vector.shape_cast %select_n3A_1065 : vector<16xi32> to vector<16xi32>
            tpu.vector_store %arg19[%swap3A_1066], %swap3A_1069 {strides = array<i32>} : memref<144xi32, #tpu.memory_space<vmem>>, vector<16xi32>,
            %get3A_1070 = arith.constant 112 : index
            %get3A_1071 = tpu.vector_load %arg12[%get3A_1070] {strides = array<i32>} : memref<128xf32, #tpu.memory_space<vmem>>, vector<16xf32>,
            %get3A_1072 = vector.shape_cast %get3A_1071 : vector<16xf32> to vector<16xf32>
            %max3A_1073 = arith.maximumf %get3A_1072, %gather3A_687 : vector<16xf32>
            %get3A_1074 = arith.constant 112 : index
            %get3A_1075 = tpu.vector_load %arg13[%get3A_1074] {strides = array<i32>} : memref<128xf32, #tpu.memory_space<vmem>>, vector<16xf32>,
            %get3A_1076 = vector.shape_cast %get3A_1075 : vector<16xf32> to vector<16xf32>
            %max3A_1077 = arith.maximumf %get3A_1076, %gather3A_701 : vector<16xf32>
            %get3A_1078 = arith.constant 112 : index
            %get3A_1079 = tpu.vector_load %arg14[%get3A_1078] {strides = array<i32>} : memref<128xf32, #tpu.memory_space<vmem>>, vector<16xf32>,
            %get3A_1080 = vector.shape_cast %get3A_1079 : vector<16xf32> to vector<16xf32>
            %min3A_1081 = arith.minimumf %get3A_1080, %gather3A_715 : vector<16xf32>
            %get3A_1082 = arith.constant 112 : index
            %get3A_1083 = tpu.vector_load %arg15[%get3A_1082] {strides = array<i32>} : memref<128xf32, #tpu.memory_space<vmem>>, vector<16xf32>,
            %get3A_1084 = vector.shape_cast %get3A_1083 : vector<16xf32> to vector<16xf32>
            %min3A_1085 = arith.minimumf %get3A_1084, %gather3A_729 : vector<16xf32>
            %sub3A_1086 = arith.subf %min3A_1081, %max3A_1073 : vector<16xf32>
            %max3A_1087 = arith.constant 0.000000e+00 : f32
            %max3A_1088 = vector.broadcast %max3A_1087 : f32 to vector<16xf32>
            %max3A_1089 = arith.maximumf %sub3A_1086, %max3A_1088 : vector<16xf32>
            %sub3A_1090 = arith.subf %min3A_1085, %max3A_1077 : vector<16xf32>
            %max3A_1091 = arith.constant 0.000000e+00 : f32
            %max3A_1092 = vector.broadcast %max3A_1091 : f32 to vector<16xf32>
            %max3A_1093 = arith.maximumf %sub3A_1090, %max3A_1092 : vector<16xf32>
            %mul3A_1094 = arith.mulf %max3A_1089, %max3A_1093 : vector<16xf32>
            %get3A_1095 = arith.constant 112 : index
            %get3A_1096 = tpu.vector_load %arg18[%get3A_1095] {strides = array<i32>} : memref<128xf32, #tpu.memory_space<vmem>>, vector<16xf32>,
            %get3A_1097 = vector.shape_cast %get3A_1096 : vector<16xf32> to vector<16xf32>
            %add3A_1098 = arith.addf %gather3A_743, %get3A_1097 : vector<16xf32>
            %sub3A_1099 = arith.subf %add3A_1098, %mul3A_1094 : vector<16xf32>
            %add3A_1100 = arith.constant 9.99999971E-10 : f32
            %add3A_1101 = vector.broadcast %add3A_1100 : f32 to vector<16xf32>
            %add3A_1102 = arith.addf %sub3A_1099, %add3A_1101 : vector<16xf32>
            %div3A_1103 = arith.divf %mul3A_1094, %add3A_1102 : vector<16xf32>
            %gt3A_1104 = arith.constant 5.000000e-01 : f32
            %gt3A_1105 = vector.broadcast %gt3A_1104 : f32 to vector<16xf32>
            %gt3A_1106 = arith.cmpf ogt, %div3A_1103, %gt3A_1105 : vector<16xf32>
            %get3A_1107 = arith.constant 112 : index
            %get3A_1108 = tpu.vector_load %arg19[%get3A_1107] {strides = array<i32>} : memref<144xi32, #tpu.memory_space<vmem>>, vector<16xi32>,
            %get3A_1109 = vector.shape_cast %get3A_1108 : vector<16xi32> to vector<16xi32>
            %jit3A_1110 = arith.constant 0 : i32
            %broadcast_in_dim3A_1111 = vector.broadcast %jit3A_1110 : i32 to vector<16xi32>
            %select_n3A_1112 = arith.select %gt3A_1106, %broadcast_in_dim3A_1111, %get3A_1109 : vector<16xi1>, vector<16xi32>
            %swap3A_1113 = arith.constant 112 : index
            %swap3A_1114 = tpu.vector_load %arg19[%swap3A_1113] {strides = array<i32>} : memref<144xi32, #tpu.memory_space<vmem>>, vector<16xi32>,
            %swap3A_1115 = vector.shape_cast %swap3A_1114 : vector<16xi32> to vector<16xi32>
            %swap3A_1116 = vector.shape_cast %select_n3A_1112 : vector<16xi32> to vector<16xi32>
            tpu.vector_store %arg19[%swap3A_1113], %swap3A_1116 {strides = array<i32>} : memref<144xi32, #tpu.memory_space<vmem>>, vector<16xi32>,
            %while3A_1117 = arith.constant 0 : i32
            scf.yield %while3A_1117 : i32
          }
        } else {
        }
        %ge3A_645 = arith.constant 5.000000e-01 : f32
        %ge3A_646 = arith.cmpf oge, %squeeze3A, %ge3A_645 : f32
        %convert_element_type3A_647 = arith.extui %ge3A_646 : i1 to i32
        %cond3A_648 = arith.constant 0 : i32
        %cond3A_649 = arith.cmpi ne, %convert_element_type3A_647, %cond3A_648 : i32
        %cond3A_650 = scf.if %cond3A_649 -> (i32) {
          %get3A_659 = arith.constant 0 : index
          %get3A_660 = tpu.vector_load %arg12[%get3A_659] {strides = array<i32>} : memref<128xf32, #tpu.memory_space<vmem>>, vector<16xf32>,
          %get3A_661 = vector.shape_cast %get3A_660 : vector<16xf32> to vector<16xf32>
          %get3A_662 = arith.constant 16 : index
          %get3A_663 = tpu.vector_load %arg12[%get3A_662] {strides = array<i32>} : memref<128xf32, #tpu.memory_space<vmem>>, vector<16xf32>,
          %get3A_664 = vector.shape_cast %get3A_663 : vector<16xf32> to vector<16xf32>
          %get3A_665 = arith.constant 32 : index
          %get3A_666 = tpu.vector_load %arg12[%get3A_665] {strides = array<i32>} : memref<128xf32, #tpu.memory_space<vmem>>, vector<16xf32>,
          %get3A_667 = vector.shape_cast %get3A_666 : vector<16xf32> to vector<16xf32>
          %get3A_668 = arith.constant 48 : index
          %get3A_669 = tpu.vector_load %arg12[%get3A_668] {strides = array<i32>} : memref<128xf32, #tpu.memory_space<vmem>>, vector<16xf32>,
          %get3A_670 = vector.shape_cast %get3A_669 : vector<16xf32> to vector<16xf32>
          %get3A_671 = arith.constant 64 : index
          %get3A_672 = tpu.vector_load %arg12[%get3A_671] {strides = array<i32>} : memref<128xf32, #tpu.memory_space<vmem>>, vector<16xf32>,
          %get3A_673 = vector.shape_cast %get3A_672 : vector<16xf32> to vector<16xf32>
          %get3A_674 = arith.constant 80 : index
          %get3A_675 = tpu.vector_load %arg12[%get3A_674] {strides = array<i32>} : memref<128xf32, #tpu.memory_space<vmem>>, vector<16xf32>,
          %get3A_676 = vector.shape_cast %get3A_675 : vector<16xf32> to vector<16xf32>
          %get3A_677 = arith.constant 96 : index
          %get3A_678 = tpu.vector_load %arg12[%get3A_677] {strides = array<i32>} : memref<128xf32, #tpu.memory_space<vmem>>, vector<16xf32>,
          %get3A_679 = vector.shape_cast %get3A_678 : vector<16xf32> to vector<16xf32>
          %get3A_680 = arith.constant 112 : index
          %get3A_681 = tpu.vector_load %arg12[%get3A_680] {strides = array<i32>} : memref<128xf32, #tpu.memory_space<vmem>>, vector<16xf32>,
          %get3A_682 = vector.shape_cast %get3A_681 : vector<16xf32> to vector<16xf32>
          %get3A_683 = arith.constant 0 : index
          %get3A_684 = tpu.vector_load %arg13[%get3A_683] {strides = array<i32>} : memref<128xf32, #tpu.memory_space<vmem>>, vector<16xf32>,
          %get3A_685 = vector.shape_cast %get3A_684 : vector<16xf32> to vector<16xf32>
          %get3A_686 = arith.constant 16 : index
          %get3A_687 = tpu.vector_load %arg13[%get3A_686] {strides = array<i32>} : memref<128xf32, #tpu.memory_space<vmem>>, vector<16xf32>,
          %get3A_688 = vector.shape_cast %get3A_687 : vector<16xf32> to vector<16xf32>
          %get3A_689 = arith.constant 32 : index
          %get3A_690 = tpu.vector_load %arg13[%get3A_689] {strides = array<i32>} : memref<128xf32, #tpu.memory_space<vmem>>, vector<16xf32>,
          %get3A_691 = vector.shape_cast %get3A_690 : vector<16xf32> to vector<16xf32>
          %get3A_692 = arith.constant 48 : index
          %get3A_693 = tpu.vector_load %arg13[%get3A_692] {strides = array<i32>} : memref<128xf32, #tpu.memory_space<vmem>>, vector<16xf32>,
          %get3A_694 = vector.shape_cast %get3A_693 : vector<16xf32> to vector<16xf32>
          %get3A_695 = arith.constant 64 : index
          %get3A_696 = tpu.vector_load %arg13[%get3A_695] {strides = array<i32>} : memref<128xf32, #tpu.memory_space<vmem>>, vector<16xf32>,
          %get3A_697 = vector.shape_cast %get3A_696 : vector<16xf32> to vector<16xf32>
          %get3A_698 = arith.constant 80 : index
          %get3A_699 = tpu.vector_load %arg13[%get3A_698] {strides = array<i32>} : memref<128xf32, #tpu.memory_space<vmem>>, vector<16xf32>,
          %get3A_700 = vector.shape_cast %get3A_699 : vector<16xf32> to vector<16xf32>
          %get3A_701 = arith.constant 96 : index
          %get3A_702 = tpu.vector_load %arg13[%get3A_701] {strides = array<i32>} : memref<128xf32, #tpu.memory_space<vmem>>, vector<16xf32>,
          %get3A_703 = vector.shape_cast %get3A_702 : vector<16xf32> to vector<16xf32>
          %get3A_704 = arith.constant 112 : index
          %get3A_705 = tpu.vector_load %arg13[%get3A_704] {strides = array<i32>} : memref<128xf32, #tpu.memory_space<vmem>>, vector<16xf32>,
          %get3A_706 = vector.shape_cast %get3A_705 : vector<16xf32> to vector<16xf32>
          %get3A_707 = arith.constant 0 : index
          %get3A_708 = tpu.vector_load %arg14[%get3A_707] {strides = array<i32>} : memref<128xf32, #tpu.memory_space<vmem>>, vector<16xf32>,
          %get3A_709 = vector.shape_cast %get3A_708 : vector<16xf32> to vector<16xf32>
          %get3A_710 = arith.constant 16 : index
          %get3A_711 = tpu.vector_load %arg14[%get3A_710] {strides = array<i32>} : memref<128xf32, #tpu.memory_space<vmem>>, vector<16xf32>,
          %get3A_712 = vector.shape_cast %get3A_711 : vector<16xf32> to vector<16xf32>
          %get3A_713 = arith.constant 32 : index
          %get3A_714 = tpu.vector_load %arg14[%get3A_713] {strides = array<i32>} : memref<128xf32, #tpu.memory_space<vmem>>, vector<16xf32>,
          %get3A_715 = vector.shape_cast %get3A_714 : vector<16xf32> to vector<16xf32>
          %get3A_716 = arith.constant 48 : index
          %get3A_717 = tpu.vector_load %arg14[%get3A_716] {strides = array<i32>} : memref<128xf32, #tpu.memory_space<vmem>>, vector<16xf32>,
          %get3A_718 = vector.shape_cast %get3A_717 : vector<16xf32> to vector<16xf32>
          %get3A_719 = arith.constant 64 : index
          %get3A_720 = tpu.vector_load %arg14[%get3A_719] {strides = array<i32>} : memref<128xf32, #tpu.memory_space<vmem>>, vector<16xf32>,
          %get3A_721 = vector.shape_cast %get3A_720 : vector<16xf32> to vector<16xf32>
          %get3A_722 = arith.constant 80 : index
          %get3A_723 = tpu.vector_load %arg14[%get3A_722] {strides = array<i32>} : memref<128xf32, #tpu.memory_space<vmem>>, vector<16xf32>,
          %get3A_724 = vector.shape_cast %get3A_723 : vector<16xf32> to vector<16xf32>
          %get3A_725 = arith.constant 96 : index
          %get3A_726 = tpu.vector_load %arg14[%get3A_725] {strides = array<i32>} : memref<128xf32, #tpu.memory_space<vmem>>, vector<16xf32>,
          %get3A_727 = vector.shape_cast %get3A_726 : vector<16xf32> to vector<16xf32>
          %get3A_728 = arith.constant 112 : index
          %get3A_729 = tpu.vector_load %arg14[%get3A_728] {strides = array<i32>} : memref<128xf32, #tpu.memory_space<vmem>>, vector<16xf32>,
          %get3A_730 = vector.shape_cast %get3A_729 : vector<16xf32> to vector<16xf32>
          %get3A_731 = arith.constant 0 : index
          %get3A_732 = tpu.vector_load %arg15[%get3A_731] {strides = array<i32>} : memref<128xf32, #tpu.memory_space<vmem>>, vector<16xf32>,
          %get3A_733 = vector.shape_cast %get3A_732 : vector<16xf32> to vector<16xf32>
          %get3A_734 = arith.constant 16 : index
          %get3A_735 = tpu.vector_load %arg15[%get3A_734] {strides = array<i32>} : memref<128xf32, #tpu.memory_space<vmem>>, vector<16xf32>,
          %get3A_736 = vector.shape_cast %get3A_735 : vector<16xf32> to vector<16xf32>
          %get3A_737 = arith.constant 32 : index
          %get3A_738 = tpu.vector_load %arg15[%get3A_737] {strides = array<i32>} : memref<128xf32, #tpu.memory_space<vmem>>, vector<16xf32>,
          %get3A_739 = vector.shape_cast %get3A_738 : vector<16xf32> to vector<16xf32>
          %get3A_740 = arith.constant 48 : index
          %get3A_741 = tpu.vector_load %arg15[%get3A_740] {strides = array<i32>} : memref<128xf32, #tpu.memory_space<vmem>>, vector<16xf32>,
          %get3A_742 = vector.shape_cast %get3A_741 : vector<16xf32> to vector<16xf32>
          %get3A_743 = arith.constant 64 : index
          %get3A_744 = tpu.vector_load %arg15[%get3A_743] {strides = array<i32>} : memref<128xf32, #tpu.memory_space<vmem>>, vector<16xf32>,
          %get3A_745 = vector.shape_cast %get3A_744 : vector<16xf32> to vector<16xf32>
          %get3A_746 = arith.constant 80 : index
          %get3A_747 = tpu.vector_load %arg15[%get3A_746] {strides = array<i32>} : memref<128xf32, #tpu.memory_space<vmem>>, vector<16xf32>,
          %get3A_748 = vector.shape_cast %get3A_747 : vector<16xf32> to vector<16xf32>
          %get3A_749 = arith.constant 96 : index
          %get3A_750 = tpu.vector_load %arg15[%get3A_749] {strides = array<i32>} : memref<128xf32, #tpu.memory_space<vmem>>, vector<16xf32>,
          %get3A_751 = vector.shape_cast %get3A_750 : vector<16xf32> to vector<16xf32>
          %get3A_752 = arith.constant 112 : index
          %get3A_753 = tpu.vector_load %arg15[%get3A_752] {strides = array<i32>} : memref<128xf32, #tpu.memory_space<vmem>>, vector<16xf32>,
          %get3A_754 = vector.shape_cast %get3A_753 : vector<16xf32> to vector<16xf32>
          %get3A_755 = arith.constant 0 : index
          %get3A_756 = tpu.vector_load %arg18[%get3A_755] {strides = array<i32>} : memref<128xf32, #tpu.memory_space<vmem>>, vector<16xf32>,
          %get3A_757 = vector.shape_cast %get3A_756 : vector<16xf32> to vector<16xf32>
          %get3A_758 = arith.constant 16 : index
          %get3A_759 = tpu.vector_load %arg18[%get3A_758] {strides = array<i32>} : memref<128xf32, #tpu.memory_space<vmem>>, vector<16xf32>,
          %get3A_760 = vector.shape_cast %get3A_759 : vector<16xf32> to vector<16xf32>
          %get3A_761 = arith.constant 32 : index
          %get3A_762 = tpu.vector_load %arg18[%get3A_761] {strides = array<i32>} : memref<128xf32, #tpu.memory_space<vmem>>, vector<16xf32>,
          %get3A_763 = vector.shape_cast %get3A_762 : vector<16xf32> to vector<16xf32>
          %get3A_764 = arith.constant 48 : index
          %get3A_765 = tpu.vector_load %arg18[%get3A_764] {strides = array<i32>} : memref<128xf32, #tpu.memory_space<vmem>>, vector<16xf32>,
          %get3A_766 = vector.shape_cast %get3A_765 : vector<16xf32> to vector<16xf32>
          %get3A_767 = arith.constant 64 : index
          %get3A_768 = tpu.vector_load %arg18[%get3A_767] {strides = array<i32>} : memref<128xf32, #tpu.memory_space<vmem>>, vector<16xf32>,
          %get3A_769 = vector.shape_cast %get3A_768 : vector<16xf32> to vector<16xf32>
          %get3A_770 = arith.constant 80 : index
          %get3A_771 = tpu.vector_load %arg18[%get3A_770] {strides = array<i32>} : memref<128xf32, #tpu.memory_space<vmem>>, vector<16xf32>,
          %get3A_772 = vector.shape_cast %get3A_771 : vector<16xf32> to vector<16xf32>
          %get3A_773 = arith.constant 96 : index
          %get3A_774 = tpu.vector_load %arg18[%get3A_773] {strides = array<i32>} : memref<128xf32, #tpu.memory_space<vmem>>, vector<16xf32>,
          %get3A_775 = vector.shape_cast %get3A_774 : vector<16xf32> to vector<16xf32>
          %get3A_776 = arith.constant 112 : index
          %get3A_777 = tpu.vector_load %arg18[%get3A_776] {strides = array<i32>} : memref<128xf32, #tpu.memory_space<vmem>>, vector<16xf32>,
          %get3A_778 = vector.shape_cast %get3A_777 : vector<16xf32> to vector<16xf32>
          %scan3A_779 = arith.constant 0 : i32
          %scan3A_780 = arith.constant 128 : i32
          %scan3A_781 = arith.addi %scan3A_779, %scan3A_780 : i32
          %scan3A_782 = arith.constant 1 : i32
          %scan3A_783 = scf.for %scan3A_785 = %scan3A_779 to %scan3A_781 step %scan3A_782 iter_args(%scan3A_786 = %scan3A) -> (i32)  : i32 {
            %and3A_787 = arith.constant -16 : i32
            %and3A_788 = arith.andi %scan3A_785, %and3A_787 : i32
            %sub3A_789 = arith.subi %scan3A_785, %and3A_788 : i32
            %get3A_790 = arith.index_cast %scan3A_785 : i32 to index
            %get3A_791 = tpu.vector_load %arg19[%get3A_790] {strides = array<i32>} : memref<144xi32, #tpu.memory_space<vmem>>, vector<16xi32>,
            %get3A_792 = vector.shape_cast %get3A_791 : vector<16xi32> to vector<16xi32>
            %slice3A_793 = vector.extract_strided_slice %get3A_792 {offsets = [0], sizes = [1], strides = [1]} : vector<16xi32> to vector<1xi32>
            %squeeze3A_794 = vector.extract %slice3A_793[0] : i32 from vector<1xi32>
            %ne3A_795 = arith.constant 0 : i32
            %ne3A_796 = arith.cmpi ne, %squeeze3A_794, %ne3A_795 : i32
            %lt3A_797 = arith.constant 100 : i32
            %lt3A_798 = arith.cmpi slt, %scan3A_786, %lt3A_797 : i32
            %and3A_799 = arith.andi %ne3A_796, %lt3A_798 : i1
            %convert_element_type3A_800 = arith.extui %and3A_799 : i1 to i32
            %cond3A_801 = arith.constant 0 : i32
            %cond3A_802 = arith.cmpi ne, %convert_element_type3A_800, %cond3A_801 : i32
            %cond3A_803 = scf.if %cond3A_802 -> (i32) {
              %get3A_804 = arith.index_cast %and3A_788 : i32 to index
              %get3A_805 = tpu.vector_load %arg12[%get3A_804] {strides = array<i32>} : memref<128xf32, #tpu.memory_space<vmem>>, vector<16xf32>,
              %get3A_806 = vector.shape_cast %get3A_805 : vector<16xf32> to vector<16xf32>
              %broadcast_in_dim3A_807 = vector.broadcast %sub3A_789 : i32 to vector<16xi32>
              %lt3A_808 = arith.constant 0 : i32
              %lt3A_809 = vector.broadcast %lt3A_808 : i32 to vector<16xi32>
              %lt3A_810 = arith.cmpi slt, %broadcast_in_dim3A_807, %lt3A_809 : vector<16xi32>
              %add3A_811 = arith.constant 16 : i32
              %add3A_812 = vector.broadcast %add3A_811 : i32 to vector<16xi32>
              %add3A_813 = arith.addi %broadcast_in_dim3A_807, %add3A_812 : vector<16xi32>
              %select_n3A_814 = arith.select %lt3A_810, %add3A_813, %broadcast_in_dim3A_807 : vector<16xi1>, vector<16xi32>
              %broadcast_in_dim3A_815 = vector.shape_cast %select_n3A_814 : vector<16xi32> to vector<16x1xi32>
              %gather3A = vector.shape_cast %broadcast_in_dim3A_815 : vector<16x1xi32> to vector<16xi32>
              %gather3A_816 = tpu.dynamic_gather %get3A_806[%gather3A] in [0] : vector<16xf32>, vector<16xi32> -> vector<16xf32>
              %get3A_817 = arith.index_cast %and3A_788 : i32 to index
              %get3A_818 = tpu.vector_load %arg13[%get3A_817] {strides = array<i32>} : memref<128xf32, #tpu.memory_space<vmem>>, vector<16xf32>,
              %get3A_819 = vector.shape_cast %get3A_818 : vector<16xf32> to vector<16xf32>
              %broadcast_in_dim3A_820 = vector.broadcast %sub3A_789 : i32 to vector<16xi32>
              %lt3A_821 = arith.constant 0 : i32
              %lt3A_822 = vector.broadcast %lt3A_821 : i32 to vector<16xi32>
              %lt3A_823 = arith.cmpi slt, %broadcast_in_dim3A_820, %lt3A_822 : vector<16xi32>
              %add3A_824 = arith.constant 16 : i32
              %add3A_825 = vector.broadcast %add3A_824 : i32 to vector<16xi32>
              %add3A_826 = arith.addi %broadcast_in_dim3A_820, %add3A_825 : vector<16xi32>
              %select_n3A_827 = arith.select %lt3A_823, %add3A_826, %broadcast_in_dim3A_820 : vector<16xi1>, vector<16xi32>
              %broadcast_in_dim3A_828 = vector.shape_cast %select_n3A_827 : vector<16xi32> to vector<16x1xi32>
              %gather3A_829 = vector.shape_cast %broadcast_in_dim3A_828 : vector<16x1xi32> to vector<16xi32>
              %gather3A_830 = tpu.dynamic_gather %get3A_819[%gather3A_829] in [0] : vector<16xf32>, vector<16xi32> -> vector<16xf32>
              %get3A_831 = arith.index_cast %and3A_788 : i32 to index
              %get3A_832 = tpu.vector_load %arg14[%get3A_831] {strides = array<i32>} : memref<128xf32, #tpu.memory_space<vmem>>, vector<16xf32>,
              %get3A_833 = vector.shape_cast %get3A_832 : vector<16xf32> to vector<16xf32>
              %broadcast_in_dim3A_834 = vector.broadcast %sub3A_789 : i32 to vector<16xi32>
              %lt3A_835 = arith.constant 0 : i32
              %lt3A_836 = vector.broadcast %lt3A_835 : i32 to vector<16xi32>
              %lt3A_837 = arith.cmpi slt, %broadcast_in_dim3A_834, %lt3A_836 : vector<16xi32>
              %add3A_838 = arith.constant 16 : i32
              %add3A_839 = vector.broadcast %add3A_838 : i32 to vector<16xi32>
              %add3A_840 = arith.addi %broadcast_in_dim3A_834, %add3A_839 : vector<16xi32>
              %select_n3A_841 = arith.select %lt3A_837, %add3A_840, %broadcast_in_dim3A_834 : vector<16xi1>, vector<16xi32>
              %broadcast_in_dim3A_842 = vector.shape_cast %select_n3A_841 : vector<16xi32> to vector<16x1xi32>
              %gather3A_843 = vector.shape_cast %broadcast_in_dim3A_842 : vector<16x1xi32> to vector<16xi32>
              %gather3A_844 = tpu.dynamic_gather %get3A_833[%gather3A_843] in [0] : vector<16xf32>, vector<16xi32> -> vector<16xf32>
              %get3A_845 = arith.index_cast %and3A_788 : i32 to index
              %get3A_846 = tpu.vector_load %arg15[%get3A_845] {strides = array<i32>} : memref<128xf32, #tpu.memory_space<vmem>>, vector<16xf32>,
              %get3A_847 = vector.shape_cast %get3A_846 : vector<16xf32> to vector<16xf32>
              %broadcast_in_dim3A_848 = vector.broadcast %sub3A_789 : i32 to vector<16xi32>
              %lt3A_849 = arith.constant 0 : i32
              %lt3A_850 = vector.broadcast %lt3A_849 : i32 to vector<16xi32>
              %lt3A_851 = arith.cmpi slt, %broadcast_in_dim3A_848, %lt3A_850 : vector<16xi32>
              %add3A_852 = arith.constant 16 : i32
              %add3A_853 = vector.broadcast %add3A_852 : i32 to vector<16xi32>
              %add3A_854 = arith.addi %broadcast_in_dim3A_848, %add3A_853 : vector<16xi32>
              %select_n3A_855 = arith.select %lt3A_851, %add3A_854, %broadcast_in_dim3A_848 : vector<16xi1>, vector<16xi32>
              %broadcast_in_dim3A_856 = vector.shape_cast %select_n3A_855 : vector<16xi32> to vector<16x1xi32>
              %gather3A_857 = vector.shape_cast %broadcast_in_dim3A_856 : vector<16x1xi32> to vector<16xi32>
              %gather3A_858 = tpu.dynamic_gather %get3A_847[%gather3A_857] in [0] : vector<16xf32>, vector<16xi32> -> vector<16xf32>
              %get3A_859 = arith.index_cast %and3A_788 : i32 to index
              %get3A_860 = tpu.vector_load %arg18[%get3A_859] {strides = array<i32>} : memref<128xf32, #tpu.memory_space<vmem>>, vector<16xf32>,
              %get3A_861 = vector.shape_cast %get3A_860 : vector<16xf32> to vector<16xf32>
              %broadcast_in_dim3A_862 = vector.broadcast %sub3A_789 : i32 to vector<16xi32>
              %lt3A_863 = arith.constant 0 : i32
              %lt3A_864 = vector.broadcast %lt3A_863 : i32 to vector<16xi32>
              %lt3A_865 = arith.cmpi slt, %broadcast_in_dim3A_862, %lt3A_864 : vector<16xi32>
              %add3A_866 = arith.constant 16 : i32
              %add3A_867 = vector.broadcast %add3A_866 : i32 to vector<16xi32>
              %add3A_868 = arith.addi %broadcast_in_dim3A_862, %add3A_867 : vector<16xi32>
              %select_n3A_869 = arith.select %lt3A_865, %add3A_868, %broadcast_in_dim3A_862 : vector<16xi1>, vector<16xi32>
              %broadcast_in_dim3A_870 = vector.shape_cast %select_n3A_869 : vector<16xi32> to vector<16x1xi32>
              %gather3A_871 = vector.shape_cast %broadcast_in_dim3A_870 : vector<16x1xi32> to vector<16xi32>
              %gather3A_872 = tpu.dynamic_gather %get3A_861[%gather3A_871] in [0] : vector<16xf32>, vector<16xi32> -> vector<16xf32>
              %and3A_873 = arith.constant -16 : i32
              %and3A_874 = arith.andi %scan3A_786, %and3A_873 : i32
              %get3A_875 = arith.index_cast %and3A_874 : i32 to index
              %get3A_876 = tpu.vector_load %arg20[%get3A_875] {strides = array<i32>} : memref<128xf32, #tpu.memory_space<vmem>>, vector<16xf32>,
              %get3A_877 = vector.shape_cast %get3A_876 : vector<16xf32> to vector<16xf32>
              %sub3A_878 = arith.subi %scan3A_786, %and3A_874 : i32
              %eq3A_879 = vector.broadcast %sub3A_878 : i32 to vector<16xi32>
              %eq3A_880 = arith.cmpi eq, %iota3A, %eq3A_879 : vector<16xi32>
              %select_n3A_881 = arith.select %eq3A_880, %gather3A_816, %get3A_877 : vector<16xi1>, vector<16xf32>
              %swap3A_882 = arith.index_cast %and3A_874 : i32 to index
              %swap3A_883 = tpu.vector_load %arg20[%swap3A_882] {strides = array<i32>} : memref<128xf32, #tpu.memory_space<vmem>>, vector<16xf32>,
              %swap3A_884 = vector.shape_cast %swap3A_883 : vector<16xf32> to vector<16xf32>
              %swap3A_885 = vector.shape_cast %select_n3A_881 : vector<16xf32> to vector<16xf32>
              tpu.vector_store %arg20[%swap3A_882], %swap3A_885 {strides = array<i32>} : memref<128xf32, #tpu.memory_space<vmem>>, vector<16xf32>,
              %and3A_886 = arith.constant -16 : i32
              %and3A_887 = arith.andi %scan3A_786, %and3A_886 : i32
              %get3A_888 = arith.index_cast %and3A_887 : i32 to index
              %get3A_889 = tpu.vector_load %arg21[%get3A_888] {strides = array<i32>} : memref<128xf32, #tpu.memory_space<vmem>>, vector<16xf32>,
              %get3A_890 = vector.shape_cast %get3A_889 : vector<16xf32> to vector<16xf32>
              %sub3A_891 = arith.subi %scan3A_786, %and3A_887 : i32
              %eq3A_892 = vector.broadcast %sub3A_891 : i32 to vector<16xi32>
              %eq3A_893 = arith.cmpi eq, %iota3A, %eq3A_892 : vector<16xi32>
              %select_n3A_894 = arith.select %eq3A_893, %gather3A_830, %get3A_890 : vector<16xi1>, vector<16xf32>
              %swap3A_895 = arith.index_cast %and3A_887 : i32 to index
              %swap3A_896 = tpu.vector_load %arg21[%swap3A_895] {strides = array<i32>} : memref<128xf32, #tpu.memory_space<vmem>>, vector<16xf32>,
              %swap3A_897 = vector.shape_cast %swap3A_896 : vector<16xf32> to vector<16xf32>
              %swap3A_898 = vector.shape_cast %select_n3A_894 : vector<16xf32> to vector<16xf32>
              tpu.vector_store %arg21[%swap3A_895], %swap3A_898 {strides = array<i32>} : memref<128xf32, #tpu.memory_space<vmem>>, vector<16xf32>,
              %and3A_899 = arith.constant -16 : i32
              %and3A_900 = arith.andi %scan3A_786, %and3A_899 : i32
              %get3A_901 = arith.index_cast %and3A_900 : i32 to index
              %get3A_902 = tpu.vector_load %arg22[%get3A_901] {strides = array<i32>} : memref<128xf32, #tpu.memory_space<vmem>>, vector<16xf32>,
              %get3A_903 = vector.shape_cast %get3A_902 : vector<16xf32> to vector<16xf32>
              %sub3A_904 = arith.subi %scan3A_786, %and3A_900 : i32
              %eq3A_905 = vector.broadcast %sub3A_904 : i32 to vector<16xi32>
              %eq3A_906 = arith.cmpi eq, %iota3A, %eq3A_905 : vector<16xi32>
              %select_n3A_907 = arith.select %eq3A_906, %gather3A_844, %get3A_903 : vector<16xi1>, vector<16xf32>
              %swap3A_908 = arith.index_cast %and3A_900 : i32 to index
              %swap3A_909 = tpu.vector_load %arg22[%swap3A_908] {strides = array<i32>} : memref<128xf32, #tpu.memory_space<vmem>>, vector<16xf32>,
              %swap3A_910 = vector.shape_cast %swap3A_909 : vector<16xf32> to vector<16xf32>
              %swap3A_911 = vector.shape_cast %select_n3A_907 : vector<16xf32> to vector<16xf32>
              tpu.vector_store %arg22[%swap3A_908], %swap3A_911 {strides = array<i32>} : memref<128xf32, #tpu.memory_space<vmem>>, vector<16xf32>,
              %and3A_912 = arith.constant -16 : i32
              %and3A_913 = arith.andi %scan3A_786, %and3A_912 : i32
              %get3A_914 = arith.index_cast %and3A_913 : i32 to index
              %get3A_915 = tpu.vector_load %arg23[%get3A_914] {strides = array<i32>} : memref<128xf32, #tpu.memory_space<vmem>>, vector<16xf32>,
              %get3A_916 = vector.shape_cast %get3A_915 : vector<16xf32> to vector<16xf32>
              %sub3A_917 = arith.subi %scan3A_786, %and3A_913 : i32
              %eq3A_918 = vector.broadcast %sub3A_917 : i32 to vector<16xi32>
              %eq3A_919 = arith.cmpi eq, %iota3A, %eq3A_918 : vector<16xi32>
              %select_n3A_920 = arith.select %eq3A_919, %gather3A_858, %get3A_916 : vector<16xi1>, vector<16xf32>
              %swap3A_921 = arith.index_cast %and3A_913 : i32 to index
              %swap3A_922 = tpu.vector_load %arg23[%swap3A_921] {strides = array<i32>} : memref<128xf32, #tpu.memory_space<vmem>>, vector<16xf32>,
              %swap3A_923 = vector.shape_cast %swap3A_922 : vector<16xf32> to vector<16xf32>
              %swap3A_924 = vector.shape_cast %select_n3A_920 : vector<16xf32> to vector<16xf32>
              tpu.vector_store %arg23[%swap3A_921], %swap3A_924 {strides = array<i32>} : memref<128xf32, #tpu.memory_space<vmem>>, vector<16xf32>,
              %and3A_925 = arith.constant -16 : i32
              %and3A_926 = arith.andi %scan3A_786, %and3A_925 : i32
              %get3A_927 = arith.index_cast %and3A_926 : i32 to index
              %get3A_928 = tpu.vector_load %arg26[%get3A_927] {strides = array<i32>} : memref<128xf32, #tpu.memory_space<vmem>>, vector<16xf32>,
              %get3A_929 = vector.shape_cast %get3A_928 : vector<16xf32> to vector<16xf32>
              %sub3A_930 = arith.subi %scan3A_786, %and3A_926 : i32
              %eq3A_931 = vector.broadcast %sub3A_930 : i32 to vector<16xi32>
              %eq3A_932 = arith.cmpi eq, %iota3A, %eq3A_931 : vector<16xi32>
              %select_n3A_933 = arith.select %eq3A_932, %gather3A_872, %get3A_929 : vector<16xi1>, vector<16xf32>
              %swap3A_934 = arith.index_cast %and3A_926 : i32 to index
              %swap3A_935 = tpu.vector_load %arg26[%swap3A_934] {strides = array<i32>} : memref<128xf32, #tpu.memory_space<vmem>>, vector<16xf32>,
              %swap3A_936 = vector.shape_cast %swap3A_935 : vector<16xf32> to vector<16xf32>
              %swap3A_937 = vector.shape_cast %select_n3A_933 : vector<16xf32> to vector<16xf32>
              tpu.vector_store %arg26[%swap3A_934], %swap3A_937 {strides = array<i32>} : memref<128xf32, #tpu.memory_space<vmem>>, vector<16xf32>,
              %get3A_938 = arith.index_cast %and3A_788 : i32 to index
              %get3A_939 = tpu.vector_load %arg16[%get3A_938] {strides = array<i32>} : memref<128xf32, #tpu.memory_space<vmem>>, vector<16xf32>,
              %get3A_940 = vector.shape_cast %get3A_939 : vector<16xf32> to vector<16xf32>
              %broadcast_in_dim3A_941 = vector.broadcast %sub3A_789 : i32 to vector<16xi32>
              %lt3A_942 = arith.constant 0 : i32
              %lt3A_943 = vector.broadcast %lt3A_942 : i32 to vector<16xi32>
              %lt3A_944 = arith.cmpi slt, %broadcast_in_dim3A_941, %lt3A_943 : vector<16xi32>
              %add3A_945 = arith.constant 16 : i32
              %add3A_946 = vector.broadcast %add3A_945 : i32 to vector<16xi32>
              %add3A_947 = arith.addi %broadcast_in_dim3A_941, %add3A_946 : vector<16xi32>
              %select_n3A_948 = arith.select %lt3A_944, %add3A_947, %broadcast_in_dim3A_941 : vector<16xi1>, vector<16xi32>
              %broadcast_in_dim3A_949 = vector.shape_cast %select_n3A_948 : vector<16xi32> to vector<16x1xi32>
              %gather3A_950 = vector.shape_cast %broadcast_in_dim3A_949 : vector<16x1xi32> to vector<16xi32>
              %gather3A_951 = tpu.dynamic_gather %get3A_940[%gather3A_950] in [0] : vector<16xf32>, vector<16xi32> -> vector<16xf32>
              %and3A_952 = arith.constant -16 : i32
              %and3A_953 = arith.andi %scan3A_786, %and3A_952 : i32
              %get3A_954 = arith.index_cast %and3A_953 : i32 to index
              %get3A_955 = tpu.vector_load %arg24[%get3A_954] {strides = array<i32>} : memref<128xf32, #tpu.memory_space<vmem>>, vector<16xf32>,
              %get3A_956 = vector.shape_cast %get3A_955 : vector<16xf32> to vector<16xf32>
              %sub3A_957 = arith.subi %scan3A_786, %and3A_953 : i32
              %eq3A_958 = vector.broadcast %sub3A_957 : i32 to vector<16xi32>
              %eq3A_959 = arith.cmpi eq, %iota3A, %eq3A_958 : vector<16xi32>
              %select_n3A_960 = arith.select %eq3A_959, %gather3A_951, %get3A_956 : vector<16xi1>, vector<16xf32>
              %swap3A_961 = arith.index_cast %and3A_953 : i32 to index
              %swap3A_962 = tpu.vector_load %arg24[%swap3A_961] {strides = array<i32>} : memref<128xf32, #tpu.memory_space<vmem>>, vector<16xf32>,
              %swap3A_963 = vector.shape_cast %swap3A_962 : vector<16xf32> to vector<16xf32>
              %swap3A_964 = vector.shape_cast %select_n3A_960 : vector<16xf32> to vector<16xf32>
              tpu.vector_store %arg24[%swap3A_961], %swap3A_964 {strides = array<i32>} : memref<128xf32, #tpu.memory_space<vmem>>, vector<16xf32>,
              %get3A_965 = arith.index_cast %and3A_788 : i32 to index
              %get3A_966 = tpu.vector_load %arg17[%get3A_965] {strides = array<i32>} : memref<128xi32, #tpu.memory_space<vmem>>, vector<16xi32>,
              %get3A_967 = vector.shape_cast %get3A_966 : vector<16xi32> to vector<16xi32>
              %broadcast_in_dim3A_968 = vector.broadcast %sub3A_789 : i32 to vector<16xi32>
              %lt3A_969 = arith.constant 0 : i32
              %lt3A_970 = vector.broadcast %lt3A_969 : i32 to vector<16xi32>
              %lt3A_971 = arith.cmpi slt, %broadcast_in_dim3A_968, %lt3A_970 : vector<16xi32>
              %add3A_972 = arith.constant 16 : i32
              %add3A_973 = vector.broadcast %add3A_972 : i32 to vector<16xi32>
              %add3A_974 = arith.addi %broadcast_in_dim3A_968, %add3A_973 : vector<16xi32>
              %select_n3A_975 = arith.select %lt3A_971, %add3A_974, %broadcast_in_dim3A_968 : vector<16xi1>, vector<16xi32>
              %broadcast_in_dim3A_976 = vector.shape_cast %select_n3A_975 : vector<16xi32> to vector<16x1xi32>
              %gather3A_977 = vector.shape_cast %broadcast_in_dim3A_976 : vector<16x1xi32> to vector<16xi32>
              %gather3A_978 = tpu.dynamic_gather %get3A_967[%gather3A_977] in [0] : vector<16xi32>, vector<16xi32> -> vector<16xi32>
              %and3A_979 = arith.constant -16 : i32
              %and3A_980 = arith.andi %scan3A_786, %and3A_979 : i32
              %get3A_981 = arith.index_cast %and3A_980 : i32 to index
              %get3A_982 = tpu.vector_load %arg25[%get3A_981] {strides = array<i32>} : memref<128xi32, #tpu.memory_space<vmem>>, vector<16xi32>,
              %get3A_983 = vector.shape_cast %get3A_982 : vector<16xi32> to vector<16xi32>
              %sub3A_984 = arith.subi %scan3A_786, %and3A_980 : i32
              %eq3A_985 = vector.broadcast %sub3A_984 : i32 to vector<16xi32>
              %eq3A_986 = arith.cmpi eq, %iota3A, %eq3A_985 : vector<16xi32>
              %select_n3A_987 = arith.select %eq3A_986, %gather3A_978, %get3A_983 : vector<16xi1>, vector<16xi32>
              %swap3A_988 = arith.index_cast %and3A_980 : i32 to index
              %swap3A_989 = tpu.vector_load %arg25[%swap3A_988] {strides = array<i32>} : memref<128xi32, #tpu.memory_space<vmem>>, vector<16xi32>,
              %swap3A_990 = vector.shape_cast %swap3A_989 : vector<16xi32> to vector<16xi32>
              %swap3A_991 = vector.shape_cast %select_n3A_987 : vector<16xi32> to vector<16xi32>
              tpu.vector_store %arg25[%swap3A_988], %swap3A_991 {strides = array<i32>} : memref<128xi32, #tpu.memory_space<vmem>>, vector<16xi32>,
              %max3A = arith.maximumf %get3A_661, %gather3A_816 : vector<16xf32>
              %max3A_992 = arith.maximumf %get3A_685, %gather3A_830 : vector<16xf32>
              %min3A = arith.minimumf %get3A_709, %gather3A_844 : vector<16xf32>
              %min3A_993 = arith.minimumf %get3A_733, %gather3A_858 : vector<16xf32>
              %sub3A_994 = arith.subf %min3A, %max3A : vector<16xf32>
              %max3A_995 = arith.constant 0.000000e+00 : f32
              %max3A_996 = vector.broadcast %max3A_995 : f32 to vector<16xf32>
              %max3A_997 = arith.maximumf %sub3A_994, %max3A_996 : vector<16xf32>
              %sub3A_998 = arith.subf %min3A_993, %max3A_992 : vector<16xf32>
              %max3A_999 = arith.constant 0.000000e+00 : f32
              %max3A_1000 = vector.broadcast %max3A_999 : f32 to vector<16xf32>
              %max3A_1001 = arith.maximumf %sub3A_998, %max3A_1000 : vector<16xf32>
              %mul3A_1002 = arith.mulf %max3A_997, %max3A_1001 : vector<16xf32>
              %add3A_1003 = arith.addf %gather3A_872, %get3A_757 : vector<16xf32>
              %sub3A_1004 = arith.subf %add3A_1003, %mul3A_1002 : vector<16xf32>
              %add3A_1005 = arith.constant 9.99999971E-10 : f32
              %add3A_1006 = vector.broadcast %add3A_1005 : f32 to vector<16xf32>
              %add3A_1007 = arith.addf %sub3A_1004, %add3A_1006 : vector<16xf32>
              %div3A = arith.divf %mul3A_1002, %add3A_1007 : vector<16xf32>
              %gt3A_1008 = arith.constant 5.000000e-01 : f32
              %gt3A_1009 = vector.broadcast %gt3A_1008 : f32 to vector<16xf32>
              %gt3A_1010 = arith.cmpf ogt, %div3A, %gt3A_1009 : vector<16xf32>
              %get3A_1011 = arith.constant 0 : index
              %get3A_1012 = tpu.vector_load %arg19[%get3A_1011] {strides = array<i32>} : memref<144xi32, #tpu.memory_space<vmem>>, vector<16xi32>,
              %get3A_1013 = vector.shape_cast %get3A_1012 : vector<16xi32> to vector<16xi32>
              %jit3A_1014 = arith.constant 0 : i32
              %broadcast_in_dim3A_1015 = vector.broadcast %jit3A_1014 : i32 to vector<16xi32>
              %select_n3A_1016 = arith.select %gt3A_1010, %broadcast_in_dim3A_1015, %get3A_1013 : vector<16xi1>, vector<16xi32>
              %swap3A_1017 = arith.constant 0 : index
              %swap3A_1018 = tpu.vector_load %arg19[%swap3A_1017] {strides = array<i32>} : memref<144xi32, #tpu.memory_space<vmem>>, vector<16xi32>,
              %swap3A_1019 = vector.shape_cast %swap3A_1018 : vector<16xi32> to vector<16xi32>
              %swap3A_1020 = vector.shape_cast %select_n3A_1016 : vector<16xi32> to vector<16xi32>
              tpu.vector_store %arg19[%swap3A_1017], %swap3A_1020 {strides = array<i32>} : memref<144xi32, #tpu.memory_space<vmem>>, vector<16xi32>,
              %max3A_1021 = arith.maximumf %get3A_664, %gather3A_816 : vector<16xf32>
              %max3A_1022 = arith.maximumf %get3A_688, %gather3A_830 : vector<16xf32>
              %min3A_1023 = arith.minimumf %get3A_712, %gather3A_844 : vector<16xf32>
              %min3A_1024 = arith.minimumf %get3A_736, %gather3A_858 : vector<16xf32>
              %sub3A_1025 = arith.subf %min3A_1023, %max3A_1021 : vector<16xf32>
              %max3A_1026 = arith.constant 0.000000e+00 : f32
              %max3A_1027 = vector.broadcast %max3A_1026 : f32 to vector<16xf32>
              %max3A_1028 = arith.maximumf %sub3A_1025, %max3A_1027 : vector<16xf32>
              %sub3A_1029 = arith.subf %min3A_1024, %max3A_1022 : vector<16xf32>
              %max3A_1030 = arith.constant 0.000000e+00 : f32
              %max3A_1031 = vector.broadcast %max3A_1030 : f32 to vector<16xf32>
              %max3A_1032 = arith.maximumf %sub3A_1029, %max3A_1031 : vector<16xf32>
              %mul3A_1033 = arith.mulf %max3A_1028, %max3A_1032 : vector<16xf32>
              %add3A_1034 = arith.addf %gather3A_872, %get3A_760 : vector<16xf32>
              %sub3A_1035 = arith.subf %add3A_1034, %mul3A_1033 : vector<16xf32>
              %add3A_1036 = arith.constant 9.99999971E-10 : f32
              %add3A_1037 = vector.broadcast %add3A_1036 : f32 to vector<16xf32>
              %add3A_1038 = arith.addf %sub3A_1035, %add3A_1037 : vector<16xf32>
              %div3A_1039 = arith.divf %mul3A_1033, %add3A_1038 : vector<16xf32>
              %gt3A_1040 = arith.constant 5.000000e-01 : f32
              %gt3A_1041 = vector.broadcast %gt3A_1040 : f32 to vector<16xf32>
              %gt3A_1042 = arith.cmpf ogt, %div3A_1039, %gt3A_1041 : vector<16xf32>
              %get3A_1043 = arith.constant 16 : index
              %get3A_1044 = tpu.vector_load %arg19[%get3A_1043] {strides = array<i32>} : memref<144xi32, #tpu.memory_space<vmem>>, vector<16xi32>,
              %get3A_1045 = vector.shape_cast %get3A_1044 : vector<16xi32> to vector<16xi32>
              %jit3A_1046 = arith.constant 0 : i32
              %broadcast_in_dim3A_1047 = vector.broadcast %jit3A_1046 : i32 to vector<16xi32>
              %select_n3A_1048 = arith.select %gt3A_1042, %broadcast_in_dim3A_1047, %get3A_1045 : vector<16xi1>, vector<16xi32>
              %swap3A_1049 = arith.constant 16 : index
              %swap3A_1050 = tpu.vector_load %arg19[%swap3A_1049] {strides = array<i32>} : memref<144xi32, #tpu.memory_space<vmem>>, vector<16xi32>,
              %swap3A_1051 = vector.shape_cast %swap3A_1050 : vector<16xi32> to vector<16xi32>
              %swap3A_1052 = vector.shape_cast %select_n3A_1048 : vector<16xi32> to vector<16xi32>
              tpu.vector_store %arg19[%swap3A_1049], %swap3A_1052 {strides = array<i32>} : memref<144xi32, #tpu.memory_space<vmem>>, vector<16xi32>,
              %max3A_1053 = arith.maximumf %get3A_667, %gather3A_816 : vector<16xf32>
              %max3A_1054 = arith.maximumf %get3A_691, %gather3A_830 : vector<16xf32>
              %min3A_1055 = arith.minimumf %get3A_715, %gather3A_844 : vector<16xf32>
              %min3A_1056 = arith.minimumf %get3A_739, %gather3A_858 : vector<16xf32>
              %sub3A_1057 = arith.subf %min3A_1055, %max3A_1053 : vector<16xf32>
              %max3A_1058 = arith.constant 0.000000e+00 : f32
              %max3A_1059 = vector.broadcast %max3A_1058 : f32 to vector<16xf32>
              %max3A_1060 = arith.maximumf %sub3A_1057, %max3A_1059 : vector<16xf32>
              %sub3A_1061 = arith.subf %min3A_1056, %max3A_1054 : vector<16xf32>
              %max3A_1062 = arith.constant 0.000000e+00 : f32
              %max3A_1063 = vector.broadcast %max3A_1062 : f32 to vector<16xf32>
              %max3A_1064 = arith.maximumf %sub3A_1061, %max3A_1063 : vector<16xf32>
              %mul3A_1065 = arith.mulf %max3A_1060, %max3A_1064 : vector<16xf32>
              %add3A_1066 = arith.addf %gather3A_872, %get3A_763 : vector<16xf32>
              %sub3A_1067 = arith.subf %add3A_1066, %mul3A_1065 : vector<16xf32>
              %add3A_1068 = arith.constant 9.99999971E-10 : f32
              %add3A_1069 = vector.broadcast %add3A_1068 : f32 to vector<16xf32>
              %add3A_1070 = arith.addf %sub3A_1067, %add3A_1069 : vector<16xf32>
              %div3A_1071 = arith.divf %mul3A_1065, %add3A_1070 : vector<16xf32>
              %gt3A_1072 = arith.constant 5.000000e-01 : f32
              %gt3A_1073 = vector.broadcast %gt3A_1072 : f32 to vector<16xf32>
              %gt3A_1074 = arith.cmpf ogt, %div3A_1071, %gt3A_1073 : vector<16xf32>
              %get3A_1075 = arith.constant 32 : index
              %get3A_1076 = tpu.vector_load %arg19[%get3A_1075] {strides = array<i32>} : memref<144xi32, #tpu.memory_space<vmem>>, vector<16xi32>,
              %get3A_1077 = vector.shape_cast %get3A_1076 : vector<16xi32> to vector<16xi32>
              %jit3A_1078 = arith.constant 0 : i32
              %broadcast_in_dim3A_1079 = vector.broadcast %jit3A_1078 : i32 to vector<16xi32>
              %select_n3A_1080 = arith.select %gt3A_1074, %broadcast_in_dim3A_1079, %get3A_1077 : vector<16xi1>, vector<16xi32>
              %swap3A_1081 = arith.constant 32 : index
              %swap3A_1082 = tpu.vector_load %arg19[%swap3A_1081] {strides = array<i32>} : memref<144xi32, #tpu.memory_space<vmem>>, vector<16xi32>,
              %swap3A_1083 = vector.shape_cast %swap3A_1082 : vector<16xi32> to vector<16xi32>
              %swap3A_1084 = vector.shape_cast %select_n3A_1080 : vector<16xi32> to vector<16xi32>
              tpu.vector_store %arg19[%swap3A_1081], %swap3A_1084 {strides = array<i32>} : memref<144xi32, #tpu.memory_space<vmem>>, vector<16xi32>,
              %max3A_1085 = arith.maximumf %get3A_670, %gather3A_816 : vector<16xf32>
              %max3A_1086 = arith.maximumf %get3A_694, %gather3A_830 : vector<16xf32>
              %min3A_1087 = arith.minimumf %get3A_718, %gather3A_844 : vector<16xf32>
              %min3A_1088 = arith.minimumf %get3A_742, %gather3A_858 : vector<16xf32>
              %sub3A_1089 = arith.subf %min3A_1087, %max3A_1085 : vector<16xf32>
              %max3A_1090 = arith.constant 0.000000e+00 : f32
              %max3A_1091 = vector.broadcast %max3A_1090 : f32 to vector<16xf32>
              %max3A_1092 = arith.maximumf %sub3A_1089, %max3A_1091 : vector<16xf32>
              %sub3A_1093 = arith.subf %min3A_1088, %max3A_1086 : vector<16xf32>
              %max3A_1094 = arith.constant 0.000000e+00 : f32
              %max3A_1095 = vector.broadcast %max3A_1094 : f32 to vector<16xf32>
              %max3A_1096 = arith.maximumf %sub3A_1093, %max3A_1095 : vector<16xf32>
              %mul3A_1097 = arith.mulf %max3A_1092, %max3A_1096 : vector<16xf32>
              %add3A_1098 = arith.addf %gather3A_872, %get3A_766 : vector<16xf32>
              %sub3A_1099 = arith.subf %add3A_1098, %mul3A_1097 : vector<16xf32>
              %add3A_1100 = arith.constant 9.99999971E-10 : f32
              %add3A_1101 = vector.broadcast %add3A_1100 : f32 to vector<16xf32>
              %add3A_1102 = arith.addf %sub3A_1099, %add3A_1101 : vector<16xf32>
              %div3A_1103 = arith.divf %mul3A_1097, %add3A_1102 : vector<16xf32>
              %gt3A_1104 = arith.constant 5.000000e-01 : f32
              %gt3A_1105 = vector.broadcast %gt3A_1104 : f32 to vector<16xf32>
              %gt3A_1106 = arith.cmpf ogt, %div3A_1103, %gt3A_1105 : vector<16xf32>
              %get3A_1107 = arith.constant 48 : index
              %get3A_1108 = tpu.vector_load %arg19[%get3A_1107] {strides = array<i32>} : memref<144xi32, #tpu.memory_space<vmem>>, vector<16xi32>,
              %get3A_1109 = vector.shape_cast %get3A_1108 : vector<16xi32> to vector<16xi32>
              %jit3A_1110 = arith.constant 0 : i32
              %broadcast_in_dim3A_1111 = vector.broadcast %jit3A_1110 : i32 to vector<16xi32>
              %select_n3A_1112 = arith.select %gt3A_1106, %broadcast_in_dim3A_1111, %get3A_1109 : vector<16xi1>, vector<16xi32>
              %swap3A_1113 = arith.constant 48 : index
              %swap3A_1114 = tpu.vector_load %arg19[%swap3A_1113] {strides = array<i32>} : memref<144xi32, #tpu.memory_space<vmem>>, vector<16xi32>,
              %swap3A_1115 = vector.shape_cast %swap3A_1114 : vector<16xi32> to vector<16xi32>
              %swap3A_1116 = vector.shape_cast %select_n3A_1112 : vector<16xi32> to vector<16xi32>
              tpu.vector_store %arg19[%swap3A_1113], %swap3A_1116 {strides = array<i32>} : memref<144xi32, #tpu.memory_space<vmem>>, vector<16xi32>,
              %max3A_1117 = arith.maximumf %get3A_673, %gather3A_816 : vector<16xf32>
              %max3A_1118 = arith.maximumf %get3A_697, %gather3A_830 : vector<16xf32>
              %min3A_1119 = arith.minimumf %get3A_721, %gather3A_844 : vector<16xf32>
              %min3A_1120 = arith.minimumf %get3A_745, %gather3A_858 : vector<16xf32>
              %sub3A_1121 = arith.subf %min3A_1119, %max3A_1117 : vector<16xf32>
              %max3A_1122 = arith.constant 0.000000e+00 : f32
              %max3A_1123 = vector.broadcast %max3A_1122 : f32 to vector<16xf32>
              %max3A_1124 = arith.maximumf %sub3A_1121, %max3A_1123 : vector<16xf32>
              %sub3A_1125 = arith.subf %min3A_1120, %max3A_1118 : vector<16xf32>
              %max3A_1126 = arith.constant 0.000000e+00 : f32
              %max3A_1127 = vector.broadcast %max3A_1126 : f32 to vector<16xf32>
              %max3A_1128 = arith.maximumf %sub3A_1125, %max3A_1127 : vector<16xf32>
              %mul3A_1129 = arith.mulf %max3A_1124, %max3A_1128 : vector<16xf32>
              %add3A_1130 = arith.addf %gather3A_872, %get3A_769 : vector<16xf32>
              %sub3A_1131 = arith.subf %add3A_1130, %mul3A_1129 : vector<16xf32>
              %add3A_1132 = arith.constant 9.99999971E-10 : f32
              %add3A_1133 = vector.broadcast %add3A_1132 : f32 to vector<16xf32>
              %add3A_1134 = arith.addf %sub3A_1131, %add3A_1133 : vector<16xf32>
              %div3A_1135 = arith.divf %mul3A_1129, %add3A_1134 : vector<16xf32>
              %gt3A_1136 = arith.constant 5.000000e-01 : f32
              %gt3A_1137 = vector.broadcast %gt3A_1136 : f32 to vector<16xf32>
              %gt3A_1138 = arith.cmpf ogt, %div3A_1135, %gt3A_1137 : vector<16xf32>
              %get3A_1139 = arith.constant 64 : index
              %get3A_1140 = tpu.vector_load %arg19[%get3A_1139] {strides = array<i32>} : memref<144xi32, #tpu.memory_space<vmem>>, vector<16xi32>,
              %get3A_1141 = vector.shape_cast %get3A_1140 : vector<16xi32> to vector<16xi32>
              %jit3A_1142 = arith.constant 0 : i32
              %broadcast_in_dim3A_1143 = vector.broadcast %jit3A_1142 : i32 to vector<16xi32>
              %select_n3A_1144 = arith.select %gt3A_1138, %broadcast_in_dim3A_1143, %get3A_1141 : vector<16xi1>, vector<16xi32>
              %swap3A_1145 = arith.constant 64 : index
              %swap3A_1146 = tpu.vector_load %arg19[%swap3A_1145] {strides = array<i32>} : memref<144xi32, #tpu.memory_space<vmem>>, vector<16xi32>,
              %swap3A_1147 = vector.shape_cast %swap3A_1146 : vector<16xi32> to vector<16xi32>
              %swap3A_1148 = vector.shape_cast %select_n3A_1144 : vector<16xi32> to vector<16xi32>
              tpu.vector_store %arg19[%swap3A_1145], %swap3A_1148 {strides = array<i32>} : memref<144xi32, #tpu.memory_space<vmem>>, vector<16xi32>,
              %max3A_1149 = arith.maximumf %get3A_676, %gather3A_816 : vector<16xf32>
              %max3A_1150 = arith.maximumf %get3A_700, %gather3A_830 : vector<16xf32>
              %min3A_1151 = arith.minimumf %get3A_724, %gather3A_844 : vector<16xf32>
              %min3A_1152 = arith.minimumf %get3A_748, %gather3A_858 : vector<16xf32>
              %sub3A_1153 = arith.subf %min3A_1151, %max3A_1149 : vector<16xf32>
              %max3A_1154 = arith.constant 0.000000e+00 : f32
              %max3A_1155 = vector.broadcast %max3A_1154 : f32 to vector<16xf32>
              %max3A_1156 = arith.maximumf %sub3A_1153, %max3A_1155 : vector<16xf32>
              %sub3A_1157 = arith.subf %min3A_1152, %max3A_1150 : vector<16xf32>
              %max3A_1158 = arith.constant 0.000000e+00 : f32
              %max3A_1159 = vector.broadcast %max3A_1158 : f32 to vector<16xf32>
              %max3A_1160 = arith.maximumf %sub3A_1157, %max3A_1159 : vector<16xf32>
              %mul3A_1161 = arith.mulf %max3A_1156, %max3A_1160 : vector<16xf32>
              %add3A_1162 = arith.addf %gather3A_872, %get3A_772 : vector<16xf32>
              %sub3A_1163 = arith.subf %add3A_1162, %mul3A_1161 : vector<16xf32>
              %add3A_1164 = arith.constant 9.99999971E-10 : f32
              %add3A_1165 = vector.broadcast %add3A_1164 : f32 to vector<16xf32>
              %add3A_1166 = arith.addf %sub3A_1163, %add3A_1165 : vector<16xf32>
              %div3A_1167 = arith.divf %mul3A_1161, %add3A_1166 : vector<16xf32>
              %gt3A_1168 = arith.constant 5.000000e-01 : f32
              %gt3A_1169 = vector.broadcast %gt3A_1168 : f32 to vector<16xf32>
              %gt3A_1170 = arith.cmpf ogt, %div3A_1167, %gt3A_1169 : vector<16xf32>
              %get3A_1171 = arith.constant 80 : index
              %get3A_1172 = tpu.vector_load %arg19[%get3A_1171] {strides = array<i32>} : memref<144xi32, #tpu.memory_space<vmem>>, vector<16xi32>,
              %get3A_1173 = vector.shape_cast %get3A_1172 : vector<16xi32> to vector<16xi32>
              %jit3A_1174 = arith.constant 0 : i32
              %broadcast_in_dim3A_1175 = vector.broadcast %jit3A_1174 : i32 to vector<16xi32>
              %select_n3A_1176 = arith.select %gt3A_1170, %broadcast_in_dim3A_1175, %get3A_1173 : vector<16xi1>, vector<16xi32>
              %swap3A_1177 = arith.constant 80 : index
              %swap3A_1178 = tpu.vector_load %arg19[%swap3A_1177] {strides = array<i32>} : memref<144xi32, #tpu.memory_space<vmem>>, vector<16xi32>,
              %swap3A_1179 = vector.shape_cast %swap3A_1178 : vector<16xi32> to vector<16xi32>
              %swap3A_1180 = vector.shape_cast %select_n3A_1176 : vector<16xi32> to vector<16xi32>
              tpu.vector_store %arg19[%swap3A_1177], %swap3A_1180 {strides = array<i32>} : memref<144xi32, #tpu.memory_space<vmem>>, vector<16xi32>,
              %max3A_1181 = arith.maximumf %get3A_679, %gather3A_816 : vector<16xf32>
              %max3A_1182 = arith.maximumf %get3A_703, %gather3A_830 : vector<16xf32>
              %min3A_1183 = arith.minimumf %get3A_727, %gather3A_844 : vector<16xf32>
              %min3A_1184 = arith.minimumf %get3A_751, %gather3A_858 : vector<16xf32>
              %sub3A_1185 = arith.subf %min3A_1183, %max3A_1181 : vector<16xf32>
              %max3A_1186 = arith.constant 0.000000e+00 : f32
              %max3A_1187 = vector.broadcast %max3A_1186 : f32 to vector<16xf32>
              %max3A_1188 = arith.maximumf %sub3A_1185, %max3A_1187 : vector<16xf32>
              %sub3A_1189 = arith.subf %min3A_1184, %max3A_1182 : vector<16xf32>
              %max3A_1190 = arith.constant 0.000000e+00 : f32
              %max3A_1191 = vector.broadcast %max3A_1190 : f32 to vector<16xf32>
              %max3A_1192 = arith.maximumf %sub3A_1189, %max3A_1191 : vector<16xf32>
              %mul3A_1193 = arith.mulf %max3A_1188, %max3A_1192 : vector<16xf32>
              %add3A_1194 = arith.addf %gather3A_872, %get3A_775 : vector<16xf32>
              %sub3A_1195 = arith.subf %add3A_1194, %mul3A_1193 : vector<16xf32>
              %add3A_1196 = arith.constant 9.99999971E-10 : f32
              %add3A_1197 = vector.broadcast %add3A_1196 : f32 to vector<16xf32>
              %add3A_1198 = arith.addf %sub3A_1195, %add3A_1197 : vector<16xf32>
              %div3A_1199 = arith.divf %mul3A_1193, %add3A_1198 : vector<16xf32>
              %gt3A_1200 = arith.constant 5.000000e-01 : f32
              %gt3A_1201 = vector.broadcast %gt3A_1200 : f32 to vector<16xf32>
              %gt3A_1202 = arith.cmpf ogt, %div3A_1199, %gt3A_1201 : vector<16xf32>
              %get3A_1203 = arith.constant 96 : index
              %get3A_1204 = tpu.vector_load %arg19[%get3A_1203] {strides = array<i32>} : memref<144xi32, #tpu.memory_space<vmem>>, vector<16xi32>,
              %get3A_1205 = vector.shape_cast %get3A_1204 : vector<16xi32> to vector<16xi32>
              %jit3A_1206 = arith.constant 0 : i32
              %broadcast_in_dim3A_1207 = vector.broadcast %jit3A_1206 : i32 to vector<16xi32>
              %select_n3A_1208 = arith.select %gt3A_1202, %broadcast_in_dim3A_1207, %get3A_1205 : vector<16xi1>, vector<16xi32>
              %swap3A_1209 = arith.constant 96 : index
              %swap3A_1210 = tpu.vector_load %arg19[%swap3A_1209] {strides = array<i32>} : memref<144xi32, #tpu.memory_space<vmem>>, vector<16xi32>,
              %swap3A_1211 = vector.shape_cast %swap3A_1210 : vector<16xi32> to vector<16xi32>
              %swap3A_1212 = vector.shape_cast %select_n3A_1208 : vector<16xi32> to vector<16xi32>
              tpu.vector_store %arg19[%swap3A_1209], %swap3A_1212 {strides = array<i32>} : memref<144xi32, #tpu.memory_space<vmem>>, vector<16xi32>,
              %max3A_1213 = arith.maximumf %get3A_682, %gather3A_816 : vector<16xf32>
              %max3A_1214 = arith.maximumf %get3A_706, %gather3A_830 : vector<16xf32>
              %min3A_1215 = arith.minimumf %get3A_730, %gather3A_844 : vector<16xf32>
              %min3A_1216 = arith.minimumf %get3A_754, %gather3A_858 : vector<16xf32>
              %sub3A_1217 = arith.subf %min3A_1215, %max3A_1213 : vector<16xf32>
              %max3A_1218 = arith.constant 0.000000e+00 : f32
              %max3A_1219 = vector.broadcast %max3A_1218 : f32 to vector<16xf32>
              %max3A_1220 = arith.maximumf %sub3A_1217, %max3A_1219 : vector<16xf32>
              %sub3A_1221 = arith.subf %min3A_1216, %max3A_1214 : vector<16xf32>
              %max3A_1222 = arith.constant 0.000000e+00 : f32
              %max3A_1223 = vector.broadcast %max3A_1222 : f32 to vector<16xf32>
              %max3A_1224 = arith.maximumf %sub3A_1221, %max3A_1223 : vector<16xf32>
              %mul3A_1225 = arith.mulf %max3A_1220, %max3A_1224 : vector<16xf32>
              %add3A_1226 = arith.addf %gather3A_872, %get3A_778 : vector<16xf32>
              %sub3A_1227 = arith.subf %add3A_1226, %mul3A_1225 : vector<16xf32>
              %add3A_1228 = arith.constant 9.99999971E-10 : f32
              %add3A_1229 = vector.broadcast %add3A_1228 : f32 to vector<16xf32>
              %add3A_1230 = arith.addf %sub3A_1227, %add3A_1229 : vector<16xf32>
              %div3A_1231 = arith.divf %mul3A_1225, %add3A_1230 : vector<16xf32>
              %gt3A_1232 = arith.constant 5.000000e-01 : f32
              %gt3A_1233 = vector.broadcast %gt3A_1232 : f32 to vector<16xf32>
              %gt3A_1234 = arith.cmpf ogt, %div3A_1231, %gt3A_1233 : vector<16xf32>
              %get3A_1235 = arith.constant 112 : index
              %get3A_1236 = tpu.vector_load %arg19[%get3A_1235] {strides = array<i32>} : memref<144xi32, #tpu.memory_space<vmem>>, vector<16xi32>,
              %get3A_1237 = vector.shape_cast %get3A_1236 : vector<16xi32> to vector<16xi32>
              %jit3A_1238 = arith.constant 0 : i32
              %broadcast_in_dim3A_1239 = vector.broadcast %jit3A_1238 : i32 to vector<16xi32>
              %select_n3A_1240 = arith.select %gt3A_1234, %broadcast_in_dim3A_1239, %get3A_1237 : vector<16xi1>, vector<16xi32>
              %swap3A_1241 = arith.constant 112 : index
              %swap3A_1242 = tpu.vector_load %arg19[%swap3A_1241] {strides = array<i32>} : memref<144xi32, #tpu.memory_space<vmem>>, vector<16xi32>,
              %swap3A_1243 = vector.shape_cast %swap3A_1242 : vector<16xi32> to vector<16xi32>
              %swap3A_1244 = vector.shape_cast %select_n3A_1240 : vector<16xi32> to vector<16xi32>
              tpu.vector_store %arg19[%swap3A_1241], %swap3A_1244 {strides = array<i32>} : memref<144xi32, #tpu.memory_space<vmem>>, vector<16xi32>,
              %add3A_1245 = arith.constant 1 : i32
              %add3A_1246 = arith.addi %scan3A_786, %add3A_1245 : i32
              scf.yield %add3A_1246 : i32
            } else {
              scf.yield %scan3A_786 : i32
            }
            scf.yield %cond3A_803 : i32
          }
          %scan3A_784 = arith.constant 128 : i32
          scf.yield %scan3A_783 : i32
        } else {
          scf.yield %scan3A : i32
        }
        %get3A_651 = arith.constant 112 : index
        %get3A_652 = tpu.vector_load %arg16[%get3A_651] {strides = array<i32>} : memref<128xf32, #tpu.memory_space<vmem>>, vector<16xf32>,
        %get3A_653 = vector.shape_cast %get3A_652 : vector<16xf32> to vector<16xf32>
        %slice3A_654 = vector.extract_strided_slice %get3A_653 {offsets = [15], sizes = [1], strides = [1]} : vector<16xf32> to vector<1xf32>
        %squeeze3A_655 = vector.extract %slice3A_654[0] : f32 from vector<1xf32>
        %ge3A_656 = arith.constant 5.000000e-01 : f32
        %ge3A_657 = arith.cmpf oge, %squeeze3A_655, %ge3A_656 : f32
        %convert_element_type3A_658 = arith.extui %ge3A_657 : i1 to i32
        scf.yield %cond3A_650, %convert_element_type3A_658 : i32, i32
      } else {
        scf.yield %scan3A, %scan3A_217 : i32, i32
      }
      %scan3A_225 = arith.constant 1 : i32
      %convert_element_type3A_226 = arith.sitofp %cond3A_224#0 : i32 to f32
      %broadcast_in_dim3A_227 = vector.broadcast %convert_element_type3A_226 : f32 to vector<16xf32>
      %swap3A_228 = arith.constant 0 : index
      %swap3A_229 = tpu.vector_load %arg18[%swap3A_228] {strides = array<i32>} : memref<128xf32, #tpu.memory_space<vmem>>, vector<16xf32>,
      %swap3A_230 = vector.shape_cast %swap3A_229 : vector<16xf32> to vector<16xf32>
      %swap3A_231 = vector.shape_cast %broadcast_in_dim3A_227 : vector<16xf32> to vector<16xf32>
      tpu.vector_store %arg18[%swap3A_228], %swap3A_231 {strides = array<i32>} : memref<128xf32, #tpu.memory_space<vmem>>, vector<16xf32>,
      %broadcast_in_dim3A_232 = vector.broadcast %convert_element_type3A_226 : f32 to vector<16xf32>
      %swap3A_233 = arith.constant 16 : index
      %swap3A_234 = tpu.vector_load %arg18[%swap3A_233] {strides = array<i32>} : memref<128xf32, #tpu.memory_space<vmem>>, vector<16xf32>,
      %swap3A_235 = vector.shape_cast %swap3A_234 : vector<16xf32> to vector<16xf32>
      %swap3A_236 = vector.shape_cast %broadcast_in_dim3A_232 : vector<16xf32> to vector<16xf32>
      tpu.vector_store %arg18[%swap3A_233], %swap3A_236 {strides = array<i32>} : memref<128xf32, #tpu.memory_space<vmem>>, vector<16xf32>,
      %broadcast_in_dim3A_237 = vector.broadcast %convert_element_type3A_226 : f32 to vector<16xf32>
      %swap3A_238 = arith.constant 32 : index
      %swap3A_239 = tpu.vector_load %arg18[%swap3A_238] {strides = array<i32>} : memref<128xf32, #tpu.memory_space<vmem>>, vector<16xf32>,
      %swap3A_240 = vector.shape_cast %swap3A_239 : vector<16xf32> to vector<16xf32>
      %swap3A_241 = vector.shape_cast %broadcast_in_dim3A_237 : vector<16xf32> to vector<16xf32>
      tpu.vector_store %arg18[%swap3A_238], %swap3A_241 {strides = array<i32>} : memref<128xf32, #tpu.memory_space<vmem>>, vector<16xf32>,
      %broadcast_in_dim3A_242 = vector.broadcast %convert_element_type3A_226 : f32 to vector<16xf32>
      %swap3A_243 = arith.constant 48 : index
      %swap3A_244 = tpu.vector_load %arg18[%swap3A_243] {strides = array<i32>} : memref<128xf32, #tpu.memory_space<vmem>>, vector<16xf32>,
      %swap3A_245 = vector.shape_cast %swap3A_244 : vector<16xf32> to vector<16xf32>
      %swap3A_246 = vector.shape_cast %broadcast_in_dim3A_242 : vector<16xf32> to vector<16xf32>
      tpu.vector_store %arg18[%swap3A_243], %swap3A_246 {strides = array<i32>} : memref<128xf32, #tpu.memory_space<vmem>>, vector<16xf32>,
      %broadcast_in_dim3A_247 = vector.broadcast %convert_element_type3A_226 : f32 to vector<16xf32>
      %swap3A_248 = arith.constant 64 : index
      %swap3A_249 = tpu.vector_load %arg18[%swap3A_248] {strides = array<i32>} : memref<128xf32, #tpu.memory_space<vmem>>, vector<16xf32>,
      %swap3A_250 = vector.shape_cast %swap3A_249 : vector<16xf32> to vector<16xf32>
      %swap3A_251 = vector.shape_cast %broadcast_in_dim3A_247 : vector<16xf32> to vector<16xf32>
      tpu.vector_store %arg18[%swap3A_248], %swap3A_251 {strides = array<i32>} : memref<128xf32, #tpu.memory_space<vmem>>, vector<16xf32>,
      %broadcast_in_dim3A_252 = vector.broadcast %convert_element_type3A_226 : f32 to vector<16xf32>
      %swap3A_253 = arith.constant 80 : index
      %swap3A_254 = tpu.vector_load %arg18[%swap3A_253] {strides = array<i32>} : memref<128xf32, #tpu.memory_space<vmem>>, vector<16xf32>,
      %swap3A_255 = vector.shape_cast %swap3A_254 : vector<16xf32> to vector<16xf32>
      %swap3A_256 = vector.shape_cast %broadcast_in_dim3A_252 : vector<16xf32> to vector<16xf32>
      tpu.vector_store %arg18[%swap3A_253], %swap3A_256 {strides = array<i32>} : memref<128xf32, #tpu.memory_space<vmem>>, vector<16xf32>,
      %broadcast_in_dim3A_257 = vector.broadcast %convert_element_type3A_226 : f32 to vector<16xf32>
      %swap3A_258 = arith.constant 96 : index
      %swap3A_259 = tpu.vector_load %arg18[%swap3A_258] {strides = array<i32>} : memref<128xf32, #tpu.memory_space<vmem>>, vector<16xf32>,
      %swap3A_260 = vector.shape_cast %swap3A_259 : vector<16xf32> to vector<16xf32>
      %swap3A_261 = vector.shape_cast %broadcast_in_dim3A_257 : vector<16xf32> to vector<16xf32>
      tpu.vector_store %arg18[%swap3A_258], %swap3A_261 {strides = array<i32>} : memref<128xf32, #tpu.memory_space<vmem>>, vector<16xf32>,
      %broadcast_in_dim3A_262 = vector.broadcast %convert_element_type3A_226 : f32 to vector<16xf32>
      %swap3A_263 = arith.constant 112 : index
      %swap3A_264 = tpu.vector_load %arg18[%swap3A_263] {strides = array<i32>} : memref<128xf32, #tpu.memory_space<vmem>>, vector<16xf32>,
      %swap3A_265 = vector.shape_cast %swap3A_264 : vector<16xf32> to vector<16xf32>
      %swap3A_266 = vector.shape_cast %broadcast_in_dim3A_262 : vector<16xf32> to vector<16xf32>
      tpu.vector_store %arg18[%swap3A_263], %swap3A_266 {strides = array<i32>} : memref<128xf32, #tpu.memory_space<vmem>>, vector<16xf32>,
      %run_scoped3A = arith.constant 0 : i32
      "tpu.region"() ({
        %run_scoped3A_272 = tpu.sem_alloc : memref<!tpu.dma_semaphore, #tpu.memory_space<semaphore_mem>>
        %dma_start3A = arith.constant 0 : i32
        %dma_start3A_273 = tpu.memref_slice %arg9[%run_scoped3A, %dma_start3A] : memref<6x128xf32, #tpu.memory_space<hbm>> -> memref<1x128xf32, #tpu.memory_space<hbm>>
        %dma_start3A_274 = tpu.memref_squeeze %dma_start3A_273 : memref<1x128xf32, #tpu.memory_space<hbm>> -> memref<128xf32, #tpu.memory_space<hbm>>
        %dma_start3A_275 = arith.constant 0 : i32
        %dma_start3A_276 = tpu.memref_slice %arg9[%run_scoped3A, %dma_start3A_275] : memref<6x128xf32, #tpu.memory_space<hbm>> -> memref<1x128xf32, #tpu.memory_space<hbm>>
        %dma_start3A_277 = tpu.memref_squeeze %dma_start3A_276 : memref<1x128xf32, #tpu.memory_space<hbm>> -> memref<128xf32, #tpu.memory_space<hbm>>
        tpu.enqueue_dma source(%arg20 : memref<128xf32, #tpu.memory_space<vmem>>) target(%dma_start3A_277 : memref<128xf32, #tpu.memory_space<hbm>>) target_semaphore(%run_scoped3A_272 : memref<!tpu.dma_semaphore, #tpu.memory_space<semaphore_mem>>)
        %dma_wait3A = arith.constant 0 : i32
        %dma_wait3A_278 = tpu.memref_slice %arg9[%run_scoped3A, %dma_wait3A] : memref<6x128xf32, #tpu.memory_space<hbm>> -> memref<1x128xf32, #tpu.memory_space<hbm>>
        %dma_wait3A_279 = tpu.memref_squeeze %dma_wait3A_278 : memref<1x128xf32, #tpu.memory_space<hbm>> -> memref<128xf32, #tpu.memory_space<hbm>>
        %dma_wait3A_280 = arith.constant 0 : i32
        %dma_wait3A_281 = tpu.memref_slice %arg9[%run_scoped3A, %dma_wait3A_280] : memref<6x128xf32, #tpu.memory_space<hbm>> -> memref<1x128xf32, #tpu.memory_space<hbm>>
        %dma_wait3A_282 = tpu.memref_squeeze %dma_wait3A_281 : memref<1x128xf32, #tpu.memory_space<hbm>> -> memref<128xf32, #tpu.memory_space<hbm>>
        tpu.wait_dma2 semaphore(%run_scoped3A_272 : memref<!tpu.dma_semaphore, #tpu.memory_space<semaphore_mem>>) src(%arg20 : memref<128xf32, #tpu.memory_space<vmem>>) dst(%dma_wait3A_282 : memref<128xf32, #tpu.memory_space<hbm>>)
        tpu.yield
      }) : () -> ()
      %run_scoped3A_267 = arith.constant 1 : i32
      "tpu.region"() ({
        %run_scoped3A_272 = tpu.sem_alloc : memref<!tpu.dma_semaphore, #tpu.memory_space<semaphore_mem>>
        %dma_start3A = arith.constant 0 : i32
        %dma_start3A_273 = tpu.memref_slice %arg9[%run_scoped3A_267, %dma_start3A] : memref<6x128xf32, #tpu.memory_space<hbm>> -> memref<1x128xf32, #tpu.memory_space<hbm>>
        %dma_start3A_274 = tpu.memref_squeeze %dma_start3A_273 : memref<1x128xf32, #tpu.memory_space<hbm>> -> memref<128xf32, #tpu.memory_space<hbm>>
        %dma_start3A_275 = arith.constant 0 : i32
        %dma_start3A_276 = tpu.memref_slice %arg9[%run_scoped3A_267, %dma_start3A_275] : memref<6x128xf32, #tpu.memory_space<hbm>> -> memref<1x128xf32, #tpu.memory_space<hbm>>
        %dma_start3A_277 = tpu.memref_squeeze %dma_start3A_276 : memref<1x128xf32, #tpu.memory_space<hbm>> -> memref<128xf32, #tpu.memory_space<hbm>>
        tpu.enqueue_dma source(%arg21 : memref<128xf32, #tpu.memory_space<vmem>>) target(%dma_start3A_277 : memref<128xf32, #tpu.memory_space<hbm>>) target_semaphore(%run_scoped3A_272 : memref<!tpu.dma_semaphore, #tpu.memory_space<semaphore_mem>>)
        %dma_wait3A = arith.constant 0 : i32
        %dma_wait3A_278 = tpu.memref_slice %arg9[%run_scoped3A_267, %dma_wait3A] : memref<6x128xf32, #tpu.memory_space<hbm>> -> memref<1x128xf32, #tpu.memory_space<hbm>>
        %dma_wait3A_279 = tpu.memref_squeeze %dma_wait3A_278 : memref<1x128xf32, #tpu.memory_space<hbm>> -> memref<128xf32, #tpu.memory_space<hbm>>
        %dma_wait3A_280 = arith.constant 0 : i32
        %dma_wait3A_281 = tpu.memref_slice %arg9[%run_scoped3A_267, %dma_wait3A_280] : memref<6x128xf32, #tpu.memory_space<hbm>> -> memref<1x128xf32, #tpu.memory_space<hbm>>
        %dma_wait3A_282 = tpu.memref_squeeze %dma_wait3A_281 : memref<1x128xf32, #tpu.memory_space<hbm>> -> memref<128xf32, #tpu.memory_space<hbm>>
        tpu.wait_dma2 semaphore(%run_scoped3A_272 : memref<!tpu.dma_semaphore, #tpu.memory_space<semaphore_mem>>) src(%arg21 : memref<128xf32, #tpu.memory_space<vmem>>) dst(%dma_wait3A_282 : memref<128xf32, #tpu.memory_space<hbm>>)
        tpu.yield
      }) : () -> ()
      %run_scoped3A_268 = arith.constant 2 : i32
      "tpu.region"() ({
        %run_scoped3A_272 = tpu.sem_alloc : memref<!tpu.dma_semaphore, #tpu.memory_space<semaphore_mem>>
        %dma_start3A = arith.constant 0 : i32
        %dma_start3A_273 = tpu.memref_slice %arg9[%run_scoped3A_268, %dma_start3A] : memref<6x128xf32, #tpu.memory_space<hbm>> -> memref<1x128xf32, #tpu.memory_space<hbm>>
        %dma_start3A_274 = tpu.memref_squeeze %dma_start3A_273 : memref<1x128xf32, #tpu.memory_space<hbm>> -> memref<128xf32, #tpu.memory_space<hbm>>
        %dma_start3A_275 = arith.constant 0 : i32
        %dma_start3A_276 = tpu.memref_slice %arg9[%run_scoped3A_268, %dma_start3A_275] : memref<6x128xf32, #tpu.memory_space<hbm>> -> memref<1x128xf32, #tpu.memory_space<hbm>>
        %dma_start3A_277 = tpu.memref_squeeze %dma_start3A_276 : memref<1x128xf32, #tpu.memory_space<hbm>> -> memref<128xf32, #tpu.memory_space<hbm>>
        tpu.enqueue_dma source(%arg22 : memref<128xf32, #tpu.memory_space<vmem>>) target(%dma_start3A_277 : memref<128xf32, #tpu.memory_space<hbm>>) target_semaphore(%run_scoped3A_272 : memref<!tpu.dma_semaphore, #tpu.memory_space<semaphore_mem>>)
        %dma_wait3A = arith.constant 0 : i32
        %dma_wait3A_278 = tpu.memref_slice %arg9[%run_scoped3A_268, %dma_wait3A] : memref<6x128xf32, #tpu.memory_space<hbm>> -> memref<1x128xf32, #tpu.memory_space<hbm>>
        %dma_wait3A_279 = tpu.memref_squeeze %dma_wait3A_278 : memref<1x128xf32, #tpu.memory_space<hbm>> -> memref<128xf32, #tpu.memory_space<hbm>>
        %dma_wait3A_280 = arith.constant 0 : i32
        %dma_wait3A_281 = tpu.memref_slice %arg9[%run_scoped3A_268, %dma_wait3A_280] : memref<6x128xf32, #tpu.memory_space<hbm>> -> memref<1x128xf32, #tpu.memory_space<hbm>>
        %dma_wait3A_282 = tpu.memref_squeeze %dma_wait3A_281 : memref<1x128xf32, #tpu.memory_space<hbm>> -> memref<128xf32, #tpu.memory_space<hbm>>
        tpu.wait_dma2 semaphore(%run_scoped3A_272 : memref<!tpu.dma_semaphore, #tpu.memory_space<semaphore_mem>>) src(%arg22 : memref<128xf32, #tpu.memory_space<vmem>>) dst(%dma_wait3A_282 : memref<128xf32, #tpu.memory_space<hbm>>)
        tpu.yield
      }) : () -> ()
      %run_scoped3A_269 = arith.constant 3 : i32
      "tpu.region"() ({
        %run_scoped3A_272 = tpu.sem_alloc : memref<!tpu.dma_semaphore, #tpu.memory_space<semaphore_mem>>
        %dma_start3A = arith.constant 0 : i32
        %dma_start3A_273 = tpu.memref_slice %arg9[%run_scoped3A_269, %dma_start3A] : memref<6x128xf32, #tpu.memory_space<hbm>> -> memref<1x128xf32, #tpu.memory_space<hbm>>
        %dma_start3A_274 = tpu.memref_squeeze %dma_start3A_273 : memref<1x128xf32, #tpu.memory_space<hbm>> -> memref<128xf32, #tpu.memory_space<hbm>>
        %dma_start3A_275 = arith.constant 0 : i32
        %dma_start3A_276 = tpu.memref_slice %arg9[%run_scoped3A_269, %dma_start3A_275] : memref<6x128xf32, #tpu.memory_space<hbm>> -> memref<1x128xf32, #tpu.memory_space<hbm>>
        %dma_start3A_277 = tpu.memref_squeeze %dma_start3A_276 : memref<1x128xf32, #tpu.memory_space<hbm>> -> memref<128xf32, #tpu.memory_space<hbm>>
        tpu.enqueue_dma source(%arg23 : memref<128xf32, #tpu.memory_space<vmem>>) target(%dma_start3A_277 : memref<128xf32, #tpu.memory_space<hbm>>) target_semaphore(%run_scoped3A_272 : memref<!tpu.dma_semaphore, #tpu.memory_space<semaphore_mem>>)
        %dma_wait3A = arith.constant 0 : i32
        %dma_wait3A_278 = tpu.memref_slice %arg9[%run_scoped3A_269, %dma_wait3A] : memref<6x128xf32, #tpu.memory_space<hbm>> -> memref<1x128xf32, #tpu.memory_space<hbm>>
        %dma_wait3A_279 = tpu.memref_squeeze %dma_wait3A_278 : memref<1x128xf32, #tpu.memory_space<hbm>> -> memref<128xf32, #tpu.memory_space<hbm>>
        %dma_wait3A_280 = arith.constant 0 : i32
        %dma_wait3A_281 = tpu.memref_slice %arg9[%run_scoped3A_269, %dma_wait3A_280] : memref<6x128xf32, #tpu.memory_space<hbm>> -> memref<1x128xf32, #tpu.memory_space<hbm>>
        %dma_wait3A_282 = tpu.memref_squeeze %dma_wait3A_281 : memref<1x128xf32, #tpu.memory_space<hbm>> -> memref<128xf32, #tpu.memory_space<hbm>>
        tpu.wait_dma2 semaphore(%run_scoped3A_272 : memref<!tpu.dma_semaphore, #tpu.memory_space<semaphore_mem>>) src(%arg23 : memref<128xf32, #tpu.memory_space<vmem>>) dst(%dma_wait3A_282 : memref<128xf32, #tpu.memory_space<hbm>>)
        tpu.yield
      }) : () -> ()
      %run_scoped3A_270 = arith.constant 4 : i32
      "tpu.region"() ({
        %run_scoped3A_272 = tpu.sem_alloc : memref<!tpu.dma_semaphore, #tpu.memory_space<semaphore_mem>>
        %dma_start3A = arith.constant 0 : i32
        %dma_start3A_273 = tpu.memref_slice %arg9[%run_scoped3A_270, %dma_start3A] : memref<6x128xf32, #tpu.memory_space<hbm>> -> memref<1x128xf32, #tpu.memory_space<hbm>>
        %dma_start3A_274 = tpu.memref_squeeze %dma_start3A_273 : memref<1x128xf32, #tpu.memory_space<hbm>> -> memref<128xf32, #tpu.memory_space<hbm>>
        %dma_start3A_275 = arith.constant 0 : i32
        %dma_start3A_276 = tpu.memref_slice %arg9[%run_scoped3A_270, %dma_start3A_275] : memref<6x128xf32, #tpu.memory_space<hbm>> -> memref<1x128xf32, #tpu.memory_space<hbm>>
        %dma_start3A_277 = tpu.memref_squeeze %dma_start3A_276 : memref<1x128xf32, #tpu.memory_space<hbm>> -> memref<128xf32, #tpu.memory_space<hbm>>
        tpu.enqueue_dma source(%arg24 : memref<128xf32, #tpu.memory_space<vmem>>) target(%dma_start3A_277 : memref<128xf32, #tpu.memory_space<hbm>>) target_semaphore(%run_scoped3A_272 : memref<!tpu.dma_semaphore, #tpu.memory_space<semaphore_mem>>)
        %dma_wait3A = arith.constant 0 : i32
        %dma_wait3A_278 = tpu.memref_slice %arg9[%run_scoped3A_270, %dma_wait3A] : memref<6x128xf32, #tpu.memory_space<hbm>> -> memref<1x128xf32, #tpu.memory_space<hbm>>
        %dma_wait3A_279 = tpu.memref_squeeze %dma_wait3A_278 : memref<1x128xf32, #tpu.memory_space<hbm>> -> memref<128xf32, #tpu.memory_space<hbm>>
        %dma_wait3A_280 = arith.constant 0 : i32
        %dma_wait3A_281 = tpu.memref_slice %arg9[%run_scoped3A_270, %dma_wait3A_280] : memref<6x128xf32, #tpu.memory_space<hbm>> -> memref<1x128xf32, #tpu.memory_space<hbm>>
        %dma_wait3A_282 = tpu.memref_squeeze %dma_wait3A_281 : memref<1x128xf32, #tpu.memory_space<hbm>> -> memref<128xf32, #tpu.memory_space<hbm>>
        tpu.wait_dma2 semaphore(%run_scoped3A_272 : memref<!tpu.dma_semaphore, #tpu.memory_space<semaphore_mem>>) src(%arg24 : memref<128xf32, #tpu.memory_space<vmem>>) dst(%dma_wait3A_282 : memref<128xf32, #tpu.memory_space<hbm>>)
        tpu.yield
      }) : () -> ()
      %run_scoped3A_271 = arith.constant 5 : i32
      "tpu.region"() ({
        %run_scoped3A_272 = tpu.sem_alloc : memref<!tpu.dma_semaphore, #tpu.memory_space<semaphore_mem>>
        %dma_start3A = arith.constant 0 : i32
        %dma_start3A_273 = tpu.memref_slice %arg9[%run_scoped3A_271, %dma_start3A] : memref<6x128xf32, #tpu.memory_space<hbm>> -> memref<1x128xf32, #tpu.memory_space<hbm>>
        %dma_start3A_274 = tpu.memref_squeeze %dma_start3A_273 : memref<1x128xf32, #tpu.memory_space<hbm>> -> memref<128xf32, #tpu.memory_space<hbm>>
        %dma_start3A_275 = arith.constant 0 : i32
        %dma_start3A_276 = tpu.memref_slice %arg9[%run_scoped3A_271, %dma_start3A_275] : memref<6x128xf32, #tpu.memory_space<hbm>> -> memref<1x128xf32, #tpu.memory_space<hbm>>
        %dma_start3A_277 = tpu.memref_squeeze %dma_start3A_276 : memref<1x128xf32, #tpu.memory_space<hbm>> -> memref<128xf32, #tpu.memory_space<hbm>>
        tpu.enqueue_dma source(%arg18 : memref<128xf32, #tpu.memory_space<vmem>>) target(%dma_start3A_277 : memref<128xf32, #tpu.memory_space<hbm>>) target_semaphore(%run_scoped3A_272 : memref<!tpu.dma_semaphore, #tpu.memory_space<semaphore_mem>>)
        %dma_wait3A = arith.constant 0 : i32
        %dma_wait3A_278 = tpu.memref_slice %arg9[%run_scoped3A_271, %dma_wait3A] : memref<6x128xf32, #tpu.memory_space<hbm>> -> memref<1x128xf32, #tpu.memory_space<hbm>>
        %dma_wait3A_279 = tpu.memref_squeeze %dma_wait3A_278 : memref<1x128xf32, #tpu.memory_space<hbm>> -> memref<128xf32, #tpu.memory_space<hbm>>
        %dma_wait3A_280 = arith.constant 0 : i32
        %dma_wait3A_281 = tpu.memref_slice %arg9[%run_scoped3A_271, %dma_wait3A_280] : memref<6x128xf32, #tpu.memory_space<hbm>> -> memref<1x128xf32, #tpu.memory_space<hbm>>
        %dma_wait3A_282 = tpu.memref_squeeze %dma_wait3A_281 : memref<1x128xf32, #tpu.memory_space<hbm>> -> memref<128xf32, #tpu.memory_space<hbm>>
        tpu.wait_dma2 semaphore(%run_scoped3A_272 : memref<!tpu.dma_semaphore, #tpu.memory_space<semaphore_mem>>) src(%arg18 : memref<128xf32, #tpu.memory_space<vmem>>) dst(%dma_wait3A_282 : memref<128xf32, #tpu.memory_space<hbm>>)
        tpu.yield
      }) : () -> ()
      "tpu.region"() ({
        %run_scoped3A_272 = tpu.sem_alloc : memref<!tpu.dma_semaphore, #tpu.memory_space<semaphore_mem>>
        tpu.enqueue_dma source(%arg25 : memref<128xi32, #tpu.memory_space<vmem>>) target(%arg10 : memref<128xi32, #tpu.memory_space<hbm>>) target_semaphore(%run_scoped3A_272 : memref<!tpu.dma_semaphore, #tpu.memory_space<semaphore_mem>>)
        tpu.wait_dma2 semaphore(%run_scoped3A_272 : memref<!tpu.dma_semaphore, #tpu.memory_space<semaphore_mem>>) src(%arg25 : memref<128xi32, #tpu.memory_space<vmem>>) dst(%arg10 : memref<128xi32, #tpu.memory_space<hbm>>)
        tpu.yield
      }) : () -> ()
    } else {
    }
    return
  }
}

#map = affine_map<(d0, d1) -> (0)>
#map1 = affine_map<(d0, d1) -> (0, 0)>
module attributes {stable_mosaic.version = 14 : i64} {
  func.func @_nms_body(%arg0: i32, %arg1: i32, %arg2: memref<20000xf32, #tpu.memory_space<hbm>>, %arg3: memref<20000xf32, #tpu.memory_space<hbm>>, %arg4: memref<20000xf32, #tpu.memory_space<hbm>>, %arg5: memref<20000xf32, #tpu.memory_space<hbm>>, %arg6: memref<20000xf32, #tpu.memory_space<hbm>>, %arg7: memref<20000xi32, #tpu.memory_space<hbm>>, %arg8: memref<20096xi32, #tpu.memory_space<hbm>>, %arg9: memref<6x128xf32, #tpu.memory_space<hbm>>, %arg10: memref<128xi32, #tpu.memory_space<hbm>>, %arg11: memref<128xi32, #tpu.memory_space<vmem>>, %arg12: memref<128xf32, #tpu.memory_space<vmem>>, %arg13: memref<128xf32, #tpu.memory_space<vmem>>, %arg14: memref<128xf32, #tpu.memory_space<vmem>>, %arg15: memref<128xf32, #tpu.memory_space<vmem>>, %arg16: memref<128xf32, #tpu.memory_space<vmem>>, %arg17: memref<128xi32, #tpu.memory_space<vmem>>, %arg18: memref<128xf32, #tpu.memory_space<vmem>>, %arg19: memref<144xi32, #tpu.memory_space<vmem>>, %arg20: memref<128xf32, #tpu.memory_space<vmem>>, %arg21: memref<128xf32, #tpu.memory_space<vmem>>, %arg22: memref<128xf32, #tpu.memory_space<vmem>>, %arg23: memref<128xf32, #tpu.memory_space<vmem>>, %arg24: memref<128xf32, #tpu.memory_space<vmem>>, %arg25: memref<128xi32, #tpu.memory_space<vmem>>, %arg26: memref<128xf32, #tpu.memory_space<vmem>>, %arg27: memref<!tpu.dma_semaphore, #tpu.memory_space<semaphore_mem>>) attributes {dimension_semantics = [#tpu.dimension_semantics<core_parallel>, #tpu.dimension_semantics<subcore_parallel>], iteration_bounds = array<i64: 1, 16>, scalar_prefetch = 0 : i64, scratch_operands = 17 : i64, tpu.core_type = #tpu.core_type<sc_vector_subcore>, window_params = [{transform_indices = #map}, {transform_indices = #map}, {transform_indices = #map}, {transform_indices = #map}, {transform_indices = #map}, {transform_indices = #map}, {transform_indices = #map}, {transform_indices = #map1}, {transform_indices = #map}]} {
    %mul3A = arith.constant 2 : i32
    %mul3A_0 = arith.muli %arg1, %mul3A : i32
    %add3A = arith.addi %mul3A_0, %arg0 : i32
    %eq3A = arith.constant 0 : i32
    %eq3A_1 = arith.cmpi eq, %add3A, %eq3A : i32
    %convert_element_type3A = arith.extui %eq3A_1 : i1 to i32
    %cond3A = arith.constant 0 : i32
    %cond3A_2 = arith.cmpi ne, %convert_element_type3A, %cond3A : i32
    scf.if %cond3A_2 {
      %iota3A = tpu.iota {dimensions = array<i32: 0>} : vector<16xi32>
      %broadcast_in_dim3A = arith.constant 0.000000e+00 : f32
      %broadcast_in_dim3A_3 = vector.broadcast %broadcast_in_dim3A : f32 to vector<16xf32>
      %broadcast_in_dim3A_4 = arith.constant 0 : i32
      %broadcast_in_dim3A_5 = vector.broadcast %broadcast_in_dim3A_4 : i32 to vector<16xi32>
      %swap3A = arith.constant 128 : index
      %swap3A_6 = tpu.vector_load %arg19[%swap3A] {strides = array<i32>} : memref<144xi32, #tpu.memory_space<vmem>>, vector<16xi32>,
      %swap3A_7 = vector.shape_cast %swap3A_6 : vector<16xi32> to vector<16xi32>
      %swap3A_8 = vector.shape_cast %broadcast_in_dim3A_5 : vector<16xi32> to vector<16xi32>
      tpu.vector_store %arg19[%swap3A], %swap3A_8 {strides = array<i32>} : memref<144xi32, #tpu.memory_space<vmem>>, vector<16xi32>,
      %swap3A_9 = arith.constant 0 : index
      %swap3A_10 = tpu.vector_load %arg20[%swap3A_9] {strides = array<i32>} : memref<128xf32, #tpu.memory_space<vmem>>, vector<16xf32>,
      %swap3A_11 = vector.shape_cast %swap3A_10 : vector<16xf32> to vector<16xf32>
      %swap3A_12 = vector.shape_cast %broadcast_in_dim3A_3 : vector<16xf32> to vector<16xf32>
      tpu.vector_store %arg20[%swap3A_9], %swap3A_12 {strides = array<i32>} : memref<128xf32, #tpu.memory_space<vmem>>, vector<16xf32>,
      %swap3A_13 = arith.constant 0 : index
      %swap3A_14 = tpu.vector_load %arg21[%swap3A_13] {strides = array<i32>} : memref<128xf32, #tpu.memory_space<vmem>>, vector<16xf32>,
      %swap3A_15 = vector.shape_cast %swap3A_14 : vector<16xf32> to vector<16xf32>
      %swap3A_16 = vector.shape_cast %broadcast_in_dim3A_3 : vector<16xf32> to vector<16xf32>
      tpu.vector_store %arg21[%swap3A_13], %swap3A_16 {strides = array<i32>} : memref<128xf32, #tpu.memory_space<vmem>>, vector<16xf32>,
      %swap3A_17 = arith.constant 0 : index
      %swap3A_18 = tpu.vector_load %arg22[%swap3A_17] {strides = array<i32>} : memref<128xf32, #tpu.memory_space<vmem>>, vector<16xf32>,
      %swap3A_19 = vector.shape_cast %swap3A_18 : vector<16xf32> to vector<16xf32>
      %swap3A_20 = vector.shape_cast %broadcast_in_dim3A_3 : vector<16xf32> to vector<16xf32>
      tpu.vector_store %arg22[%swap3A_17], %swap3A_20 {strides = array<i32>} : memref<128xf32, #tpu.memory_space<vmem>>, vector<16xf32>,
      %swap3A_21 = arith.constant 0 : index
      %swap3A_22 = tpu.vector_load %arg23[%swap3A_21] {strides = array<i32>} : memref<128xf32, #tpu.memory_space<vmem>>, vector<16xf32>,
      %swap3A_23 = vector.shape_cast %swap3A_22 : vector<16xf32> to vector<16xf32>
      %swap3A_24 = vector.shape_cast %broadcast_in_dim3A_3 : vector<16xf32> to vector<16xf32>
      tpu.vector_store %arg23[%swap3A_21], %swap3A_24 {strides = array<i32>} : memref<128xf32, #tpu.memory_space<vmem>>, vector<16xf32>,
      %swap3A_25 = arith.constant 0 : index
      %swap3A_26 = tpu.vector_load %arg24[%swap3A_25] {strides = array<i32>} : memref<128xf32, #tpu.memory_space<vmem>>, vector<16xf32>,
      %swap3A_27 = vector.shape_cast %swap3A_26 : vector<16xf32> to vector<16xf32>
      %swap3A_28 = vector.shape_cast %broadcast_in_dim3A_3 : vector<16xf32> to vector<16xf32>
      tpu.vector_store %arg24[%swap3A_25], %swap3A_28 {strides = array<i32>} : memref<128xf32, #tpu.memory_space<vmem>>, vector<16xf32>,
      %broadcast_in_dim3A_29 = arith.constant 0 : i32
      %broadcast_in_dim3A_30 = vector.broadcast %broadcast_in_dim3A_29 : i32 to vector<16xi32>
      %swap3A_31 = arith.constant 0 : index
      %swap3A_32 = tpu.vector_load %arg25[%swap3A_31] {strides = array<i32>} : memref<128xi32, #tpu.memory_space<vmem>>, vector<16xi32>,
      %swap3A_33 = vector.shape_cast %swap3A_32 : vector<16xi32> to vector<16xi32>
      %swap3A_34 = vector.shape_cast %broadcast_in_dim3A_30 : vector<16xi32> to vector<16xi32>
      tpu.vector_store %arg25[%swap3A_31], %swap3A_34 {strides = array<i32>} : memref<128xi32, #tpu.memory_space<vmem>>, vector<16xi32>,
      %swap3A_35 = arith.constant 16 : index
      %swap3A_36 = tpu.vector_load %arg20[%swap3A_35] {strides = array<i32>} : memref<128xf32, #tpu.memory_space<vmem>>, vector<16xf32>,
      %swap3A_37 = vector.shape_cast %swap3A_36 : vector<16xf32> to vector<16xf32>
      %swap3A_38 = vector.shape_cast %broadcast_in_dim3A_3 : vector<16xf32> to vector<16xf32>
      tpu.vector_store %arg20[%swap3A_35], %swap3A_38 {strides = array<i32>} : memref<128xf32, #tpu.memory_space<vmem>>, vector<16xf32>,
      %swap3A_39 = arith.constant 16 : index
      %swap3A_40 = tpu.vector_load %arg21[%swap3A_39] {strides = array<i32>} : memref<128xf32, #tpu.memory_space<vmem>>, vector<16xf32>,
      %swap3A_41 = vector.shape_cast %swap3A_40 : vector<16xf32> to vector<16xf32>
      %swap3A_42 = vector.shape_cast %broadcast_in_dim3A_3 : vector<16xf32> to vector<16xf32>
      tpu.vector_store %arg21[%swap3A_39], %swap3A_42 {strides = array<i32>} : memref<128xf32, #tpu.memory_space<vmem>>, vector<16xf32>,
      %swap3A_43 = arith.constant 16 : index
      %swap3A_44 = tpu.vector_load %arg22[%swap3A_43] {strides = array<i32>} : memref<128xf32, #tpu.memory_space<vmem>>, vector<16xf32>,
      %swap3A_45 = vector.shape_cast %swap3A_44 : vector<16xf32> to vector<16xf32>
      %swap3A_46 = vector.shape_cast %broadcast_in_dim3A_3 : vector<16xf32> to vector<16xf32>
      tpu.vector_store %arg22[%swap3A_43], %swap3A_46 {strides = array<i32>} : memref<128xf32, #tpu.memory_space<vmem>>, vector<16xf32>,
      %swap3A_47 = arith.constant 16 : index
      %swap3A_48 = tpu.vector_load %arg23[%swap3A_47] {strides = array<i32>} : memref<128xf32, #tpu.memory_space<vmem>>, vector<16xf32>,
      %swap3A_49 = vector.shape_cast %swap3A_48 : vector<16xf32> to vector<16xf32>
      %swap3A_50 = vector.shape_cast %broadcast_in_dim3A_3 : vector<16xf32> to vector<16xf32>
      tpu.vector_store %arg23[%swap3A_47], %swap3A_50 {strides = array<i32>} : memref<128xf32, #tpu.memory_space<vmem>>, vector<16xf32>,
      %swap3A_51 = arith.constant 16 : index
      %swap3A_52 = tpu.vector_load %arg24[%swap3A_51] {strides = array<i32>} : memref<128xf32, #tpu.memory_space<vmem>>, vector<16xf32>,
      %swap3A_53 = vector.shape_cast %swap3A_52 : vector<16xf32> to vector<16xf32>
      %swap3A_54 = vector.shape_cast %broadcast_in_dim3A_3 : vector<16xf32> to vector<16xf32>
      tpu.vector_store %arg24[%swap3A_51], %swap3A_54 {strides = array<i32>} : memref<128xf32, #tpu.memory_space<vmem>>, vector<16xf32>,
      %broadcast_in_dim3A_55 = arith.constant 0 : i32
      %broadcast_in_dim3A_56 = vector.broadcast %broadcast_in_dim3A_55 : i32 to vector<16xi32>
      %swap3A_57 = arith.constant 16 : index
      %swap3A_58 = tpu.vector_load %arg25[%swap3A_57] {strides = array<i32>} : memref<128xi32, #tpu.memory_space<vmem>>, vector<16xi32>,
      %swap3A_59 = vector.shape_cast %swap3A_58 : vector<16xi32> to vector<16xi32>
      %swap3A_60 = vector.shape_cast %broadcast_in_dim3A_56 : vector<16xi32> to vector<16xi32>
      tpu.vector_store %arg25[%swap3A_57], %swap3A_60 {strides = array<i32>} : memref<128xi32, #tpu.memory_space<vmem>>, vector<16xi32>,
      %swap3A_61 = arith.constant 32 : index
      %swap3A_62 = tpu.vector_load %arg20[%swap3A_61] {strides = array<i32>} : memref<128xf32, #tpu.memory_space<vmem>>, vector<16xf32>,
      %swap3A_63 = vector.shape_cast %swap3A_62 : vector<16xf32> to vector<16xf32>
      %swap3A_64 = vector.shape_cast %broadcast_in_dim3A_3 : vector<16xf32> to vector<16xf32>
      tpu.vector_store %arg20[%swap3A_61], %swap3A_64 {strides = array<i32>} : memref<128xf32, #tpu.memory_space<vmem>>, vector<16xf32>,
      %swap3A_65 = arith.constant 32 : index
      %swap3A_66 = tpu.vector_load %arg21[%swap3A_65] {strides = array<i32>} : memref<128xf32, #tpu.memory_space<vmem>>, vector<16xf32>,
      %swap3A_67 = vector.shape_cast %swap3A_66 : vector<16xf32> to vector<16xf32>
      %swap3A_68 = vector.shape_cast %broadcast_in_dim3A_3 : vector<16xf32> to vector<16xf32>
      tpu.vector_store %arg21[%swap3A_65], %swap3A_68 {strides = array<i32>} : memref<128xf32, #tpu.memory_space<vmem>>, vector<16xf32>,
      %swap3A_69 = arith.constant 32 : index
      %swap3A_70 = tpu.vector_load %arg22[%swap3A_69] {strides = array<i32>} : memref<128xf32, #tpu.memory_space<vmem>>, vector<16xf32>,
      %swap3A_71 = vector.shape_cast %swap3A_70 : vector<16xf32> to vector<16xf32>
      %swap3A_72 = vector.shape_cast %broadcast_in_dim3A_3 : vector<16xf32> to vector<16xf32>
      tpu.vector_store %arg22[%swap3A_69], %swap3A_72 {strides = array<i32>} : memref<128xf32, #tpu.memory_space<vmem>>, vector<16xf32>,
      %swap3A_73 = arith.constant 32 : index
      %swap3A_74 = tpu.vector_load %arg23[%swap3A_73] {strides = array<i32>} : memref<128xf32, #tpu.memory_space<vmem>>, vector<16xf32>,
      %swap3A_75 = vector.shape_cast %swap3A_74 : vector<16xf32> to vector<16xf32>
      %swap3A_76 = vector.shape_cast %broadcast_in_dim3A_3 : vector<16xf32> to vector<16xf32>
      tpu.vector_store %arg23[%swap3A_73], %swap3A_76 {strides = array<i32>} : memref<128xf32, #tpu.memory_space<vmem>>, vector<16xf32>,
      %swap3A_77 = arith.constant 32 : index
      %swap3A_78 = tpu.vector_load %arg24[%swap3A_77] {strides = array<i32>} : memref<128xf32, #tpu.memory_space<vmem>>, vector<16xf32>,
      %swap3A_79 = vector.shape_cast %swap3A_78 : vector<16xf32> to vector<16xf32>
      %swap3A_80 = vector.shape_cast %broadcast_in_dim3A_3 : vector<16xf32> to vector<16xf32>
      tpu.vector_store %arg24[%swap3A_77], %swap3A_80 {strides = array<i32>} : memref<128xf32, #tpu.memory_space<vmem>>, vector<16xf32>,
      %broadcast_in_dim3A_81 = arith.constant 0 : i32
      %broadcast_in_dim3A_82 = vector.broadcast %broadcast_in_dim3A_81 : i32 to vector<16xi32>
      %swap3A_83 = arith.constant 32 : index
      %swap3A_84 = tpu.vector_load %arg25[%swap3A_83] {strides = array<i32>} : memref<128xi32, #tpu.memory_space<vmem>>, vector<16xi32>,
      %swap3A_85 = vector.shape_cast %swap3A_84 : vector<16xi32> to vector<16xi32>
      %swap3A_86 = vector.shape_cast %broadcast_in_dim3A_82 : vector<16xi32> to vector<16xi32>
      tpu.vector_store %arg25[%swap3A_83], %swap3A_86 {strides = array<i32>} : memref<128xi32, #tpu.memory_space<vmem>>, vector<16xi32>,
      %swap3A_87 = arith.constant 48 : index
      %swap3A_88 = tpu.vector_load %arg20[%swap3A_87] {strides = array<i32>} : memref<128xf32, #tpu.memory_space<vmem>>, vector<16xf32>,
      %swap3A_89 = vector.shape_cast %swap3A_88 : vector<16xf32> to vector<16xf32>
      %swap3A_90 = vector.shape_cast %broadcast_in_dim3A_3 : vector<16xf32> to vector<16xf32>
      tpu.vector_store %arg20[%swap3A_87], %swap3A_90 {strides = array<i32>} : memref<128xf32, #tpu.memory_space<vmem>>, vector<16xf32>,
      %swap3A_91 = arith.constant 48 : index
      %swap3A_92 = tpu.vector_load %arg21[%swap3A_91] {strides = array<i32>} : memref<128xf32, #tpu.memory_space<vmem>>, vector<16xf32>,
      %swap3A_93 = vector.shape_cast %swap3A_92 : vector<16xf32> to vector<16xf32>
      %swap3A_94 = vector.shape_cast %broadcast_in_dim3A_3 : vector<16xf32> to vector<16xf32>
      tpu.vector_store %arg21[%swap3A_91], %swap3A_94 {strides = array<i32>} : memref<128xf32, #tpu.memory_space<vmem>>, vector<16xf32>,
      %swap3A_95 = arith.constant 48 : index
      %swap3A_96 = tpu.vector_load %arg22[%swap3A_95] {strides = array<i32>} : memref<128xf32, #tpu.memory_space<vmem>>, vector<16xf32>,
      %swap3A_97 = vector.shape_cast %swap3A_96 : vector<16xf32> to vector<16xf32>
      %swap3A_98 = vector.shape_cast %broadcast_in_dim3A_3 : vector<16xf32> to vector<16xf32>
      tpu.vector_store %arg22[%swap3A_95], %swap3A_98 {strides = array<i32>} : memref<128xf32, #tpu.memory_space<vmem>>, vector<16xf32>,
      %swap3A_99 = arith.constant 48 : index
      %swap3A_100 = tpu.vector_load %arg23[%swap3A_99] {strides = array<i32>} : memref<128xf32, #tpu.memory_space<vmem>>, vector<16xf32>,
      %swap3A_101 = vector.shape_cast %swap3A_100 : vector<16xf32> to vector<16xf32>
      %swap3A_102 = vector.shape_cast %broadcast_in_dim3A_3 : vector<16xf32> to vector<16xf32>
      tpu.vector_store %arg23[%swap3A_99], %swap3A_102 {strides = array<i32>} : memref<128xf32, #tpu.memory_space<vmem>>, vector<16xf32>,
      %swap3A_103 = arith.constant 48 : index
      %swap3A_104 = tpu.vector_load %arg24[%swap3A_103] {strides = array<i32>} : memref<128xf32, #tpu.memory_space<vmem>>, vector<16xf32>,
      %swap3A_105 = vector.shape_cast %swap3A_104 : vector<16xf32> to vector<16xf32>
      %swap3A_106 = vector.shape_cast %broadcast_in_dim3A_3 : vector<16xf32> to vector<16xf32>
      tpu.vector_store %arg24[%swap3A_103], %swap3A_106 {strides = array<i32>} : memref<128xf32, #tpu.memory_space<vmem>>, vector<16xf32>,
      %broadcast_in_dim3A_107 = arith.constant 0 : i32
      %broadcast_in_dim3A_108 = vector.broadcast %broadcast_in_dim3A_107 : i32 to vector<16xi32>
      %swap3A_109 = arith.constant 48 : index
      %swap3A_110 = tpu.vector_load %arg25[%swap3A_109] {strides = array<i32>} : memref<128xi32, #tpu.memory_space<vmem>>, vector<16xi32>,
      %swap3A_111 = vector.shape_cast %swap3A_110 : vector<16xi32> to vector<16xi32>
      %swap3A_112 = vector.shape_cast %broadcast_in_dim3A_108 : vector<16xi32> to vector<16xi32>
      tpu.vector_store %arg25[%swap3A_109], %swap3A_112 {strides = array<i32>} : memref<128xi32, #tpu.memory_space<vmem>>, vector<16xi32>,
      %swap3A_113 = arith.constant 64 : index
      %swap3A_114 = tpu.vector_load %arg20[%swap3A_113] {strides = array<i32>} : memref<128xf32, #tpu.memory_space<vmem>>, vector<16xf32>,
      %swap3A_115 = vector.shape_cast %swap3A_114 : vector<16xf32> to vector<16xf32>
      %swap3A_116 = vector.shape_cast %broadcast_in_dim3A_3 : vector<16xf32> to vector<16xf32>
      tpu.vector_store %arg20[%swap3A_113], %swap3A_116 {strides = array<i32>} : memref<128xf32, #tpu.memory_space<vmem>>, vector<16xf32>,
      %swap3A_117 = arith.constant 64 : index
      %swap3A_118 = tpu.vector_load %arg21[%swap3A_117] {strides = array<i32>} : memref<128xf32, #tpu.memory_space<vmem>>, vector<16xf32>,
      %swap3A_119 = vector.shape_cast %swap3A_118 : vector<16xf32> to vector<16xf32>
      %swap3A_120 = vector.shape_cast %broadcast_in_dim3A_3 : vector<16xf32> to vector<16xf32>
      tpu.vector_store %arg21[%swap3A_117], %swap3A_120 {strides = array<i32>} : memref<128xf32, #tpu.memory_space<vmem>>, vector<16xf32>,
      %swap3A_121 = arith.constant 64 : index
      %swap3A_122 = tpu.vector_load %arg22[%swap3A_121] {strides = array<i32>} : memref<128xf32, #tpu.memory_space<vmem>>, vector<16xf32>,
      %swap3A_123 = vector.shape_cast %swap3A_122 : vector<16xf32> to vector<16xf32>
      %swap3A_124 = vector.shape_cast %broadcast_in_dim3A_3 : vector<16xf32> to vector<16xf32>
      tpu.vector_store %arg22[%swap3A_121], %swap3A_124 {strides = array<i32>} : memref<128xf32, #tpu.memory_space<vmem>>, vector<16xf32>,
      %swap3A_125 = arith.constant 64 : index
      %swap3A_126 = tpu.vector_load %arg23[%swap3A_125] {strides = array<i32>} : memref<128xf32, #tpu.memory_space<vmem>>, vector<16xf32>,
      %swap3A_127 = vector.shape_cast %swap3A_126 : vector<16xf32> to vector<16xf32>
      %swap3A_128 = vector.shape_cast %broadcast_in_dim3A_3 : vector<16xf32> to vector<16xf32>
      tpu.vector_store %arg23[%swap3A_125], %swap3A_128 {strides = array<i32>} : memref<128xf32, #tpu.memory_space<vmem>>, vector<16xf32>,
      %swap3A_129 = arith.constant 64 : index
      %swap3A_130 = tpu.vector_load %arg24[%swap3A_129] {strides = array<i32>} : memref<128xf32, #tpu.memory_space<vmem>>, vector<16xf32>,
      %swap3A_131 = vector.shape_cast %swap3A_130 : vector<16xf32> to vector<16xf32>
      %swap3A_132 = vector.shape_cast %broadcast_in_dim3A_3 : vector<16xf32> to vector<16xf32>
      tpu.vector_store %arg24[%swap3A_129], %swap3A_132 {strides = array<i32>} : memref<128xf32, #tpu.memory_space<vmem>>, vector<16xf32>,
      %broadcast_in_dim3A_133 = arith.constant 0 : i32
      %broadcast_in_dim3A_134 = vector.broadcast %broadcast_in_dim3A_133 : i32 to vector<16xi32>
      %swap3A_135 = arith.constant 64 : index
      %swap3A_136 = tpu.vector_load %arg25[%swap3A_135] {strides = array<i32>} : memref<128xi32, #tpu.memory_space<vmem>>, vector<16xi32>,
      %swap3A_137 = vector.shape_cast %swap3A_136 : vector<16xi32> to vector<16xi32>
      %swap3A_138 = vector.shape_cast %broadcast_in_dim3A_134 : vector<16xi32> to vector<16xi32>
      tpu.vector_store %arg25[%swap3A_135], %swap3A_138 {strides = array<i32>} : memref<128xi32, #tpu.memory_space<vmem>>, vector<16xi32>,
      %swap3A_139 = arith.constant 80 : index
      %swap3A_140 = tpu.vector_load %arg20[%swap3A_139] {strides = array<i32>} : memref<128xf32, #tpu.memory_space<vmem>>, vector<16xf32>,
      %swap3A_141 = vector.shape_cast %swap3A_140 : vector<16xf32> to vector<16xf32>
      %swap3A_142 = vector.shape_cast %broadcast_in_dim3A_3 : vector<16xf32> to vector<16xf32>
      tpu.vector_store %arg20[%swap3A_139], %swap3A_142 {strides = array<i32>} : memref<128xf32, #tpu.memory_space<vmem>>, vector<16xf32>,
      %swap3A_143 = arith.constant 80 : index
      %swap3A_144 = tpu.vector_load %arg21[%swap3A_143] {strides = array<i32>} : memref<128xf32, #tpu.memory_space<vmem>>, vector<16xf32>,
      %swap3A_145 = vector.shape_cast %swap3A_144 : vector<16xf32> to vector<16xf32>
      %swap3A_146 = vector.shape_cast %broadcast_in_dim3A_3 : vector<16xf32> to vector<16xf32>
      tpu.vector_store %arg21[%swap3A_143], %swap3A_146 {strides = array<i32>} : memref<128xf32, #tpu.memory_space<vmem>>, vector<16xf32>,
      %swap3A_147 = arith.constant 80 : index
      %swap3A_148 = tpu.vector_load %arg22[%swap3A_147] {strides = array<i32>} : memref<128xf32, #tpu.memory_space<vmem>>, vector<16xf32>,
      %swap3A_149 = vector.shape_cast %swap3A_148 : vector<16xf32> to vector<16xf32>
      %swap3A_150 = vector.shape_cast %broadcast_in_dim3A_3 : vector<16xf32> to vector<16xf32>
      tpu.vector_store %arg22[%swap3A_147], %swap3A_150 {strides = array<i32>} : memref<128xf32, #tpu.memory_space<vmem>>, vector<16xf32>,
      %swap3A_151 = arith.constant 80 : index
      %swap3A_152 = tpu.vector_load %arg23[%swap3A_151] {strides = array<i32>} : memref<128xf32, #tpu.memory_space<vmem>>, vector<16xf32>,
      %swap3A_153 = vector.shape_cast %swap3A_152 : vector<16xf32> to vector<16xf32>
      %swap3A_154 = vector.shape_cast %broadcast_in_dim3A_3 : vector<16xf32> to vector<16xf32>
      tpu.vector_store %arg23[%swap3A_151], %swap3A_154 {strides = array<i32>} : memref<128xf32, #tpu.memory_space<vmem>>, vector<16xf32>,
      %swap3A_155 = arith.constant 80 : index
      %swap3A_156 = tpu.vector_load %arg24[%swap3A_155] {strides = array<i32>} : memref<128xf32, #tpu.memory_space<vmem>>, vector<16xf32>,
      %swap3A_157 = vector.shape_cast %swap3A_156 : vector<16xf32> to vector<16xf32>
      %swap3A_158 = vector.shape_cast %broadcast_in_dim3A_3 : vector<16xf32> to vector<16xf32>
      tpu.vector_store %arg24[%swap3A_155], %swap3A_158 {strides = array<i32>} : memref<128xf32, #tpu.memory_space<vmem>>, vector<16xf32>,
      %broadcast_in_dim3A_159 = arith.constant 0 : i32
      %broadcast_in_dim3A_160 = vector.broadcast %broadcast_in_dim3A_159 : i32 to vector<16xi32>
      %swap3A_161 = arith.constant 80 : index
      %swap3A_162 = tpu.vector_load %arg25[%swap3A_161] {strides = array<i32>} : memref<128xi32, #tpu.memory_space<vmem>>, vector<16xi32>,
      %swap3A_163 = vector.shape_cast %swap3A_162 : vector<16xi32> to vector<16xi32>
      %swap3A_164 = vector.shape_cast %broadcast_in_dim3A_160 : vector<16xi32> to vector<16xi32>
      tpu.vector_store %arg25[%swap3A_161], %swap3A_164 {strides = array<i32>} : memref<128xi32, #tpu.memory_space<vmem>>, vector<16xi32>,
      %swap3A_165 = arith.constant 96 : index
      %swap3A_166 = tpu.vector_load %arg20[%swap3A_165] {strides = array<i32>} : memref<128xf32, #tpu.memory_space<vmem>>, vector<16xf32>,
      %swap3A_167 = vector.shape_cast %swap3A_166 : vector<16xf32> to vector<16xf32>
      %swap3A_168 = vector.shape_cast %broadcast_in_dim3A_3 : vector<16xf32> to vector<16xf32>
      tpu.vector_store %arg20[%swap3A_165], %swap3A_168 {strides = array<i32>} : memref<128xf32, #tpu.memory_space<vmem>>, vector<16xf32>,
      %swap3A_169 = arith.constant 96 : index
      %swap3A_170 = tpu.vector_load %arg21[%swap3A_169] {strides = array<i32>} : memref<128xf32, #tpu.memory_space<vmem>>, vector<16xf32>,
      %swap3A_171 = vector.shape_cast %swap3A_170 : vector<16xf32> to vector<16xf32>
      %swap3A_172 = vector.shape_cast %broadcast_in_dim3A_3 : vector<16xf32> to vector<16xf32>
      tpu.vector_store %arg21[%swap3A_169], %swap3A_172 {strides = array<i32>} : memref<128xf32, #tpu.memory_space<vmem>>, vector<16xf32>,
      %swap3A_173 = arith.constant 96 : index
      %swap3A_174 = tpu.vector_load %arg22[%swap3A_173] {strides = array<i32>} : memref<128xf32, #tpu.memory_space<vmem>>, vector<16xf32>,
      %swap3A_175 = vector.shape_cast %swap3A_174 : vector<16xf32> to vector<16xf32>
      %swap3A_176 = vector.shape_cast %broadcast_in_dim3A_3 : vector<16xf32> to vector<16xf32>
      tpu.vector_store %arg22[%swap3A_173], %swap3A_176 {strides = array<i32>} : memref<128xf32, #tpu.memory_space<vmem>>, vector<16xf32>,
      %swap3A_177 = arith.constant 96 : index
      %swap3A_178 = tpu.vector_load %arg23[%swap3A_177] {strides = array<i32>} : memref<128xf32, #tpu.memory_space<vmem>>, vector<16xf32>,
      %swap3A_179 = vector.shape_cast %swap3A_178 : vector<16xf32> to vector<16xf32>
      %swap3A_180 = vector.shape_cast %broadcast_in_dim3A_3 : vector<16xf32> to vector<16xf32>
      tpu.vector_store %arg23[%swap3A_177], %swap3A_180 {strides = array<i32>} : memref<128xf32, #tpu.memory_space<vmem>>, vector<16xf32>,
      %swap3A_181 = arith.constant 96 : index
      %swap3A_182 = tpu.vector_load %arg24[%swap3A_181] {strides = array<i32>} : memref<128xf32, #tpu.memory_space<vmem>>, vector<16xf32>,
      %swap3A_183 = vector.shape_cast %swap3A_182 : vector<16xf32> to vector<16xf32>
      %swap3A_184 = vector.shape_cast %broadcast_in_dim3A_3 : vector<16xf32> to vector<16xf32>
      tpu.vector_store %arg24[%swap3A_181], %swap3A_184 {strides = array<i32>} : memref<128xf32, #tpu.memory_space<vmem>>, vector<16xf32>,
      %broadcast_in_dim3A_185 = arith.constant 0 : i32
      %broadcast_in_dim3A_186 = vector.broadcast %broadcast_in_dim3A_185 : i32 to vector<16xi32>
      %swap3A_187 = arith.constant 96 : index
      %swap3A_188 = tpu.vector_load %arg25[%swap3A_187] {strides = array<i32>} : memref<128xi32, #tpu.memory_space<vmem>>, vector<16xi32>,
      %swap3A_189 = vector.shape_cast %swap3A_188 : vector<16xi32> to vector<16xi32>
      %swap3A_190 = vector.shape_cast %broadcast_in_dim3A_186 : vector<16xi32> to vector<16xi32>
      tpu.vector_store %arg25[%swap3A_187], %swap3A_190 {strides = array<i32>} : memref<128xi32, #tpu.memory_space<vmem>>, vector<16xi32>,
      %swap3A_191 = arith.constant 112 : index
      %swap3A_192 = tpu.vector_load %arg20[%swap3A_191] {strides = array<i32>} : memref<128xf32, #tpu.memory_space<vmem>>, vector<16xf32>,
      %swap3A_193 = vector.shape_cast %swap3A_192 : vector<16xf32> to vector<16xf32>
      %swap3A_194 = vector.shape_cast %broadcast_in_dim3A_3 : vector<16xf32> to vector<16xf32>
      tpu.vector_store %arg20[%swap3A_191], %swap3A_194 {strides = array<i32>} : memref<128xf32, #tpu.memory_space<vmem>>, vector<16xf32>,
      %swap3A_195 = arith.constant 112 : index
      %swap3A_196 = tpu.vector_load %arg21[%swap3A_195] {strides = array<i32>} : memref<128xf32, #tpu.memory_space<vmem>>, vector<16xf32>,
      %swap3A_197 = vector.shape_cast %swap3A_196 : vector<16xf32> to vector<16xf32>
      %swap3A_198 = vector.shape_cast %broadcast_in_dim3A_3 : vector<16xf32> to vector<16xf32>
      tpu.vector_store %arg21[%swap3A_195], %swap3A_198 {strides = array<i32>} : memref<128xf32, #tpu.memory_space<vmem>>, vector<16xf32>,
      %swap3A_199 = arith.constant 112 : index
      %swap3A_200 = tpu.vector_load %arg22[%swap3A_199] {strides = array<i32>} : memref<128xf32, #tpu.memory_space<vmem>>, vector<16xf32>,
      %swap3A_201 = vector.shape_cast %swap3A_200 : vector<16xf32> to vector<16xf32>
      %swap3A_202 = vector.shape_cast %broadcast_in_dim3A_3 : vector<16xf32> to vector<16xf32>
      tpu.vector_store %arg22[%swap3A_199], %swap3A_202 {strides = array<i32>} : memref<128xf32, #tpu.memory_space<vmem>>, vector<16xf32>,
      %swap3A_203 = arith.constant 112 : index
      %swap3A_204 = tpu.vector_load %arg23[%swap3A_203] {strides = array<i32>} : memref<128xf32, #tpu.memory_space<vmem>>, vector<16xf32>,
      %swap3A_205 = vector.shape_cast %swap3A_204 : vector<16xf32> to vector<16xf32>
      %swap3A_206 = vector.shape_cast %broadcast_in_dim3A_3 : vector<16xf32> to vector<16xf32>
      tpu.vector_store %arg23[%swap3A_203], %swap3A_206 {strides = array<i32>} : memref<128xf32, #tpu.memory_space<vmem>>, vector<16xf32>,
      %swap3A_207 = arith.constant 112 : index
      %swap3A_208 = tpu.vector_load %arg24[%swap3A_207] {strides = array<i32>} : memref<128xf32, #tpu.memory_space<vmem>>, vector<16xf32>,
      %swap3A_209 = vector.shape_cast %swap3A_208 : vector<16xf32> to vector<16xf32>
      %swap3A_210 = vector.shape_cast %broadcast_in_dim3A_3 : vector<16xf32> to vector<16xf32>
      tpu.vector_store %arg24[%swap3A_207], %swap3A_210 {strides = array<i32>} : memref<128xf32, #tpu.memory_space<vmem>>, vector<16xf32>,
      %broadcast_in_dim3A_211 = arith.constant 0 : i32
      %broadcast_in_dim3A_212 = vector.broadcast %broadcast_in_dim3A_211 : i32 to vector<16xi32>
      %swap3A_213 = arith.constant 112 : index
      %swap3A_214 = tpu.vector_load %arg25[%swap3A_213] {strides = array<i32>} : memref<128xi32, #tpu.memory_space<vmem>>, vector<16xi32>,
      %swap3A_215 = vector.shape_cast %swap3A_214 : vector<16xi32> to vector<16xi32>
      %swap3A_216 = vector.shape_cast %broadcast_in_dim3A_212 : vector<16xi32> to vector<16xi32>
      tpu.vector_store %arg25[%swap3A_213], %swap3A_216 {strides = array<i32>} : memref<128xi32, #tpu.memory_space<vmem>>, vector<16xi32>,
      %scan3A = arith.constant 0 : i32
      %scan3A_217 = arith.constant 1 : i32
      %scan3A_218 = arith.constant 0 : i32
      %scan3A_219 = arith.constant 157 : i32
      %scan3A_220 = arith.addi %scan3A_218, %scan3A_219 : i32
      %scan3A_221 = arith.constant 1 : i32
      %scan3A_222:2 = scf.for %scan3A_270 = %scan3A_218 to %scan3A_220 step %scan3A_221 iter_args(%scan3A_271 = %scan3A, %scan3A_272 = %scan3A_217) -> (i32, i32)  : i32 {
        %ne3A = arith.constant 0 : i32
        %ne3A_273 = arith.cmpi ne, %scan3A_272, %ne3A : i32
        %lt3A = arith.constant 100 : i32
        %lt3A_274 = arith.cmpi slt, %scan3A_271, %lt3A : i32
        %and3A = arith.andi %ne3A_273, %lt3A_274 : i1
        %convert_element_type3A_275 = arith.extui %and3A : i1 to i32
        %cond3A_276 = arith.constant 0 : i32
        %cond3A_277 = arith.cmpi ne, %convert_element_type3A_275, %cond3A_276 : i32
        %cond3A_278:2 = scf.if %cond3A_277 -> (i32, i32) {
          %mul3A_279 = arith.constant 128 : i32
          %mul3A_280 = arith.muli %scan3A_270, %mul3A_279 : i32
          "tpu.region"() ({
            %run_scoped3A_666 = tpu.sem_alloc : memref<!tpu.dma_semaphore, #tpu.memory_space<semaphore_mem>>
            %dma_start3A_667 = tpu.memref_slice %arg8[%mul3A_280] : memref<20096xi32, #tpu.memory_space<hbm>> -> memref<128xi32, #tpu.memory_space<hbm>>
            %dma_start3A_668 = tpu.memref_slice %arg8[%mul3A_280] : memref<20096xi32, #tpu.memory_space<hbm>> -> memref<128xi32, #tpu.memory_space<hbm>>
            tpu.enqueue_dma source(%dma_start3A_668 : memref<128xi32, #tpu.memory_space<hbm>>) target(%arg11 : memref<128xi32, #tpu.memory_space<vmem>>) target_semaphore(%run_scoped3A_666 : memref<!tpu.dma_semaphore, #tpu.memory_space<semaphore_mem>>)
            %dma_wait3A_669 = tpu.memref_slice %arg8[%mul3A_280] : memref<20096xi32, #tpu.memory_space<hbm>> -> memref<128xi32, #tpu.memory_space<hbm>>
            %dma_wait3A_670 = tpu.memref_slice %arg8[%mul3A_280] : memref<20096xi32, #tpu.memory_space<hbm>> -> memref<128xi32, #tpu.memory_space<hbm>>
            tpu.wait_dma2 semaphore(%run_scoped3A_666 : memref<!tpu.dma_semaphore, #tpu.memory_space<semaphore_mem>>) src(%dma_wait3A_670 : memref<128xi32, #tpu.memory_space<hbm>>) dst(%arg11 : memref<128xi32, #tpu.memory_space<vmem>>)
            tpu.yield
          }) : () -> ()
          %dma_start3A = arith.constant 0 : i32
          %dma_start3A_281 = tpu.memref_slice %arg2[%dma_start3A] : memref<20000xf32, #tpu.memory_space<hbm>> -> memref<20000xf32, #tpu.memory_space<hbm>>
          tpu.enqueue_indirect_dma source(%dma_start3A_281 : memref<20000xf32, #tpu.memory_space<hbm>>) target(%arg12 : memref<128xf32, #tpu.memory_space<vmem>>) offsets(%arg11 : memref<128xi32, #tpu.memory_space<vmem>>) semaphore(%arg27 : memref<!tpu.dma_semaphore, #tpu.memory_space<semaphore_mem>>)
          %dma_start3A_282 = arith.constant 0 : i32
          %dma_start3A_283 = tpu.memref_slice %arg3[%dma_start3A_282] : memref<20000xf32, #tpu.memory_space<hbm>> -> memref<20000xf32, #tpu.memory_space<hbm>>
          tpu.enqueue_indirect_dma source(%dma_start3A_283 : memref<20000xf32, #tpu.memory_space<hbm>>) target(%arg13 : memref<128xf32, #tpu.memory_space<vmem>>) offsets(%arg11 : memref<128xi32, #tpu.memory_space<vmem>>) semaphore(%arg27 : memref<!tpu.dma_semaphore, #tpu.memory_space<semaphore_mem>>)
          %dma_start3A_284 = arith.constant 0 : i32
          %dma_start3A_285 = tpu.memref_slice %arg4[%dma_start3A_284] : memref<20000xf32, #tpu.memory_space<hbm>> -> memref<20000xf32, #tpu.memory_space<hbm>>
          tpu.enqueue_indirect_dma source(%dma_start3A_285 : memref<20000xf32, #tpu.memory_space<hbm>>) target(%arg14 : memref<128xf32, #tpu.memory_space<vmem>>) offsets(%arg11 : memref<128xi32, #tpu.memory_space<vmem>>) semaphore(%arg27 : memref<!tpu.dma_semaphore, #tpu.memory_space<semaphore_mem>>)
          %dma_start3A_286 = arith.constant 0 : i32
          %dma_start3A_287 = tpu.memref_slice %arg5[%dma_start3A_286] : memref<20000xf32, #tpu.memory_space<hbm>> -> memref<20000xf32, #tpu.memory_space<hbm>>
          tpu.enqueue_indirect_dma source(%dma_start3A_287 : memref<20000xf32, #tpu.memory_space<hbm>>) target(%arg15 : memref<128xf32, #tpu.memory_space<vmem>>) offsets(%arg11 : memref<128xi32, #tpu.memory_space<vmem>>) semaphore(%arg27 : memref<!tpu.dma_semaphore, #tpu.memory_space<semaphore_mem>>)
          %dma_start3A_288 = arith.constant 0 : i32
          %dma_start3A_289 = tpu.memref_slice %arg6[%dma_start3A_288] : memref<20000xf32, #tpu.memory_space<hbm>> -> memref<20000xf32, #tpu.memory_space<hbm>>
          tpu.enqueue_indirect_dma source(%dma_start3A_289 : memref<20000xf32, #tpu.memory_space<hbm>>) target(%arg16 : memref<128xf32, #tpu.memory_space<vmem>>) offsets(%arg11 : memref<128xi32, #tpu.memory_space<vmem>>) semaphore(%arg27 : memref<!tpu.dma_semaphore, #tpu.memory_space<semaphore_mem>>)
          %dma_start3A_290 = arith.constant 0 : i32
          %dma_start3A_291 = tpu.memref_slice %arg7[%dma_start3A_290] : memref<20000xi32, #tpu.memory_space<hbm>> -> memref<20000xi32, #tpu.memory_space<hbm>>
          tpu.enqueue_indirect_dma source(%dma_start3A_291 : memref<20000xi32, #tpu.memory_space<hbm>>) target(%arg17 : memref<128xi32, #tpu.memory_space<vmem>>) offsets(%arg11 : memref<128xi32, #tpu.memory_space<vmem>>) semaphore(%arg27 : memref<!tpu.dma_semaphore, #tpu.memory_space<semaphore_mem>>)
          %dma_wait3A = arith.constant 0 : i32
          %dma_wait3A_292 = tpu.memref_slice %arg2[%dma_wait3A] : memref<20000xf32, #tpu.memory_space<hbm>> -> memref<20000xf32, #tpu.memory_space<hbm>>
          tpu.wait_indirect_dma semaphore(%arg27 : memref<!tpu.dma_semaphore, #tpu.memory_space<semaphore_mem>>) src(%dma_wait3A_292 : memref<20000xf32, #tpu.memory_space<hbm>>) dst(%arg12 : memref<128xf32, #tpu.memory_space<vmem>>)
          %dma_wait3A_293 = arith.constant 0 : i32
          %dma_wait3A_294 = tpu.memref_slice %arg3[%dma_wait3A_293] : memref<20000xf32, #tpu.memory_space<hbm>> -> memref<20000xf32, #tpu.memory_space<hbm>>
          tpu.wait_indirect_dma semaphore(%arg27 : memref<!tpu.dma_semaphore, #tpu.memory_space<semaphore_mem>>) src(%dma_wait3A_294 : memref<20000xf32, #tpu.memory_space<hbm>>) dst(%arg13 : memref<128xf32, #tpu.memory_space<vmem>>)
          %dma_wait3A_295 = arith.constant 0 : i32
          %dma_wait3A_296 = tpu.memref_slice %arg4[%dma_wait3A_295] : memref<20000xf32, #tpu.memory_space<hbm>> -> memref<20000xf32, #tpu.memory_space<hbm>>
          tpu.wait_indirect_dma semaphore(%arg27 : memref<!tpu.dma_semaphore, #tpu.memory_space<semaphore_mem>>) src(%dma_wait3A_296 : memref<20000xf32, #tpu.memory_space<hbm>>) dst(%arg14 : memref<128xf32, #tpu.memory_space<vmem>>)
          %dma_wait3A_297 = arith.constant 0 : i32
          %dma_wait3A_298 = tpu.memref_slice %arg5[%dma_wait3A_297] : memref<20000xf32, #tpu.memory_space<hbm>> -> memref<20000xf32, #tpu.memory_space<hbm>>
          tpu.wait_indirect_dma semaphore(%arg27 : memref<!tpu.dma_semaphore, #tpu.memory_space<semaphore_mem>>) src(%dma_wait3A_298 : memref<20000xf32, #tpu.memory_space<hbm>>) dst(%arg15 : memref<128xf32, #tpu.memory_space<vmem>>)
          %dma_wait3A_299 = arith.constant 0 : i32
          %dma_wait3A_300 = tpu.memref_slice %arg6[%dma_wait3A_299] : memref<20000xf32, #tpu.memory_space<hbm>> -> memref<20000xf32, #tpu.memory_space<hbm>>
          tpu.wait_indirect_dma semaphore(%arg27 : memref<!tpu.dma_semaphore, #tpu.memory_space<semaphore_mem>>) src(%dma_wait3A_300 : memref<20000xf32, #tpu.memory_space<hbm>>) dst(%arg16 : memref<128xf32, #tpu.memory_space<vmem>>)
          %dma_wait3A_301 = arith.constant 0 : i32
          %dma_wait3A_302 = tpu.memref_slice %arg7[%dma_wait3A_301] : memref<20000xi32, #tpu.memory_space<hbm>> -> memref<20000xi32, #tpu.memory_space<hbm>>
          tpu.wait_indirect_dma semaphore(%arg27 : memref<!tpu.dma_semaphore, #tpu.memory_space<semaphore_mem>>) src(%dma_wait3A_302 : memref<20000xi32, #tpu.memory_space<hbm>>) dst(%arg17 : memref<128xi32, #tpu.memory_space<vmem>>)
          %get3A = arith.constant 0 : index
          %get3A_303 = tpu.vector_load %arg14[%get3A] {strides = array<i32>} : memref<128xf32, #tpu.memory_space<vmem>>, vector<16xf32>,
          %get3A_304 = vector.shape_cast %get3A_303 : vector<16xf32> to vector<16xf32>
          %get3A_305 = arith.constant 0 : index
          %get3A_306 = tpu.vector_load %arg12[%get3A_305] {strides = array<i32>} : memref<128xf32, #tpu.memory_space<vmem>>, vector<16xf32>,
          %get3A_307 = vector.shape_cast %get3A_306 : vector<16xf32> to vector<16xf32>
          %sub3A = arith.subf %get3A_304, %get3A_307 : vector<16xf32>
          %get3A_308 = arith.constant 0 : index
          %get3A_309 = tpu.vector_load %arg15[%get3A_308] {strides = array<i32>} : memref<128xf32, #tpu.memory_space<vmem>>, vector<16xf32>,
          %get3A_310 = vector.shape_cast %get3A_309 : vector<16xf32> to vector<16xf32>
          %get3A_311 = arith.constant 0 : index
          %get3A_312 = tpu.vector_load %arg13[%get3A_311] {strides = array<i32>} : memref<128xf32, #tpu.memory_space<vmem>>, vector<16xf32>,
          %get3A_313 = vector.shape_cast %get3A_312 : vector<16xf32> to vector<16xf32>
          %sub3A_314 = arith.subf %get3A_310, %get3A_313 : vector<16xf32>
          %mul3A_315 = arith.mulf %sub3A, %sub3A_314 : vector<16xf32>
          %swap3A_316 = arith.constant 0 : index
          %swap3A_317 = tpu.vector_load %arg18[%swap3A_316] {strides = array<i32>} : memref<128xf32, #tpu.memory_space<vmem>>, vector<16xf32>,
          %swap3A_318 = vector.shape_cast %swap3A_317 : vector<16xf32> to vector<16xf32>
          %swap3A_319 = vector.shape_cast %mul3A_315 : vector<16xf32> to vector<16xf32>
          tpu.vector_store %arg18[%swap3A_316], %swap3A_319 {strides = array<i32>} : memref<128xf32, #tpu.memory_space<vmem>>, vector<16xf32>,
          %get3A_320 = arith.constant 0 : index
          %get3A_321 = tpu.vector_load %arg16[%get3A_320] {strides = array<i32>} : memref<128xf32, #tpu.memory_space<vmem>>, vector<16xf32>,
          %get3A_322 = vector.shape_cast %get3A_321 : vector<16xf32> to vector<16xf32>
          %ge3A = arith.constant 5.000000e-01 : f32
          %ge3A_323 = vector.broadcast %ge3A : f32 to vector<16xf32>
          %ge3A_324 = arith.cmpf oge, %get3A_322, %ge3A_323 : vector<16xf32>
          %mul3A_325 = arith.constant 128 : i32
          %mul3A_326 = arith.muli %scan3A_270, %mul3A_325 : i32
          %add3A_327 = arith.constant 0 : i32
          %add3A_328 = arith.addi %mul3A_326, %add3A_327 : i32
          %sub3A_329 = arith.constant 20000 : i32
          %sub3A_330 = arith.subi %sub3A_329, %add3A_328 : i32
          %lt3A_331 = vector.broadcast %sub3A_330 : i32 to vector<16xi32>
          %lt3A_332 = arith.cmpi slt, %iota3A, %lt3A_331 : vector<16xi32>
          %and3A_333 = arith.andi %ge3A_324, %lt3A_332 : vector<16xi1>
          %jit3A = arith.constant 1 : i32
          %jit3A_334 = arith.constant 0 : i32
          %broadcast_in_dim3A_335 = vector.broadcast %jit3A : i32 to vector<16xi32>
          %broadcast_in_dim3A_336 = vector.broadcast %jit3A_334 : i32 to vector<16xi32>
          %select_n3A = arith.select %and3A_333, %broadcast_in_dim3A_335, %broadcast_in_dim3A_336 : vector<16xi1>, vector<16xi32>
          %swap3A_337 = arith.constant 0 : index
          %swap3A_338 = tpu.vector_load %arg19[%swap3A_337] {strides = array<i32>} : memref<144xi32, #tpu.memory_space<vmem>>, vector<16xi32>,
          %swap3A_339 = vector.shape_cast %swap3A_338 : vector<16xi32> to vector<16xi32>
          %swap3A_340 = vector.shape_cast %select_n3A : vector<16xi32> to vector<16xi32>
          tpu.vector_store %arg19[%swap3A_337], %swap3A_340 {strides = array<i32>} : memref<144xi32, #tpu.memory_space<vmem>>, vector<16xi32>,
          %get3A_341 = arith.constant 16 : index
          %get3A_342 = tpu.vector_load %arg14[%get3A_341] {strides = array<i32>} : memref<128xf32, #tpu.memory_space<vmem>>, vector<16xf32>,
          %get3A_343 = vector.shape_cast %get3A_342 : vector<16xf32> to vector<16xf32>
          %get3A_344 = arith.constant 16 : index
          %get3A_345 = tpu.vector_load %arg12[%get3A_344] {strides = array<i32>} : memref<128xf32, #tpu.memory_space<vmem>>, vector<16xf32>,
          %get3A_346 = vector.shape_cast %get3A_345 : vector<16xf32> to vector<16xf32>
          %sub3A_347 = arith.subf %get3A_343, %get3A_346 : vector<16xf32>
          %get3A_348 = arith.constant 16 : index
          %get3A_349 = tpu.vector_load %arg15[%get3A_348] {strides = array<i32>} : memref<128xf32, #tpu.memory_space<vmem>>, vector<16xf32>,
          %get3A_350 = vector.shape_cast %get3A_349 : vector<16xf32> to vector<16xf32>
          %get3A_351 = arith.constant 16 : index
          %get3A_352 = tpu.vector_load %arg13[%get3A_351] {strides = array<i32>} : memref<128xf32, #tpu.memory_space<vmem>>, vector<16xf32>,
          %get3A_353 = vector.shape_cast %get3A_352 : vector<16xf32> to vector<16xf32>
          %sub3A_354 = arith.subf %get3A_350, %get3A_353 : vector<16xf32>
          %mul3A_355 = arith.mulf %sub3A_347, %sub3A_354 : vector<16xf32>
          %swap3A_356 = arith.constant 16 : index
          %swap3A_357 = tpu.vector_load %arg18[%swap3A_356] {strides = array<i32>} : memref<128xf32, #tpu.memory_space<vmem>>, vector<16xf32>,
          %swap3A_358 = vector.shape_cast %swap3A_357 : vector<16xf32> to vector<16xf32>
          %swap3A_359 = vector.shape_cast %mul3A_355 : vector<16xf32> to vector<16xf32>
          tpu.vector_store %arg18[%swap3A_356], %swap3A_359 {strides = array<i32>} : memref<128xf32, #tpu.memory_space<vmem>>, vector<16xf32>,
          %get3A_360 = arith.constant 16 : index
          %get3A_361 = tpu.vector_load %arg16[%get3A_360] {strides = array<i32>} : memref<128xf32, #tpu.memory_space<vmem>>, vector<16xf32>,
          %get3A_362 = vector.shape_cast %get3A_361 : vector<16xf32> to vector<16xf32>
          %ge3A_363 = arith.constant 5.000000e-01 : f32
          %ge3A_364 = vector.broadcast %ge3A_363 : f32 to vector<16xf32>
          %ge3A_365 = arith.cmpf oge, %get3A_362, %ge3A_364 : vector<16xf32>
          %mul3A_366 = arith.constant 128 : i32
          %mul3A_367 = arith.muli %scan3A_270, %mul3A_366 : i32
          %add3A_368 = arith.constant 16 : i32
          %add3A_369 = arith.addi %mul3A_367, %add3A_368 : i32
          %sub3A_370 = arith.constant 20000 : i32
          %sub3A_371 = arith.subi %sub3A_370, %add3A_369 : i32
          %lt3A_372 = vector.broadcast %sub3A_371 : i32 to vector<16xi32>
          %lt3A_373 = arith.cmpi slt, %iota3A, %lt3A_372 : vector<16xi32>
          %and3A_374 = arith.andi %ge3A_365, %lt3A_373 : vector<16xi1>
          %jit3A_375 = arith.constant 1 : i32
          %jit3A_376 = arith.constant 0 : i32
          %broadcast_in_dim3A_377 = vector.broadcast %jit3A_375 : i32 to vector<16xi32>
          %broadcast_in_dim3A_378 = vector.broadcast %jit3A_376 : i32 to vector<16xi32>
          %select_n3A_379 = arith.select %and3A_374, %broadcast_in_dim3A_377, %broadcast_in_dim3A_378 : vector<16xi1>, vector<16xi32>
          %swap3A_380 = arith.constant 16 : index
          %swap3A_381 = tpu.vector_load %arg19[%swap3A_380] {strides = array<i32>} : memref<144xi32, #tpu.memory_space<vmem>>, vector<16xi32>,
          %swap3A_382 = vector.shape_cast %swap3A_381 : vector<16xi32> to vector<16xi32>
          %swap3A_383 = vector.shape_cast %select_n3A_379 : vector<16xi32> to vector<16xi32>
          tpu.vector_store %arg19[%swap3A_380], %swap3A_383 {strides = array<i32>} : memref<144xi32, #tpu.memory_space<vmem>>, vector<16xi32>,
          %get3A_384 = arith.constant 32 : index
          %get3A_385 = tpu.vector_load %arg14[%get3A_384] {strides = array<i32>} : memref<128xf32, #tpu.memory_space<vmem>>, vector<16xf32>,
          %get3A_386 = vector.shape_cast %get3A_385 : vector<16xf32> to vector<16xf32>
          %get3A_387 = arith.constant 32 : index
          %get3A_388 = tpu.vector_load %arg12[%get3A_387] {strides = array<i32>} : memref<128xf32, #tpu.memory_space<vmem>>, vector<16xf32>,
          %get3A_389 = vector.shape_cast %get3A_388 : vector<16xf32> to vector<16xf32>
          %sub3A_390 = arith.subf %get3A_386, %get3A_389 : vector<16xf32>
          %get3A_391 = arith.constant 32 : index
          %get3A_392 = tpu.vector_load %arg15[%get3A_391] {strides = array<i32>} : memref<128xf32, #tpu.memory_space<vmem>>, vector<16xf32>,
          %get3A_393 = vector.shape_cast %get3A_392 : vector<16xf32> to vector<16xf32>
          %get3A_394 = arith.constant 32 : index
          %get3A_395 = tpu.vector_load %arg13[%get3A_394] {strides = array<i32>} : memref<128xf32, #tpu.memory_space<vmem>>, vector<16xf32>,
          %get3A_396 = vector.shape_cast %get3A_395 : vector<16xf32> to vector<16xf32>
          %sub3A_397 = arith.subf %get3A_393, %get3A_396 : vector<16xf32>
          %mul3A_398 = arith.mulf %sub3A_390, %sub3A_397 : vector<16xf32>
          %swap3A_399 = arith.constant 32 : index
          %swap3A_400 = tpu.vector_load %arg18[%swap3A_399] {strides = array<i32>} : memref<128xf32, #tpu.memory_space<vmem>>, vector<16xf32>,
          %swap3A_401 = vector.shape_cast %swap3A_400 : vector<16xf32> to vector<16xf32>
          %swap3A_402 = vector.shape_cast %mul3A_398 : vector<16xf32> to vector<16xf32>
          tpu.vector_store %arg18[%swap3A_399], %swap3A_402 {strides = array<i32>} : memref<128xf32, #tpu.memory_space<vmem>>, vector<16xf32>,
          %get3A_403 = arith.constant 32 : index
          %get3A_404 = tpu.vector_load %arg16[%get3A_403] {strides = array<i32>} : memref<128xf32, #tpu.memory_space<vmem>>, vector<16xf32>,
          %get3A_405 = vector.shape_cast %get3A_404 : vector<16xf32> to vector<16xf32>
          %ge3A_406 = arith.constant 5.000000e-01 : f32
          %ge3A_407 = vector.broadcast %ge3A_406 : f32 to vector<16xf32>
          %ge3A_408 = arith.cmpf oge, %get3A_405, %ge3A_407 : vector<16xf32>
          %mul3A_409 = arith.constant 128 : i32
          %mul3A_410 = arith.muli %scan3A_270, %mul3A_409 : i32
          %add3A_411 = arith.constant 32 : i32
          %add3A_412 = arith.addi %mul3A_410, %add3A_411 : i32
          %sub3A_413 = arith.constant 20000 : i32
          %sub3A_414 = arith.subi %sub3A_413, %add3A_412 : i32
          %lt3A_415 = vector.broadcast %sub3A_414 : i32 to vector<16xi32>
          %lt3A_416 = arith.cmpi slt, %iota3A, %lt3A_415 : vector<16xi32>
          %and3A_417 = arith.andi %ge3A_408, %lt3A_416 : vector<16xi1>
          %jit3A_418 = arith.constant 1 : i32
          %jit3A_419 = arith.constant 0 : i32
          %broadcast_in_dim3A_420 = vector.broadcast %jit3A_418 : i32 to vector<16xi32>
          %broadcast_in_dim3A_421 = vector.broadcast %jit3A_419 : i32 to vector<16xi32>
          %select_n3A_422 = arith.select %and3A_417, %broadcast_in_dim3A_420, %broadcast_in_dim3A_421 : vector<16xi1>, vector<16xi32>
          %swap3A_423 = arith.constant 32 : index
          %swap3A_424 = tpu.vector_load %arg19[%swap3A_423] {strides = array<i32>} : memref<144xi32, #tpu.memory_space<vmem>>, vector<16xi32>,
          %swap3A_425 = vector.shape_cast %swap3A_424 : vector<16xi32> to vector<16xi32>
          %swap3A_426 = vector.shape_cast %select_n3A_422 : vector<16xi32> to vector<16xi32>
          tpu.vector_store %arg19[%swap3A_423], %swap3A_426 {strides = array<i32>} : memref<144xi32, #tpu.memory_space<vmem>>, vector<16xi32>,
          %get3A_427 = arith.constant 48 : index
          %get3A_428 = tpu.vector_load %arg14[%get3A_427] {strides = array<i32>} : memref<128xf32, #tpu.memory_space<vmem>>, vector<16xf32>,
          %get3A_429 = vector.shape_cast %get3A_428 : vector<16xf32> to vector<16xf32>
          %get3A_430 = arith.constant 48 : index
          %get3A_431 = tpu.vector_load %arg12[%get3A_430] {strides = array<i32>} : memref<128xf32, #tpu.memory_space<vmem>>, vector<16xf32>,
          %get3A_432 = vector.shape_cast %get3A_431 : vector<16xf32> to vector<16xf32>
          %sub3A_433 = arith.subf %get3A_429, %get3A_432 : vector<16xf32>
          %get3A_434 = arith.constant 48 : index
          %get3A_435 = tpu.vector_load %arg15[%get3A_434] {strides = array<i32>} : memref<128xf32, #tpu.memory_space<vmem>>, vector<16xf32>,
          %get3A_436 = vector.shape_cast %get3A_435 : vector<16xf32> to vector<16xf32>
          %get3A_437 = arith.constant 48 : index
          %get3A_438 = tpu.vector_load %arg13[%get3A_437] {strides = array<i32>} : memref<128xf32, #tpu.memory_space<vmem>>, vector<16xf32>,
          %get3A_439 = vector.shape_cast %get3A_438 : vector<16xf32> to vector<16xf32>
          %sub3A_440 = arith.subf %get3A_436, %get3A_439 : vector<16xf32>
          %mul3A_441 = arith.mulf %sub3A_433, %sub3A_440 : vector<16xf32>
          %swap3A_442 = arith.constant 48 : index
          %swap3A_443 = tpu.vector_load %arg18[%swap3A_442] {strides = array<i32>} : memref<128xf32, #tpu.memory_space<vmem>>, vector<16xf32>,
          %swap3A_444 = vector.shape_cast %swap3A_443 : vector<16xf32> to vector<16xf32>
          %swap3A_445 = vector.shape_cast %mul3A_441 : vector<16xf32> to vector<16xf32>
          tpu.vector_store %arg18[%swap3A_442], %swap3A_445 {strides = array<i32>} : memref<128xf32, #tpu.memory_space<vmem>>, vector<16xf32>,
          %get3A_446 = arith.constant 48 : index
          %get3A_447 = tpu.vector_load %arg16[%get3A_446] {strides = array<i32>} : memref<128xf32, #tpu.memory_space<vmem>>, vector<16xf32>,
          %get3A_448 = vector.shape_cast %get3A_447 : vector<16xf32> to vector<16xf32>
          %ge3A_449 = arith.constant 5.000000e-01 : f32
          %ge3A_450 = vector.broadcast %ge3A_449 : f32 to vector<16xf32>
          %ge3A_451 = arith.cmpf oge, %get3A_448, %ge3A_450 : vector<16xf32>
          %mul3A_452 = arith.constant 128 : i32
          %mul3A_453 = arith.muli %scan3A_270, %mul3A_452 : i32
          %add3A_454 = arith.constant 48 : i32
          %add3A_455 = arith.addi %mul3A_453, %add3A_454 : i32
          %sub3A_456 = arith.constant 20000 : i32
          %sub3A_457 = arith.subi %sub3A_456, %add3A_455 : i32
          %lt3A_458 = vector.broadcast %sub3A_457 : i32 to vector<16xi32>
          %lt3A_459 = arith.cmpi slt, %iota3A, %lt3A_458 : vector<16xi32>
          %and3A_460 = arith.andi %ge3A_451, %lt3A_459 : vector<16xi1>
          %jit3A_461 = arith.constant 1 : i32
          %jit3A_462 = arith.constant 0 : i32
          %broadcast_in_dim3A_463 = vector.broadcast %jit3A_461 : i32 to vector<16xi32>
          %broadcast_in_dim3A_464 = vector.broadcast %jit3A_462 : i32 to vector<16xi32>
          %select_n3A_465 = arith.select %and3A_460, %broadcast_in_dim3A_463, %broadcast_in_dim3A_464 : vector<16xi1>, vector<16xi32>
          %swap3A_466 = arith.constant 48 : index
          %swap3A_467 = tpu.vector_load %arg19[%swap3A_466] {strides = array<i32>} : memref<144xi32, #tpu.memory_space<vmem>>, vector<16xi32>,
          %swap3A_468 = vector.shape_cast %swap3A_467 : vector<16xi32> to vector<16xi32>
          %swap3A_469 = vector.shape_cast %select_n3A_465 : vector<16xi32> to vector<16xi32>
          tpu.vector_store %arg19[%swap3A_466], %swap3A_469 {strides = array<i32>} : memref<144xi32, #tpu.memory_space<vmem>>, vector<16xi32>,
          %get3A_470 = arith.constant 64 : index
          %get3A_471 = tpu.vector_load %arg14[%get3A_470] {strides = array<i32>} : memref<128xf32, #tpu.memory_space<vmem>>, vector<16xf32>,
          %get3A_472 = vector.shape_cast %get3A_471 : vector<16xf32> to vector<16xf32>
          %get3A_473 = arith.constant 64 : index
          %get3A_474 = tpu.vector_load %arg12[%get3A_473] {strides = array<i32>} : memref<128xf32, #tpu.memory_space<vmem>>, vector<16xf32>,
          %get3A_475 = vector.shape_cast %get3A_474 : vector<16xf32> to vector<16xf32>
          %sub3A_476 = arith.subf %get3A_472, %get3A_475 : vector<16xf32>
          %get3A_477 = arith.constant 64 : index
          %get3A_478 = tpu.vector_load %arg15[%get3A_477] {strides = array<i32>} : memref<128xf32, #tpu.memory_space<vmem>>, vector<16xf32>,
          %get3A_479 = vector.shape_cast %get3A_478 : vector<16xf32> to vector<16xf32>
          %get3A_480 = arith.constant 64 : index
          %get3A_481 = tpu.vector_load %arg13[%get3A_480] {strides = array<i32>} : memref<128xf32, #tpu.memory_space<vmem>>, vector<16xf32>,
          %get3A_482 = vector.shape_cast %get3A_481 : vector<16xf32> to vector<16xf32>
          %sub3A_483 = arith.subf %get3A_479, %get3A_482 : vector<16xf32>
          %mul3A_484 = arith.mulf %sub3A_476, %sub3A_483 : vector<16xf32>
          %swap3A_485 = arith.constant 64 : index
          %swap3A_486 = tpu.vector_load %arg18[%swap3A_485] {strides = array<i32>} : memref<128xf32, #tpu.memory_space<vmem>>, vector<16xf32>,
          %swap3A_487 = vector.shape_cast %swap3A_486 : vector<16xf32> to vector<16xf32>
          %swap3A_488 = vector.shape_cast %mul3A_484 : vector<16xf32> to vector<16xf32>
          tpu.vector_store %arg18[%swap3A_485], %swap3A_488 {strides = array<i32>} : memref<128xf32, #tpu.memory_space<vmem>>, vector<16xf32>,
          %get3A_489 = arith.constant 64 : index
          %get3A_490 = tpu.vector_load %arg16[%get3A_489] {strides = array<i32>} : memref<128xf32, #tpu.memory_space<vmem>>, vector<16xf32>,
          %get3A_491 = vector.shape_cast %get3A_490 : vector<16xf32> to vector<16xf32>
          %ge3A_492 = arith.constant 5.000000e-01 : f32
          %ge3A_493 = vector.broadcast %ge3A_492 : f32 to vector<16xf32>
          %ge3A_494 = arith.cmpf oge, %get3A_491, %ge3A_493 : vector<16xf32>
          %mul3A_495 = arith.constant 128 : i32
          %mul3A_496 = arith.muli %scan3A_270, %mul3A_495 : i32
          %add3A_497 = arith.constant 64 : i32
          %add3A_498 = arith.addi %mul3A_496, %add3A_497 : i32
          %sub3A_499 = arith.constant 20000 : i32
          %sub3A_500 = arith.subi %sub3A_499, %add3A_498 : i32
          %lt3A_501 = vector.broadcast %sub3A_500 : i32 to vector<16xi32>
          %lt3A_502 = arith.cmpi slt, %iota3A, %lt3A_501 : vector<16xi32>
          %and3A_503 = arith.andi %ge3A_494, %lt3A_502 : vector<16xi1>
          %jit3A_504 = arith.constant 1 : i32
          %jit3A_505 = arith.constant 0 : i32
          %broadcast_in_dim3A_506 = vector.broadcast %jit3A_504 : i32 to vector<16xi32>
          %broadcast_in_dim3A_507 = vector.broadcast %jit3A_505 : i32 to vector<16xi32>
          %select_n3A_508 = arith.select %and3A_503, %broadcast_in_dim3A_506, %broadcast_in_dim3A_507 : vector<16xi1>, vector<16xi32>
          %swap3A_509 = arith.constant 64 : index
          %swap3A_510 = tpu.vector_load %arg19[%swap3A_509] {strides = array<i32>} : memref<144xi32, #tpu.memory_space<vmem>>, vector<16xi32>,
          %swap3A_511 = vector.shape_cast %swap3A_510 : vector<16xi32> to vector<16xi32>
          %swap3A_512 = vector.shape_cast %select_n3A_508 : vector<16xi32> to vector<16xi32>
          tpu.vector_store %arg19[%swap3A_509], %swap3A_512 {strides = array<i32>} : memref<144xi32, #tpu.memory_space<vmem>>, vector<16xi32>,
          %get3A_513 = arith.constant 80 : index
          %get3A_514 = tpu.vector_load %arg14[%get3A_513] {strides = array<i32>} : memref<128xf32, #tpu.memory_space<vmem>>, vector<16xf32>,
          %get3A_515 = vector.shape_cast %get3A_514 : vector<16xf32> to vector<16xf32>
          %get3A_516 = arith.constant 80 : index
          %get3A_517 = tpu.vector_load %arg12[%get3A_516] {strides = array<i32>} : memref<128xf32, #tpu.memory_space<vmem>>, vector<16xf32>,
          %get3A_518 = vector.shape_cast %get3A_517 : vector<16xf32> to vector<16xf32>
          %sub3A_519 = arith.subf %get3A_515, %get3A_518 : vector<16xf32>
          %get3A_520 = arith.constant 80 : index
          %get3A_521 = tpu.vector_load %arg15[%get3A_520] {strides = array<i32>} : memref<128xf32, #tpu.memory_space<vmem>>, vector<16xf32>,
          %get3A_522 = vector.shape_cast %get3A_521 : vector<16xf32> to vector<16xf32>
          %get3A_523 = arith.constant 80 : index
          %get3A_524 = tpu.vector_load %arg13[%get3A_523] {strides = array<i32>} : memref<128xf32, #tpu.memory_space<vmem>>, vector<16xf32>,
          %get3A_525 = vector.shape_cast %get3A_524 : vector<16xf32> to vector<16xf32>
          %sub3A_526 = arith.subf %get3A_522, %get3A_525 : vector<16xf32>
          %mul3A_527 = arith.mulf %sub3A_519, %sub3A_526 : vector<16xf32>
          %swap3A_528 = arith.constant 80 : index
          %swap3A_529 = tpu.vector_load %arg18[%swap3A_528] {strides = array<i32>} : memref<128xf32, #tpu.memory_space<vmem>>, vector<16xf32>,
          %swap3A_530 = vector.shape_cast %swap3A_529 : vector<16xf32> to vector<16xf32>
          %swap3A_531 = vector.shape_cast %mul3A_527 : vector<16xf32> to vector<16xf32>
          tpu.vector_store %arg18[%swap3A_528], %swap3A_531 {strides = array<i32>} : memref<128xf32, #tpu.memory_space<vmem>>, vector<16xf32>,
          %get3A_532 = arith.constant 80 : index
          %get3A_533 = tpu.vector_load %arg16[%get3A_532] {strides = array<i32>} : memref<128xf32, #tpu.memory_space<vmem>>, vector<16xf32>,
          %get3A_534 = vector.shape_cast %get3A_533 : vector<16xf32> to vector<16xf32>
          %ge3A_535 = arith.constant 5.000000e-01 : f32
          %ge3A_536 = vector.broadcast %ge3A_535 : f32 to vector<16xf32>
          %ge3A_537 = arith.cmpf oge, %get3A_534, %ge3A_536 : vector<16xf32>
          %mul3A_538 = arith.constant 128 : i32
          %mul3A_539 = arith.muli %scan3A_270, %mul3A_538 : i32
          %add3A_540 = arith.constant 80 : i32
          %add3A_541 = arith.addi %mul3A_539, %add3A_540 : i32
          %sub3A_542 = arith.constant 20000 : i32
          %sub3A_543 = arith.subi %sub3A_542, %add3A_541 : i32
          %lt3A_544 = vector.broadcast %sub3A_543 : i32 to vector<16xi32>
          %lt3A_545 = arith.cmpi slt, %iota3A, %lt3A_544 : vector<16xi32>
          %and3A_546 = arith.andi %ge3A_537, %lt3A_545 : vector<16xi1>
          %jit3A_547 = arith.constant 1 : i32
          %jit3A_548 = arith.constant 0 : i32
          %broadcast_in_dim3A_549 = vector.broadcast %jit3A_547 : i32 to vector<16xi32>
          %broadcast_in_dim3A_550 = vector.broadcast %jit3A_548 : i32 to vector<16xi32>
          %select_n3A_551 = arith.select %and3A_546, %broadcast_in_dim3A_549, %broadcast_in_dim3A_550 : vector<16xi1>, vector<16xi32>
          %swap3A_552 = arith.constant 80 : index
          %swap3A_553 = tpu.vector_load %arg19[%swap3A_552] {strides = array<i32>} : memref<144xi32, #tpu.memory_space<vmem>>, vector<16xi32>,
          %swap3A_554 = vector.shape_cast %swap3A_553 : vector<16xi32> to vector<16xi32>
          %swap3A_555 = vector.shape_cast %select_n3A_551 : vector<16xi32> to vector<16xi32>
          tpu.vector_store %arg19[%swap3A_552], %swap3A_555 {strides = array<i32>} : memref<144xi32, #tpu.memory_space<vmem>>, vector<16xi32>,
          %get3A_556 = arith.constant 96 : index
          %get3A_557 = tpu.vector_load %arg14[%get3A_556] {strides = array<i32>} : memref<128xf32, #tpu.memory_space<vmem>>, vector<16xf32>,
          %get3A_558 = vector.shape_cast %get3A_557 : vector<16xf32> to vector<16xf32>
          %get3A_559 = arith.constant 96 : index
          %get3A_560 = tpu.vector_load %arg12[%get3A_559] {strides = array<i32>} : memref<128xf32, #tpu.memory_space<vmem>>, vector<16xf32>,
          %get3A_561 = vector.shape_cast %get3A_560 : vector<16xf32> to vector<16xf32>
          %sub3A_562 = arith.subf %get3A_558, %get3A_561 : vector<16xf32>
          %get3A_563 = arith.constant 96 : index
          %get3A_564 = tpu.vector_load %arg15[%get3A_563] {strides = array<i32>} : memref<128xf32, #tpu.memory_space<vmem>>, vector<16xf32>,
          %get3A_565 = vector.shape_cast %get3A_564 : vector<16xf32> to vector<16xf32>
          %get3A_566 = arith.constant 96 : index
          %get3A_567 = tpu.vector_load %arg13[%get3A_566] {strides = array<i32>} : memref<128xf32, #tpu.memory_space<vmem>>, vector<16xf32>,
          %get3A_568 = vector.shape_cast %get3A_567 : vector<16xf32> to vector<16xf32>
          %sub3A_569 = arith.subf %get3A_565, %get3A_568 : vector<16xf32>
          %mul3A_570 = arith.mulf %sub3A_562, %sub3A_569 : vector<16xf32>
          %swap3A_571 = arith.constant 96 : index
          %swap3A_572 = tpu.vector_load %arg18[%swap3A_571] {strides = array<i32>} : memref<128xf32, #tpu.memory_space<vmem>>, vector<16xf32>,
          %swap3A_573 = vector.shape_cast %swap3A_572 : vector<16xf32> to vector<16xf32>
          %swap3A_574 = vector.shape_cast %mul3A_570 : vector<16xf32> to vector<16xf32>
          tpu.vector_store %arg18[%swap3A_571], %swap3A_574 {strides = array<i32>} : memref<128xf32, #tpu.memory_space<vmem>>, vector<16xf32>,
          %get3A_575 = arith.constant 96 : index
          %get3A_576 = tpu.vector_load %arg16[%get3A_575] {strides = array<i32>} : memref<128xf32, #tpu.memory_space<vmem>>, vector<16xf32>,
          %get3A_577 = vector.shape_cast %get3A_576 : vector<16xf32> to vector<16xf32>
          %ge3A_578 = arith.constant 5.000000e-01 : f32
          %ge3A_579 = vector.broadcast %ge3A_578 : f32 to vector<16xf32>
          %ge3A_580 = arith.cmpf oge, %get3A_577, %ge3A_579 : vector<16xf32>
          %mul3A_581 = arith.constant 128 : i32
          %mul3A_582 = arith.muli %scan3A_270, %mul3A_581 : i32
          %add3A_583 = arith.constant 96 : i32
          %add3A_584 = arith.addi %mul3A_582, %add3A_583 : i32
          %sub3A_585 = arith.constant 20000 : i32
          %sub3A_586 = arith.subi %sub3A_585, %add3A_584 : i32
          %lt3A_587 = vector.broadcast %sub3A_586 : i32 to vector<16xi32>
          %lt3A_588 = arith.cmpi slt, %iota3A, %lt3A_587 : vector<16xi32>
          %and3A_589 = arith.andi %ge3A_580, %lt3A_588 : vector<16xi1>
          %jit3A_590 = arith.constant 1 : i32
          %jit3A_591 = arith.constant 0 : i32
          %broadcast_in_dim3A_592 = vector.broadcast %jit3A_590 : i32 to vector<16xi32>
          %broadcast_in_dim3A_593 = vector.broadcast %jit3A_591 : i32 to vector<16xi32>
          %select_n3A_594 = arith.select %and3A_589, %broadcast_in_dim3A_592, %broadcast_in_dim3A_593 : vector<16xi1>, vector<16xi32>
          %swap3A_595 = arith.constant 96 : index
          %swap3A_596 = tpu.vector_load %arg19[%swap3A_595] {strides = array<i32>} : memref<144xi32, #tpu.memory_space<vmem>>, vector<16xi32>,
          %swap3A_597 = vector.shape_cast %swap3A_596 : vector<16xi32> to vector<16xi32>
          %swap3A_598 = vector.shape_cast %select_n3A_594 : vector<16xi32> to vector<16xi32>
          tpu.vector_store %arg19[%swap3A_595], %swap3A_598 {strides = array<i32>} : memref<144xi32, #tpu.memory_space<vmem>>, vector<16xi32>,
          %get3A_599 = arith.constant 112 : index
          %get3A_600 = tpu.vector_load %arg14[%get3A_599] {strides = array<i32>} : memref<128xf32, #tpu.memory_space<vmem>>, vector<16xf32>,
          %get3A_601 = vector.shape_cast %get3A_600 : vector<16xf32> to vector<16xf32>
          %get3A_602 = arith.constant 112 : index
          %get3A_603 = tpu.vector_load %arg12[%get3A_602] {strides = array<i32>} : memref<128xf32, #tpu.memory_space<vmem>>, vector<16xf32>,
          %get3A_604 = vector.shape_cast %get3A_603 : vector<16xf32> to vector<16xf32>
          %sub3A_605 = arith.subf %get3A_601, %get3A_604 : vector<16xf32>
          %get3A_606 = arith.constant 112 : index
          %get3A_607 = tpu.vector_load %arg15[%get3A_606] {strides = array<i32>} : memref<128xf32, #tpu.memory_space<vmem>>, vector<16xf32>,
          %get3A_608 = vector.shape_cast %get3A_607 : vector<16xf32> to vector<16xf32>
          %get3A_609 = arith.constant 112 : index
          %get3A_610 = tpu.vector_load %arg13[%get3A_609] {strides = array<i32>} : memref<128xf32, #tpu.memory_space<vmem>>, vector<16xf32>,
          %get3A_611 = vector.shape_cast %get3A_610 : vector<16xf32> to vector<16xf32>
          %sub3A_612 = arith.subf %get3A_608, %get3A_611 : vector<16xf32>
          %mul3A_613 = arith.mulf %sub3A_605, %sub3A_612 : vector<16xf32>
          %swap3A_614 = arith.constant 112 : index
          %swap3A_615 = tpu.vector_load %arg18[%swap3A_614] {strides = array<i32>} : memref<128xf32, #tpu.memory_space<vmem>>, vector<16xf32>,
          %swap3A_616 = vector.shape_cast %swap3A_615 : vector<16xf32> to vector<16xf32>
          %swap3A_617 = vector.shape_cast %mul3A_613 : vector<16xf32> to vector<16xf32>
          tpu.vector_store %arg18[%swap3A_614], %swap3A_617 {strides = array<i32>} : memref<128xf32, #tpu.memory_space<vmem>>, vector<16xf32>,
          %get3A_618 = arith.constant 112 : index
          %get3A_619 = tpu.vector_load %arg16[%get3A_618] {strides = array<i32>} : memref<128xf32, #tpu.memory_space<vmem>>, vector<16xf32>,
          %get3A_620 = vector.shape_cast %get3A_619 : vector<16xf32> to vector<16xf32>
          %ge3A_621 = arith.constant 5.000000e-01 : f32
          %ge3A_622 = vector.broadcast %ge3A_621 : f32 to vector<16xf32>
          %ge3A_623 = arith.cmpf oge, %get3A_620, %ge3A_622 : vector<16xf32>
          %mul3A_624 = arith.constant 128 : i32
          %mul3A_625 = arith.muli %scan3A_270, %mul3A_624 : i32
          %add3A_626 = arith.constant 112 : i32
          %add3A_627 = arith.addi %mul3A_625, %add3A_626 : i32
          %sub3A_628 = arith.constant 20000 : i32
          %sub3A_629 = arith.subi %sub3A_628, %add3A_627 : i32
          %lt3A_630 = vector.broadcast %sub3A_629 : i32 to vector<16xi32>
          %lt3A_631 = arith.cmpi slt, %iota3A, %lt3A_630 : vector<16xi32>
          %and3A_632 = arith.andi %ge3A_623, %lt3A_631 : vector<16xi1>
          %jit3A_633 = arith.constant 1 : i32
          %jit3A_634 = arith.constant 0 : i32
          %broadcast_in_dim3A_635 = vector.broadcast %jit3A_633 : i32 to vector<16xi32>
          %broadcast_in_dim3A_636 = vector.broadcast %jit3A_634 : i32 to vector<16xi32>
          %select_n3A_637 = arith.select %and3A_632, %broadcast_in_dim3A_635, %broadcast_in_dim3A_636 : vector<16xi1>, vector<16xi32>
          %swap3A_638 = arith.constant 112 : index
          %swap3A_639 = tpu.vector_load %arg19[%swap3A_638] {strides = array<i32>} : memref<144xi32, #tpu.memory_space<vmem>>, vector<16xi32>,
          %swap3A_640 = vector.shape_cast %swap3A_639 : vector<16xi32> to vector<16xi32>
          %swap3A_641 = vector.shape_cast %select_n3A_637 : vector<16xi32> to vector<16xi32>
          tpu.vector_store %arg19[%swap3A_638], %swap3A_641 {strides = array<i32>} : memref<144xi32, #tpu.memory_space<vmem>>, vector<16xi32>,
          %get3A_642 = arith.constant 0 : index
          %get3A_643 = tpu.vector_load %arg16[%get3A_642] {strides = array<i32>} : memref<128xf32, #tpu.memory_space<vmem>>, vector<16xf32>,
          %get3A_644 = vector.shape_cast %get3A_643 : vector<16xf32> to vector<16xf32>
          %slice3A = vector.extract_strided_slice %get3A_644 {offsets = [0], sizes = [1], strides = [1]} : vector<16xf32> to vector<1xf32>
          %squeeze3A = vector.extract %slice3A[0] : f32 from vector<1xf32>
          %ge3A_645 = arith.constant 5.000000e-01 : f32
          %ge3A_646 = arith.cmpf oge, %squeeze3A, %ge3A_645 : f32
          %gt3A = arith.constant 0 : i32
          %gt3A_647 = arith.cmpi sgt, %scan3A_271, %gt3A : i32
          %and3A_648 = arith.andi %ge3A_646, %gt3A_647 : i1
          %convert_element_type3A_649 = arith.extui %and3A_648 : i1 to i32
          %cond3A_650 = arith.constant 0 : i32
          %cond3A_651 = arith.cmpi ne, %convert_element_type3A_649, %cond3A_650 : i32
          scf.if %cond3A_651 {
            %while3A = arith.constant 0 : i32
            %while3A_666 = arith.constant 0 : i32
            %while3A_667 = arith.subi %scan3A_271, %while3A : i32
            %while3A_668 = arith.addi %while3A, %while3A_667 : i32
            %while3A_669 = arith.constant 1 : i32
            %while3A_670 = arith.divsi %while3A_667, %while3A_669 : i32
            %while3A_671 = arith.muli %while3A_670, %while3A_669 : i32
            %while3A_672 = arith.addi %while3A, %while3A_671 : i32
            %while3A_673 = arith.constant 1 : i32
            %while3A_674 = scf.for %while3A_677 = %while3A to %while3A_672 step %while3A_673 iter_args(%while3A_678 = %while3A_666) -> (i32)  : i32 {
              %and3A_679 = arith.constant -16 : i32
              %and3A_680 = arith.andi %while3A_677, %and3A_679 : i32
              %sub3A_681 = arith.subi %while3A_677, %and3A_680 : i32
              %get3A_682 = arith.index_cast %and3A_680 : i32 to index
              %get3A_683 = tpu.vector_load %arg20[%get3A_682] {strides = array<i32>} : memref<128xf32, #tpu.memory_space<vmem>>, vector<16xf32>,
              %get3A_684 = vector.shape_cast %get3A_683 : vector<16xf32> to vector<16xf32>
              %broadcast_in_dim3A_685 = vector.broadcast %sub3A_681 : i32 to vector<16xi32>
              %lt3A_686 = arith.constant 0 : i32
              %lt3A_687 = vector.broadcast %lt3A_686 : i32 to vector<16xi32>
              %lt3A_688 = arith.cmpi slt, %broadcast_in_dim3A_685, %lt3A_687 : vector<16xi32>
              %add3A_689 = arith.constant 16 : i32
              %add3A_690 = vector.broadcast %add3A_689 : i32 to vector<16xi32>
              %add3A_691 = arith.addi %broadcast_in_dim3A_685, %add3A_690 : vector<16xi32>
              %select_n3A_692 = arith.select %lt3A_688, %add3A_691, %broadcast_in_dim3A_685 : vector<16xi1>, vector<16xi32>
              %broadcast_in_dim3A_693 = vector.shape_cast %select_n3A_692 : vector<16xi32> to vector<16x1xi32>
              %gather3A = vector.shape_cast %broadcast_in_dim3A_693 : vector<16x1xi32> to vector<16xi32>
              %gather3A_694 = tpu.dynamic_gather %get3A_684[%gather3A] in [0] : vector<16xf32>, vector<16xi32> -> vector<16xf32>
              %get3A_695 = arith.index_cast %and3A_680 : i32 to index
              %get3A_696 = tpu.vector_load %arg21[%get3A_695] {strides = array<i32>} : memref<128xf32, #tpu.memory_space<vmem>>, vector<16xf32>,
              %get3A_697 = vector.shape_cast %get3A_696 : vector<16xf32> to vector<16xf32>
              %broadcast_in_dim3A_698 = vector.broadcast %sub3A_681 : i32 to vector<16xi32>
              %lt3A_699 = arith.constant 0 : i32
              %lt3A_700 = vector.broadcast %lt3A_699 : i32 to vector<16xi32>
              %lt3A_701 = arith.cmpi slt, %broadcast_in_dim3A_698, %lt3A_700 : vector<16xi32>
              %add3A_702 = arith.constant 16 : i32
              %add3A_703 = vector.broadcast %add3A_702 : i32 to vector<16xi32>
              %add3A_704 = arith.addi %broadcast_in_dim3A_698, %add3A_703 : vector<16xi32>
              %select_n3A_705 = arith.select %lt3A_701, %add3A_704, %broadcast_in_dim3A_698 : vector<16xi1>, vector<16xi32>
              %broadcast_in_dim3A_706 = vector.shape_cast %select_n3A_705 : vector<16xi32> to vector<16x1xi32>
              %gather3A_707 = vector.shape_cast %broadcast_in_dim3A_706 : vector<16x1xi32> to vector<16xi32>
              %gather3A_708 = tpu.dynamic_gather %get3A_697[%gather3A_707] in [0] : vector<16xf32>, vector<16xi32> -> vector<16xf32>
              %get3A_709 = arith.index_cast %and3A_680 : i32 to index
              %get3A_710 = tpu.vector_load %arg22[%get3A_709] {strides = array<i32>} : memref<128xf32, #tpu.memory_space<vmem>>, vector<16xf32>,
              %get3A_711 = vector.shape_cast %get3A_710 : vector<16xf32> to vector<16xf32>
              %broadcast_in_dim3A_712 = vector.broadcast %sub3A_681 : i32 to vector<16xi32>
              %lt3A_713 = arith.constant 0 : i32
              %lt3A_714 = vector.broadcast %lt3A_713 : i32 to vector<16xi32>
              %lt3A_715 = arith.cmpi slt, %broadcast_in_dim3A_712, %lt3A_714 : vector<16xi32>
              %add3A_716 = arith.constant 16 : i32
              %add3A_717 = vector.broadcast %add3A_716 : i32 to vector<16xi32>
              %add3A_718 = arith.addi %broadcast_in_dim3A_712, %add3A_717 : vector<16xi32>
              %select_n3A_719 = arith.select %lt3A_715, %add3A_718, %broadcast_in_dim3A_712 : vector<16xi1>, vector<16xi32>
              %broadcast_in_dim3A_720 = vector.shape_cast %select_n3A_719 : vector<16xi32> to vector<16x1xi32>
              %gather3A_721 = vector.shape_cast %broadcast_in_dim3A_720 : vector<16x1xi32> to vector<16xi32>
              %gather3A_722 = tpu.dynamic_gather %get3A_711[%gather3A_721] in [0] : vector<16xf32>, vector<16xi32> -> vector<16xf32>
              %get3A_723 = arith.index_cast %and3A_680 : i32 to index
              %get3A_724 = tpu.vector_load %arg23[%get3A_723] {strides = array<i32>} : memref<128xf32, #tpu.memory_space<vmem>>, vector<16xf32>,
              %get3A_725 = vector.shape_cast %get3A_724 : vector<16xf32> to vector<16xf32>
              %broadcast_in_dim3A_726 = vector.broadcast %sub3A_681 : i32 to vector<16xi32>
              %lt3A_727 = arith.constant 0 : i32
              %lt3A_728 = vector.broadcast %lt3A_727 : i32 to vector<16xi32>
              %lt3A_729 = arith.cmpi slt, %broadcast_in_dim3A_726, %lt3A_728 : vector<16xi32>
              %add3A_730 = arith.constant 16 : i32
              %add3A_731 = vector.broadcast %add3A_730 : i32 to vector<16xi32>
              %add3A_732 = arith.addi %broadcast_in_dim3A_726, %add3A_731 : vector<16xi32>
              %select_n3A_733 = arith.select %lt3A_729, %add3A_732, %broadcast_in_dim3A_726 : vector<16xi1>, vector<16xi32>
              %broadcast_in_dim3A_734 = vector.shape_cast %select_n3A_733 : vector<16xi32> to vector<16x1xi32>
              %gather3A_735 = vector.shape_cast %broadcast_in_dim3A_734 : vector<16x1xi32> to vector<16xi32>
              %gather3A_736 = tpu.dynamic_gather %get3A_725[%gather3A_735] in [0] : vector<16xf32>, vector<16xi32> -> vector<16xf32>
              %get3A_737 = arith.index_cast %and3A_680 : i32 to index
              %get3A_738 = tpu.vector_load %arg26[%get3A_737] {strides = array<i32>} : memref<128xf32, #tpu.memory_space<vmem>>, vector<16xf32>,
              %get3A_739 = vector.shape_cast %get3A_738 : vector<16xf32> to vector<16xf32>
              %broadcast_in_dim3A_740 = vector.broadcast %sub3A_681 : i32 to vector<16xi32>
              %lt3A_741 = arith.constant 0 : i32
              %lt3A_742 = vector.broadcast %lt3A_741 : i32 to vector<16xi32>
              %lt3A_743 = arith.cmpi slt, %broadcast_in_dim3A_740, %lt3A_742 : vector<16xi32>
              %add3A_744 = arith.constant 16 : i32
              %add3A_745 = vector.broadcast %add3A_744 : i32 to vector<16xi32>
              %add3A_746 = arith.addi %broadcast_in_dim3A_740, %add3A_745 : vector<16xi32>
              %select_n3A_747 = arith.select %lt3A_743, %add3A_746, %broadcast_in_dim3A_740 : vector<16xi1>, vector<16xi32>
              %broadcast_in_dim3A_748 = vector.shape_cast %select_n3A_747 : vector<16xi32> to vector<16x1xi32>
              %gather3A_749 = vector.shape_cast %broadcast_in_dim3A_748 : vector<16x1xi32> to vector<16xi32>
              %gather3A_750 = tpu.dynamic_gather %get3A_739[%gather3A_749] in [0] : vector<16xf32>, vector<16xi32> -> vector<16xf32>
              %get3A_751 = arith.constant 0 : index
              %get3A_752 = tpu.vector_load %arg12[%get3A_751] {strides = array<i32>} : memref<128xf32, #tpu.memory_space<vmem>>, vector<16xf32>,
              %get3A_753 = vector.shape_cast %get3A_752 : vector<16xf32> to vector<16xf32>
              %max3A = arith.maximumf %get3A_753, %gather3A_694 : vector<16xf32>
              %get3A_754 = arith.constant 0 : index
              %get3A_755 = tpu.vector_load %arg13[%get3A_754] {strides = array<i32>} : memref<128xf32, #tpu.memory_space<vmem>>, vector<16xf32>,
              %get3A_756 = vector.shape_cast %get3A_755 : vector<16xf32> to vector<16xf32>
              %max3A_757 = arith.maximumf %get3A_756, %gather3A_708 : vector<16xf32>
              %get3A_758 = arith.constant 0 : index
              %get3A_759 = tpu.vector_load %arg14[%get3A_758] {strides = array<i32>} : memref<128xf32, #tpu.memory_space<vmem>>, vector<16xf32>,
              %get3A_760 = vector.shape_cast %get3A_759 : vector<16xf32> to vector<16xf32>
              %min3A = arith.minimumf %get3A_760, %gather3A_722 : vector<16xf32>
              %get3A_761 = arith.constant 0 : index
              %get3A_762 = tpu.vector_load %arg15[%get3A_761] {strides = array<i32>} : memref<128xf32, #tpu.memory_space<vmem>>, vector<16xf32>,
              %get3A_763 = vector.shape_cast %get3A_762 : vector<16xf32> to vector<16xf32>
              %min3A_764 = arith.minimumf %get3A_763, %gather3A_736 : vector<16xf32>
              %sub3A_765 = arith.subf %min3A, %max3A : vector<16xf32>
              %max3A_766 = arith.constant 0.000000e+00 : f32
              %max3A_767 = vector.broadcast %max3A_766 : f32 to vector<16xf32>
              %max3A_768 = arith.maximumf %sub3A_765, %max3A_767 : vector<16xf32>
              %sub3A_769 = arith.subf %min3A_764, %max3A_757 : vector<16xf32>
              %max3A_770 = arith.constant 0.000000e+00 : f32
              %max3A_771 = vector.broadcast %max3A_770 : f32 to vector<16xf32>
              %max3A_772 = arith.maximumf %sub3A_769, %max3A_771 : vector<16xf32>
              %mul3A_773 = arith.mulf %max3A_768, %max3A_772 : vector<16xf32>
              %get3A_774 = arith.constant 0 : index
              %get3A_775 = tpu.vector_load %arg18[%get3A_774] {strides = array<i32>} : memref<128xf32, #tpu.memory_space<vmem>>, vector<16xf32>,
              %get3A_776 = vector.shape_cast %get3A_775 : vector<16xf32> to vector<16xf32>
              %add3A_777 = arith.addf %gather3A_750, %get3A_776 : vector<16xf32>
              %sub3A_778 = arith.subf %add3A_777, %mul3A_773 : vector<16xf32>
              %add3A_779 = arith.constant 9.99999971E-10 : f32
              %add3A_780 = vector.broadcast %add3A_779 : f32 to vector<16xf32>
              %add3A_781 = arith.addf %sub3A_778, %add3A_780 : vector<16xf32>
              %div3A = arith.divf %mul3A_773, %add3A_781 : vector<16xf32>
              %gt3A_782 = arith.constant 5.000000e-01 : f32
              %gt3A_783 = vector.broadcast %gt3A_782 : f32 to vector<16xf32>
              %gt3A_784 = arith.cmpf ogt, %div3A, %gt3A_783 : vector<16xf32>
              %get3A_785 = arith.constant 0 : index
              %get3A_786 = tpu.vector_load %arg19[%get3A_785] {strides = array<i32>} : memref<144xi32, #tpu.memory_space<vmem>>, vector<16xi32>,
              %get3A_787 = vector.shape_cast %get3A_786 : vector<16xi32> to vector<16xi32>
              %jit3A_788 = arith.constant 0 : i32
              %broadcast_in_dim3A_789 = vector.broadcast %jit3A_788 : i32 to vector<16xi32>
              %select_n3A_790 = arith.select %gt3A_784, %broadcast_in_dim3A_789, %get3A_787 : vector<16xi1>, vector<16xi32>
              %swap3A_791 = arith.constant 0 : index
              %swap3A_792 = tpu.vector_load %arg19[%swap3A_791] {strides = array<i32>} : memref<144xi32, #tpu.memory_space<vmem>>, vector<16xi32>,
              %swap3A_793 = vector.shape_cast %swap3A_792 : vector<16xi32> to vector<16xi32>
              %swap3A_794 = vector.shape_cast %select_n3A_790 : vector<16xi32> to vector<16xi32>
              tpu.vector_store %arg19[%swap3A_791], %swap3A_794 {strides = array<i32>} : memref<144xi32, #tpu.memory_space<vmem>>, vector<16xi32>,
              %get3A_795 = arith.constant 16 : index
              %get3A_796 = tpu.vector_load %arg12[%get3A_795] {strides = array<i32>} : memref<128xf32, #tpu.memory_space<vmem>>, vector<16xf32>,
              %get3A_797 = vector.shape_cast %get3A_796 : vector<16xf32> to vector<16xf32>
              %max3A_798 = arith.maximumf %get3A_797, %gather3A_694 : vector<16xf32>
              %get3A_799 = arith.constant 16 : index
              %get3A_800 = tpu.vector_load %arg13[%get3A_799] {strides = array<i32>} : memref<128xf32, #tpu.memory_space<vmem>>, vector<16xf32>,
              %get3A_801 = vector.shape_cast %get3A_800 : vector<16xf32> to vector<16xf32>
              %max3A_802 = arith.maximumf %get3A_801, %gather3A_708 : vector<16xf32>
              %get3A_803 = arith.constant 16 : index
              %get3A_804 = tpu.vector_load %arg14[%get3A_803] {strides = array<i32>} : memref<128xf32, #tpu.memory_space<vmem>>, vector<16xf32>,
              %get3A_805 = vector.shape_cast %get3A_804 : vector<16xf32> to vector<16xf32>
              %min3A_806 = arith.minimumf %get3A_805, %gather3A_722 : vector<16xf32>
              %get3A_807 = arith.constant 16 : index
              %get3A_808 = tpu.vector_load %arg15[%get3A_807] {strides = array<i32>} : memref<128xf32, #tpu.memory_space<vmem>>, vector<16xf32>,
              %get3A_809 = vector.shape_cast %get3A_808 : vector<16xf32> to vector<16xf32>
              %min3A_810 = arith.minimumf %get3A_809, %gather3A_736 : vector<16xf32>
              %sub3A_811 = arith.subf %min3A_806, %max3A_798 : vector<16xf32>
              %max3A_812 = arith.constant 0.000000e+00 : f32
              %max3A_813 = vector.broadcast %max3A_812 : f32 to vector<16xf32>
              %max3A_814 = arith.maximumf %sub3A_811, %max3A_813 : vector<16xf32>
              %sub3A_815 = arith.subf %min3A_810, %max3A_802 : vector<16xf32>
              %max3A_816 = arith.constant 0.000000e+00 : f32
              %max3A_817 = vector.broadcast %max3A_816 : f32 to vector<16xf32>
              %max3A_818 = arith.maximumf %sub3A_815, %max3A_817 : vector<16xf32>
              %mul3A_819 = arith.mulf %max3A_814, %max3A_818 : vector<16xf32>
              %get3A_820 = arith.constant 16 : index
              %get3A_821 = tpu.vector_load %arg18[%get3A_820] {strides = array<i32>} : memref<128xf32, #tpu.memory_space<vmem>>, vector<16xf32>,
              %get3A_822 = vector.shape_cast %get3A_821 : vector<16xf32> to vector<16xf32>
              %add3A_823 = arith.addf %gather3A_750, %get3A_822 : vector<16xf32>
              %sub3A_824 = arith.subf %add3A_823, %mul3A_819 : vector<16xf32>
              %add3A_825 = arith.constant 9.99999971E-10 : f32
              %add3A_826 = vector.broadcast %add3A_825 : f32 to vector<16xf32>
              %add3A_827 = arith.addf %sub3A_824, %add3A_826 : vector<16xf32>
              %div3A_828 = arith.divf %mul3A_819, %add3A_827 : vector<16xf32>
              %gt3A_829 = arith.constant 5.000000e-01 : f32
              %gt3A_830 = vector.broadcast %gt3A_829 : f32 to vector<16xf32>
              %gt3A_831 = arith.cmpf ogt, %div3A_828, %gt3A_830 : vector<16xf32>
              %get3A_832 = arith.constant 16 : index
              %get3A_833 = tpu.vector_load %arg19[%get3A_832] {strides = array<i32>} : memref<144xi32, #tpu.memory_space<vmem>>, vector<16xi32>,
              %get3A_834 = vector.shape_cast %get3A_833 : vector<16xi32> to vector<16xi32>
              %jit3A_835 = arith.constant 0 : i32
              %broadcast_in_dim3A_836 = vector.broadcast %jit3A_835 : i32 to vector<16xi32>
              %select_n3A_837 = arith.select %gt3A_831, %broadcast_in_dim3A_836, %get3A_834 : vector<16xi1>, vector<16xi32>
              %swap3A_838 = arith.constant 16 : index
              %swap3A_839 = tpu.vector_load %arg19[%swap3A_838] {strides = array<i32>} : memref<144xi32, #tpu.memory_space<vmem>>, vector<16xi32>,
              %swap3A_840 = vector.shape_cast %swap3A_839 : vector<16xi32> to vector<16xi32>
              %swap3A_841 = vector.shape_cast %select_n3A_837 : vector<16xi32> to vector<16xi32>
              tpu.vector_store %arg19[%swap3A_838], %swap3A_841 {strides = array<i32>} : memref<144xi32, #tpu.memory_space<vmem>>, vector<16xi32>,
              %get3A_842 = arith.constant 32 : index
              %get3A_843 = tpu.vector_load %arg12[%get3A_842] {strides = array<i32>} : memref<128xf32, #tpu.memory_space<vmem>>, vector<16xf32>,
              %get3A_844 = vector.shape_cast %get3A_843 : vector<16xf32> to vector<16xf32>
              %max3A_845 = arith.maximumf %get3A_844, %gather3A_694 : vector<16xf32>
              %get3A_846 = arith.constant 32 : index
              %get3A_847 = tpu.vector_load %arg13[%get3A_846] {strides = array<i32>} : memref<128xf32, #tpu.memory_space<vmem>>, vector<16xf32>,
              %get3A_848 = vector.shape_cast %get3A_847 : vector<16xf32> to vector<16xf32>
              %max3A_849 = arith.maximumf %get3A_848, %gather3A_708 : vector<16xf32>
              %get3A_850 = arith.constant 32 : index
              %get3A_851 = tpu.vector_load %arg14[%get3A_850] {strides = array<i32>} : memref<128xf32, #tpu.memory_space<vmem>>, vector<16xf32>,
              %get3A_852 = vector.shape_cast %get3A_851 : vector<16xf32> to vector<16xf32>
              %min3A_853 = arith.minimumf %get3A_852, %gather3A_722 : vector<16xf32>
              %get3A_854 = arith.constant 32 : index
              %get3A_855 = tpu.vector_load %arg15[%get3A_854] {strides = array<i32>} : memref<128xf32, #tpu.memory_space<vmem>>, vector<16xf32>,
              %get3A_856 = vector.shape_cast %get3A_855 : vector<16xf32> to vector<16xf32>
              %min3A_857 = arith.minimumf %get3A_856, %gather3A_736 : vector<16xf32>
              %sub3A_858 = arith.subf %min3A_853, %max3A_845 : vector<16xf32>
              %max3A_859 = arith.constant 0.000000e+00 : f32
              %max3A_860 = vector.broadcast %max3A_859 : f32 to vector<16xf32>
              %max3A_861 = arith.maximumf %sub3A_858, %max3A_860 : vector<16xf32>
              %sub3A_862 = arith.subf %min3A_857, %max3A_849 : vector<16xf32>
              %max3A_863 = arith.constant 0.000000e+00 : f32
              %max3A_864 = vector.broadcast %max3A_863 : f32 to vector<16xf32>
              %max3A_865 = arith.maximumf %sub3A_862, %max3A_864 : vector<16xf32>
              %mul3A_866 = arith.mulf %max3A_861, %max3A_865 : vector<16xf32>
              %get3A_867 = arith.constant 32 : index
              %get3A_868 = tpu.vector_load %arg18[%get3A_867] {strides = array<i32>} : memref<128xf32, #tpu.memory_space<vmem>>, vector<16xf32>,
              %get3A_869 = vector.shape_cast %get3A_868 : vector<16xf32> to vector<16xf32>
              %add3A_870 = arith.addf %gather3A_750, %get3A_869 : vector<16xf32>
              %sub3A_871 = arith.subf %add3A_870, %mul3A_866 : vector<16xf32>
              %add3A_872 = arith.constant 9.99999971E-10 : f32
              %add3A_873 = vector.broadcast %add3A_872 : f32 to vector<16xf32>
              %add3A_874 = arith.addf %sub3A_871, %add3A_873 : vector<16xf32>
              %div3A_875 = arith.divf %mul3A_866, %add3A_874 : vector<16xf32>
              %gt3A_876 = arith.constant 5.000000e-01 : f32
              %gt3A_877 = vector.broadcast %gt3A_876 : f32 to vector<16xf32>
              %gt3A_878 = arith.cmpf ogt, %div3A_875, %gt3A_877 : vector<16xf32>
              %get3A_879 = arith.constant 32 : index
              %get3A_880 = tpu.vector_load %arg19[%get3A_879] {strides = array<i32>} : memref<144xi32, #tpu.memory_space<vmem>>, vector<16xi32>,
              %get3A_881 = vector.shape_cast %get3A_880 : vector<16xi32> to vector<16xi32>
              %jit3A_882 = arith.constant 0 : i32
              %broadcast_in_dim3A_883 = vector.broadcast %jit3A_882 : i32 to vector<16xi32>
              %select_n3A_884 = arith.select %gt3A_878, %broadcast_in_dim3A_883, %get3A_881 : vector<16xi1>, vector<16xi32>
              %swap3A_885 = arith.constant 32 : index
              %swap3A_886 = tpu.vector_load %arg19[%swap3A_885] {strides = array<i32>} : memref<144xi32, #tpu.memory_space<vmem>>, vector<16xi32>,
              %swap3A_887 = vector.shape_cast %swap3A_886 : vector<16xi32> to vector<16xi32>
              %swap3A_888 = vector.shape_cast %select_n3A_884 : vector<16xi32> to vector<16xi32>
              tpu.vector_store %arg19[%swap3A_885], %swap3A_888 {strides = array<i32>} : memref<144xi32, #tpu.memory_space<vmem>>, vector<16xi32>,
              %get3A_889 = arith.constant 48 : index
              %get3A_890 = tpu.vector_load %arg12[%get3A_889] {strides = array<i32>} : memref<128xf32, #tpu.memory_space<vmem>>, vector<16xf32>,
              %get3A_891 = vector.shape_cast %get3A_890 : vector<16xf32> to vector<16xf32>
              %max3A_892 = arith.maximumf %get3A_891, %gather3A_694 : vector<16xf32>
              %get3A_893 = arith.constant 48 : index
              %get3A_894 = tpu.vector_load %arg13[%get3A_893] {strides = array<i32>} : memref<128xf32, #tpu.memory_space<vmem>>, vector<16xf32>,
              %get3A_895 = vector.shape_cast %get3A_894 : vector<16xf32> to vector<16xf32>
              %max3A_896 = arith.maximumf %get3A_895, %gather3A_708 : vector<16xf32>
              %get3A_897 = arith.constant 48 : index
              %get3A_898 = tpu.vector_load %arg14[%get3A_897] {strides = array<i32>} : memref<128xf32, #tpu.memory_space<vmem>>, vector<16xf32>,
              %get3A_899 = vector.shape_cast %get3A_898 : vector<16xf32> to vector<16xf32>
              %min3A_900 = arith.minimumf %get3A_899, %gather3A_722 : vector<16xf32>
              %get3A_901 = arith.constant 48 : index
              %get3A_902 = tpu.vector_load %arg15[%get3A_901] {strides = array<i32>} : memref<128xf32, #tpu.memory_space<vmem>>, vector<16xf32>,
              %get3A_903 = vector.shape_cast %get3A_902 : vector<16xf32> to vector<16xf32>
              %min3A_904 = arith.minimumf %get3A_903, %gather3A_736 : vector<16xf32>
              %sub3A_905 = arith.subf %min3A_900, %max3A_892 : vector<16xf32>
              %max3A_906 = arith.constant 0.000000e+00 : f32
              %max3A_907 = vector.broadcast %max3A_906 : f32 to vector<16xf32>
              %max3A_908 = arith.maximumf %sub3A_905, %max3A_907 : vector<16xf32>
              %sub3A_909 = arith.subf %min3A_904, %max3A_896 : vector<16xf32>
              %max3A_910 = arith.constant 0.000000e+00 : f32
              %max3A_911 = vector.broadcast %max3A_910 : f32 to vector<16xf32>
              %max3A_912 = arith.maximumf %sub3A_909, %max3A_911 : vector<16xf32>
              %mul3A_913 = arith.mulf %max3A_908, %max3A_912 : vector<16xf32>
              %get3A_914 = arith.constant 48 : index
              %get3A_915 = tpu.vector_load %arg18[%get3A_914] {strides = array<i32>} : memref<128xf32, #tpu.memory_space<vmem>>, vector<16xf32>,
              %get3A_916 = vector.shape_cast %get3A_915 : vector<16xf32> to vector<16xf32>
              %add3A_917 = arith.addf %gather3A_750, %get3A_916 : vector<16xf32>
              %sub3A_918 = arith.subf %add3A_917, %mul3A_913 : vector<16xf32>
              %add3A_919 = arith.constant 9.99999971E-10 : f32
              %add3A_920 = vector.broadcast %add3A_919 : f32 to vector<16xf32>
              %add3A_921 = arith.addf %sub3A_918, %add3A_920 : vector<16xf32>
              %div3A_922 = arith.divf %mul3A_913, %add3A_921 : vector<16xf32>
              %gt3A_923 = arith.constant 5.000000e-01 : f32
              %gt3A_924 = vector.broadcast %gt3A_923 : f32 to vector<16xf32>
              %gt3A_925 = arith.cmpf ogt, %div3A_922, %gt3A_924 : vector<16xf32>
              %get3A_926 = arith.constant 48 : index
              %get3A_927 = tpu.vector_load %arg19[%get3A_926] {strides = array<i32>} : memref<144xi32, #tpu.memory_space<vmem>>, vector<16xi32>,
              %get3A_928 = vector.shape_cast %get3A_927 : vector<16xi32> to vector<16xi32>
              %jit3A_929 = arith.constant 0 : i32
              %broadcast_in_dim3A_930 = vector.broadcast %jit3A_929 : i32 to vector<16xi32>
              %select_n3A_931 = arith.select %gt3A_925, %broadcast_in_dim3A_930, %get3A_928 : vector<16xi1>, vector<16xi32>
              %swap3A_932 = arith.constant 48 : index
              %swap3A_933 = tpu.vector_load %arg19[%swap3A_932] {strides = array<i32>} : memref<144xi32, #tpu.memory_space<vmem>>, vector<16xi32>,
              %swap3A_934 = vector.shape_cast %swap3A_933 : vector<16xi32> to vector<16xi32>
              %swap3A_935 = vector.shape_cast %select_n3A_931 : vector<16xi32> to vector<16xi32>
              tpu.vector_store %arg19[%swap3A_932], %swap3A_935 {strides = array<i32>} : memref<144xi32, #tpu.memory_space<vmem>>, vector<16xi32>,
              %get3A_936 = arith.constant 64 : index
              %get3A_937 = tpu.vector_load %arg12[%get3A_936] {strides = array<i32>} : memref<128xf32, #tpu.memory_space<vmem>>, vector<16xf32>,
              %get3A_938 = vector.shape_cast %get3A_937 : vector<16xf32> to vector<16xf32>
              %max3A_939 = arith.maximumf %get3A_938, %gather3A_694 : vector<16xf32>
              %get3A_940 = arith.constant 64 : index
              %get3A_941 = tpu.vector_load %arg13[%get3A_940] {strides = array<i32>} : memref<128xf32, #tpu.memory_space<vmem>>, vector<16xf32>,
              %get3A_942 = vector.shape_cast %get3A_941 : vector<16xf32> to vector<16xf32>
              %max3A_943 = arith.maximumf %get3A_942, %gather3A_708 : vector<16xf32>
              %get3A_944 = arith.constant 64 : index
              %get3A_945 = tpu.vector_load %arg14[%get3A_944] {strides = array<i32>} : memref<128xf32, #tpu.memory_space<vmem>>, vector<16xf32>,
              %get3A_946 = vector.shape_cast %get3A_945 : vector<16xf32> to vector<16xf32>
              %min3A_947 = arith.minimumf %get3A_946, %gather3A_722 : vector<16xf32>
              %get3A_948 = arith.constant 64 : index
              %get3A_949 = tpu.vector_load %arg15[%get3A_948] {strides = array<i32>} : memref<128xf32, #tpu.memory_space<vmem>>, vector<16xf32>,
              %get3A_950 = vector.shape_cast %get3A_949 : vector<16xf32> to vector<16xf32>
              %min3A_951 = arith.minimumf %get3A_950, %gather3A_736 : vector<16xf32>
              %sub3A_952 = arith.subf %min3A_947, %max3A_939 : vector<16xf32>
              %max3A_953 = arith.constant 0.000000e+00 : f32
              %max3A_954 = vector.broadcast %max3A_953 : f32 to vector<16xf32>
              %max3A_955 = arith.maximumf %sub3A_952, %max3A_954 : vector<16xf32>
              %sub3A_956 = arith.subf %min3A_951, %max3A_943 : vector<16xf32>
              %max3A_957 = arith.constant 0.000000e+00 : f32
              %max3A_958 = vector.broadcast %max3A_957 : f32 to vector<16xf32>
              %max3A_959 = arith.maximumf %sub3A_956, %max3A_958 : vector<16xf32>
              %mul3A_960 = arith.mulf %max3A_955, %max3A_959 : vector<16xf32>
              %get3A_961 = arith.constant 64 : index
              %get3A_962 = tpu.vector_load %arg18[%get3A_961] {strides = array<i32>} : memref<128xf32, #tpu.memory_space<vmem>>, vector<16xf32>,
              %get3A_963 = vector.shape_cast %get3A_962 : vector<16xf32> to vector<16xf32>
              %add3A_964 = arith.addf %gather3A_750, %get3A_963 : vector<16xf32>
              %sub3A_965 = arith.subf %add3A_964, %mul3A_960 : vector<16xf32>
              %add3A_966 = arith.constant 9.99999971E-10 : f32
              %add3A_967 = vector.broadcast %add3A_966 : f32 to vector<16xf32>
              %add3A_968 = arith.addf %sub3A_965, %add3A_967 : vector<16xf32>
              %div3A_969 = arith.divf %mul3A_960, %add3A_968 : vector<16xf32>
              %gt3A_970 = arith.constant 5.000000e-01 : f32
              %gt3A_971 = vector.broadcast %gt3A_970 : f32 to vector<16xf32>
              %gt3A_972 = arith.cmpf ogt, %div3A_969, %gt3A_971 : vector<16xf32>
              %get3A_973 = arith.constant 64 : index
              %get3A_974 = tpu.vector_load %arg19[%get3A_973] {strides = array<i32>} : memref<144xi32, #tpu.memory_space<vmem>>, vector<16xi32>,
              %get3A_975 = vector.shape_cast %get3A_974 : vector<16xi32> to vector<16xi32>
              %jit3A_976 = arith.constant 0 : i32
              %broadcast_in_dim3A_977 = vector.broadcast %jit3A_976 : i32 to vector<16xi32>
              %select_n3A_978 = arith.select %gt3A_972, %broadcast_in_dim3A_977, %get3A_975 : vector<16xi1>, vector<16xi32>
              %swap3A_979 = arith.constant 64 : index
              %swap3A_980 = tpu.vector_load %arg19[%swap3A_979] {strides = array<i32>} : memref<144xi32, #tpu.memory_space<vmem>>, vector<16xi32>,
              %swap3A_981 = vector.shape_cast %swap3A_980 : vector<16xi32> to vector<16xi32>
              %swap3A_982 = vector.shape_cast %select_n3A_978 : vector<16xi32> to vector<16xi32>
              tpu.vector_store %arg19[%swap3A_979], %swap3A_982 {strides = array<i32>} : memref<144xi32, #tpu.memory_space<vmem>>, vector<16xi32>,
              %get3A_983 = arith.constant 80 : index
              %get3A_984 = tpu.vector_load %arg12[%get3A_983] {strides = array<i32>} : memref<128xf32, #tpu.memory_space<vmem>>, vector<16xf32>,
              %get3A_985 = vector.shape_cast %get3A_984 : vector<16xf32> to vector<16xf32>
              %max3A_986 = arith.maximumf %get3A_985, %gather3A_694 : vector<16xf32>
              %get3A_987 = arith.constant 80 : index
              %get3A_988 = tpu.vector_load %arg13[%get3A_987] {strides = array<i32>} : memref<128xf32, #tpu.memory_space<vmem>>, vector<16xf32>,
              %get3A_989 = vector.shape_cast %get3A_988 : vector<16xf32> to vector<16xf32>
              %max3A_990 = arith.maximumf %get3A_989, %gather3A_708 : vector<16xf32>
              %get3A_991 = arith.constant 80 : index
              %get3A_992 = tpu.vector_load %arg14[%get3A_991] {strides = array<i32>} : memref<128xf32, #tpu.memory_space<vmem>>, vector<16xf32>,
              %get3A_993 = vector.shape_cast %get3A_992 : vector<16xf32> to vector<16xf32>
              %min3A_994 = arith.minimumf %get3A_993, %gather3A_722 : vector<16xf32>
              %get3A_995 = arith.constant 80 : index
              %get3A_996 = tpu.vector_load %arg15[%get3A_995] {strides = array<i32>} : memref<128xf32, #tpu.memory_space<vmem>>, vector<16xf32>,
              %get3A_997 = vector.shape_cast %get3A_996 : vector<16xf32> to vector<16xf32>
              %min3A_998 = arith.minimumf %get3A_997, %gather3A_736 : vector<16xf32>
              %sub3A_999 = arith.subf %min3A_994, %max3A_986 : vector<16xf32>
              %max3A_1000 = arith.constant 0.000000e+00 : f32
              %max3A_1001 = vector.broadcast %max3A_1000 : f32 to vector<16xf32>
              %max3A_1002 = arith.maximumf %sub3A_999, %max3A_1001 : vector<16xf32>
              %sub3A_1003 = arith.subf %min3A_998, %max3A_990 : vector<16xf32>
              %max3A_1004 = arith.constant 0.000000e+00 : f32
              %max3A_1005 = vector.broadcast %max3A_1004 : f32 to vector<16xf32>
              %max3A_1006 = arith.maximumf %sub3A_1003, %max3A_1005 : vector<16xf32>
              %mul3A_1007 = arith.mulf %max3A_1002, %max3A_1006 : vector<16xf32>
              %get3A_1008 = arith.constant 80 : index
              %get3A_1009 = tpu.vector_load %arg18[%get3A_1008] {strides = array<i32>} : memref<128xf32, #tpu.memory_space<vmem>>, vector<16xf32>,
              %get3A_1010 = vector.shape_cast %get3A_1009 : vector<16xf32> to vector<16xf32>
              %add3A_1011 = arith.addf %gather3A_750, %get3A_1010 : vector<16xf32>
              %sub3A_1012 = arith.subf %add3A_1011, %mul3A_1007 : vector<16xf32>
              %add3A_1013 = arith.constant 9.99999971E-10 : f32
              %add3A_1014 = vector.broadcast %add3A_1013 : f32 to vector<16xf32>
              %add3A_1015 = arith.addf %sub3A_1012, %add3A_1014 : vector<16xf32>
              %div3A_1016 = arith.divf %mul3A_1007, %add3A_1015 : vector<16xf32>
              %gt3A_1017 = arith.constant 5.000000e-01 : f32
              %gt3A_1018 = vector.broadcast %gt3A_1017 : f32 to vector<16xf32>
              %gt3A_1019 = arith.cmpf ogt, %div3A_1016, %gt3A_1018 : vector<16xf32>
              %get3A_1020 = arith.constant 80 : index
              %get3A_1021 = tpu.vector_load %arg19[%get3A_1020] {strides = array<i32>} : memref<144xi32, #tpu.memory_space<vmem>>, vector<16xi32>,
              %get3A_1022 = vector.shape_cast %get3A_1021 : vector<16xi32> to vector<16xi32>
              %jit3A_1023 = arith.constant 0 : i32
              %broadcast_in_dim3A_1024 = vector.broadcast %jit3A_1023 : i32 to vector<16xi32>
              %select_n3A_1025 = arith.select %gt3A_1019, %broadcast_in_dim3A_1024, %get3A_1022 : vector<16xi1>, vector<16xi32>
              %swap3A_1026 = arith.constant 80 : index
              %swap3A_1027 = tpu.vector_load %arg19[%swap3A_1026] {strides = array<i32>} : memref<144xi32, #tpu.memory_space<vmem>>, vector<16xi32>,
              %swap3A_1028 = vector.shape_cast %swap3A_1027 : vector<16xi32> to vector<16xi32>
              %swap3A_1029 = vector.shape_cast %select_n3A_1025 : vector<16xi32> to vector<16xi32>
              tpu.vector_store %arg19[%swap3A_1026], %swap3A_1029 {strides = array<i32>} : memref<144xi32, #tpu.memory_space<vmem>>, vector<16xi32>,
              %get3A_1030 = arith.constant 96 : index
              %get3A_1031 = tpu.vector_load %arg12[%get3A_1030] {strides = array<i32>} : memref<128xf32, #tpu.memory_space<vmem>>, vector<16xf32>,
              %get3A_1032 = vector.shape_cast %get3A_1031 : vector<16xf32> to vector<16xf32>
              %max3A_1033 = arith.maximumf %get3A_1032, %gather3A_694 : vector<16xf32>
              %get3A_1034 = arith.constant 96 : index
              %get3A_1035 = tpu.vector_load %arg13[%get3A_1034] {strides = array<i32>} : memref<128xf32, #tpu.memory_space<vmem>>, vector<16xf32>,
              %get3A_1036 = vector.shape_cast %get3A_1035 : vector<16xf32> to vector<16xf32>
              %max3A_1037 = arith.maximumf %get3A_1036, %gather3A_708 : vector<16xf32>
              %get3A_1038 = arith.constant 96 : index
              %get3A_1039 = tpu.vector_load %arg14[%get3A_1038] {strides = array<i32>} : memref<128xf32, #tpu.memory_space<vmem>>, vector<16xf32>,
              %get3A_1040 = vector.shape_cast %get3A_1039 : vector<16xf32> to vector<16xf32>
              %min3A_1041 = arith.minimumf %get3A_1040, %gather3A_722 : vector<16xf32>
              %get3A_1042 = arith.constant 96 : index
              %get3A_1043 = tpu.vector_load %arg15[%get3A_1042] {strides = array<i32>} : memref<128xf32, #tpu.memory_space<vmem>>, vector<16xf32>,
              %get3A_1044 = vector.shape_cast %get3A_1043 : vector<16xf32> to vector<16xf32>
              %min3A_1045 = arith.minimumf %get3A_1044, %gather3A_736 : vector<16xf32>
              %sub3A_1046 = arith.subf %min3A_1041, %max3A_1033 : vector<16xf32>
              %max3A_1047 = arith.constant 0.000000e+00 : f32
              %max3A_1048 = vector.broadcast %max3A_1047 : f32 to vector<16xf32>
              %max3A_1049 = arith.maximumf %sub3A_1046, %max3A_1048 : vector<16xf32>
              %sub3A_1050 = arith.subf %min3A_1045, %max3A_1037 : vector<16xf32>
              %max3A_1051 = arith.constant 0.000000e+00 : f32
              %max3A_1052 = vector.broadcast %max3A_1051 : f32 to vector<16xf32>
              %max3A_1053 = arith.maximumf %sub3A_1050, %max3A_1052 : vector<16xf32>
              %mul3A_1054 = arith.mulf %max3A_1049, %max3A_1053 : vector<16xf32>
              %get3A_1055 = arith.constant 96 : index
              %get3A_1056 = tpu.vector_load %arg18[%get3A_1055] {strides = array<i32>} : memref<128xf32, #tpu.memory_space<vmem>>, vector<16xf32>,
              %get3A_1057 = vector.shape_cast %get3A_1056 : vector<16xf32> to vector<16xf32>
              %add3A_1058 = arith.addf %gather3A_750, %get3A_1057 : vector<16xf32>
              %sub3A_1059 = arith.subf %add3A_1058, %mul3A_1054 : vector<16xf32>
              %add3A_1060 = arith.constant 9.99999971E-10 : f32
              %add3A_1061 = vector.broadcast %add3A_1060 : f32 to vector<16xf32>
              %add3A_1062 = arith.addf %sub3A_1059, %add3A_1061 : vector<16xf32>
              %div3A_1063 = arith.divf %mul3A_1054, %add3A_1062 : vector<16xf32>
              %gt3A_1064 = arith.constant 5.000000e-01 : f32
              %gt3A_1065 = vector.broadcast %gt3A_1064 : f32 to vector<16xf32>
              %gt3A_1066 = arith.cmpf ogt, %div3A_1063, %gt3A_1065 : vector<16xf32>
              %get3A_1067 = arith.constant 96 : index
              %get3A_1068 = tpu.vector_load %arg19[%get3A_1067] {strides = array<i32>} : memref<144xi32, #tpu.memory_space<vmem>>, vector<16xi32>,
              %get3A_1069 = vector.shape_cast %get3A_1068 : vector<16xi32> to vector<16xi32>
              %jit3A_1070 = arith.constant 0 : i32
              %broadcast_in_dim3A_1071 = vector.broadcast %jit3A_1070 : i32 to vector<16xi32>
              %select_n3A_1072 = arith.select %gt3A_1066, %broadcast_in_dim3A_1071, %get3A_1069 : vector<16xi1>, vector<16xi32>
              %swap3A_1073 = arith.constant 96 : index
              %swap3A_1074 = tpu.vector_load %arg19[%swap3A_1073] {strides = array<i32>} : memref<144xi32, #tpu.memory_space<vmem>>, vector<16xi32>,
              %swap3A_1075 = vector.shape_cast %swap3A_1074 : vector<16xi32> to vector<16xi32>
              %swap3A_1076 = vector.shape_cast %select_n3A_1072 : vector<16xi32> to vector<16xi32>
              tpu.vector_store %arg19[%swap3A_1073], %swap3A_1076 {strides = array<i32>} : memref<144xi32, #tpu.memory_space<vmem>>, vector<16xi32>,
              %get3A_1077 = arith.constant 112 : index
              %get3A_1078 = tpu.vector_load %arg12[%get3A_1077] {strides = array<i32>} : memref<128xf32, #tpu.memory_space<vmem>>, vector<16xf32>,
              %get3A_1079 = vector.shape_cast %get3A_1078 : vector<16xf32> to vector<16xf32>
              %max3A_1080 = arith.maximumf %get3A_1079, %gather3A_694 : vector<16xf32>
              %get3A_1081 = arith.constant 112 : index
              %get3A_1082 = tpu.vector_load %arg13[%get3A_1081] {strides = array<i32>} : memref<128xf32, #tpu.memory_space<vmem>>, vector<16xf32>,
              %get3A_1083 = vector.shape_cast %get3A_1082 : vector<16xf32> to vector<16xf32>
              %max3A_1084 = arith.maximumf %get3A_1083, %gather3A_708 : vector<16xf32>
              %get3A_1085 = arith.constant 112 : index
              %get3A_1086 = tpu.vector_load %arg14[%get3A_1085] {strides = array<i32>} : memref<128xf32, #tpu.memory_space<vmem>>, vector<16xf32>,
              %get3A_1087 = vector.shape_cast %get3A_1086 : vector<16xf32> to vector<16xf32>
              %min3A_1088 = arith.minimumf %get3A_1087, %gather3A_722 : vector<16xf32>
              %get3A_1089 = arith.constant 112 : index
              %get3A_1090 = tpu.vector_load %arg15[%get3A_1089] {strides = array<i32>} : memref<128xf32, #tpu.memory_space<vmem>>, vector<16xf32>,
              %get3A_1091 = vector.shape_cast %get3A_1090 : vector<16xf32> to vector<16xf32>
              %min3A_1092 = arith.minimumf %get3A_1091, %gather3A_736 : vector<16xf32>
              %sub3A_1093 = arith.subf %min3A_1088, %max3A_1080 : vector<16xf32>
              %max3A_1094 = arith.constant 0.000000e+00 : f32
              %max3A_1095 = vector.broadcast %max3A_1094 : f32 to vector<16xf32>
              %max3A_1096 = arith.maximumf %sub3A_1093, %max3A_1095 : vector<16xf32>
              %sub3A_1097 = arith.subf %min3A_1092, %max3A_1084 : vector<16xf32>
              %max3A_1098 = arith.constant 0.000000e+00 : f32
              %max3A_1099 = vector.broadcast %max3A_1098 : f32 to vector<16xf32>
              %max3A_1100 = arith.maximumf %sub3A_1097, %max3A_1099 : vector<16xf32>
              %mul3A_1101 = arith.mulf %max3A_1096, %max3A_1100 : vector<16xf32>
              %get3A_1102 = arith.constant 112 : index
              %get3A_1103 = tpu.vector_load %arg18[%get3A_1102] {strides = array<i32>} : memref<128xf32, #tpu.memory_space<vmem>>, vector<16xf32>,
              %get3A_1104 = vector.shape_cast %get3A_1103 : vector<16xf32> to vector<16xf32>
              %add3A_1105 = arith.addf %gather3A_750, %get3A_1104 : vector<16xf32>
              %sub3A_1106 = arith.subf %add3A_1105, %mul3A_1101 : vector<16xf32>
              %add3A_1107 = arith.constant 9.99999971E-10 : f32
              %add3A_1108 = vector.broadcast %add3A_1107 : f32 to vector<16xf32>
              %add3A_1109 = arith.addf %sub3A_1106, %add3A_1108 : vector<16xf32>
              %div3A_1110 = arith.divf %mul3A_1101, %add3A_1109 : vector<16xf32>
              %gt3A_1111 = arith.constant 5.000000e-01 : f32
              %gt3A_1112 = vector.broadcast %gt3A_1111 : f32 to vector<16xf32>
              %gt3A_1113 = arith.cmpf ogt, %div3A_1110, %gt3A_1112 : vector<16xf32>
              %get3A_1114 = arith.constant 112 : index
              %get3A_1115 = tpu.vector_load %arg19[%get3A_1114] {strides = array<i32>} : memref<144xi32, #tpu.memory_space<vmem>>, vector<16xi32>,
              %get3A_1116 = vector.shape_cast %get3A_1115 : vector<16xi32> to vector<16xi32>
              %jit3A_1117 = arith.constant 0 : i32
              %broadcast_in_dim3A_1118 = vector.broadcast %jit3A_1117 : i32 to vector<16xi32>
              %select_n3A_1119 = arith.select %gt3A_1113, %broadcast_in_dim3A_1118, %get3A_1116 : vector<16xi1>, vector<16xi32>
              %swap3A_1120 = arith.constant 112 : index
              %swap3A_1121 = tpu.vector_load %arg19[%swap3A_1120] {strides = array<i32>} : memref<144xi32, #tpu.memory_space<vmem>>, vector<16xi32>,
              %swap3A_1122 = vector.shape_cast %swap3A_1121 : vector<16xi32> to vector<16xi32>
              %swap3A_1123 = vector.shape_cast %select_n3A_1119 : vector<16xi32> to vector<16xi32>
              tpu.vector_store %arg19[%swap3A_1120], %swap3A_1123 {strides = array<i32>} : memref<144xi32, #tpu.memory_space<vmem>>, vector<16xi32>,
              %while3A_1124 = arith.constant 0 : i32
              scf.yield %while3A_1124 : i32
            }
            %while3A_675 = arith.constant 1 : i32
            %while3A_676 = scf.for %while3A_677 = %while3A_672 to %while3A_668 step %while3A_675 iter_args(%while3A_678 = %while3A_674) -> (i32)  : i32 {
              %and3A_679 = arith.constant -16 : i32
              %and3A_680 = arith.andi %while3A_677, %and3A_679 : i32
              %sub3A_681 = arith.subi %while3A_677, %and3A_680 : i32
              %get3A_682 = arith.index_cast %and3A_680 : i32 to index
              %get3A_683 = tpu.vector_load %arg20[%get3A_682] {strides = array<i32>} : memref<128xf32, #tpu.memory_space<vmem>>, vector<16xf32>,
              %get3A_684 = vector.shape_cast %get3A_683 : vector<16xf32> to vector<16xf32>
              %broadcast_in_dim3A_685 = vector.broadcast %sub3A_681 : i32 to vector<16xi32>
              %lt3A_686 = arith.constant 0 : i32
              %lt3A_687 = vector.broadcast %lt3A_686 : i32 to vector<16xi32>
              %lt3A_688 = arith.cmpi slt, %broadcast_in_dim3A_685, %lt3A_687 : vector<16xi32>
              %add3A_689 = arith.constant 16 : i32
              %add3A_690 = vector.broadcast %add3A_689 : i32 to vector<16xi32>
              %add3A_691 = arith.addi %broadcast_in_dim3A_685, %add3A_690 : vector<16xi32>
              %select_n3A_692 = arith.select %lt3A_688, %add3A_691, %broadcast_in_dim3A_685 : vector<16xi1>, vector<16xi32>
              %broadcast_in_dim3A_693 = vector.shape_cast %select_n3A_692 : vector<16xi32> to vector<16x1xi32>
              %gather3A = vector.shape_cast %broadcast_in_dim3A_693 : vector<16x1xi32> to vector<16xi32>
              %gather3A_694 = tpu.dynamic_gather %get3A_684[%gather3A] in [0] : vector<16xf32>, vector<16xi32> -> vector<16xf32>
              %get3A_695 = arith.index_cast %and3A_680 : i32 to index
              %get3A_696 = tpu.vector_load %arg21[%get3A_695] {strides = array<i32>} : memref<128xf32, #tpu.memory_space<vmem>>, vector<16xf32>,
              %get3A_697 = vector.shape_cast %get3A_696 : vector<16xf32> to vector<16xf32>
              %broadcast_in_dim3A_698 = vector.broadcast %sub3A_681 : i32 to vector<16xi32>
              %lt3A_699 = arith.constant 0 : i32
              %lt3A_700 = vector.broadcast %lt3A_699 : i32 to vector<16xi32>
              %lt3A_701 = arith.cmpi slt, %broadcast_in_dim3A_698, %lt3A_700 : vector<16xi32>
              %add3A_702 = arith.constant 16 : i32
              %add3A_703 = vector.broadcast %add3A_702 : i32 to vector<16xi32>
              %add3A_704 = arith.addi %broadcast_in_dim3A_698, %add3A_703 : vector<16xi32>
              %select_n3A_705 = arith.select %lt3A_701, %add3A_704, %broadcast_in_dim3A_698 : vector<16xi1>, vector<16xi32>
              %broadcast_in_dim3A_706 = vector.shape_cast %select_n3A_705 : vector<16xi32> to vector<16x1xi32>
              %gather3A_707 = vector.shape_cast %broadcast_in_dim3A_706 : vector<16x1xi32> to vector<16xi32>
              %gather3A_708 = tpu.dynamic_gather %get3A_697[%gather3A_707] in [0] : vector<16xf32>, vector<16xi32> -> vector<16xf32>
              %get3A_709 = arith.index_cast %and3A_680 : i32 to index
              %get3A_710 = tpu.vector_load %arg22[%get3A_709] {strides = array<i32>} : memref<128xf32, #tpu.memory_space<vmem>>, vector<16xf32>,
              %get3A_711 = vector.shape_cast %get3A_710 : vector<16xf32> to vector<16xf32>
              %broadcast_in_dim3A_712 = vector.broadcast %sub3A_681 : i32 to vector<16xi32>
              %lt3A_713 = arith.constant 0 : i32
              %lt3A_714 = vector.broadcast %lt3A_713 : i32 to vector<16xi32>
              %lt3A_715 = arith.cmpi slt, %broadcast_in_dim3A_712, %lt3A_714 : vector<16xi32>
              %add3A_716 = arith.constant 16 : i32
              %add3A_717 = vector.broadcast %add3A_716 : i32 to vector<16xi32>
              %add3A_718 = arith.addi %broadcast_in_dim3A_712, %add3A_717 : vector<16xi32>
              %select_n3A_719 = arith.select %lt3A_715, %add3A_718, %broadcast_in_dim3A_712 : vector<16xi1>, vector<16xi32>
              %broadcast_in_dim3A_720 = vector.shape_cast %select_n3A_719 : vector<16xi32> to vector<16x1xi32>
              %gather3A_721 = vector.shape_cast %broadcast_in_dim3A_720 : vector<16x1xi32> to vector<16xi32>
              %gather3A_722 = tpu.dynamic_gather %get3A_711[%gather3A_721] in [0] : vector<16xf32>, vector<16xi32> -> vector<16xf32>
              %get3A_723 = arith.index_cast %and3A_680 : i32 to index
              %get3A_724 = tpu.vector_load %arg23[%get3A_723] {strides = array<i32>} : memref<128xf32, #tpu.memory_space<vmem>>, vector<16xf32>,
              %get3A_725 = vector.shape_cast %get3A_724 : vector<16xf32> to vector<16xf32>
              %broadcast_in_dim3A_726 = vector.broadcast %sub3A_681 : i32 to vector<16xi32>
              %lt3A_727 = arith.constant 0 : i32
              %lt3A_728 = vector.broadcast %lt3A_727 : i32 to vector<16xi32>
              %lt3A_729 = arith.cmpi slt, %broadcast_in_dim3A_726, %lt3A_728 : vector<16xi32>
              %add3A_730 = arith.constant 16 : i32
              %add3A_731 = vector.broadcast %add3A_730 : i32 to vector<16xi32>
              %add3A_732 = arith.addi %broadcast_in_dim3A_726, %add3A_731 : vector<16xi32>
              %select_n3A_733 = arith.select %lt3A_729, %add3A_732, %broadcast_in_dim3A_726 : vector<16xi1>, vector<16xi32>
              %broadcast_in_dim3A_734 = vector.shape_cast %select_n3A_733 : vector<16xi32> to vector<16x1xi32>
              %gather3A_735 = vector.shape_cast %broadcast_in_dim3A_734 : vector<16x1xi32> to vector<16xi32>
              %gather3A_736 = tpu.dynamic_gather %get3A_725[%gather3A_735] in [0] : vector<16xf32>, vector<16xi32> -> vector<16xf32>
              %get3A_737 = arith.index_cast %and3A_680 : i32 to index
              %get3A_738 = tpu.vector_load %arg26[%get3A_737] {strides = array<i32>} : memref<128xf32, #tpu.memory_space<vmem>>, vector<16xf32>,
              %get3A_739 = vector.shape_cast %get3A_738 : vector<16xf32> to vector<16xf32>
              %broadcast_in_dim3A_740 = vector.broadcast %sub3A_681 : i32 to vector<16xi32>
              %lt3A_741 = arith.constant 0 : i32
              %lt3A_742 = vector.broadcast %lt3A_741 : i32 to vector<16xi32>
              %lt3A_743 = arith.cmpi slt, %broadcast_in_dim3A_740, %lt3A_742 : vector<16xi32>
              %add3A_744 = arith.constant 16 : i32
              %add3A_745 = vector.broadcast %add3A_744 : i32 to vector<16xi32>
              %add3A_746 = arith.addi %broadcast_in_dim3A_740, %add3A_745 : vector<16xi32>
              %select_n3A_747 = arith.select %lt3A_743, %add3A_746, %broadcast_in_dim3A_740 : vector<16xi1>, vector<16xi32>
              %broadcast_in_dim3A_748 = vector.shape_cast %select_n3A_747 : vector<16xi32> to vector<16x1xi32>
              %gather3A_749 = vector.shape_cast %broadcast_in_dim3A_748 : vector<16x1xi32> to vector<16xi32>
              %gather3A_750 = tpu.dynamic_gather %get3A_739[%gather3A_749] in [0] : vector<16xf32>, vector<16xi32> -> vector<16xf32>
              %get3A_751 = arith.constant 0 : index
              %get3A_752 = tpu.vector_load %arg12[%get3A_751] {strides = array<i32>} : memref<128xf32, #tpu.memory_space<vmem>>, vector<16xf32>,
              %get3A_753 = vector.shape_cast %get3A_752 : vector<16xf32> to vector<16xf32>
              %max3A = arith.maximumf %get3A_753, %gather3A_694 : vector<16xf32>
              %get3A_754 = arith.constant 0 : index
              %get3A_755 = tpu.vector_load %arg13[%get3A_754] {strides = array<i32>} : memref<128xf32, #tpu.memory_space<vmem>>, vector<16xf32>,
              %get3A_756 = vector.shape_cast %get3A_755 : vector<16xf32> to vector<16xf32>
              %max3A_757 = arith.maximumf %get3A_756, %gather3A_708 : vector<16xf32>
              %get3A_758 = arith.constant 0 : index
              %get3A_759 = tpu.vector_load %arg14[%get3A_758] {strides = array<i32>} : memref<128xf32, #tpu.memory_space<vmem>>, vector<16xf32>,
              %get3A_760 = vector.shape_cast %get3A_759 : vector<16xf32> to vector<16xf32>
              %min3A = arith.minimumf %get3A_760, %gather3A_722 : vector<16xf32>
              %get3A_761 = arith.constant 0 : index
              %get3A_762 = tpu.vector_load %arg15[%get3A_761] {strides = array<i32>} : memref<128xf32, #tpu.memory_space<vmem>>, vector<16xf32>,
              %get3A_763 = vector.shape_cast %get3A_762 : vector<16xf32> to vector<16xf32>
              %min3A_764 = arith.minimumf %get3A_763, %gather3A_736 : vector<16xf32>
              %sub3A_765 = arith.subf %min3A, %max3A : vector<16xf32>
              %max3A_766 = arith.constant 0.000000e+00 : f32
              %max3A_767 = vector.broadcast %max3A_766 : f32 to vector<16xf32>
              %max3A_768 = arith.maximumf %sub3A_765, %max3A_767 : vector<16xf32>
              %sub3A_769 = arith.subf %min3A_764, %max3A_757 : vector<16xf32>
              %max3A_770 = arith.constant 0.000000e+00 : f32
              %max3A_771 = vector.broadcast %max3A_770 : f32 to vector<16xf32>
              %max3A_772 = arith.maximumf %sub3A_769, %max3A_771 : vector<16xf32>
              %mul3A_773 = arith.mulf %max3A_768, %max3A_772 : vector<16xf32>
              %get3A_774 = arith.constant 0 : index
              %get3A_775 = tpu.vector_load %arg18[%get3A_774] {strides = array<i32>} : memref<128xf32, #tpu.memory_space<vmem>>, vector<16xf32>,
              %get3A_776 = vector.shape_cast %get3A_775 : vector<16xf32> to vector<16xf32>
              %add3A_777 = arith.addf %gather3A_750, %get3A_776 : vector<16xf32>
              %sub3A_778 = arith.subf %add3A_777, %mul3A_773 : vector<16xf32>
              %add3A_779 = arith.constant 9.99999971E-10 : f32
              %add3A_780 = vector.broadcast %add3A_779 : f32 to vector<16xf32>
              %add3A_781 = arith.addf %sub3A_778, %add3A_780 : vector<16xf32>
              %div3A = arith.divf %mul3A_773, %add3A_781 : vector<16xf32>
              %gt3A_782 = arith.constant 5.000000e-01 : f32
              %gt3A_783 = vector.broadcast %gt3A_782 : f32 to vector<16xf32>
              %gt3A_784 = arith.cmpf ogt, %div3A, %gt3A_783 : vector<16xf32>
              %get3A_785 = arith.constant 0 : index
              %get3A_786 = tpu.vector_load %arg19[%get3A_785] {strides = array<i32>} : memref<144xi32, #tpu.memory_space<vmem>>, vector<16xi32>,
              %get3A_787 = vector.shape_cast %get3A_786 : vector<16xi32> to vector<16xi32>
              %jit3A_788 = arith.constant 0 : i32
              %broadcast_in_dim3A_789 = vector.broadcast %jit3A_788 : i32 to vector<16xi32>
              %select_n3A_790 = arith.select %gt3A_784, %broadcast_in_dim3A_789, %get3A_787 : vector<16xi1>, vector<16xi32>
              %swap3A_791 = arith.constant 0 : index
              %swap3A_792 = tpu.vector_load %arg19[%swap3A_791] {strides = array<i32>} : memref<144xi32, #tpu.memory_space<vmem>>, vector<16xi32>,
              %swap3A_793 = vector.shape_cast %swap3A_792 : vector<16xi32> to vector<16xi32>
              %swap3A_794 = vector.shape_cast %select_n3A_790 : vector<16xi32> to vector<16xi32>
              tpu.vector_store %arg19[%swap3A_791], %swap3A_794 {strides = array<i32>} : memref<144xi32, #tpu.memory_space<vmem>>, vector<16xi32>,
              %get3A_795 = arith.constant 16 : index
              %get3A_796 = tpu.vector_load %arg12[%get3A_795] {strides = array<i32>} : memref<128xf32, #tpu.memory_space<vmem>>, vector<16xf32>,
              %get3A_797 = vector.shape_cast %get3A_796 : vector<16xf32> to vector<16xf32>
              %max3A_798 = arith.maximumf %get3A_797, %gather3A_694 : vector<16xf32>
              %get3A_799 = arith.constant 16 : index
              %get3A_800 = tpu.vector_load %arg13[%get3A_799] {strides = array<i32>} : memref<128xf32, #tpu.memory_space<vmem>>, vector<16xf32>,
              %get3A_801 = vector.shape_cast %get3A_800 : vector<16xf32> to vector<16xf32>
              %max3A_802 = arith.maximumf %get3A_801, %gather3A_708 : vector<16xf32>
              %get3A_803 = arith.constant 16 : index
              %get3A_804 = tpu.vector_load %arg14[%get3A_803] {strides = array<i32>} : memref<128xf32, #tpu.memory_space<vmem>>, vector<16xf32>,
              %get3A_805 = vector.shape_cast %get3A_804 : vector<16xf32> to vector<16xf32>
              %min3A_806 = arith.minimumf %get3A_805, %gather3A_722 : vector<16xf32>
              %get3A_807 = arith.constant 16 : index
              %get3A_808 = tpu.vector_load %arg15[%get3A_807] {strides = array<i32>} : memref<128xf32, #tpu.memory_space<vmem>>, vector<16xf32>,
              %get3A_809 = vector.shape_cast %get3A_808 : vector<16xf32> to vector<16xf32>
              %min3A_810 = arith.minimumf %get3A_809, %gather3A_736 : vector<16xf32>
              %sub3A_811 = arith.subf %min3A_806, %max3A_798 : vector<16xf32>
              %max3A_812 = arith.constant 0.000000e+00 : f32
              %max3A_813 = vector.broadcast %max3A_812 : f32 to vector<16xf32>
              %max3A_814 = arith.maximumf %sub3A_811, %max3A_813 : vector<16xf32>
              %sub3A_815 = arith.subf %min3A_810, %max3A_802 : vector<16xf32>
              %max3A_816 = arith.constant 0.000000e+00 : f32
              %max3A_817 = vector.broadcast %max3A_816 : f32 to vector<16xf32>
              %max3A_818 = arith.maximumf %sub3A_815, %max3A_817 : vector<16xf32>
              %mul3A_819 = arith.mulf %max3A_814, %max3A_818 : vector<16xf32>
              %get3A_820 = arith.constant 16 : index
              %get3A_821 = tpu.vector_load %arg18[%get3A_820] {strides = array<i32>} : memref<128xf32, #tpu.memory_space<vmem>>, vector<16xf32>,
              %get3A_822 = vector.shape_cast %get3A_821 : vector<16xf32> to vector<16xf32>
              %add3A_823 = arith.addf %gather3A_750, %get3A_822 : vector<16xf32>
              %sub3A_824 = arith.subf %add3A_823, %mul3A_819 : vector<16xf32>
              %add3A_825 = arith.constant 9.99999971E-10 : f32
              %add3A_826 = vector.broadcast %add3A_825 : f32 to vector<16xf32>
              %add3A_827 = arith.addf %sub3A_824, %add3A_826 : vector<16xf32>
              %div3A_828 = arith.divf %mul3A_819, %add3A_827 : vector<16xf32>
              %gt3A_829 = arith.constant 5.000000e-01 : f32
              %gt3A_830 = vector.broadcast %gt3A_829 : f32 to vector<16xf32>
              %gt3A_831 = arith.cmpf ogt, %div3A_828, %gt3A_830 : vector<16xf32>
              %get3A_832 = arith.constant 16 : index
              %get3A_833 = tpu.vector_load %arg19[%get3A_832] {strides = array<i32>} : memref<144xi32, #tpu.memory_space<vmem>>, vector<16xi32>,
              %get3A_834 = vector.shape_cast %get3A_833 : vector<16xi32> to vector<16xi32>
              %jit3A_835 = arith.constant 0 : i32
              %broadcast_in_dim3A_836 = vector.broadcast %jit3A_835 : i32 to vector<16xi32>
              %select_n3A_837 = arith.select %gt3A_831, %broadcast_in_dim3A_836, %get3A_834 : vector<16xi1>, vector<16xi32>
              %swap3A_838 = arith.constant 16 : index
              %swap3A_839 = tpu.vector_load %arg19[%swap3A_838] {strides = array<i32>} : memref<144xi32, #tpu.memory_space<vmem>>, vector<16xi32>,
              %swap3A_840 = vector.shape_cast %swap3A_839 : vector<16xi32> to vector<16xi32>
              %swap3A_841 = vector.shape_cast %select_n3A_837 : vector<16xi32> to vector<16xi32>
              tpu.vector_store %arg19[%swap3A_838], %swap3A_841 {strides = array<i32>} : memref<144xi32, #tpu.memory_space<vmem>>, vector<16xi32>,
              %get3A_842 = arith.constant 32 : index
              %get3A_843 = tpu.vector_load %arg12[%get3A_842] {strides = array<i32>} : memref<128xf32, #tpu.memory_space<vmem>>, vector<16xf32>,
              %get3A_844 = vector.shape_cast %get3A_843 : vector<16xf32> to vector<16xf32>
              %max3A_845 = arith.maximumf %get3A_844, %gather3A_694 : vector<16xf32>
              %get3A_846 = arith.constant 32 : index
              %get3A_847 = tpu.vector_load %arg13[%get3A_846] {strides = array<i32>} : memref<128xf32, #tpu.memory_space<vmem>>, vector<16xf32>,
              %get3A_848 = vector.shape_cast %get3A_847 : vector<16xf32> to vector<16xf32>
              %max3A_849 = arith.maximumf %get3A_848, %gather3A_708 : vector<16xf32>
              %get3A_850 = arith.constant 32 : index
              %get3A_851 = tpu.vector_load %arg14[%get3A_850] {strides = array<i32>} : memref<128xf32, #tpu.memory_space<vmem>>, vector<16xf32>,
              %get3A_852 = vector.shape_cast %get3A_851 : vector<16xf32> to vector<16xf32>
              %min3A_853 = arith.minimumf %get3A_852, %gather3A_722 : vector<16xf32>
              %get3A_854 = arith.constant 32 : index
              %get3A_855 = tpu.vector_load %arg15[%get3A_854] {strides = array<i32>} : memref<128xf32, #tpu.memory_space<vmem>>, vector<16xf32>,
              %get3A_856 = vector.shape_cast %get3A_855 : vector<16xf32> to vector<16xf32>
              %min3A_857 = arith.minimumf %get3A_856, %gather3A_736 : vector<16xf32>
              %sub3A_858 = arith.subf %min3A_853, %max3A_845 : vector<16xf32>
              %max3A_859 = arith.constant 0.000000e+00 : f32
              %max3A_860 = vector.broadcast %max3A_859 : f32 to vector<16xf32>
              %max3A_861 = arith.maximumf %sub3A_858, %max3A_860 : vector<16xf32>
              %sub3A_862 = arith.subf %min3A_857, %max3A_849 : vector<16xf32>
              %max3A_863 = arith.constant 0.000000e+00 : f32
              %max3A_864 = vector.broadcast %max3A_863 : f32 to vector<16xf32>
              %max3A_865 = arith.maximumf %sub3A_862, %max3A_864 : vector<16xf32>
              %mul3A_866 = arith.mulf %max3A_861, %max3A_865 : vector<16xf32>
              %get3A_867 = arith.constant 32 : index
              %get3A_868 = tpu.vector_load %arg18[%get3A_867] {strides = array<i32>} : memref<128xf32, #tpu.memory_space<vmem>>, vector<16xf32>,
              %get3A_869 = vector.shape_cast %get3A_868 : vector<16xf32> to vector<16xf32>
              %add3A_870 = arith.addf %gather3A_750, %get3A_869 : vector<16xf32>
              %sub3A_871 = arith.subf %add3A_870, %mul3A_866 : vector<16xf32>
              %add3A_872 = arith.constant 9.99999971E-10 : f32
              %add3A_873 = vector.broadcast %add3A_872 : f32 to vector<16xf32>
              %add3A_874 = arith.addf %sub3A_871, %add3A_873 : vector<16xf32>
              %div3A_875 = arith.divf %mul3A_866, %add3A_874 : vector<16xf32>
              %gt3A_876 = arith.constant 5.000000e-01 : f32
              %gt3A_877 = vector.broadcast %gt3A_876 : f32 to vector<16xf32>
              %gt3A_878 = arith.cmpf ogt, %div3A_875, %gt3A_877 : vector<16xf32>
              %get3A_879 = arith.constant 32 : index
              %get3A_880 = tpu.vector_load %arg19[%get3A_879] {strides = array<i32>} : memref<144xi32, #tpu.memory_space<vmem>>, vector<16xi32>,
              %get3A_881 = vector.shape_cast %get3A_880 : vector<16xi32> to vector<16xi32>
              %jit3A_882 = arith.constant 0 : i32
              %broadcast_in_dim3A_883 = vector.broadcast %jit3A_882 : i32 to vector<16xi32>
              %select_n3A_884 = arith.select %gt3A_878, %broadcast_in_dim3A_883, %get3A_881 : vector<16xi1>, vector<16xi32>
              %swap3A_885 = arith.constant 32 : index
              %swap3A_886 = tpu.vector_load %arg19[%swap3A_885] {strides = array<i32>} : memref<144xi32, #tpu.memory_space<vmem>>, vector<16xi32>,
              %swap3A_887 = vector.shape_cast %swap3A_886 : vector<16xi32> to vector<16xi32>
              %swap3A_888 = vector.shape_cast %select_n3A_884 : vector<16xi32> to vector<16xi32>
              tpu.vector_store %arg19[%swap3A_885], %swap3A_888 {strides = array<i32>} : memref<144xi32, #tpu.memory_space<vmem>>, vector<16xi32>,
              %get3A_889 = arith.constant 48 : index
              %get3A_890 = tpu.vector_load %arg12[%get3A_889] {strides = array<i32>} : memref<128xf32, #tpu.memory_space<vmem>>, vector<16xf32>,
              %get3A_891 = vector.shape_cast %get3A_890 : vector<16xf32> to vector<16xf32>
              %max3A_892 = arith.maximumf %get3A_891, %gather3A_694 : vector<16xf32>
              %get3A_893 = arith.constant 48 : index
              %get3A_894 = tpu.vector_load %arg13[%get3A_893] {strides = array<i32>} : memref<128xf32, #tpu.memory_space<vmem>>, vector<16xf32>,
              %get3A_895 = vector.shape_cast %get3A_894 : vector<16xf32> to vector<16xf32>
              %max3A_896 = arith.maximumf %get3A_895, %gather3A_708 : vector<16xf32>
              %get3A_897 = arith.constant 48 : index
              %get3A_898 = tpu.vector_load %arg14[%get3A_897] {strides = array<i32>} : memref<128xf32, #tpu.memory_space<vmem>>, vector<16xf32>,
              %get3A_899 = vector.shape_cast %get3A_898 : vector<16xf32> to vector<16xf32>
              %min3A_900 = arith.minimumf %get3A_899, %gather3A_722 : vector<16xf32>
              %get3A_901 = arith.constant 48 : index
              %get3A_902 = tpu.vector_load %arg15[%get3A_901] {strides = array<i32>} : memref<128xf32, #tpu.memory_space<vmem>>, vector<16xf32>,
              %get3A_903 = vector.shape_cast %get3A_902 : vector<16xf32> to vector<16xf32>
              %min3A_904 = arith.minimumf %get3A_903, %gather3A_736 : vector<16xf32>
              %sub3A_905 = arith.subf %min3A_900, %max3A_892 : vector<16xf32>
              %max3A_906 = arith.constant 0.000000e+00 : f32
              %max3A_907 = vector.broadcast %max3A_906 : f32 to vector<16xf32>
              %max3A_908 = arith.maximumf %sub3A_905, %max3A_907 : vector<16xf32>
              %sub3A_909 = arith.subf %min3A_904, %max3A_896 : vector<16xf32>
              %max3A_910 = arith.constant 0.000000e+00 : f32
              %max3A_911 = vector.broadcast %max3A_910 : f32 to vector<16xf32>
              %max3A_912 = arith.maximumf %sub3A_909, %max3A_911 : vector<16xf32>
              %mul3A_913 = arith.mulf %max3A_908, %max3A_912 : vector<16xf32>
              %get3A_914 = arith.constant 48 : index
              %get3A_915 = tpu.vector_load %arg18[%get3A_914] {strides = array<i32>} : memref<128xf32, #tpu.memory_space<vmem>>, vector<16xf32>,
              %get3A_916 = vector.shape_cast %get3A_915 : vector<16xf32> to vector<16xf32>
              %add3A_917 = arith.addf %gather3A_750, %get3A_916 : vector<16xf32>
              %sub3A_918 = arith.subf %add3A_917, %mul3A_913 : vector<16xf32>
              %add3A_919 = arith.constant 9.99999971E-10 : f32
              %add3A_920 = vector.broadcast %add3A_919 : f32 to vector<16xf32>
              %add3A_921 = arith.addf %sub3A_918, %add3A_920 : vector<16xf32>
              %div3A_922 = arith.divf %mul3A_913, %add3A_921 : vector<16xf32>
              %gt3A_923 = arith.constant 5.000000e-01 : f32
              %gt3A_924 = vector.broadcast %gt3A_923 : f32 to vector<16xf32>
              %gt3A_925 = arith.cmpf ogt, %div3A_922, %gt3A_924 : vector<16xf32>
              %get3A_926 = arith.constant 48 : index
              %get3A_927 = tpu.vector_load %arg19[%get3A_926] {strides = array<i32>} : memref<144xi32, #tpu.memory_space<vmem>>, vector<16xi32>,
              %get3A_928 = vector.shape_cast %get3A_927 : vector<16xi32> to vector<16xi32>
              %jit3A_929 = arith.constant 0 : i32
              %broadcast_in_dim3A_930 = vector.broadcast %jit3A_929 : i32 to vector<16xi32>
              %select_n3A_931 = arith.select %gt3A_925, %broadcast_in_dim3A_930, %get3A_928 : vector<16xi1>, vector<16xi32>
              %swap3A_932 = arith.constant 48 : index
              %swap3A_933 = tpu.vector_load %arg19[%swap3A_932] {strides = array<i32>} : memref<144xi32, #tpu.memory_space<vmem>>, vector<16xi32>,
              %swap3A_934 = vector.shape_cast %swap3A_933 : vector<16xi32> to vector<16xi32>
              %swap3A_935 = vector.shape_cast %select_n3A_931 : vector<16xi32> to vector<16xi32>
              tpu.vector_store %arg19[%swap3A_932], %swap3A_935 {strides = array<i32>} : memref<144xi32, #tpu.memory_space<vmem>>, vector<16xi32>,
              %get3A_936 = arith.constant 64 : index
              %get3A_937 = tpu.vector_load %arg12[%get3A_936] {strides = array<i32>} : memref<128xf32, #tpu.memory_space<vmem>>, vector<16xf32>,
              %get3A_938 = vector.shape_cast %get3A_937 : vector<16xf32> to vector<16xf32>
              %max3A_939 = arith.maximumf %get3A_938, %gather3A_694 : vector<16xf32>
              %get3A_940 = arith.constant 64 : index
              %get3A_941 = tpu.vector_load %arg13[%get3A_940] {strides = array<i32>} : memref<128xf32, #tpu.memory_space<vmem>>, vector<16xf32>,
              %get3A_942 = vector.shape_cast %get3A_941 : vector<16xf32> to vector<16xf32>
              %max3A_943 = arith.maximumf %get3A_942, %gather3A_708 : vector<16xf32>
              %get3A_944 = arith.constant 64 : index
              %get3A_945 = tpu.vector_load %arg14[%get3A_944] {strides = array<i32>} : memref<128xf32, #tpu.memory_space<vmem>>, vector<16xf32>,
              %get3A_946 = vector.shape_cast %get3A_945 : vector<16xf32> to vector<16xf32>
              %min3A_947 = arith.minimumf %get3A_946, %gather3A_722 : vector<16xf32>
              %get3A_948 = arith.constant 64 : index
              %get3A_949 = tpu.vector_load %arg15[%get3A_948] {strides = array<i32>} : memref<128xf32, #tpu.memory_space<vmem>>, vector<16xf32>,
              %get3A_950 = vector.shape_cast %get3A_949 : vector<16xf32> to vector<16xf32>
              %min3A_951 = arith.minimumf %get3A_950, %gather3A_736 : vector<16xf32>
              %sub3A_952 = arith.subf %min3A_947, %max3A_939 : vector<16xf32>
              %max3A_953 = arith.constant 0.000000e+00 : f32
              %max3A_954 = vector.broadcast %max3A_953 : f32 to vector<16xf32>
              %max3A_955 = arith.maximumf %sub3A_952, %max3A_954 : vector<16xf32>
              %sub3A_956 = arith.subf %min3A_951, %max3A_943 : vector<16xf32>
              %max3A_957 = arith.constant 0.000000e+00 : f32
              %max3A_958 = vector.broadcast %max3A_957 : f32 to vector<16xf32>
              %max3A_959 = arith.maximumf %sub3A_956, %max3A_958 : vector<16xf32>
              %mul3A_960 = arith.mulf %max3A_955, %max3A_959 : vector<16xf32>
              %get3A_961 = arith.constant 64 : index
              %get3A_962 = tpu.vector_load %arg18[%get3A_961] {strides = array<i32>} : memref<128xf32, #tpu.memory_space<vmem>>, vector<16xf32>,
              %get3A_963 = vector.shape_cast %get3A_962 : vector<16xf32> to vector<16xf32>
              %add3A_964 = arith.addf %gather3A_750, %get3A_963 : vector<16xf32>
              %sub3A_965 = arith.subf %add3A_964, %mul3A_960 : vector<16xf32>
              %add3A_966 = arith.constant 9.99999971E-10 : f32
              %add3A_967 = vector.broadcast %add3A_966 : f32 to vector<16xf32>
              %add3A_968 = arith.addf %sub3A_965, %add3A_967 : vector<16xf32>
              %div3A_969 = arith.divf %mul3A_960, %add3A_968 : vector<16xf32>
              %gt3A_970 = arith.constant 5.000000e-01 : f32
              %gt3A_971 = vector.broadcast %gt3A_970 : f32 to vector<16xf32>
              %gt3A_972 = arith.cmpf ogt, %div3A_969, %gt3A_971 : vector<16xf32>
              %get3A_973 = arith.constant 64 : index
              %get3A_974 = tpu.vector_load %arg19[%get3A_973] {strides = array<i32>} : memref<144xi32, #tpu.memory_space<vmem>>, vector<16xi32>,
              %get3A_975 = vector.shape_cast %get3A_974 : vector<16xi32> to vector<16xi32>
              %jit3A_976 = arith.constant 0 : i32
              %broadcast_in_dim3A_977 = vector.broadcast %jit3A_976 : i32 to vector<16xi32>
              %select_n3A_978 = arith.select %gt3A_972, %broadcast_in_dim3A_977, %get3A_975 : vector<16xi1>, vector<16xi32>
              %swap3A_979 = arith.constant 64 : index
              %swap3A_980 = tpu.vector_load %arg19[%swap3A_979] {strides = array<i32>} : memref<144xi32, #tpu.memory_space<vmem>>, vector<16xi32>,
              %swap3A_981 = vector.shape_cast %swap3A_980 : vector<16xi32> to vector<16xi32>
              %swap3A_982 = vector.shape_cast %select_n3A_978 : vector<16xi32> to vector<16xi32>
              tpu.vector_store %arg19[%swap3A_979], %swap3A_982 {strides = array<i32>} : memref<144xi32, #tpu.memory_space<vmem>>, vector<16xi32>,
              %get3A_983 = arith.constant 80 : index
              %get3A_984 = tpu.vector_load %arg12[%get3A_983] {strides = array<i32>} : memref<128xf32, #tpu.memory_space<vmem>>, vector<16xf32>,
              %get3A_985 = vector.shape_cast %get3A_984 : vector<16xf32> to vector<16xf32>
              %max3A_986 = arith.maximumf %get3A_985, %gather3A_694 : vector<16xf32>
              %get3A_987 = arith.constant 80 : index
              %get3A_988 = tpu.vector_load %arg13[%get3A_987] {strides = array<i32>} : memref<128xf32, #tpu.memory_space<vmem>>, vector<16xf32>,
              %get3A_989 = vector.shape_cast %get3A_988 : vector<16xf32> to vector<16xf32>
              %max3A_990 = arith.maximumf %get3A_989, %gather3A_708 : vector<16xf32>
              %get3A_991 = arith.constant 80 : index
              %get3A_992 = tpu.vector_load %arg14[%get3A_991] {strides = array<i32>} : memref<128xf32, #tpu.memory_space<vmem>>, vector<16xf32>,
              %get3A_993 = vector.shape_cast %get3A_992 : vector<16xf32> to vector<16xf32>
              %min3A_994 = arith.minimumf %get3A_993, %gather3A_722 : vector<16xf32>
              %get3A_995 = arith.constant 80 : index
              %get3A_996 = tpu.vector_load %arg15[%get3A_995] {strides = array<i32>} : memref<128xf32, #tpu.memory_space<vmem>>, vector<16xf32>,
              %get3A_997 = vector.shape_cast %get3A_996 : vector<16xf32> to vector<16xf32>
              %min3A_998 = arith.minimumf %get3A_997, %gather3A_736 : vector<16xf32>
              %sub3A_999 = arith.subf %min3A_994, %max3A_986 : vector<16xf32>
              %max3A_1000 = arith.constant 0.000000e+00 : f32
              %max3A_1001 = vector.broadcast %max3A_1000 : f32 to vector<16xf32>
              %max3A_1002 = arith.maximumf %sub3A_999, %max3A_1001 : vector<16xf32>
              %sub3A_1003 = arith.subf %min3A_998, %max3A_990 : vector<16xf32>
              %max3A_1004 = arith.constant 0.000000e+00 : f32
              %max3A_1005 = vector.broadcast %max3A_1004 : f32 to vector<16xf32>
              %max3A_1006 = arith.maximumf %sub3A_1003, %max3A_1005 : vector<16xf32>
              %mul3A_1007 = arith.mulf %max3A_1002, %max3A_1006 : vector<16xf32>
              %get3A_1008 = arith.constant 80 : index
              %get3A_1009 = tpu.vector_load %arg18[%get3A_1008] {strides = array<i32>} : memref<128xf32, #tpu.memory_space<vmem>>, vector<16xf32>,
              %get3A_1010 = vector.shape_cast %get3A_1009 : vector<16xf32> to vector<16xf32>
              %add3A_1011 = arith.addf %gather3A_750, %get3A_1010 : vector<16xf32>
              %sub3A_1012 = arith.subf %add3A_1011, %mul3A_1007 : vector<16xf32>
              %add3A_1013 = arith.constant 9.99999971E-10 : f32
              %add3A_1014 = vector.broadcast %add3A_1013 : f32 to vector<16xf32>
              %add3A_1015 = arith.addf %sub3A_1012, %add3A_1014 : vector<16xf32>
              %div3A_1016 = arith.divf %mul3A_1007, %add3A_1015 : vector<16xf32>
              %gt3A_1017 = arith.constant 5.000000e-01 : f32
              %gt3A_1018 = vector.broadcast %gt3A_1017 : f32 to vector<16xf32>
              %gt3A_1019 = arith.cmpf ogt, %div3A_1016, %gt3A_1018 : vector<16xf32>
              %get3A_1020 = arith.constant 80 : index
              %get3A_1021 = tpu.vector_load %arg19[%get3A_1020] {strides = array<i32>} : memref<144xi32, #tpu.memory_space<vmem>>, vector<16xi32>,
              %get3A_1022 = vector.shape_cast %get3A_1021 : vector<16xi32> to vector<16xi32>
              %jit3A_1023 = arith.constant 0 : i32
              %broadcast_in_dim3A_1024 = vector.broadcast %jit3A_1023 : i32 to vector<16xi32>
              %select_n3A_1025 = arith.select %gt3A_1019, %broadcast_in_dim3A_1024, %get3A_1022 : vector<16xi1>, vector<16xi32>
              %swap3A_1026 = arith.constant 80 : index
              %swap3A_1027 = tpu.vector_load %arg19[%swap3A_1026] {strides = array<i32>} : memref<144xi32, #tpu.memory_space<vmem>>, vector<16xi32>,
              %swap3A_1028 = vector.shape_cast %swap3A_1027 : vector<16xi32> to vector<16xi32>
              %swap3A_1029 = vector.shape_cast %select_n3A_1025 : vector<16xi32> to vector<16xi32>
              tpu.vector_store %arg19[%swap3A_1026], %swap3A_1029 {strides = array<i32>} : memref<144xi32, #tpu.memory_space<vmem>>, vector<16xi32>,
              %get3A_1030 = arith.constant 96 : index
              %get3A_1031 = tpu.vector_load %arg12[%get3A_1030] {strides = array<i32>} : memref<128xf32, #tpu.memory_space<vmem>>, vector<16xf32>,
              %get3A_1032 = vector.shape_cast %get3A_1031 : vector<16xf32> to vector<16xf32>
              %max3A_1033 = arith.maximumf %get3A_1032, %gather3A_694 : vector<16xf32>
              %get3A_1034 = arith.constant 96 : index
              %get3A_1035 = tpu.vector_load %arg13[%get3A_1034] {strides = array<i32>} : memref<128xf32, #tpu.memory_space<vmem>>, vector<16xf32>,
              %get3A_1036 = vector.shape_cast %get3A_1035 : vector<16xf32> to vector<16xf32>
              %max3A_1037 = arith.maximumf %get3A_1036, %gather3A_708 : vector<16xf32>
              %get3A_1038 = arith.constant 96 : index
              %get3A_1039 = tpu.vector_load %arg14[%get3A_1038] {strides = array<i32>} : memref<128xf32, #tpu.memory_space<vmem>>, vector<16xf32>,
              %get3A_1040 = vector.shape_cast %get3A_1039 : vector<16xf32> to vector<16xf32>
              %min3A_1041 = arith.minimumf %get3A_1040, %gather3A_722 : vector<16xf32>
              %get3A_1042 = arith.constant 96 : index
              %get3A_1043 = tpu.vector_load %arg15[%get3A_1042] {strides = array<i32>} : memref<128xf32, #tpu.memory_space<vmem>>, vector<16xf32>,
              %get3A_1044 = vector.shape_cast %get3A_1043 : vector<16xf32> to vector<16xf32>
              %min3A_1045 = arith.minimumf %get3A_1044, %gather3A_736 : vector<16xf32>
              %sub3A_1046 = arith.subf %min3A_1041, %max3A_1033 : vector<16xf32>
              %max3A_1047 = arith.constant 0.000000e+00 : f32
              %max3A_1048 = vector.broadcast %max3A_1047 : f32 to vector<16xf32>
              %max3A_1049 = arith.maximumf %sub3A_1046, %max3A_1048 : vector<16xf32>
              %sub3A_1050 = arith.subf %min3A_1045, %max3A_1037 : vector<16xf32>
              %max3A_1051 = arith.constant 0.000000e+00 : f32
              %max3A_1052 = vector.broadcast %max3A_1051 : f32 to vector<16xf32>
              %max3A_1053 = arith.maximumf %sub3A_1050, %max3A_1052 : vector<16xf32>
              %mul3A_1054 = arith.mulf %max3A_1049, %max3A_1053 : vector<16xf32>
              %get3A_1055 = arith.constant 96 : index
              %get3A_1056 = tpu.vector_load %arg18[%get3A_1055] {strides = array<i32>} : memref<128xf32, #tpu.memory_space<vmem>>, vector<16xf32>,
              %get3A_1057 = vector.shape_cast %get3A_1056 : vector<16xf32> to vector<16xf32>
              %add3A_1058 = arith.addf %gather3A_750, %get3A_1057 : vector<16xf32>
              %sub3A_1059 = arith.subf %add3A_1058, %mul3A_1054 : vector<16xf32>
              %add3A_1060 = arith.constant 9.99999971E-10 : f32
              %add3A_1061 = vector.broadcast %add3A_1060 : f32 to vector<16xf32>
              %add3A_1062 = arith.addf %sub3A_1059, %add3A_1061 : vector<16xf32>
              %div3A_1063 = arith.divf %mul3A_1054, %add3A_1062 : vector<16xf32>
              %gt3A_1064 = arith.constant 5.000000e-01 : f32
              %gt3A_1065 = vector.broadcast %gt3A_1064 : f32 to vector<16xf32>
              %gt3A_1066 = arith.cmpf ogt, %div3A_1063, %gt3A_1065 : vector<16xf32>
              %get3A_1067 = arith.constant 96 : index
              %get3A_1068 = tpu.vector_load %arg19[%get3A_1067] {strides = array<i32>} : memref<144xi32, #tpu.memory_space<vmem>>, vector<16xi32>,
              %get3A_1069 = vector.shape_cast %get3A_1068 : vector<16xi32> to vector<16xi32>
              %jit3A_1070 = arith.constant 0 : i32
              %broadcast_in_dim3A_1071 = vector.broadcast %jit3A_1070 : i32 to vector<16xi32>
              %select_n3A_1072 = arith.select %gt3A_1066, %broadcast_in_dim3A_1071, %get3A_1069 : vector<16xi1>, vector<16xi32>
              %swap3A_1073 = arith.constant 96 : index
              %swap3A_1074 = tpu.vector_load %arg19[%swap3A_1073] {strides = array<i32>} : memref<144xi32, #tpu.memory_space<vmem>>, vector<16xi32>,
              %swap3A_1075 = vector.shape_cast %swap3A_1074 : vector<16xi32> to vector<16xi32>
              %swap3A_1076 = vector.shape_cast %select_n3A_1072 : vector<16xi32> to vector<16xi32>
              tpu.vector_store %arg19[%swap3A_1073], %swap3A_1076 {strides = array<i32>} : memref<144xi32, #tpu.memory_space<vmem>>, vector<16xi32>,
              %get3A_1077 = arith.constant 112 : index
              %get3A_1078 = tpu.vector_load %arg12[%get3A_1077] {strides = array<i32>} : memref<128xf32, #tpu.memory_space<vmem>>, vector<16xf32>,
              %get3A_1079 = vector.shape_cast %get3A_1078 : vector<16xf32> to vector<16xf32>
              %max3A_1080 = arith.maximumf %get3A_1079, %gather3A_694 : vector<16xf32>
              %get3A_1081 = arith.constant 112 : index
              %get3A_1082 = tpu.vector_load %arg13[%get3A_1081] {strides = array<i32>} : memref<128xf32, #tpu.memory_space<vmem>>, vector<16xf32>,
              %get3A_1083 = vector.shape_cast %get3A_1082 : vector<16xf32> to vector<16xf32>
              %max3A_1084 = arith.maximumf %get3A_1083, %gather3A_708 : vector<16xf32>
              %get3A_1085 = arith.constant 112 : index
              %get3A_1086 = tpu.vector_load %arg14[%get3A_1085] {strides = array<i32>} : memref<128xf32, #tpu.memory_space<vmem>>, vector<16xf32>,
              %get3A_1087 = vector.shape_cast %get3A_1086 : vector<16xf32> to vector<16xf32>
              %min3A_1088 = arith.minimumf %get3A_1087, %gather3A_722 : vector<16xf32>
              %get3A_1089 = arith.constant 112 : index
              %get3A_1090 = tpu.vector_load %arg15[%get3A_1089] {strides = array<i32>} : memref<128xf32, #tpu.memory_space<vmem>>, vector<16xf32>,
              %get3A_1091 = vector.shape_cast %get3A_1090 : vector<16xf32> to vector<16xf32>
              %min3A_1092 = arith.minimumf %get3A_1091, %gather3A_736 : vector<16xf32>
              %sub3A_1093 = arith.subf %min3A_1088, %max3A_1080 : vector<16xf32>
              %max3A_1094 = arith.constant 0.000000e+00 : f32
              %max3A_1095 = vector.broadcast %max3A_1094 : f32 to vector<16xf32>
              %max3A_1096 = arith.maximumf %sub3A_1093, %max3A_1095 : vector<16xf32>
              %sub3A_1097 = arith.subf %min3A_1092, %max3A_1084 : vector<16xf32>
              %max3A_1098 = arith.constant 0.000000e+00 : f32
              %max3A_1099 = vector.broadcast %max3A_1098 : f32 to vector<16xf32>
              %max3A_1100 = arith.maximumf %sub3A_1097, %max3A_1099 : vector<16xf32>
              %mul3A_1101 = arith.mulf %max3A_1096, %max3A_1100 : vector<16xf32>
              %get3A_1102 = arith.constant 112 : index
              %get3A_1103 = tpu.vector_load %arg18[%get3A_1102] {strides = array<i32>} : memref<128xf32, #tpu.memory_space<vmem>>, vector<16xf32>,
              %get3A_1104 = vector.shape_cast %get3A_1103 : vector<16xf32> to vector<16xf32>
              %add3A_1105 = arith.addf %gather3A_750, %get3A_1104 : vector<16xf32>
              %sub3A_1106 = arith.subf %add3A_1105, %mul3A_1101 : vector<16xf32>
              %add3A_1107 = arith.constant 9.99999971E-10 : f32
              %add3A_1108 = vector.broadcast %add3A_1107 : f32 to vector<16xf32>
              %add3A_1109 = arith.addf %sub3A_1106, %add3A_1108 : vector<16xf32>
              %div3A_1110 = arith.divf %mul3A_1101, %add3A_1109 : vector<16xf32>
              %gt3A_1111 = arith.constant 5.000000e-01 : f32
              %gt3A_1112 = vector.broadcast %gt3A_1111 : f32 to vector<16xf32>
              %gt3A_1113 = arith.cmpf ogt, %div3A_1110, %gt3A_1112 : vector<16xf32>
              %get3A_1114 = arith.constant 112 : index
              %get3A_1115 = tpu.vector_load %arg19[%get3A_1114] {strides = array<i32>} : memref<144xi32, #tpu.memory_space<vmem>>, vector<16xi32>,
              %get3A_1116 = vector.shape_cast %get3A_1115 : vector<16xi32> to vector<16xi32>
              %jit3A_1117 = arith.constant 0 : i32
              %broadcast_in_dim3A_1118 = vector.broadcast %jit3A_1117 : i32 to vector<16xi32>
              %select_n3A_1119 = arith.select %gt3A_1113, %broadcast_in_dim3A_1118, %get3A_1116 : vector<16xi1>, vector<16xi32>
              %swap3A_1120 = arith.constant 112 : index
              %swap3A_1121 = tpu.vector_load %arg19[%swap3A_1120] {strides = array<i32>} : memref<144xi32, #tpu.memory_space<vmem>>, vector<16xi32>,
              %swap3A_1122 = vector.shape_cast %swap3A_1121 : vector<16xi32> to vector<16xi32>
              %swap3A_1123 = vector.shape_cast %select_n3A_1119 : vector<16xi32> to vector<16xi32>
              tpu.vector_store %arg19[%swap3A_1120], %swap3A_1123 {strides = array<i32>} : memref<144xi32, #tpu.memory_space<vmem>>, vector<16xi32>,
              %while3A_1124 = arith.constant 0 : i32
              scf.yield %while3A_1124 : i32
            }
          } else {
          }
          %ge3A_652 = arith.constant 5.000000e-01 : f32
          %ge3A_653 = arith.cmpf oge, %squeeze3A, %ge3A_652 : f32
          %convert_element_type3A_654 = arith.extui %ge3A_653 : i1 to i32
          %cond3A_655 = arith.constant 0 : i32
          %cond3A_656 = arith.cmpi ne, %convert_element_type3A_654, %cond3A_655 : i32
          %cond3A_657 = scf.if %cond3A_656 -> (i32) {
            %get3A_666 = arith.constant 0 : index
            %get3A_667 = tpu.vector_load %arg12[%get3A_666] {strides = array<i32>} : memref<128xf32, #tpu.memory_space<vmem>>, vector<16xf32>,
            %get3A_668 = vector.shape_cast %get3A_667 : vector<16xf32> to vector<16xf32>
            %get3A_669 = arith.constant 16 : index
            %get3A_670 = tpu.vector_load %arg12[%get3A_669] {strides = array<i32>} : memref<128xf32, #tpu.memory_space<vmem>>, vector<16xf32>,
            %get3A_671 = vector.shape_cast %get3A_670 : vector<16xf32> to vector<16xf32>
            %get3A_672 = arith.constant 32 : index
            %get3A_673 = tpu.vector_load %arg12[%get3A_672] {strides = array<i32>} : memref<128xf32, #tpu.memory_space<vmem>>, vector<16xf32>,
            %get3A_674 = vector.shape_cast %get3A_673 : vector<16xf32> to vector<16xf32>
            %get3A_675 = arith.constant 48 : index
            %get3A_676 = tpu.vector_load %arg12[%get3A_675] {strides = array<i32>} : memref<128xf32, #tpu.memory_space<vmem>>, vector<16xf32>,
            %get3A_677 = vector.shape_cast %get3A_676 : vector<16xf32> to vector<16xf32>
            %get3A_678 = arith.constant 64 : index
            %get3A_679 = tpu.vector_load %arg12[%get3A_678] {strides = array<i32>} : memref<128xf32, #tpu.memory_space<vmem>>, vector<16xf32>,
            %get3A_680 = vector.shape_cast %get3A_679 : vector<16xf32> to vector<16xf32>
            %get3A_681 = arith.constant 80 : index
            %get3A_682 = tpu.vector_load %arg12[%get3A_681] {strides = array<i32>} : memref<128xf32, #tpu.memory_space<vmem>>, vector<16xf32>,
            %get3A_683 = vector.shape_cast %get3A_682 : vector<16xf32> to vector<16xf32>
            %get3A_684 = arith.constant 96 : index
            %get3A_685 = tpu.vector_load %arg12[%get3A_684] {strides = array<i32>} : memref<128xf32, #tpu.memory_space<vmem>>, vector<16xf32>,
            %get3A_686 = vector.shape_cast %get3A_685 : vector<16xf32> to vector<16xf32>
            %get3A_687 = arith.constant 112 : index
            %get3A_688 = tpu.vector_load %arg12[%get3A_687] {strides = array<i32>} : memref<128xf32, #tpu.memory_space<vmem>>, vector<16xf32>,
            %get3A_689 = vector.shape_cast %get3A_688 : vector<16xf32> to vector<16xf32>
            %get3A_690 = arith.constant 0 : index
            %get3A_691 = tpu.vector_load %arg13[%get3A_690] {strides = array<i32>} : memref<128xf32, #tpu.memory_space<vmem>>, vector<16xf32>,
            %get3A_692 = vector.shape_cast %get3A_691 : vector<16xf32> to vector<16xf32>
            %get3A_693 = arith.constant 16 : index
            %get3A_694 = tpu.vector_load %arg13[%get3A_693] {strides = array<i32>} : memref<128xf32, #tpu.memory_space<vmem>>, vector<16xf32>,
            %get3A_695 = vector.shape_cast %get3A_694 : vector<16xf32> to vector<16xf32>
            %get3A_696 = arith.constant 32 : index
            %get3A_697 = tpu.vector_load %arg13[%get3A_696] {strides = array<i32>} : memref<128xf32, #tpu.memory_space<vmem>>, vector<16xf32>,
            %get3A_698 = vector.shape_cast %get3A_697 : vector<16xf32> to vector<16xf32>
            %get3A_699 = arith.constant 48 : index
            %get3A_700 = tpu.vector_load %arg13[%get3A_699] {strides = array<i32>} : memref<128xf32, #tpu.memory_space<vmem>>, vector<16xf32>,
            %get3A_701 = vector.shape_cast %get3A_700 : vector<16xf32> to vector<16xf32>
            %get3A_702 = arith.constant 64 : index
            %get3A_703 = tpu.vector_load %arg13[%get3A_702] {strides = array<i32>} : memref<128xf32, #tpu.memory_space<vmem>>, vector<16xf32>,
            %get3A_704 = vector.shape_cast %get3A_703 : vector<16xf32> to vector<16xf32>
            %get3A_705 = arith.constant 80 : index
            %get3A_706 = tpu.vector_load %arg13[%get3A_705] {strides = array<i32>} : memref<128xf32, #tpu.memory_space<vmem>>, vector<16xf32>,
            %get3A_707 = vector.shape_cast %get3A_706 : vector<16xf32> to vector<16xf32>
            %get3A_708 = arith.constant 96 : index
            %get3A_709 = tpu.vector_load %arg13[%get3A_708] {strides = array<i32>} : memref<128xf32, #tpu.memory_space<vmem>>, vector<16xf32>,
            %get3A_710 = vector.shape_cast %get3A_709 : vector<16xf32> to vector<16xf32>
            %get3A_711 = arith.constant 112 : index
            %get3A_712 = tpu.vector_load %arg13[%get3A_711] {strides = array<i32>} : memref<128xf32, #tpu.memory_space<vmem>>, vector<16xf32>,
            %get3A_713 = vector.shape_cast %get3A_712 : vector<16xf32> to vector<16xf32>
            %get3A_714 = arith.constant 0 : index
            %get3A_715 = tpu.vector_load %arg14[%get3A_714] {strides = array<i32>} : memref<128xf32, #tpu.memory_space<vmem>>, vector<16xf32>,
            %get3A_716 = vector.shape_cast %get3A_715 : vector<16xf32> to vector<16xf32>
            %get3A_717 = arith.constant 16 : index
            %get3A_718 = tpu.vector_load %arg14[%get3A_717] {strides = array<i32>} : memref<128xf32, #tpu.memory_space<vmem>>, vector<16xf32>,
            %get3A_719 = vector.shape_cast %get3A_718 : vector<16xf32> to vector<16xf32>
            %get3A_720 = arith.constant 32 : index
            %get3A_721 = tpu.vector_load %arg14[%get3A_720] {strides = array<i32>} : memref<128xf32, #tpu.memory_space<vmem>>, vector<16xf32>,
            %get3A_722 = vector.shape_cast %get3A_721 : vector<16xf32> to vector<16xf32>
            %get3A_723 = arith.constant 48 : index
            %get3A_724 = tpu.vector_load %arg14[%get3A_723] {strides = array<i32>} : memref<128xf32, #tpu.memory_space<vmem>>, vector<16xf32>,
            %get3A_725 = vector.shape_cast %get3A_724 : vector<16xf32> to vector<16xf32>
            %get3A_726 = arith.constant 64 : index
            %get3A_727 = tpu.vector_load %arg14[%get3A_726] {strides = array<i32>} : memref<128xf32, #tpu.memory_space<vmem>>, vector<16xf32>,
            %get3A_728 = vector.shape_cast %get3A_727 : vector<16xf32> to vector<16xf32>
            %get3A_729 = arith.constant 80 : index
            %get3A_730 = tpu.vector_load %arg14[%get3A_729] {strides = array<i32>} : memref<128xf32, #tpu.memory_space<vmem>>, vector<16xf32>,
            %get3A_731 = vector.shape_cast %get3A_730 : vector<16xf32> to vector<16xf32>
            %get3A_732 = arith.constant 96 : index
            %get3A_733 = tpu.vector_load %arg14[%get3A_732] {strides = array<i32>} : memref<128xf32, #tpu.memory_space<vmem>>, vector<16xf32>,
            %get3A_734 = vector.shape_cast %get3A_733 : vector<16xf32> to vector<16xf32>
            %get3A_735 = arith.constant 112 : index
            %get3A_736 = tpu.vector_load %arg14[%get3A_735] {strides = array<i32>} : memref<128xf32, #tpu.memory_space<vmem>>, vector<16xf32>,
            %get3A_737 = vector.shape_cast %get3A_736 : vector<16xf32> to vector<16xf32>
            %get3A_738 = arith.constant 0 : index
            %get3A_739 = tpu.vector_load %arg15[%get3A_738] {strides = array<i32>} : memref<128xf32, #tpu.memory_space<vmem>>, vector<16xf32>,
            %get3A_740 = vector.shape_cast %get3A_739 : vector<16xf32> to vector<16xf32>
            %get3A_741 = arith.constant 16 : index
            %get3A_742 = tpu.vector_load %arg15[%get3A_741] {strides = array<i32>} : memref<128xf32, #tpu.memory_space<vmem>>, vector<16xf32>,
            %get3A_743 = vector.shape_cast %get3A_742 : vector<16xf32> to vector<16xf32>
            %get3A_744 = arith.constant 32 : index
            %get3A_745 = tpu.vector_load %arg15[%get3A_744] {strides = array<i32>} : memref<128xf32, #tpu.memory_space<vmem>>, vector<16xf32>,
            %get3A_746 = vector.shape_cast %get3A_745 : vector<16xf32> to vector<16xf32>
            %get3A_747 = arith.constant 48 : index
            %get3A_748 = tpu.vector_load %arg15[%get3A_747] {strides = array<i32>} : memref<128xf32, #tpu.memory_space<vmem>>, vector<16xf32>,
            %get3A_749 = vector.shape_cast %get3A_748 : vector<16xf32> to vector<16xf32>
            %get3A_750 = arith.constant 64 : index
            %get3A_751 = tpu.vector_load %arg15[%get3A_750] {strides = array<i32>} : memref<128xf32, #tpu.memory_space<vmem>>, vector<16xf32>,
            %get3A_752 = vector.shape_cast %get3A_751 : vector<16xf32> to vector<16xf32>
            %get3A_753 = arith.constant 80 : index
            %get3A_754 = tpu.vector_load %arg15[%get3A_753] {strides = array<i32>} : memref<128xf32, #tpu.memory_space<vmem>>, vector<16xf32>,
            %get3A_755 = vector.shape_cast %get3A_754 : vector<16xf32> to vector<16xf32>
            %get3A_756 = arith.constant 96 : index
            %get3A_757 = tpu.vector_load %arg15[%get3A_756] {strides = array<i32>} : memref<128xf32, #tpu.memory_space<vmem>>, vector<16xf32>,
            %get3A_758 = vector.shape_cast %get3A_757 : vector<16xf32> to vector<16xf32>
            %get3A_759 = arith.constant 112 : index
            %get3A_760 = tpu.vector_load %arg15[%get3A_759] {strides = array<i32>} : memref<128xf32, #tpu.memory_space<vmem>>, vector<16xf32>,
            %get3A_761 = vector.shape_cast %get3A_760 : vector<16xf32> to vector<16xf32>
            %get3A_762 = arith.constant 0 : index
            %get3A_763 = tpu.vector_load %arg18[%get3A_762] {strides = array<i32>} : memref<128xf32, #tpu.memory_space<vmem>>, vector<16xf32>,
            %get3A_764 = vector.shape_cast %get3A_763 : vector<16xf32> to vector<16xf32>
            %get3A_765 = arith.constant 16 : index
            %get3A_766 = tpu.vector_load %arg18[%get3A_765] {strides = array<i32>} : memref<128xf32, #tpu.memory_space<vmem>>, vector<16xf32>,
            %get3A_767 = vector.shape_cast %get3A_766 : vector<16xf32> to vector<16xf32>
            %get3A_768 = arith.constant 32 : index
            %get3A_769 = tpu.vector_load %arg18[%get3A_768] {strides = array<i32>} : memref<128xf32, #tpu.memory_space<vmem>>, vector<16xf32>,
            %get3A_770 = vector.shape_cast %get3A_769 : vector<16xf32> to vector<16xf32>
            %get3A_771 = arith.constant 48 : index
            %get3A_772 = tpu.vector_load %arg18[%get3A_771] {strides = array<i32>} : memref<128xf32, #tpu.memory_space<vmem>>, vector<16xf32>,
            %get3A_773 = vector.shape_cast %get3A_772 : vector<16xf32> to vector<16xf32>
            %get3A_774 = arith.constant 64 : index
            %get3A_775 = tpu.vector_load %arg18[%get3A_774] {strides = array<i32>} : memref<128xf32, #tpu.memory_space<vmem>>, vector<16xf32>,
            %get3A_776 = vector.shape_cast %get3A_775 : vector<16xf32> to vector<16xf32>
            %get3A_777 = arith.constant 80 : index
            %get3A_778 = tpu.vector_load %arg18[%get3A_777] {strides = array<i32>} : memref<128xf32, #tpu.memory_space<vmem>>, vector<16xf32>,
            %get3A_779 = vector.shape_cast %get3A_778 : vector<16xf32> to vector<16xf32>
            %get3A_780 = arith.constant 96 : index
            %get3A_781 = tpu.vector_load %arg18[%get3A_780] {strides = array<i32>} : memref<128xf32, #tpu.memory_space<vmem>>, vector<16xf32>,
            %get3A_782 = vector.shape_cast %get3A_781 : vector<16xf32> to vector<16xf32>
            %get3A_783 = arith.constant 112 : index
            %get3A_784 = tpu.vector_load %arg18[%get3A_783] {strides = array<i32>} : memref<128xf32, #tpu.memory_space<vmem>>, vector<16xf32>,
            %get3A_785 = vector.shape_cast %get3A_784 : vector<16xf32> to vector<16xf32>
            %scan3A_786 = arith.constant 0 : i32
            %scan3A_787 = arith.constant 128 : i32
            %scan3A_788 = arith.addi %scan3A_786, %scan3A_787 : i32
            %scan3A_789 = arith.constant 1 : i32
            %scan3A_790 = scf.for %scan3A_792 = %scan3A_786 to %scan3A_788 step %scan3A_789 iter_args(%scan3A_793 = %scan3A_271) -> (i32)  : i32 {
              %and3A_794 = arith.constant -16 : i32
              %and3A_795 = arith.andi %scan3A_792, %and3A_794 : i32
              %sub3A_796 = arith.subi %scan3A_792, %and3A_795 : i32
              %get3A_797 = arith.index_cast %scan3A_792 : i32 to index
              %get3A_798 = tpu.vector_load %arg19[%get3A_797] {strides = array<i32>} : memref<144xi32, #tpu.memory_space<vmem>>, vector<16xi32>,
              %get3A_799 = vector.shape_cast %get3A_798 : vector<16xi32> to vector<16xi32>
              %slice3A_800 = vector.extract_strided_slice %get3A_799 {offsets = [0], sizes = [1], strides = [1]} : vector<16xi32> to vector<1xi32>
              %squeeze3A_801 = vector.extract %slice3A_800[0] : i32 from vector<1xi32>
              %ne3A_802 = arith.constant 0 : i32
              %ne3A_803 = arith.cmpi ne, %squeeze3A_801, %ne3A_802 : i32
              %lt3A_804 = arith.constant 100 : i32
              %lt3A_805 = arith.cmpi slt, %scan3A_793, %lt3A_804 : i32
              %and3A_806 = arith.andi %ne3A_803, %lt3A_805 : i1
              %convert_element_type3A_807 = arith.extui %and3A_806 : i1 to i32
              %cond3A_808 = arith.constant 0 : i32
              %cond3A_809 = arith.cmpi ne, %convert_element_type3A_807, %cond3A_808 : i32
              %cond3A_810 = scf.if %cond3A_809 -> (i32) {
                %get3A_811 = arith.index_cast %and3A_795 : i32 to index
                %get3A_812 = tpu.vector_load %arg12[%get3A_811] {strides = array<i32>} : memref<128xf32, #tpu.memory_space<vmem>>, vector<16xf32>,
                %get3A_813 = vector.shape_cast %get3A_812 : vector<16xf32> to vector<16xf32>
                %broadcast_in_dim3A_814 = vector.broadcast %sub3A_796 : i32 to vector<16xi32>
                %lt3A_815 = arith.constant 0 : i32
                %lt3A_816 = vector.broadcast %lt3A_815 : i32 to vector<16xi32>
                %lt3A_817 = arith.cmpi slt, %broadcast_in_dim3A_814, %lt3A_816 : vector<16xi32>
                %add3A_818 = arith.constant 16 : i32
                %add3A_819 = vector.broadcast %add3A_818 : i32 to vector<16xi32>
                %add3A_820 = arith.addi %broadcast_in_dim3A_814, %add3A_819 : vector<16xi32>
                %select_n3A_821 = arith.select %lt3A_817, %add3A_820, %broadcast_in_dim3A_814 : vector<16xi1>, vector<16xi32>
                %broadcast_in_dim3A_822 = vector.shape_cast %select_n3A_821 : vector<16xi32> to vector<16x1xi32>
                %gather3A = vector.shape_cast %broadcast_in_dim3A_822 : vector<16x1xi32> to vector<16xi32>
                %gather3A_823 = tpu.dynamic_gather %get3A_813[%gather3A] in [0] : vector<16xf32>, vector<16xi32> -> vector<16xf32>
                %get3A_824 = arith.index_cast %and3A_795 : i32 to index
                %get3A_825 = tpu.vector_load %arg13[%get3A_824] {strides = array<i32>} : memref<128xf32, #tpu.memory_space<vmem>>, vector<16xf32>,
                %get3A_826 = vector.shape_cast %get3A_825 : vector<16xf32> to vector<16xf32>
                %broadcast_in_dim3A_827 = vector.broadcast %sub3A_796 : i32 to vector<16xi32>
                %lt3A_828 = arith.constant 0 : i32
                %lt3A_829 = vector.broadcast %lt3A_828 : i32 to vector<16xi32>
                %lt3A_830 = arith.cmpi slt, %broadcast_in_dim3A_827, %lt3A_829 : vector<16xi32>
                %add3A_831 = arith.constant 16 : i32
                %add3A_832 = vector.broadcast %add3A_831 : i32 to vector<16xi32>
                %add3A_833 = arith.addi %broadcast_in_dim3A_827, %add3A_832 : vector<16xi32>
                %select_n3A_834 = arith.select %lt3A_830, %add3A_833, %broadcast_in_dim3A_827 : vector<16xi1>, vector<16xi32>
                %broadcast_in_dim3A_835 = vector.shape_cast %select_n3A_834 : vector<16xi32> to vector<16x1xi32>
                %gather3A_836 = vector.shape_cast %broadcast_in_dim3A_835 : vector<16x1xi32> to vector<16xi32>
                %gather3A_837 = tpu.dynamic_gather %get3A_826[%gather3A_836] in [0] : vector<16xf32>, vector<16xi32> -> vector<16xf32>
                %get3A_838 = arith.index_cast %and3A_795 : i32 to index
                %get3A_839 = tpu.vector_load %arg14[%get3A_838] {strides = array<i32>} : memref<128xf32, #tpu.memory_space<vmem>>, vector<16xf32>,
                %get3A_840 = vector.shape_cast %get3A_839 : vector<16xf32> to vector<16xf32>
                %broadcast_in_dim3A_841 = vector.broadcast %sub3A_796 : i32 to vector<16xi32>
                %lt3A_842 = arith.constant 0 : i32
                %lt3A_843 = vector.broadcast %lt3A_842 : i32 to vector<16xi32>
                %lt3A_844 = arith.cmpi slt, %broadcast_in_dim3A_841, %lt3A_843 : vector<16xi32>
                %add3A_845 = arith.constant 16 : i32
                %add3A_846 = vector.broadcast %add3A_845 : i32 to vector<16xi32>
                %add3A_847 = arith.addi %broadcast_in_dim3A_841, %add3A_846 : vector<16xi32>
                %select_n3A_848 = arith.select %lt3A_844, %add3A_847, %broadcast_in_dim3A_841 : vector<16xi1>, vector<16xi32>
                %broadcast_in_dim3A_849 = vector.shape_cast %select_n3A_848 : vector<16xi32> to vector<16x1xi32>
                %gather3A_850 = vector.shape_cast %broadcast_in_dim3A_849 : vector<16x1xi32> to vector<16xi32>
                %gather3A_851 = tpu.dynamic_gather %get3A_840[%gather3A_850] in [0] : vector<16xf32>, vector<16xi32> -> vector<16xf32>
                %get3A_852 = arith.index_cast %and3A_795 : i32 to index
                %get3A_853 = tpu.vector_load %arg15[%get3A_852] {strides = array<i32>} : memref<128xf32, #tpu.memory_space<vmem>>, vector<16xf32>,
                %get3A_854 = vector.shape_cast %get3A_853 : vector<16xf32> to vector<16xf32>
                %broadcast_in_dim3A_855 = vector.broadcast %sub3A_796 : i32 to vector<16xi32>
                %lt3A_856 = arith.constant 0 : i32
                %lt3A_857 = vector.broadcast %lt3A_856 : i32 to vector<16xi32>
                %lt3A_858 = arith.cmpi slt, %broadcast_in_dim3A_855, %lt3A_857 : vector<16xi32>
                %add3A_859 = arith.constant 16 : i32
                %add3A_860 = vector.broadcast %add3A_859 : i32 to vector<16xi32>
                %add3A_861 = arith.addi %broadcast_in_dim3A_855, %add3A_860 : vector<16xi32>
                %select_n3A_862 = arith.select %lt3A_858, %add3A_861, %broadcast_in_dim3A_855 : vector<16xi1>, vector<16xi32>
                %broadcast_in_dim3A_863 = vector.shape_cast %select_n3A_862 : vector<16xi32> to vector<16x1xi32>
                %gather3A_864 = vector.shape_cast %broadcast_in_dim3A_863 : vector<16x1xi32> to vector<16xi32>
                %gather3A_865 = tpu.dynamic_gather %get3A_854[%gather3A_864] in [0] : vector<16xf32>, vector<16xi32> -> vector<16xf32>
                %get3A_866 = arith.index_cast %and3A_795 : i32 to index
                %get3A_867 = tpu.vector_load %arg18[%get3A_866] {strides = array<i32>} : memref<128xf32, #tpu.memory_space<vmem>>, vector<16xf32>,
                %get3A_868 = vector.shape_cast %get3A_867 : vector<16xf32> to vector<16xf32>
                %broadcast_in_dim3A_869 = vector.broadcast %sub3A_796 : i32 to vector<16xi32>
                %lt3A_870 = arith.constant 0 : i32
                %lt3A_871 = vector.broadcast %lt3A_870 : i32 to vector<16xi32>
                %lt3A_872 = arith.cmpi slt, %broadcast_in_dim3A_869, %lt3A_871 : vector<16xi32>
                %add3A_873 = arith.constant 16 : i32
                %add3A_874 = vector.broadcast %add3A_873 : i32 to vector<16xi32>
                %add3A_875 = arith.addi %broadcast_in_dim3A_869, %add3A_874 : vector<16xi32>
                %select_n3A_876 = arith.select %lt3A_872, %add3A_875, %broadcast_in_dim3A_869 : vector<16xi1>, vector<16xi32>
                %broadcast_in_dim3A_877 = vector.shape_cast %select_n3A_876 : vector<16xi32> to vector<16x1xi32>
                %gather3A_878 = vector.shape_cast %broadcast_in_dim3A_877 : vector<16x1xi32> to vector<16xi32>
                %gather3A_879 = tpu.dynamic_gather %get3A_868[%gather3A_878] in [0] : vector<16xf32>, vector<16xi32> -> vector<16xf32>
                %and3A_880 = arith.constant -16 : i32
                %and3A_881 = arith.andi %scan3A_793, %and3A_880 : i32
                %get3A_882 = arith.index_cast %and3A_881 : i32 to index
                %get3A_883 = tpu.vector_load %arg20[%get3A_882] {strides = array<i32>} : memref<128xf32, #tpu.memory_space<vmem>>, vector<16xf32>,
                %get3A_884 = vector.shape_cast %get3A_883 : vector<16xf32> to vector<16xf32>
                %sub3A_885 = arith.subi %scan3A_793, %and3A_881 : i32
                %eq3A_886 = vector.broadcast %sub3A_885 : i32 to vector<16xi32>
                %eq3A_887 = arith.cmpi eq, %iota3A, %eq3A_886 : vector<16xi32>
                %select_n3A_888 = arith.select %eq3A_887, %gather3A_823, %get3A_884 : vector<16xi1>, vector<16xf32>
                %swap3A_889 = arith.index_cast %and3A_881 : i32 to index
                %swap3A_890 = tpu.vector_load %arg20[%swap3A_889] {strides = array<i32>} : memref<128xf32, #tpu.memory_space<vmem>>, vector<16xf32>,
                %swap3A_891 = vector.shape_cast %swap3A_890 : vector<16xf32> to vector<16xf32>
                %swap3A_892 = vector.shape_cast %select_n3A_888 : vector<16xf32> to vector<16xf32>
                tpu.vector_store %arg20[%swap3A_889], %swap3A_892 {strides = array<i32>} : memref<128xf32, #tpu.memory_space<vmem>>, vector<16xf32>,
                %and3A_893 = arith.constant -16 : i32
                %and3A_894 = arith.andi %scan3A_793, %and3A_893 : i32
                %get3A_895 = arith.index_cast %and3A_894 : i32 to index
                %get3A_896 = tpu.vector_load %arg21[%get3A_895] {strides = array<i32>} : memref<128xf32, #tpu.memory_space<vmem>>, vector<16xf32>,
                %get3A_897 = vector.shape_cast %get3A_896 : vector<16xf32> to vector<16xf32>
                %sub3A_898 = arith.subi %scan3A_793, %and3A_894 : i32
                %eq3A_899 = vector.broadcast %sub3A_898 : i32 to vector<16xi32>
                %eq3A_900 = arith.cmpi eq, %iota3A, %eq3A_899 : vector<16xi32>
                %select_n3A_901 = arith.select %eq3A_900, %gather3A_837, %get3A_897 : vector<16xi1>, vector<16xf32>
                %swap3A_902 = arith.index_cast %and3A_894 : i32 to index
                %swap3A_903 = tpu.vector_load %arg21[%swap3A_902] {strides = array<i32>} : memref<128xf32, #tpu.memory_space<vmem>>, vector<16xf32>,
                %swap3A_904 = vector.shape_cast %swap3A_903 : vector<16xf32> to vector<16xf32>
                %swap3A_905 = vector.shape_cast %select_n3A_901 : vector<16xf32> to vector<16xf32>
                tpu.vector_store %arg21[%swap3A_902], %swap3A_905 {strides = array<i32>} : memref<128xf32, #tpu.memory_space<vmem>>, vector<16xf32>,
                %and3A_906 = arith.constant -16 : i32
                %and3A_907 = arith.andi %scan3A_793, %and3A_906 : i32
                %get3A_908 = arith.index_cast %and3A_907 : i32 to index
                %get3A_909 = tpu.vector_load %arg22[%get3A_908] {strides = array<i32>} : memref<128xf32, #tpu.memory_space<vmem>>, vector<16xf32>,
                %get3A_910 = vector.shape_cast %get3A_909 : vector<16xf32> to vector<16xf32>
                %sub3A_911 = arith.subi %scan3A_793, %and3A_907 : i32
                %eq3A_912 = vector.broadcast %sub3A_911 : i32 to vector<16xi32>
                %eq3A_913 = arith.cmpi eq, %iota3A, %eq3A_912 : vector<16xi32>
                %select_n3A_914 = arith.select %eq3A_913, %gather3A_851, %get3A_910 : vector<16xi1>, vector<16xf32>
                %swap3A_915 = arith.index_cast %and3A_907 : i32 to index
                %swap3A_916 = tpu.vector_load %arg22[%swap3A_915] {strides = array<i32>} : memref<128xf32, #tpu.memory_space<vmem>>, vector<16xf32>,
                %swap3A_917 = vector.shape_cast %swap3A_916 : vector<16xf32> to vector<16xf32>
                %swap3A_918 = vector.shape_cast %select_n3A_914 : vector<16xf32> to vector<16xf32>
                tpu.vector_store %arg22[%swap3A_915], %swap3A_918 {strides = array<i32>} : memref<128xf32, #tpu.memory_space<vmem>>, vector<16xf32>,
                %and3A_919 = arith.constant -16 : i32
                %and3A_920 = arith.andi %scan3A_793, %and3A_919 : i32
                %get3A_921 = arith.index_cast %and3A_920 : i32 to index
                %get3A_922 = tpu.vector_load %arg23[%get3A_921] {strides = array<i32>} : memref<128xf32, #tpu.memory_space<vmem>>, vector<16xf32>,
                %get3A_923 = vector.shape_cast %get3A_922 : vector<16xf32> to vector<16xf32>
                %sub3A_924 = arith.subi %scan3A_793, %and3A_920 : i32
                %eq3A_925 = vector.broadcast %sub3A_924 : i32 to vector<16xi32>
                %eq3A_926 = arith.cmpi eq, %iota3A, %eq3A_925 : vector<16xi32>
                %select_n3A_927 = arith.select %eq3A_926, %gather3A_865, %get3A_923 : vector<16xi1>, vector<16xf32>
                %swap3A_928 = arith.index_cast %and3A_920 : i32 to index
                %swap3A_929 = tpu.vector_load %arg23[%swap3A_928] {strides = array<i32>} : memref<128xf32, #tpu.memory_space<vmem>>, vector<16xf32>,
                %swap3A_930 = vector.shape_cast %swap3A_929 : vector<16xf32> to vector<16xf32>
                %swap3A_931 = vector.shape_cast %select_n3A_927 : vector<16xf32> to vector<16xf32>
                tpu.vector_store %arg23[%swap3A_928], %swap3A_931 {strides = array<i32>} : memref<128xf32, #tpu.memory_space<vmem>>, vector<16xf32>,
                %and3A_932 = arith.constant -16 : i32
                %and3A_933 = arith.andi %scan3A_793, %and3A_932 : i32
                %get3A_934 = arith.index_cast %and3A_933 : i32 to index
                %get3A_935 = tpu.vector_load %arg26[%get3A_934] {strides = array<i32>} : memref<128xf32, #tpu.memory_space<vmem>>, vector<16xf32>,
                %get3A_936 = vector.shape_cast %get3A_935 : vector<16xf32> to vector<16xf32>
                %sub3A_937 = arith.subi %scan3A_793, %and3A_933 : i32
                %eq3A_938 = vector.broadcast %sub3A_937 : i32 to vector<16xi32>
                %eq3A_939 = arith.cmpi eq, %iota3A, %eq3A_938 : vector<16xi32>
                %select_n3A_940 = arith.select %eq3A_939, %gather3A_879, %get3A_936 : vector<16xi1>, vector<16xf32>
                %swap3A_941 = arith.index_cast %and3A_933 : i32 to index
                %swap3A_942 = tpu.vector_load %arg26[%swap3A_941] {strides = array<i32>} : memref<128xf32, #tpu.memory_space<vmem>>, vector<16xf32>,
                %swap3A_943 = vector.shape_cast %swap3A_942 : vector<16xf32> to vector<16xf32>
                %swap3A_944 = vector.shape_cast %select_n3A_940 : vector<16xf32> to vector<16xf32>
                tpu.vector_store %arg26[%swap3A_941], %swap3A_944 {strides = array<i32>} : memref<128xf32, #tpu.memory_space<vmem>>, vector<16xf32>,
                %get3A_945 = arith.index_cast %and3A_795 : i32 to index
                %get3A_946 = tpu.vector_load %arg16[%get3A_945] {strides = array<i32>} : memref<128xf32, #tpu.memory_space<vmem>>, vector<16xf32>,
                %get3A_947 = vector.shape_cast %get3A_946 : vector<16xf32> to vector<16xf32>
                %broadcast_in_dim3A_948 = vector.broadcast %sub3A_796 : i32 to vector<16xi32>
                %lt3A_949 = arith.constant 0 : i32
                %lt3A_950 = vector.broadcast %lt3A_949 : i32 to vector<16xi32>
                %lt3A_951 = arith.cmpi slt, %broadcast_in_dim3A_948, %lt3A_950 : vector<16xi32>
                %add3A_952 = arith.constant 16 : i32
                %add3A_953 = vector.broadcast %add3A_952 : i32 to vector<16xi32>
                %add3A_954 = arith.addi %broadcast_in_dim3A_948, %add3A_953 : vector<16xi32>
                %select_n3A_955 = arith.select %lt3A_951, %add3A_954, %broadcast_in_dim3A_948 : vector<16xi1>, vector<16xi32>
                %broadcast_in_dim3A_956 = vector.shape_cast %select_n3A_955 : vector<16xi32> to vector<16x1xi32>
                %gather3A_957 = vector.shape_cast %broadcast_in_dim3A_956 : vector<16x1xi32> to vector<16xi32>
                %gather3A_958 = tpu.dynamic_gather %get3A_947[%gather3A_957] in [0] : vector<16xf32>, vector<16xi32> -> vector<16xf32>
                %and3A_959 = arith.constant -16 : i32
                %and3A_960 = arith.andi %scan3A_793, %and3A_959 : i32
                %get3A_961 = arith.index_cast %and3A_960 : i32 to index
                %get3A_962 = tpu.vector_load %arg24[%get3A_961] {strides = array<i32>} : memref<128xf32, #tpu.memory_space<vmem>>, vector<16xf32>,
                %get3A_963 = vector.shape_cast %get3A_962 : vector<16xf32> to vector<16xf32>
                %sub3A_964 = arith.subi %scan3A_793, %and3A_960 : i32
                %eq3A_965 = vector.broadcast %sub3A_964 : i32 to vector<16xi32>
                %eq3A_966 = arith.cmpi eq, %iota3A, %eq3A_965 : vector<16xi32>
                %select_n3A_967 = arith.select %eq3A_966, %gather3A_958, %get3A_963 : vector<16xi1>, vector<16xf32>
                %swap3A_968 = arith.index_cast %and3A_960 : i32 to index
                %swap3A_969 = tpu.vector_load %arg24[%swap3A_968] {strides = array<i32>} : memref<128xf32, #tpu.memory_space<vmem>>, vector<16xf32>,
                %swap3A_970 = vector.shape_cast %swap3A_969 : vector<16xf32> to vector<16xf32>
                %swap3A_971 = vector.shape_cast %select_n3A_967 : vector<16xf32> to vector<16xf32>
                tpu.vector_store %arg24[%swap3A_968], %swap3A_971 {strides = array<i32>} : memref<128xf32, #tpu.memory_space<vmem>>, vector<16xf32>,
                %get3A_972 = arith.index_cast %and3A_795 : i32 to index
                %get3A_973 = tpu.vector_load %arg17[%get3A_972] {strides = array<i32>} : memref<128xi32, #tpu.memory_space<vmem>>, vector<16xi32>,
                %get3A_974 = vector.shape_cast %get3A_973 : vector<16xi32> to vector<16xi32>
                %broadcast_in_dim3A_975 = vector.broadcast %sub3A_796 : i32 to vector<16xi32>
                %lt3A_976 = arith.constant 0 : i32
                %lt3A_977 = vector.broadcast %lt3A_976 : i32 to vector<16xi32>
                %lt3A_978 = arith.cmpi slt, %broadcast_in_dim3A_975, %lt3A_977 : vector<16xi32>
                %add3A_979 = arith.constant 16 : i32
                %add3A_980 = vector.broadcast %add3A_979 : i32 to vector<16xi32>
                %add3A_981 = arith.addi %broadcast_in_dim3A_975, %add3A_980 : vector<16xi32>
                %select_n3A_982 = arith.select %lt3A_978, %add3A_981, %broadcast_in_dim3A_975 : vector<16xi1>, vector<16xi32>
                %broadcast_in_dim3A_983 = vector.shape_cast %select_n3A_982 : vector<16xi32> to vector<16x1xi32>
                %gather3A_984 = vector.shape_cast %broadcast_in_dim3A_983 : vector<16x1xi32> to vector<16xi32>
                %gather3A_985 = tpu.dynamic_gather %get3A_974[%gather3A_984] in [0] : vector<16xi32>, vector<16xi32> -> vector<16xi32>
                %and3A_986 = arith.constant -16 : i32
                %and3A_987 = arith.andi %scan3A_793, %and3A_986 : i32
                %get3A_988 = arith.index_cast %and3A_987 : i32 to index
                %get3A_989 = tpu.vector_load %arg25[%get3A_988] {strides = array<i32>} : memref<128xi32, #tpu.memory_space<vmem>>, vector<16xi32>,
                %get3A_990 = vector.shape_cast %get3A_989 : vector<16xi32> to vector<16xi32>
                %sub3A_991 = arith.subi %scan3A_793, %and3A_987 : i32
                %eq3A_992 = vector.broadcast %sub3A_991 : i32 to vector<16xi32>
                %eq3A_993 = arith.cmpi eq, %iota3A, %eq3A_992 : vector<16xi32>
                %select_n3A_994 = arith.select %eq3A_993, %gather3A_985, %get3A_990 : vector<16xi1>, vector<16xi32>
                %swap3A_995 = arith.index_cast %and3A_987 : i32 to index
                %swap3A_996 = tpu.vector_load %arg25[%swap3A_995] {strides = array<i32>} : memref<128xi32, #tpu.memory_space<vmem>>, vector<16xi32>,
                %swap3A_997 = vector.shape_cast %swap3A_996 : vector<16xi32> to vector<16xi32>
                %swap3A_998 = vector.shape_cast %select_n3A_994 : vector<16xi32> to vector<16xi32>
                tpu.vector_store %arg25[%swap3A_995], %swap3A_998 {strides = array<i32>} : memref<128xi32, #tpu.memory_space<vmem>>, vector<16xi32>,
                %max3A = arith.maximumf %get3A_668, %gather3A_823 : vector<16xf32>
                %max3A_999 = arith.maximumf %get3A_692, %gather3A_837 : vector<16xf32>
                %min3A = arith.minimumf %get3A_716, %gather3A_851 : vector<16xf32>
                %min3A_1000 = arith.minimumf %get3A_740, %gather3A_865 : vector<16xf32>
                %sub3A_1001 = arith.subf %min3A, %max3A : vector<16xf32>
                %max3A_1002 = arith.constant 0.000000e+00 : f32
                %max3A_1003 = vector.broadcast %max3A_1002 : f32 to vector<16xf32>
                %max3A_1004 = arith.maximumf %sub3A_1001, %max3A_1003 : vector<16xf32>
                %sub3A_1005 = arith.subf %min3A_1000, %max3A_999 : vector<16xf32>
                %max3A_1006 = arith.constant 0.000000e+00 : f32
                %max3A_1007 = vector.broadcast %max3A_1006 : f32 to vector<16xf32>
                %max3A_1008 = arith.maximumf %sub3A_1005, %max3A_1007 : vector<16xf32>
                %mul3A_1009 = arith.mulf %max3A_1004, %max3A_1008 : vector<16xf32>
                %add3A_1010 = arith.addf %gather3A_879, %get3A_764 : vector<16xf32>
                %sub3A_1011 = arith.subf %add3A_1010, %mul3A_1009 : vector<16xf32>
                %add3A_1012 = arith.constant 9.99999971E-10 : f32
                %add3A_1013 = vector.broadcast %add3A_1012 : f32 to vector<16xf32>
                %add3A_1014 = arith.addf %sub3A_1011, %add3A_1013 : vector<16xf32>
                %div3A = arith.divf %mul3A_1009, %add3A_1014 : vector<16xf32>
                %gt3A_1015 = arith.constant 5.000000e-01 : f32
                %gt3A_1016 = vector.broadcast %gt3A_1015 : f32 to vector<16xf32>
                %gt3A_1017 = arith.cmpf ogt, %div3A, %gt3A_1016 : vector<16xf32>
                %get3A_1018 = arith.constant 0 : index
                %get3A_1019 = tpu.vector_load %arg19[%get3A_1018] {strides = array<i32>} : memref<144xi32, #tpu.memory_space<vmem>>, vector<16xi32>,
                %get3A_1020 = vector.shape_cast %get3A_1019 : vector<16xi32> to vector<16xi32>
                %jit3A_1021 = arith.constant 0 : i32
                %broadcast_in_dim3A_1022 = vector.broadcast %jit3A_1021 : i32 to vector<16xi32>
                %select_n3A_1023 = arith.select %gt3A_1017, %broadcast_in_dim3A_1022, %get3A_1020 : vector<16xi1>, vector<16xi32>
                %swap3A_1024 = arith.constant 0 : index
                %swap3A_1025 = tpu.vector_load %arg19[%swap3A_1024] {strides = array<i32>} : memref<144xi32, #tpu.memory_space<vmem>>, vector<16xi32>,
                %swap3A_1026 = vector.shape_cast %swap3A_1025 : vector<16xi32> to vector<16xi32>
                %swap3A_1027 = vector.shape_cast %select_n3A_1023 : vector<16xi32> to vector<16xi32>
                tpu.vector_store %arg19[%swap3A_1024], %swap3A_1027 {strides = array<i32>} : memref<144xi32, #tpu.memory_space<vmem>>, vector<16xi32>,
                %max3A_1028 = arith.maximumf %get3A_671, %gather3A_823 : vector<16xf32>
                %max3A_1029 = arith.maximumf %get3A_695, %gather3A_837 : vector<16xf32>
                %min3A_1030 = arith.minimumf %get3A_719, %gather3A_851 : vector<16xf32>
                %min3A_1031 = arith.minimumf %get3A_743, %gather3A_865 : vector<16xf32>
                %sub3A_1032 = arith.subf %min3A_1030, %max3A_1028 : vector<16xf32>
                %max3A_1033 = arith.constant 0.000000e+00 : f32
                %max3A_1034 = vector.broadcast %max3A_1033 : f32 to vector<16xf32>
                %max3A_1035 = arith.maximumf %sub3A_1032, %max3A_1034 : vector<16xf32>
                %sub3A_1036 = arith.subf %min3A_1031, %max3A_1029 : vector<16xf32>
                %max3A_1037 = arith.constant 0.000000e+00 : f32
                %max3A_1038 = vector.broadcast %max3A_1037 : f32 to vector<16xf32>
                %max3A_1039 = arith.maximumf %sub3A_1036, %max3A_1038 : vector<16xf32>
                %mul3A_1040 = arith.mulf %max3A_1035, %max3A_1039 : vector<16xf32>
                %add3A_1041 = arith.addf %gather3A_879, %get3A_767 : vector<16xf32>
                %sub3A_1042 = arith.subf %add3A_1041, %mul3A_1040 : vector<16xf32>
                %add3A_1043 = arith.constant 9.99999971E-10 : f32
                %add3A_1044 = vector.broadcast %add3A_1043 : f32 to vector<16xf32>
                %add3A_1045 = arith.addf %sub3A_1042, %add3A_1044 : vector<16xf32>
                %div3A_1046 = arith.divf %mul3A_1040, %add3A_1045 : vector<16xf32>
                %gt3A_1047 = arith.constant 5.000000e-01 : f32
                %gt3A_1048 = vector.broadcast %gt3A_1047 : f32 to vector<16xf32>
                %gt3A_1049 = arith.cmpf ogt, %div3A_1046, %gt3A_1048 : vector<16xf32>
                %get3A_1050 = arith.constant 16 : index
                %get3A_1051 = tpu.vector_load %arg19[%get3A_1050] {strides = array<i32>} : memref<144xi32, #tpu.memory_space<vmem>>, vector<16xi32>,
                %get3A_1052 = vector.shape_cast %get3A_1051 : vector<16xi32> to vector<16xi32>
                %jit3A_1053 = arith.constant 0 : i32
                %broadcast_in_dim3A_1054 = vector.broadcast %jit3A_1053 : i32 to vector<16xi32>
                %select_n3A_1055 = arith.select %gt3A_1049, %broadcast_in_dim3A_1054, %get3A_1052 : vector<16xi1>, vector<16xi32>
                %swap3A_1056 = arith.constant 16 : index
                %swap3A_1057 = tpu.vector_load %arg19[%swap3A_1056] {strides = array<i32>} : memref<144xi32, #tpu.memory_space<vmem>>, vector<16xi32>,
                %swap3A_1058 = vector.shape_cast %swap3A_1057 : vector<16xi32> to vector<16xi32>
                %swap3A_1059 = vector.shape_cast %select_n3A_1055 : vector<16xi32> to vector<16xi32>
                tpu.vector_store %arg19[%swap3A_1056], %swap3A_1059 {strides = array<i32>} : memref<144xi32, #tpu.memory_space<vmem>>, vector<16xi32>,
                %max3A_1060 = arith.maximumf %get3A_674, %gather3A_823 : vector<16xf32>
                %max3A_1061 = arith.maximumf %get3A_698, %gather3A_837 : vector<16xf32>
                %min3A_1062 = arith.minimumf %get3A_722, %gather3A_851 : vector<16xf32>
                %min3A_1063 = arith.minimumf %get3A_746, %gather3A_865 : vector<16xf32>
                %sub3A_1064 = arith.subf %min3A_1062, %max3A_1060 : vector<16xf32>
                %max3A_1065 = arith.constant 0.000000e+00 : f32
                %max3A_1066 = vector.broadcast %max3A_1065 : f32 to vector<16xf32>
                %max3A_1067 = arith.maximumf %sub3A_1064, %max3A_1066 : vector<16xf32>
                %sub3A_1068 = arith.subf %min3A_1063, %max3A_1061 : vector<16xf32>
                %max3A_1069 = arith.constant 0.000000e+00 : f32
                %max3A_1070 = vector.broadcast %max3A_1069 : f32 to vector<16xf32>
                %max3A_1071 = arith.maximumf %sub3A_1068, %max3A_1070 : vector<16xf32>
                %mul3A_1072 = arith.mulf %max3A_1067, %max3A_1071 : vector<16xf32>
                %add3A_1073 = arith.addf %gather3A_879, %get3A_770 : vector<16xf32>
                %sub3A_1074 = arith.subf %add3A_1073, %mul3A_1072 : vector<16xf32>
                %add3A_1075 = arith.constant 9.99999971E-10 : f32
                %add3A_1076 = vector.broadcast %add3A_1075 : f32 to vector<16xf32>
                %add3A_1077 = arith.addf %sub3A_1074, %add3A_1076 : vector<16xf32>
                %div3A_1078 = arith.divf %mul3A_1072, %add3A_1077 : vector<16xf32>
                %gt3A_1079 = arith.constant 5.000000e-01 : f32
                %gt3A_1080 = vector.broadcast %gt3A_1079 : f32 to vector<16xf32>
                %gt3A_1081 = arith.cmpf ogt, %div3A_1078, %gt3A_1080 : vector<16xf32>
                %get3A_1082 = arith.constant 32 : index
                %get3A_1083 = tpu.vector_load %arg19[%get3A_1082] {strides = array<i32>} : memref<144xi32, #tpu.memory_space<vmem>>, vector<16xi32>,
                %get3A_1084 = vector.shape_cast %get3A_1083 : vector<16xi32> to vector<16xi32>
                %jit3A_1085 = arith.constant 0 : i32
                %broadcast_in_dim3A_1086 = vector.broadcast %jit3A_1085 : i32 to vector<16xi32>
                %select_n3A_1087 = arith.select %gt3A_1081, %broadcast_in_dim3A_1086, %get3A_1084 : vector<16xi1>, vector<16xi32>
                %swap3A_1088 = arith.constant 32 : index
                %swap3A_1089 = tpu.vector_load %arg19[%swap3A_1088] {strides = array<i32>} : memref<144xi32, #tpu.memory_space<vmem>>, vector<16xi32>,
                %swap3A_1090 = vector.shape_cast %swap3A_1089 : vector<16xi32> to vector<16xi32>
                %swap3A_1091 = vector.shape_cast %select_n3A_1087 : vector<16xi32> to vector<16xi32>
                tpu.vector_store %arg19[%swap3A_1088], %swap3A_1091 {strides = array<i32>} : memref<144xi32, #tpu.memory_space<vmem>>, vector<16xi32>,
                %max3A_1092 = arith.maximumf %get3A_677, %gather3A_823 : vector<16xf32>
                %max3A_1093 = arith.maximumf %get3A_701, %gather3A_837 : vector<16xf32>
                %min3A_1094 = arith.minimumf %get3A_725, %gather3A_851 : vector<16xf32>
                %min3A_1095 = arith.minimumf %get3A_749, %gather3A_865 : vector<16xf32>
                %sub3A_1096 = arith.subf %min3A_1094, %max3A_1092 : vector<16xf32>
                %max3A_1097 = arith.constant 0.000000e+00 : f32
                %max3A_1098 = vector.broadcast %max3A_1097 : f32 to vector<16xf32>
                %max3A_1099 = arith.maximumf %sub3A_1096, %max3A_1098 : vector<16xf32>
                %sub3A_1100 = arith.subf %min3A_1095, %max3A_1093 : vector<16xf32>
                %max3A_1101 = arith.constant 0.000000e+00 : f32
                %max3A_1102 = vector.broadcast %max3A_1101 : f32 to vector<16xf32>
                %max3A_1103 = arith.maximumf %sub3A_1100, %max3A_1102 : vector<16xf32>
                %mul3A_1104 = arith.mulf %max3A_1099, %max3A_1103 : vector<16xf32>
                %add3A_1105 = arith.addf %gather3A_879, %get3A_773 : vector<16xf32>
                %sub3A_1106 = arith.subf %add3A_1105, %mul3A_1104 : vector<16xf32>
                %add3A_1107 = arith.constant 9.99999971E-10 : f32
                %add3A_1108 = vector.broadcast %add3A_1107 : f32 to vector<16xf32>
                %add3A_1109 = arith.addf %sub3A_1106, %add3A_1108 : vector<16xf32>
                %div3A_1110 = arith.divf %mul3A_1104, %add3A_1109 : vector<16xf32>
                %gt3A_1111 = arith.constant 5.000000e-01 : f32
                %gt3A_1112 = vector.broadcast %gt3A_1111 : f32 to vector<16xf32>
                %gt3A_1113 = arith.cmpf ogt, %div3A_1110, %gt3A_1112 : vector<16xf32>
                %get3A_1114 = arith.constant 48 : index
                %get3A_1115 = tpu.vector_load %arg19[%get3A_1114] {strides = array<i32>} : memref<144xi32, #tpu.memory_space<vmem>>, vector<16xi32>,
                %get3A_1116 = vector.shape_cast %get3A_1115 : vector<16xi32> to vector<16xi32>
                %jit3A_1117 = arith.constant 0 : i32
                %broadcast_in_dim3A_1118 = vector.broadcast %jit3A_1117 : i32 to vector<16xi32>
                %select_n3A_1119 = arith.select %gt3A_1113, %broadcast_in_dim3A_1118, %get3A_1116 : vector<16xi1>, vector<16xi32>
                %swap3A_1120 = arith.constant 48 : index
                %swap3A_1121 = tpu.vector_load %arg19[%swap3A_1120] {strides = array<i32>} : memref<144xi32, #tpu.memory_space<vmem>>, vector<16xi32>,
                %swap3A_1122 = vector.shape_cast %swap3A_1121 : vector<16xi32> to vector<16xi32>
                %swap3A_1123 = vector.shape_cast %select_n3A_1119 : vector<16xi32> to vector<16xi32>
                tpu.vector_store %arg19[%swap3A_1120], %swap3A_1123 {strides = array<i32>} : memref<144xi32, #tpu.memory_space<vmem>>, vector<16xi32>,
                %max3A_1124 = arith.maximumf %get3A_680, %gather3A_823 : vector<16xf32>
                %max3A_1125 = arith.maximumf %get3A_704, %gather3A_837 : vector<16xf32>
                %min3A_1126 = arith.minimumf %get3A_728, %gather3A_851 : vector<16xf32>
                %min3A_1127 = arith.minimumf %get3A_752, %gather3A_865 : vector<16xf32>
                %sub3A_1128 = arith.subf %min3A_1126, %max3A_1124 : vector<16xf32>
                %max3A_1129 = arith.constant 0.000000e+00 : f32
                %max3A_1130 = vector.broadcast %max3A_1129 : f32 to vector<16xf32>
                %max3A_1131 = arith.maximumf %sub3A_1128, %max3A_1130 : vector<16xf32>
                %sub3A_1132 = arith.subf %min3A_1127, %max3A_1125 : vector<16xf32>
                %max3A_1133 = arith.constant 0.000000e+00 : f32
                %max3A_1134 = vector.broadcast %max3A_1133 : f32 to vector<16xf32>
                %max3A_1135 = arith.maximumf %sub3A_1132, %max3A_1134 : vector<16xf32>
                %mul3A_1136 = arith.mulf %max3A_1131, %max3A_1135 : vector<16xf32>
                %add3A_1137 = arith.addf %gather3A_879, %get3A_776 : vector<16xf32>
                %sub3A_1138 = arith.subf %add3A_1137, %mul3A_1136 : vector<16xf32>
                %add3A_1139 = arith.constant 9.99999971E-10 : f32
                %add3A_1140 = vector.broadcast %add3A_1139 : f32 to vector<16xf32>
                %add3A_1141 = arith.addf %sub3A_1138, %add3A_1140 : vector<16xf32>
                %div3A_1142 = arith.divf %mul3A_1136, %add3A_1141 : vector<16xf32>
                %gt3A_1143 = arith.constant 5.000000e-01 : f32
                %gt3A_1144 = vector.broadcast %gt3A_1143 : f32 to vector<16xf32>
                %gt3A_1145 = arith.cmpf ogt, %div3A_1142, %gt3A_1144 : vector<16xf32>
                %get3A_1146 = arith.constant 64 : index
                %get3A_1147 = tpu.vector_load %arg19[%get3A_1146] {strides = array<i32>} : memref<144xi32, #tpu.memory_space<vmem>>, vector<16xi32>,
                %get3A_1148 = vector.shape_cast %get3A_1147 : vector<16xi32> to vector<16xi32>
                %jit3A_1149 = arith.constant 0 : i32
                %broadcast_in_dim3A_1150 = vector.broadcast %jit3A_1149 : i32 to vector<16xi32>
                %select_n3A_1151 = arith.select %gt3A_1145, %broadcast_in_dim3A_1150, %get3A_1148 : vector<16xi1>, vector<16xi32>
                %swap3A_1152 = arith.constant 64 : index
                %swap3A_1153 = tpu.vector_load %arg19[%swap3A_1152] {strides = array<i32>} : memref<144xi32, #tpu.memory_space<vmem>>, vector<16xi32>,
                %swap3A_1154 = vector.shape_cast %swap3A_1153 : vector<16xi32> to vector<16xi32>
                %swap3A_1155 = vector.shape_cast %select_n3A_1151 : vector<16xi32> to vector<16xi32>
                tpu.vector_store %arg19[%swap3A_1152], %swap3A_1155 {strides = array<i32>} : memref<144xi32, #tpu.memory_space<vmem>>, vector<16xi32>,
                %max3A_1156 = arith.maximumf %get3A_683, %gather3A_823 : vector<16xf32>
                %max3A_1157 = arith.maximumf %get3A_707, %gather3A_837 : vector<16xf32>
                %min3A_1158 = arith.minimumf %get3A_731, %gather3A_851 : vector<16xf32>
                %min3A_1159 = arith.minimumf %get3A_755, %gather3A_865 : vector<16xf32>
                %sub3A_1160 = arith.subf %min3A_1158, %max3A_1156 : vector<16xf32>
                %max3A_1161 = arith.constant 0.000000e+00 : f32
                %max3A_1162 = vector.broadcast %max3A_1161 : f32 to vector<16xf32>
                %max3A_1163 = arith.maximumf %sub3A_1160, %max3A_1162 : vector<16xf32>
                %sub3A_1164 = arith.subf %min3A_1159, %max3A_1157 : vector<16xf32>
                %max3A_1165 = arith.constant 0.000000e+00 : f32
                %max3A_1166 = vector.broadcast %max3A_1165 : f32 to vector<16xf32>
                %max3A_1167 = arith.maximumf %sub3A_1164, %max3A_1166 : vector<16xf32>
                %mul3A_1168 = arith.mulf %max3A_1163, %max3A_1167 : vector<16xf32>
                %add3A_1169 = arith.addf %gather3A_879, %get3A_779 : vector<16xf32>
                %sub3A_1170 = arith.subf %add3A_1169, %mul3A_1168 : vector<16xf32>
                %add3A_1171 = arith.constant 9.99999971E-10 : f32
                %add3A_1172 = vector.broadcast %add3A_1171 : f32 to vector<16xf32>
                %add3A_1173 = arith.addf %sub3A_1170, %add3A_1172 : vector<16xf32>
                %div3A_1174 = arith.divf %mul3A_1168, %add3A_1173 : vector<16xf32>
                %gt3A_1175 = arith.constant 5.000000e-01 : f32
                %gt3A_1176 = vector.broadcast %gt3A_1175 : f32 to vector<16xf32>
                %gt3A_1177 = arith.cmpf ogt, %div3A_1174, %gt3A_1176 : vector<16xf32>
                %get3A_1178 = arith.constant 80 : index
                %get3A_1179 = tpu.vector_load %arg19[%get3A_1178] {strides = array<i32>} : memref<144xi32, #tpu.memory_space<vmem>>, vector<16xi32>,
                %get3A_1180 = vector.shape_cast %get3A_1179 : vector<16xi32> to vector<16xi32>
                %jit3A_1181 = arith.constant 0 : i32
                %broadcast_in_dim3A_1182 = vector.broadcast %jit3A_1181 : i32 to vector<16xi32>
                %select_n3A_1183 = arith.select %gt3A_1177, %broadcast_in_dim3A_1182, %get3A_1180 : vector<16xi1>, vector<16xi32>
                %swap3A_1184 = arith.constant 80 : index
                %swap3A_1185 = tpu.vector_load %arg19[%swap3A_1184] {strides = array<i32>} : memref<144xi32, #tpu.memory_space<vmem>>, vector<16xi32>,
                %swap3A_1186 = vector.shape_cast %swap3A_1185 : vector<16xi32> to vector<16xi32>
                %swap3A_1187 = vector.shape_cast %select_n3A_1183 : vector<16xi32> to vector<16xi32>
                tpu.vector_store %arg19[%swap3A_1184], %swap3A_1187 {strides = array<i32>} : memref<144xi32, #tpu.memory_space<vmem>>, vector<16xi32>,
                %max3A_1188 = arith.maximumf %get3A_686, %gather3A_823 : vector<16xf32>
                %max3A_1189 = arith.maximumf %get3A_710, %gather3A_837 : vector<16xf32>
                %min3A_1190 = arith.minimumf %get3A_734, %gather3A_851 : vector<16xf32>
                %min3A_1191 = arith.minimumf %get3A_758, %gather3A_865 : vector<16xf32>
                %sub3A_1192 = arith.subf %min3A_1190, %max3A_1188 : vector<16xf32>
                %max3A_1193 = arith.constant 0.000000e+00 : f32
                %max3A_1194 = vector.broadcast %max3A_1193 : f32 to vector<16xf32>
                %max3A_1195 = arith.maximumf %sub3A_1192, %max3A_1194 : vector<16xf32>
                %sub3A_1196 = arith.subf %min3A_1191, %max3A_1189 : vector<16xf32>
                %max3A_1197 = arith.constant 0.000000e+00 : f32
                %max3A_1198 = vector.broadcast %max3A_1197 : f32 to vector<16xf32>
                %max3A_1199 = arith.maximumf %sub3A_1196, %max3A_1198 : vector<16xf32>
                %mul3A_1200 = arith.mulf %max3A_1195, %max3A_1199 : vector<16xf32>
                %add3A_1201 = arith.addf %gather3A_879, %get3A_782 : vector<16xf32>
                %sub3A_1202 = arith.subf %add3A_1201, %mul3A_1200 : vector<16xf32>
                %add3A_1203 = arith.constant 9.99999971E-10 : f32
                %add3A_1204 = vector.broadcast %add3A_1203 : f32 to vector<16xf32>
                %add3A_1205 = arith.addf %sub3A_1202, %add3A_1204 : vector<16xf32>
                %div3A_1206 = arith.divf %mul3A_1200, %add3A_1205 : vector<16xf32>
                %gt3A_1207 = arith.constant 5.000000e-01 : f32
                %gt3A_1208 = vector.broadcast %gt3A_1207 : f32 to vector<16xf32>
                %gt3A_1209 = arith.cmpf ogt, %div3A_1206, %gt3A_1208 : vector<16xf32>
                %get3A_1210 = arith.constant 96 : index
                %get3A_1211 = tpu.vector_load %arg19[%get3A_1210] {strides = array<i32>} : memref<144xi32, #tpu.memory_space<vmem>>, vector<16xi32>,
                %get3A_1212 = vector.shape_cast %get3A_1211 : vector<16xi32> to vector<16xi32>
                %jit3A_1213 = arith.constant 0 : i32
                %broadcast_in_dim3A_1214 = vector.broadcast %jit3A_1213 : i32 to vector<16xi32>
                %select_n3A_1215 = arith.select %gt3A_1209, %broadcast_in_dim3A_1214, %get3A_1212 : vector<16xi1>, vector<16xi32>
                %swap3A_1216 = arith.constant 96 : index
                %swap3A_1217 = tpu.vector_load %arg19[%swap3A_1216] {strides = array<i32>} : memref<144xi32, #tpu.memory_space<vmem>>, vector<16xi32>,
                %swap3A_1218 = vector.shape_cast %swap3A_1217 : vector<16xi32> to vector<16xi32>
                %swap3A_1219 = vector.shape_cast %select_n3A_1215 : vector<16xi32> to vector<16xi32>
                tpu.vector_store %arg19[%swap3A_1216], %swap3A_1219 {strides = array<i32>} : memref<144xi32, #tpu.memory_space<vmem>>, vector<16xi32>,
                %max3A_1220 = arith.maximumf %get3A_689, %gather3A_823 : vector<16xf32>
                %max3A_1221 = arith.maximumf %get3A_713, %gather3A_837 : vector<16xf32>
                %min3A_1222 = arith.minimumf %get3A_737, %gather3A_851 : vector<16xf32>
                %min3A_1223 = arith.minimumf %get3A_761, %gather3A_865 : vector<16xf32>
                %sub3A_1224 = arith.subf %min3A_1222, %max3A_1220 : vector<16xf32>
                %max3A_1225 = arith.constant 0.000000e+00 : f32
                %max3A_1226 = vector.broadcast %max3A_1225 : f32 to vector<16xf32>
                %max3A_1227 = arith.maximumf %sub3A_1224, %max3A_1226 : vector<16xf32>
                %sub3A_1228 = arith.subf %min3A_1223, %max3A_1221 : vector<16xf32>
                %max3A_1229 = arith.constant 0.000000e+00 : f32
                %max3A_1230 = vector.broadcast %max3A_1229 : f32 to vector<16xf32>
                %max3A_1231 = arith.maximumf %sub3A_1228, %max3A_1230 : vector<16xf32>
                %mul3A_1232 = arith.mulf %max3A_1227, %max3A_1231 : vector<16xf32>
                %add3A_1233 = arith.addf %gather3A_879, %get3A_785 : vector<16xf32>
                %sub3A_1234 = arith.subf %add3A_1233, %mul3A_1232 : vector<16xf32>
                %add3A_1235 = arith.constant 9.99999971E-10 : f32
                %add3A_1236 = vector.broadcast %add3A_1235 : f32 to vector<16xf32>
                %add3A_1237 = arith.addf %sub3A_1234, %add3A_1236 : vector<16xf32>
                %div3A_1238 = arith.divf %mul3A_1232, %add3A_1237 : vector<16xf32>
                %gt3A_1239 = arith.constant 5.000000e-01 : f32
                %gt3A_1240 = vector.broadcast %gt3A_1239 : f32 to vector<16xf32>
                %gt3A_1241 = arith.cmpf ogt, %div3A_1238, %gt3A_1240 : vector<16xf32>
                %get3A_1242 = arith.constant 112 : index
                %get3A_1243 = tpu.vector_load %arg19[%get3A_1242] {strides = array<i32>} : memref<144xi32, #tpu.memory_space<vmem>>, vector<16xi32>,
                %get3A_1244 = vector.shape_cast %get3A_1243 : vector<16xi32> to vector<16xi32>
                %jit3A_1245 = arith.constant 0 : i32
                %broadcast_in_dim3A_1246 = vector.broadcast %jit3A_1245 : i32 to vector<16xi32>
                %select_n3A_1247 = arith.select %gt3A_1241, %broadcast_in_dim3A_1246, %get3A_1244 : vector<16xi1>, vector<16xi32>
                %swap3A_1248 = arith.constant 112 : index
                %swap3A_1249 = tpu.vector_load %arg19[%swap3A_1248] {strides = array<i32>} : memref<144xi32, #tpu.memory_space<vmem>>, vector<16xi32>,
                %swap3A_1250 = vector.shape_cast %swap3A_1249 : vector<16xi32> to vector<16xi32>
                %swap3A_1251 = vector.shape_cast %select_n3A_1247 : vector<16xi32> to vector<16xi32>
                tpu.vector_store %arg19[%swap3A_1248], %swap3A_1251 {strides = array<i32>} : memref<144xi32, #tpu.memory_space<vmem>>, vector<16xi32>,
                %add3A_1252 = arith.constant 1 : i32
                %add3A_1253 = arith.addi %scan3A_793, %add3A_1252 : i32
                scf.yield %add3A_1253 : i32
              } else {
                scf.yield %scan3A_793 : i32
              }
              scf.yield %cond3A_810 : i32
            }
            %scan3A_791 = arith.constant 128 : i32
            scf.yield %scan3A_790 : i32
          } else {
            scf.yield %scan3A_271 : i32
          }
          %get3A_658 = arith.constant 112 : index
          %get3A_659 = tpu.vector_load %arg16[%get3A_658] {strides = array<i32>} : memref<128xf32, #tpu.memory_space<vmem>>, vector<16xf32>,
          %get3A_660 = vector.shape_cast %get3A_659 : vector<16xf32> to vector<16xf32>
          %slice3A_661 = vector.extract_strided_slice %get3A_660 {offsets = [15], sizes = [1], strides = [1]} : vector<16xf32> to vector<1xf32>
          %squeeze3A_662 = vector.extract %slice3A_661[0] : f32 from vector<1xf32>
          %ge3A_663 = arith.constant 5.000000e-01 : f32
          %ge3A_664 = arith.cmpf oge, %squeeze3A_662, %ge3A_663 : f32
          %convert_element_type3A_665 = arith.extui %ge3A_664 : i1 to i32
          scf.yield %cond3A_657, %convert_element_type3A_665 : i32, i32
        } else {
          scf.yield %scan3A_271, %scan3A_272 : i32, i32
        }
        scf.yield %cond3A_278#0, %cond3A_278#1 : i32, i32
      }
      %scan3A_223 = arith.constant 157 : i32
      %convert_element_type3A_224 = arith.sitofp %scan3A_222#0 : i32 to f32
      %broadcast_in_dim3A_225 = vector.broadcast %convert_element_type3A_224 : f32 to vector<16xf32>
      %swap3A_226 = arith.constant 0 : index
      %swap3A_227 = tpu.vector_load %arg18[%swap3A_226] {strides = array<i32>} : memref<128xf32, #tpu.memory_space<vmem>>, vector<16xf32>,
      %swap3A_228 = vector.shape_cast %swap3A_227 : vector<16xf32> to vector<16xf32>
      %swap3A_229 = vector.shape_cast %broadcast_in_dim3A_225 : vector<16xf32> to vector<16xf32>
      tpu.vector_store %arg18[%swap3A_226], %swap3A_229 {strides = array<i32>} : memref<128xf32, #tpu.memory_space<vmem>>, vector<16xf32>,
      %broadcast_in_dim3A_230 = vector.broadcast %convert_element_type3A_224 : f32 to vector<16xf32>
      %swap3A_231 = arith.constant 16 : index
      %swap3A_232 = tpu.vector_load %arg18[%swap3A_231] {strides = array<i32>} : memref<128xf32, #tpu.memory_space<vmem>>, vector<16xf32>,
      %swap3A_233 = vector.shape_cast %swap3A_232 : vector<16xf32> to vector<16xf32>
      %swap3A_234 = vector.shape_cast %broadcast_in_dim3A_230 : vector<16xf32> to vector<16xf32>
      tpu.vector_store %arg18[%swap3A_231], %swap3A_234 {strides = array<i32>} : memref<128xf32, #tpu.memory_space<vmem>>, vector<16xf32>,
      %broadcast_in_dim3A_235 = vector.broadcast %convert_element_type3A_224 : f32 to vector<16xf32>
      %swap3A_236 = arith.constant 32 : index
      %swap3A_237 = tpu.vector_load %arg18[%swap3A_236] {strides = array<i32>} : memref<128xf32, #tpu.memory_space<vmem>>, vector<16xf32>,
      %swap3A_238 = vector.shape_cast %swap3A_237 : vector<16xf32> to vector<16xf32>
      %swap3A_239 = vector.shape_cast %broadcast_in_dim3A_235 : vector<16xf32> to vector<16xf32>
      tpu.vector_store %arg18[%swap3A_236], %swap3A_239 {strides = array<i32>} : memref<128xf32, #tpu.memory_space<vmem>>, vector<16xf32>,
      %broadcast_in_dim3A_240 = vector.broadcast %convert_element_type3A_224 : f32 to vector<16xf32>
      %swap3A_241 = arith.constant 48 : index
      %swap3A_242 = tpu.vector_load %arg18[%swap3A_241] {strides = array<i32>} : memref<128xf32, #tpu.memory_space<vmem>>, vector<16xf32>,
      %swap3A_243 = vector.shape_cast %swap3A_242 : vector<16xf32> to vector<16xf32>
      %swap3A_244 = vector.shape_cast %broadcast_in_dim3A_240 : vector<16xf32> to vector<16xf32>
      tpu.vector_store %arg18[%swap3A_241], %swap3A_244 {strides = array<i32>} : memref<128xf32, #tpu.memory_space<vmem>>, vector<16xf32>,
      %broadcast_in_dim3A_245 = vector.broadcast %convert_element_type3A_224 : f32 to vector<16xf32>
      %swap3A_246 = arith.constant 64 : index
      %swap3A_247 = tpu.vector_load %arg18[%swap3A_246] {strides = array<i32>} : memref<128xf32, #tpu.memory_space<vmem>>, vector<16xf32>,
      %swap3A_248 = vector.shape_cast %swap3A_247 : vector<16xf32> to vector<16xf32>
      %swap3A_249 = vector.shape_cast %broadcast_in_dim3A_245 : vector<16xf32> to vector<16xf32>
      tpu.vector_store %arg18[%swap3A_246], %swap3A_249 {strides = array<i32>} : memref<128xf32, #tpu.memory_space<vmem>>, vector<16xf32>,
      %broadcast_in_dim3A_250 = vector.broadcast %convert_element_type3A_224 : f32 to vector<16xf32>
      %swap3A_251 = arith.constant 80 : index
      %swap3A_252 = tpu.vector_load %arg18[%swap3A_251] {strides = array<i32>} : memref<128xf32, #tpu.memory_space<vmem>>, vector<16xf32>,
      %swap3A_253 = vector.shape_cast %swap3A_252 : vector<16xf32> to vector<16xf32>
      %swap3A_254 = vector.shape_cast %broadcast_in_dim3A_250 : vector<16xf32> to vector<16xf32>
      tpu.vector_store %arg18[%swap3A_251], %swap3A_254 {strides = array<i32>} : memref<128xf32, #tpu.memory_space<vmem>>, vector<16xf32>,
      %broadcast_in_dim3A_255 = vector.broadcast %convert_element_type3A_224 : f32 to vector<16xf32>
      %swap3A_256 = arith.constant 96 : index
      %swap3A_257 = tpu.vector_load %arg18[%swap3A_256] {strides = array<i32>} : memref<128xf32, #tpu.memory_space<vmem>>, vector<16xf32>,
      %swap3A_258 = vector.shape_cast %swap3A_257 : vector<16xf32> to vector<16xf32>
      %swap3A_259 = vector.shape_cast %broadcast_in_dim3A_255 : vector<16xf32> to vector<16xf32>
      tpu.vector_store %arg18[%swap3A_256], %swap3A_259 {strides = array<i32>} : memref<128xf32, #tpu.memory_space<vmem>>, vector<16xf32>,
      %broadcast_in_dim3A_260 = vector.broadcast %convert_element_type3A_224 : f32 to vector<16xf32>
      %swap3A_261 = arith.constant 112 : index
      %swap3A_262 = tpu.vector_load %arg18[%swap3A_261] {strides = array<i32>} : memref<128xf32, #tpu.memory_space<vmem>>, vector<16xf32>,
      %swap3A_263 = vector.shape_cast %swap3A_262 : vector<16xf32> to vector<16xf32>
      %swap3A_264 = vector.shape_cast %broadcast_in_dim3A_260 : vector<16xf32> to vector<16xf32>
      tpu.vector_store %arg18[%swap3A_261], %swap3A_264 {strides = array<i32>} : memref<128xf32, #tpu.memory_space<vmem>>, vector<16xf32>,
      %run_scoped3A = arith.constant 0 : i32
      "tpu.region"() ({
        %run_scoped3A_270 = tpu.sem_alloc : memref<!tpu.dma_semaphore, #tpu.memory_space<semaphore_mem>>
        %dma_start3A = arith.constant 0 : i32
        %dma_start3A_271 = tpu.memref_slice %arg9[%run_scoped3A, %dma_start3A] : memref<6x128xf32, #tpu.memory_space<hbm>> -> memref<1x128xf32, #tpu.memory_space<hbm>>
        %dma_start3A_272 = tpu.memref_squeeze %dma_start3A_271 : memref<1x128xf32, #tpu.memory_space<hbm>> -> memref<128xf32, #tpu.memory_space<hbm>>
        %dma_start3A_273 = arith.constant 0 : i32
        %dma_start3A_274 = tpu.memref_slice %arg9[%run_scoped3A, %dma_start3A_273] : memref<6x128xf32, #tpu.memory_space<hbm>> -> memref<1x128xf32, #tpu.memory_space<hbm>>
        %dma_start3A_275 = tpu.memref_squeeze %dma_start3A_274 : memref<1x128xf32, #tpu.memory_space<hbm>> -> memref<128xf32, #tpu.memory_space<hbm>>
        tpu.enqueue_dma source(%arg20 : memref<128xf32, #tpu.memory_space<vmem>>) target(%dma_start3A_275 : memref<128xf32, #tpu.memory_space<hbm>>) target_semaphore(%run_scoped3A_270 : memref<!tpu.dma_semaphore, #tpu.memory_space<semaphore_mem>>)
        %dma_wait3A = arith.constant 0 : i32
        %dma_wait3A_276 = tpu.memref_slice %arg9[%run_scoped3A, %dma_wait3A] : memref<6x128xf32, #tpu.memory_space<hbm>> -> memref<1x128xf32, #tpu.memory_space<hbm>>
        %dma_wait3A_277 = tpu.memref_squeeze %dma_wait3A_276 : memref<1x128xf32, #tpu.memory_space<hbm>> -> memref<128xf32, #tpu.memory_space<hbm>>
        %dma_wait3A_278 = arith.constant 0 : i32
        %dma_wait3A_279 = tpu.memref_slice %arg9[%run_scoped3A, %dma_wait3A_278] : memref<6x128xf32, #tpu.memory_space<hbm>> -> memref<1x128xf32, #tpu.memory_space<hbm>>
        %dma_wait3A_280 = tpu.memref_squeeze %dma_wait3A_279 : memref<1x128xf32, #tpu.memory_space<hbm>> -> memref<128xf32, #tpu.memory_space<hbm>>
        tpu.wait_dma2 semaphore(%run_scoped3A_270 : memref<!tpu.dma_semaphore, #tpu.memory_space<semaphore_mem>>) src(%arg20 : memref<128xf32, #tpu.memory_space<vmem>>) dst(%dma_wait3A_280 : memref<128xf32, #tpu.memory_space<hbm>>)
        tpu.yield
      }) : () -> ()
      %run_scoped3A_265 = arith.constant 1 : i32
      "tpu.region"() ({
        %run_scoped3A_270 = tpu.sem_alloc : memref<!tpu.dma_semaphore, #tpu.memory_space<semaphore_mem>>
        %dma_start3A = arith.constant 0 : i32
        %dma_start3A_271 = tpu.memref_slice %arg9[%run_scoped3A_265, %dma_start3A] : memref<6x128xf32, #tpu.memory_space<hbm>> -> memref<1x128xf32, #tpu.memory_space<hbm>>
        %dma_start3A_272 = tpu.memref_squeeze %dma_start3A_271 : memref<1x128xf32, #tpu.memory_space<hbm>> -> memref<128xf32, #tpu.memory_space<hbm>>
        %dma_start3A_273 = arith.constant 0 : i32
        %dma_start3A_274 = tpu.memref_slice %arg9[%run_scoped3A_265, %dma_start3A_273] : memref<6x128xf32, #tpu.memory_space<hbm>> -> memref<1x128xf32, #tpu.memory_space<hbm>>
        %dma_start3A_275 = tpu.memref_squeeze %dma_start3A_274 : memref<1x128xf32, #tpu.memory_space<hbm>> -> memref<128xf32, #tpu.memory_space<hbm>>
        tpu.enqueue_dma source(%arg21 : memref<128xf32, #tpu.memory_space<vmem>>) target(%dma_start3A_275 : memref<128xf32, #tpu.memory_space<hbm>>) target_semaphore(%run_scoped3A_270 : memref<!tpu.dma_semaphore, #tpu.memory_space<semaphore_mem>>)
        %dma_wait3A = arith.constant 0 : i32
        %dma_wait3A_276 = tpu.memref_slice %arg9[%run_scoped3A_265, %dma_wait3A] : memref<6x128xf32, #tpu.memory_space<hbm>> -> memref<1x128xf32, #tpu.memory_space<hbm>>
        %dma_wait3A_277 = tpu.memref_squeeze %dma_wait3A_276 : memref<1x128xf32, #tpu.memory_space<hbm>> -> memref<128xf32, #tpu.memory_space<hbm>>
        %dma_wait3A_278 = arith.constant 0 : i32
        %dma_wait3A_279 = tpu.memref_slice %arg9[%run_scoped3A_265, %dma_wait3A_278] : memref<6x128xf32, #tpu.memory_space<hbm>> -> memref<1x128xf32, #tpu.memory_space<hbm>>
        %dma_wait3A_280 = tpu.memref_squeeze %dma_wait3A_279 : memref<1x128xf32, #tpu.memory_space<hbm>> -> memref<128xf32, #tpu.memory_space<hbm>>
        tpu.wait_dma2 semaphore(%run_scoped3A_270 : memref<!tpu.dma_semaphore, #tpu.memory_space<semaphore_mem>>) src(%arg21 : memref<128xf32, #tpu.memory_space<vmem>>) dst(%dma_wait3A_280 : memref<128xf32, #tpu.memory_space<hbm>>)
        tpu.yield
      }) : () -> ()
      %run_scoped3A_266 = arith.constant 2 : i32
      "tpu.region"() ({
        %run_scoped3A_270 = tpu.sem_alloc : memref<!tpu.dma_semaphore, #tpu.memory_space<semaphore_mem>>
        %dma_start3A = arith.constant 0 : i32
        %dma_start3A_271 = tpu.memref_slice %arg9[%run_scoped3A_266, %dma_start3A] : memref<6x128xf32, #tpu.memory_space<hbm>> -> memref<1x128xf32, #tpu.memory_space<hbm>>
        %dma_start3A_272 = tpu.memref_squeeze %dma_start3A_271 : memref<1x128xf32, #tpu.memory_space<hbm>> -> memref<128xf32, #tpu.memory_space<hbm>>
        %dma_start3A_273 = arith.constant 0 : i32
        %dma_start3A_274 = tpu.memref_slice %arg9[%run_scoped3A_266, %dma_start3A_273] : memref<6x128xf32, #tpu.memory_space<hbm>> -> memref<1x128xf32, #tpu.memory_space<hbm>>
        %dma_start3A_275 = tpu.memref_squeeze %dma_start3A_274 : memref<1x128xf32, #tpu.memory_space<hbm>> -> memref<128xf32, #tpu.memory_space<hbm>>
        tpu.enqueue_dma source(%arg22 : memref<128xf32, #tpu.memory_space<vmem>>) target(%dma_start3A_275 : memref<128xf32, #tpu.memory_space<hbm>>) target_semaphore(%run_scoped3A_270 : memref<!tpu.dma_semaphore, #tpu.memory_space<semaphore_mem>>)
        %dma_wait3A = arith.constant 0 : i32
        %dma_wait3A_276 = tpu.memref_slice %arg9[%run_scoped3A_266, %dma_wait3A] : memref<6x128xf32, #tpu.memory_space<hbm>> -> memref<1x128xf32, #tpu.memory_space<hbm>>
        %dma_wait3A_277 = tpu.memref_squeeze %dma_wait3A_276 : memref<1x128xf32, #tpu.memory_space<hbm>> -> memref<128xf32, #tpu.memory_space<hbm>>
        %dma_wait3A_278 = arith.constant 0 : i32
        %dma_wait3A_279 = tpu.memref_slice %arg9[%run_scoped3A_266, %dma_wait3A_278] : memref<6x128xf32, #tpu.memory_space<hbm>> -> memref<1x128xf32, #tpu.memory_space<hbm>>
        %dma_wait3A_280 = tpu.memref_squeeze %dma_wait3A_279 : memref<1x128xf32, #tpu.memory_space<hbm>> -> memref<128xf32, #tpu.memory_space<hbm>>
        tpu.wait_dma2 semaphore(%run_scoped3A_270 : memref<!tpu.dma_semaphore, #tpu.memory_space<semaphore_mem>>) src(%arg22 : memref<128xf32, #tpu.memory_space<vmem>>) dst(%dma_wait3A_280 : memref<128xf32, #tpu.memory_space<hbm>>)
        tpu.yield
      }) : () -> ()
      %run_scoped3A_267 = arith.constant 3 : i32
      "tpu.region"() ({
        %run_scoped3A_270 = tpu.sem_alloc : memref<!tpu.dma_semaphore, #tpu.memory_space<semaphore_mem>>
        %dma_start3A = arith.constant 0 : i32
        %dma_start3A_271 = tpu.memref_slice %arg9[%run_scoped3A_267, %dma_start3A] : memref<6x128xf32, #tpu.memory_space<hbm>> -> memref<1x128xf32, #tpu.memory_space<hbm>>
        %dma_start3A_272 = tpu.memref_squeeze %dma_start3A_271 : memref<1x128xf32, #tpu.memory_space<hbm>> -> memref<128xf32, #tpu.memory_space<hbm>>
        %dma_start3A_273 = arith.constant 0 : i32
        %dma_start3A_274 = tpu.memref_slice %arg9[%run_scoped3A_267, %dma_start3A_273] : memref<6x128xf32, #tpu.memory_space<hbm>> -> memref<1x128xf32, #tpu.memory_space<hbm>>
        %dma_start3A_275 = tpu.memref_squeeze %dma_start3A_274 : memref<1x128xf32, #tpu.memory_space<hbm>> -> memref<128xf32, #tpu.memory_space<hbm>>
        tpu.enqueue_dma source(%arg23 : memref<128xf32, #tpu.memory_space<vmem>>) target(%dma_start3A_275 : memref<128xf32, #tpu.memory_space<hbm>>) target_semaphore(%run_scoped3A_270 : memref<!tpu.dma_semaphore, #tpu.memory_space<semaphore_mem>>)
        %dma_wait3A = arith.constant 0 : i32
        %dma_wait3A_276 = tpu.memref_slice %arg9[%run_scoped3A_267, %dma_wait3A] : memref<6x128xf32, #tpu.memory_space<hbm>> -> memref<1x128xf32, #tpu.memory_space<hbm>>
        %dma_wait3A_277 = tpu.memref_squeeze %dma_wait3A_276 : memref<1x128xf32, #tpu.memory_space<hbm>> -> memref<128xf32, #tpu.memory_space<hbm>>
        %dma_wait3A_278 = arith.constant 0 : i32
        %dma_wait3A_279 = tpu.memref_slice %arg9[%run_scoped3A_267, %dma_wait3A_278] : memref<6x128xf32, #tpu.memory_space<hbm>> -> memref<1x128xf32, #tpu.memory_space<hbm>>
        %dma_wait3A_280 = tpu.memref_squeeze %dma_wait3A_279 : memref<1x128xf32, #tpu.memory_space<hbm>> -> memref<128xf32, #tpu.memory_space<hbm>>
        tpu.wait_dma2 semaphore(%run_scoped3A_270 : memref<!tpu.dma_semaphore, #tpu.memory_space<semaphore_mem>>) src(%arg23 : memref<128xf32, #tpu.memory_space<vmem>>) dst(%dma_wait3A_280 : memref<128xf32, #tpu.memory_space<hbm>>)
        tpu.yield
      }) : () -> ()
      %run_scoped3A_268 = arith.constant 4 : i32
      "tpu.region"() ({
        %run_scoped3A_270 = tpu.sem_alloc : memref<!tpu.dma_semaphore, #tpu.memory_space<semaphore_mem>>
        %dma_start3A = arith.constant 0 : i32
        %dma_start3A_271 = tpu.memref_slice %arg9[%run_scoped3A_268, %dma_start3A] : memref<6x128xf32, #tpu.memory_space<hbm>> -> memref<1x128xf32, #tpu.memory_space<hbm>>
        %dma_start3A_272 = tpu.memref_squeeze %dma_start3A_271 : memref<1x128xf32, #tpu.memory_space<hbm>> -> memref<128xf32, #tpu.memory_space<hbm>>
        %dma_start3A_273 = arith.constant 0 : i32
        %dma_start3A_274 = tpu.memref_slice %arg9[%run_scoped3A_268, %dma_start3A_273] : memref<6x128xf32, #tpu.memory_space<hbm>> -> memref<1x128xf32, #tpu.memory_space<hbm>>
        %dma_start3A_275 = tpu.memref_squeeze %dma_start3A_274 : memref<1x128xf32, #tpu.memory_space<hbm>> -> memref<128xf32, #tpu.memory_space<hbm>>
        tpu.enqueue_dma source(%arg24 : memref<128xf32, #tpu.memory_space<vmem>>) target(%dma_start3A_275 : memref<128xf32, #tpu.memory_space<hbm>>) target_semaphore(%run_scoped3A_270 : memref<!tpu.dma_semaphore, #tpu.memory_space<semaphore_mem>>)
        %dma_wait3A = arith.constant 0 : i32
        %dma_wait3A_276 = tpu.memref_slice %arg9[%run_scoped3A_268, %dma_wait3A] : memref<6x128xf32, #tpu.memory_space<hbm>> -> memref<1x128xf32, #tpu.memory_space<hbm>>
        %dma_wait3A_277 = tpu.memref_squeeze %dma_wait3A_276 : memref<1x128xf32, #tpu.memory_space<hbm>> -> memref<128xf32, #tpu.memory_space<hbm>>
        %dma_wait3A_278 = arith.constant 0 : i32
        %dma_wait3A_279 = tpu.memref_slice %arg9[%run_scoped3A_268, %dma_wait3A_278] : memref<6x128xf32, #tpu.memory_space<hbm>> -> memref<1x128xf32, #tpu.memory_space<hbm>>
        %dma_wait3A_280 = tpu.memref_squeeze %dma_wait3A_279 : memref<1x128xf32, #tpu.memory_space<hbm>> -> memref<128xf32, #tpu.memory_space<hbm>>
        tpu.wait_dma2 semaphore(%run_scoped3A_270 : memref<!tpu.dma_semaphore, #tpu.memory_space<semaphore_mem>>) src(%arg24 : memref<128xf32, #tpu.memory_space<vmem>>) dst(%dma_wait3A_280 : memref<128xf32, #tpu.memory_space<hbm>>)
        tpu.yield
      }) : () -> ()
      %run_scoped3A_269 = arith.constant 5 : i32
      "tpu.region"() ({
        %run_scoped3A_270 = tpu.sem_alloc : memref<!tpu.dma_semaphore, #tpu.memory_space<semaphore_mem>>
        %dma_start3A = arith.constant 0 : i32
        %dma_start3A_271 = tpu.memref_slice %arg9[%run_scoped3A_269, %dma_start3A] : memref<6x128xf32, #tpu.memory_space<hbm>> -> memref<1x128xf32, #tpu.memory_space<hbm>>
        %dma_start3A_272 = tpu.memref_squeeze %dma_start3A_271 : memref<1x128xf32, #tpu.memory_space<hbm>> -> memref<128xf32, #tpu.memory_space<hbm>>
        %dma_start3A_273 = arith.constant 0 : i32
        %dma_start3A_274 = tpu.memref_slice %arg9[%run_scoped3A_269, %dma_start3A_273] : memref<6x128xf32, #tpu.memory_space<hbm>> -> memref<1x128xf32, #tpu.memory_space<hbm>>
        %dma_start3A_275 = tpu.memref_squeeze %dma_start3A_274 : memref<1x128xf32, #tpu.memory_space<hbm>> -> memref<128xf32, #tpu.memory_space<hbm>>
        tpu.enqueue_dma source(%arg18 : memref<128xf32, #tpu.memory_space<vmem>>) target(%dma_start3A_275 : memref<128xf32, #tpu.memory_space<hbm>>) target_semaphore(%run_scoped3A_270 : memref<!tpu.dma_semaphore, #tpu.memory_space<semaphore_mem>>)
        %dma_wait3A = arith.constant 0 : i32
        %dma_wait3A_276 = tpu.memref_slice %arg9[%run_scoped3A_269, %dma_wait3A] : memref<6x128xf32, #tpu.memory_space<hbm>> -> memref<1x128xf32, #tpu.memory_space<hbm>>
        %dma_wait3A_277 = tpu.memref_squeeze %dma_wait3A_276 : memref<1x128xf32, #tpu.memory_space<hbm>> -> memref<128xf32, #tpu.memory_space<hbm>>
        %dma_wait3A_278 = arith.constant 0 : i32
        %dma_wait3A_279 = tpu.memref_slice %arg9[%run_scoped3A_269, %dma_wait3A_278] : memref<6x128xf32, #tpu.memory_space<hbm>> -> memref<1x128xf32, #tpu.memory_space<hbm>>
        %dma_wait3A_280 = tpu.memref_squeeze %dma_wait3A_279 : memref<1x128xf32, #tpu.memory_space<hbm>> -> memref<128xf32, #tpu.memory_space<hbm>>
        tpu.wait_dma2 semaphore(%run_scoped3A_270 : memref<!tpu.dma_semaphore, #tpu.memory_space<semaphore_mem>>) src(%arg18 : memref<128xf32, #tpu.memory_space<vmem>>) dst(%dma_wait3A_280 : memref<128xf32, #tpu.memory_space<hbm>>)
        tpu.yield
      }) : () -> ()
      "tpu.region"() ({
        %run_scoped3A_270 = tpu.sem_alloc : memref<!tpu.dma_semaphore, #tpu.memory_space<semaphore_mem>>
        tpu.enqueue_dma source(%arg25 : memref<128xi32, #tpu.memory_space<vmem>>) target(%arg10 : memref<128xi32, #tpu.memory_space<hbm>>) target_semaphore(%run_scoped3A_270 : memref<!tpu.dma_semaphore, #tpu.memory_space<semaphore_mem>>)
        tpu.wait_dma2 semaphore(%run_scoped3A_270 : memref<!tpu.dma_semaphore, #tpu.memory_space<semaphore_mem>>) src(%arg25 : memref<128xi32, #tpu.memory_space<vmem>>) dst(%arg10 : memref<128xi32, #tpu.memory_space<hbm>>)
        tpu.yield
      }) : () -> ()
    } else {
    }
    return
  }
}

</mosaic_0001>

<sc_bundles>
// kernel: branch_1_fun.4.cloned.1.call-start
scs
__scs_entry_jumppad:
0x0: {  	(pc) =	sbr.rel $0x88, $3  }
0x1: {  	(tag) =	ssettag $0x0;
	lr =	simm.s32 $0x1  }
0x2: {  	[smem:$0x3F9D] =	sst lr;
	_ =	strace $0xD0000000  }
0x3: {  	_ = 	snop  }
0x4: {  	_ = 	snop  }
0x5: {  	_ = 	snop  }
0x6: {  	_ = 	snop  }
0x7: {  	_ = 	snop  }
__scs_overlays_trampoline_lowered:
0x8: {  	[smem:$0x3FAC] =	sst s0  }
0x9: {  	[smem:$0x3FAD] =	sst s1  }
0xa: {  	[smem:$0x3FAE] =	sst s2  }
0xb: {  	[smem:$0x3FAF] =	sst s3  }
0xc: {  	[smem:$0x3FB0] =	sst s4  }
0xd: {  	[smem:$0x3FB1] =	sst s5  }
0xe: {  	[smem:$0x3FB2] =	sst s6  }
0xf: {  	[smem:$0x3FB3] =	sst s7  }
0x10: {  	[smem:$0x3FB4] =	sst s8  }
0x11: {  	[smem:$0x3FB5] =	sst s9;
	s0 =	simm.s32 @!p0 $0x0  }
0x12: {  	s1 =	sld [smem:$0x3F9B];
	s0 =	simm.s32 @p0 $0x1  }
0x13: {  	[smem:$0x3FB6] =	sst s0;
	s0 =	simm.s32 @!p1 $0x0  }
0x14: {  	s2 =	sld [smem:$0x3F9A];
	s0 =	simm.s32 @p1 $0x1  }
0x15: {  	[smem:$0x3FB7] =	sst s0;
	s0 =	simm.s32 @!p2 $0x0  }
0x16: {  	s3 =	sld [smem:$0x3FDB];
	s0 =	simm.s32 @p2 $0x1  }
0x17: {  	s4 =	simm.s32 $0x1BF5;
	[smem:$0x3FB9] =	sst s0  }
0x18: {  	s0 =	sld [smem:$0x3F9C];
	_ =	swait.ge [sflag:s4], $0x0  }
0x19: {  	s7 =	sld [smem:$0x3F9D]  }
0x1a: {  	s8 =	sadd.s32 $0xFFFFE003, lr  }
0x1b: {  	s9 =	sadd.s32 $0xFFFFFEF7, lr;
	s5 =	simm.s32 $0xFFFFFFFF;
	p2 =	slt.u32 s8, $0xFFFFF086  }
0x1c: {  	p1 =	slt.u32 s9, $0xF7A;
	s5 =	simm.s32 @!p2 $0x0  }
0x1d: {  	s5 =	simm.s32 @p1 $0x1;
	p0 =	seq.s32 s7, s2  }
0x1e: {  	s7 =	smul.u32 @!p0 $0xF7A, s2;
	p2 =	seq.s32 @!p0 s5, $0x0  }
0x1f: {  	s9 =	smul.u32 $0xF7A, s1;
	s8 =	simm.s32 @!p0 $0x1BF5;
	p2 =	por !p2, p0  }
0x20: {  	[sflag:s8] =	ssyncset.s32 @!p0 $0xFFFFF086;
	s6 =	sadd.s32 @!p0 s3, s7;
	s7 =	simm.s32 @!p0 $0x108  }
0x21: {  	s3 =	sadd.s32 s3, s9;
	s6 =	sadd.s32 @!p0 $0x88, s6;
	s7 =	simm.s32 @p2 $0x1082  }
0x22: {  	[simem:s7], [sflag:s8] =	dma.local @!p0 [hbm:s6], $0xF7A  }
0x23: {  	s9 =	sor.u32 $0xD0000000, s2;
	s6 =	simm.s32 $0x108;
	_ =	swait.ge @!p0 [sflag:s8], $0x0  }
0x24: {  	s3 =	sadd.s32 $0x88, s3;
	s6 =	simm.s32 @!p1 $0x1082;
	[sflag:s4] =	ssyncset.s32 $0xFFFFF086  }
0x25: {  	[simem:s6], [sflag:s4] =	dma.local [hbm:s3], $0xF7A  }
0x26: {  	[smem:$0x3F9D] =	sst s1;
	(tag) =	ssettag s2;
	_ =	strace s9  }
0x27: {  	s1 =	sld [smem:$0x3FAD]  }
0x28: {  	s2 =	sld [smem:$0x3FAE]  }
0x29: {  	s4 =	sld [smem:$0x3FB0]  }
0x2a: {  	p0 =	seq.s32 s5, $0x0;
	s5 =	sld [smem:$0x3FB1]  }
0x2b: {  	s6 =	sld [smem:$0x3FB2]  }
0x2c: {  	s7 =	sld [smem:$0x3FB3]  }
0x2d: {  	s3 =	simm.s32 $0x108;
	s8 =	sld [smem:$0x3FB4]  }
0x2e: {  	s3 =	simm.s32 @!p0 $0x1082;
	s9 =	sld [smem:$0x3FB5]  }
0x2f: {  	lr =	sadd.s32 s0, s3;
	s0 =	sld [smem:$0x3FAC]  }
0x30: {  	s3 =	sld [smem:$0x3FAF]  }
0x31: {  	[smem:$0x3FB8] =	sst s10  }
0x32: {  	s10 =	sld [smem:$0x3FB6];
	_ =	sdelay $0x3  }
0x33: {  	p0 =	seq.s32 s10, $0x1;
	s10 =	sld [smem:$0x3FB8];
	_ =	sdelay $0x3  }
0x34: {  	[smem:$0x3FB8] =	sst s10  }
0x35: {  	s10 =	sld [smem:$0x3FB7];
	_ =	sdelay $0x3  }
0x36: {  	p1 =	seq.s32 s10, $0x1;
	s10 =	sld [smem:$0x3FB8];
	_ =	sdelay $0x3  }
0x37: {  	[smem:$0x3FB8] =	sst s10  }
0x38: {  	s10 =	sld [smem:$0x3FB9]  }
0x39: {  	_ = 	snop;
	(pc) =	sbr.ind lr, $3  }
0x3a: {  	_ = 	snop  }
0x3b: {  	_ = 	snop  }
0x3c: {  	p2 =	seq.s32 s10, $0x1;
	s10 =	sld [smem:$0x3FB8]  }
0x3d: {  	_ =	shalt  }
0x3e: {  	_ =	shalt  }
0x3f: {  	_ =	shalt  }
0x40: {  	_ =	shalt  }
0x41: {  	_ =	shalt  }
0x42: {  	_ =	shalt  }
0x43: {  	_ =	shalt  }
0x44: {  	_ =	shalt  }
0x45: {  	_ =	shalt  }
0x46: {  	_ =	shalt  }
0x47: {  	_ =	shalt  }
0x48: {  	_ =	shalt  }
0x49: {  	_ =	shalt  }
0x4a: {  	_ =	shalt  }
0x4b: {  	_ =	shalt  }
0x4c: {  	_ =	shalt  }
0x4d: {  	_ =	shalt  }
0x4e: {  	_ =	shalt  }
0x4f: {  	_ =	shalt  }
0x50: {  	_ =	shalt  }
0x51: {  	_ =	shalt  }
0x52: {  	_ =	shalt  }
0x53: {  	_ =	shalt  }
0x54: {  	_ =	shalt  }
0x55: {  	_ =	shalt  }
0x56: {  	_ =	shalt  }
0x57: {  	_ =	shalt  }
0x58: {  	_ =	shalt  }
0x59: {  	_ =	shalt  }
0x5a: {  	_ =	shalt  }
0x5b: {  	_ =	shalt  }
0x5c: {  	_ =	shalt  }
0x5d: {  	_ =	shalt  }
0x5e: {  	_ =	shalt  }
0x5f: {  	_ =	shalt  }
0x60: {  	_ =	shalt  }
0x61: {  	_ =	shalt  }
0x62: {  	_ =	shalt  }
0x63: {  	_ =	shalt  }
0x64: {  	_ =	shalt  }
0x65: {  	_ =	shalt  }
0x66: {  	_ =	shalt  }
0x67: {  	_ =	shalt  }
0x68: {  	_ =	shalt  }
0x69: {  	_ =	shalt  }
0x6a: {  	_ =	shalt  }
0x6b: {  	_ =	shalt  }
0x6c: {  	_ =	shalt  }
0x6d: {  	_ =	shalt  }
0x6e: {  	_ =	shalt  }
0x6f: {  	_ =	shalt  }
0x70: {  	_ =	shalt  }
0x71: {  	_ =	shalt  }
0x72: {  	_ =	shalt  }
0x73: {  	_ =	shalt  }
0x74: {  	_ =	shalt  }
0x75: {  	_ =	shalt  }
0x76: {  	_ =	shalt  }
0x77: {  	_ =	shalt  }
0x78: {  	_ =	shalt  }
0x79: {  	_ =	shalt  }
0x7a: {  	_ =	shalt  }
0x7b: {  	_ =	shalt  }
0x7c: {  	_ =	shalt  }
0x7d: {  	_ =	shalt  }
0x7e: {  	_ =	shalt  }
0x7f: {  	_ =	shalt  }
0x80: {  	_ =	shalt  }
0x81: {  	_ =	shalt  }
0x82: {  	_ =	shalt  }
0x83: {  	_ =	shalt  }
0x84: {  	_ =	shalt  }
0x85: {  	_ =	shalt  }
0x86: {  	_ =	shalt  }
0x87: {  	_ =	shalt  }
.Lfunc_end0:
.L_simem_size_0:
called_computation_lowered:
.L_overlay_start_0:
0x88: {  	s0 =	sld [smem:$0x3FD9]  }
0x89: {  	s1 =	sld [smem:$0x3FFE];
	_ =	sdelay $0x3  }
0x8a: {  	s0 =	sadd.s32 s1, s0  }
0x8b: {  	[smem:$0x3FC4] =	sst s0  }
0x8c: {  	_ = 	snop  }
0x8d: {  	s0 =	sld [smem:$0x3FD0];
	_ =	sdelay $0x2  }
0x8e: {  	s2 =	simm.s32 $0xA;
	s3 =	simm.s32 $0x10;
	s13 =	sld [smem:$0x3FC7]  }
0x8f: {  	[smem:s3], [sflag:s2] =	dma.local [hbm:s0], $0x1  }
0x90: {  	_ =	swait.eq [sflag:s2], $0x1  }
0x91: {  	[sflag:s2] =	ssyncset.done $0x0  }
0x92: {  	[sflag:s2] =	ssyncadd.s32 $0xFFFFFFFF  }
0x93: {  	s14 =	sld [smem:$0x12];
	(tm) =	ssettm $0x1  }
0x94: {  	s15 =	sld [smem:$0x3FFB];
	_ =	sdelay $0x3  }
0x95: {  	_ =	strace s15  }
0x96: {  	s2 =	sld [smem:$0x3FFC];
	_ =	sdelay $0x3  }
0x97: {  	_ =	strace s2  }
0x98: {  	s2 =	sld [smem:$0x3FFD];
	_ =	sdelay $0x3  }
0x99: {  	_ =	strace s2  }
0x9a: {  	_ =	strace $0x8FFFFFFF  }
0x9b: {  	s16 =	sld [smem:$0x3FDB];
	_ =	sdelay $0x1  }
0x9c: {  	s17 =	simm.s32 $_scs_section_size  }
0x9d: {  	s4 =	simm.s32 $_size__tile_overlayer_lowered;
	s5 =	simm.s32 $_tile_overlayer_lowered  }
0x9e: {  	s20 =	simm.s32 $0x1BFF;
	s19 =	sshll.u32 s5, $0x1;
	s2 =	sadd.s32 s17, s16  }
0x9f: {  	s6 =	simm.s32 $0x0;
	s18 =	sshll.u32 s4, $0x1;
	s4 =	sadd.s32 s19, s2  }
0xa0: {  	[timem:s6], [sflag:s20] =	dma.local [hbm:s4], s18  }
0xa1: {  	_ =	swait.ge [sflag:s20], s18  }
0xa2: {  	s3 =	ssub.s32 $0x0, s18;
	[sflag:s20] =	ssyncset.done $0x0  }
0xa3: {  	[sflag:s20] =	ssyncadd.s32 s3;
	_ =	sdelay $0x1  }
0xa4: {  	s21 =	simm.s32 $0x1B8B  }
0xa5: {  	_ =	swait.ge [sflag:s21], $0x1  }
0xa6: {  	[sflag:s21] =	ssyncset.done $0x0  }
0xa7: {  	s23 =	simm.s32 $0x1B8E;
	s22 =	sld [smem:$0x3FFE];
	[sflag:s21] =	ssyncadd.s32 $0xFFFFFFFF  }
0xa8: {  	s24 =	simm.s32 $execute0_lowered;
	[smem:$0x3FD2] =	sst s23  }
0xa9: {  	s4 =	sshll.u32 s24, $0x1;
	_ =	strace $0x80000049;
	[dreg:$0x1] =	wrdreg $0xFFFFFFFF  }
0xaa: {  	s25 =	simm.s32 $_size_execute0_lowered;
	s2 =	sadd.s32 s2, s4;
	[dreg:$0x0] =	wrdreg $0x0  }
0xab: {  	s4 =	sshll.u32 s25, $0x1;
	[dreg:$0x2] =	wrdreg s2  }
0xac: {  	[dreg:$0x3] =	wrdreg s4  }
0xad: {  	[dreg:$0x4] =	wrdreg $0xC0  }
0xae: {  	_ =	task [dreg:s6], $0x5FFFF  }
0xaf: {  	[dreg:$0x1] =	wrdreg $0xFFFFFFFF  }
0xb0: {  	[dreg:$0x0] =	wrdreg $0x60  }
0xb1: {  	[dreg:$0x2] =	wrdreg s22  }
0xb2: {  	[dreg:$0x3] =	wrdreg s13  }
0xb3: {  	[dreg:$0x4] =	wrdreg s14  }
0xb4: {  	[dreg:$0x5] =	wrdreg $0x9  }
0xb5: {  	_ =	task.clear_ibuf [dreg:s6], $0x6FFFF;
	_ =	strace $0x90000049  }
0xb6: {  	s26 =	simm.s32 $0x9;
	_ =	strace $0x8000004B  }
0xb7: {  	_ =	swait.ge [sflag:s26], $0x1  }
0xb8: {  	[sflag:s26] =	ssyncadd.s32 $0xFFFFFFFF  }
0xb9: {  	_ =	strace $0x9000004B  }
0xba: {  	_ =	sfence  }
0xbb: {  	s28 =	sld [smem:$0x0];
	_ =	sdelay $0x1  }
0xbc: {  	s29 =	srdreg.scid  }
0xbd: {  	s30 =	sshll.u32 s29, $0xD;
	s31 =	sshrl.u32 s29, $0x2  }
0xbe: {  	s1 =	sand.u32 $0x1, s29;
	s2 =	sand.u32 $0x4000, s30;
	s0 =	sadd.s32 s31, s28  }
0xbf: {  	s1 =	sor.u32 s2, s1;
	s0 =	sshll.u32 s0, $0x11  }
0xc0: {  	s0 =	sor.u32 s0, s1  }
0xc1: {  	s0 =	sadd.s32 $0x8F2B, s0  }
0xc2: {  	[sflag:s0] =	ssyncadd.remote.s32 $0x1  }
0xc3: {  	_ =	sfence.sel $0xFFFF  }
0xc4: {  	[dreg:$0x0] =	wrdreg $0xFFFFFFFF;
	(pc) =	sbr.abs _section_cstart, $3  }
0xc5: {  	[dreg:$0x1] =	wrdreg $0xFFFFFFFF  }
0xc6: {  	_ =	task.clear_ibuf [dreg:s6], $0x2FFFF;
	_ =	strace $0x9FFFFFFF  }
0xc7: {  	(tm) =	ssettm $0x7FFFFFFF  }
tec
execute0_lowered:
.L_overlay_start_1:
0x0: {  	(tag) =	ssettag $0x1  }
0x1: {  	s2 =	rddreg [dreg:$0x0]  }
0x2: {  	s3 =	rddreg [dreg:$0x1]  }
0x3: {  	s1 =	rddreg [dreg:$0x2];
	s4 =	simm.s32 $0x0  }
0x4: {  	s5 =	stileid.u32;
	[smem:$0x7FF] =	sst s4  }
0x5: {  	s0 =	rddreg [dreg:$0x3];
	p0 =	sne.s32 s5, $0x0;
	_ =	strace $0x8000004A  }
0x6: {  	_ =	sfence.sel @p0 $0x180000  }
0x7: {  	[bflag:$0x0] =	sbarrier.arrive @p0 $0xFFFF  }
0x8: {  	_ =	strace @p0 $0x9000004A  }
0x9: {  	[bflag:$0x2] =	sbarrier.arrive @p0 $0xFFFF  }
0xa: {  	_ =	shalt @p0  }
.LBB2_1:
0xb: {  	v0 =	vimm.s32 $0x0  }
0xc: {  	v1 =	vimm.f32 $0.0e+00;
	[tilespmem:$0x480] =	vst v0  }
0xd: {  	[tilespmem:$0x500] =	vst v1  }
0xe: {  	[tilespmem:$0x580] =	vst v1  }
0xf: {  	[tilespmem:$0x600] =	vst v1  }
0x10: {  	[tilespmem:$0x680] =	vst v1  }
0x11: {  	[tilespmem:$0x700] =	vst v1  }
0x12: {  	[tilespmem:$0x780] =	vst v0  }
0x13: {  	[tilespmem:$0x510] =	vst v1  }
0x14: {  	[tilespmem:$0x590] =	vst v1  }
0x15: {  	[tilespmem:$0x610] =	vst v1  }
0x16: {  	[tilespmem:$0x690] =	vst v1  }
0x17: {  	[tilespmem:$0x710] =	vst v1  }
0x18: {  	[tilespmem:$0x790] =	vst v0  }
0x19: {  	[tilespmem:$0x520] =	vst v1  }
0x1a: {  	[tilespmem:$0x5A0] =	vst v1  }
0x1b: {  	[tilespmem:$0x620] =	vst v1  }
0x1c: {  	[tilespmem:$0x6A0] =	vst v1  }
0x1d: {  	[tilespmem:$0x720] =	vst v1  }
0x1e: {  	[tilespmem:$0x7A0] =	vst v0  }
0x1f: {  	[tilespmem:$0x530] =	vst v1  }
0x20: {  	[tilespmem:$0x5B0] =	vst v1  }
0x21: {  	[tilespmem:$0x630] =	vst v1  }
0x22: {  	[tilespmem:$0x6B0] =	vst v1  }
0x23: {  	[tilespmem:$0x730] =	vst v1  }
0x24: {  	[tilespmem:$0x7B0] =	vst v0  }
0x25: {  	[tilespmem:$0x540] =	vst v1  }
0x26: {  	[tilespmem:$0x5C0] =	vst v1  }
0x27: {  	[tilespmem:$0x640] =	vst v1  }
0x28: {  	[tilespmem:$0x6C0] =	vst v1  }
0x29: {  	[tilespmem:$0x740] =	vst v1  }
0x2a: {  	[tilespmem:$0x7C0] =	vst v0  }
0x2b: {  	[tilespmem:$0x550] =	vst v1  }
0x2c: {  	[tilespmem:$0x5D0] =	vst v1  }
0x2d: {  	[tilespmem:$0x650] =	vst v1  }
0x2e: {  	[tilespmem:$0x6D0] =	vst v1  }
0x2f: {  	[tilespmem:$0x750] =	vst v1  }
0x30: {  	[tilespmem:$0x7D0] =	vst v0  }
0x31: {  	[tilespmem:$0x560] =	vst v1  }
0x32: {  	[tilespmem:$0x5E0] =	vst v1  }
0x33: {  	[tilespmem:$0x660] =	vst v1  }
0x34: {  	[tilespmem:$0x6E0] =	vst v1  }
0x35: {  	s11 =	sadd.s32 $0x2800, s2;
	[tilespmem:$0x760] =	vst v1  }
0x36: {  	s12 =	sadd.s32 $0x1E00, s2;
	s13 =	sadd.s32 $0x1400, s2;
	s14 =	sadd.s32 $0xA00, s2;
	[tilespmem:$0x7E0] =	vst v0  }
0x37: {  	s15 =	sadd.s32 $0x3200, s2;
	s10 =	sadd.s32 $0x3C00, s2;
	s9 =	sadd.s32 $0x3C10, s2;
	[tilespmem:$0x570] =	vst v1  }
.Ltmp0:
0x38: {  	s8 =	sadd.s32 $0x3C20, s2;
	s7 =	sadd.s32 $0x3C30, s2;
	[tilespmem:$0x5F0] =	vst v1;
	(pc) =	sbr.rel .LBB2_2-.Ltmp0, $4  }
0x39: {  	s6 =	sadd.s32 $0x3C40, s2;
	s5 =	sadd.s32 $0x3C50, s2;
	s16 =	simm.s32 $0x1;
	[tilespmem:$0x670] =	vst v1  }
0x3a: {  	s17 =	simm.s32 $0x2;
	s18 =	simm.s32 $0x80;
	s19 =	simm.s32 $0x100;
	[tilespmem:$0x6F0] =	vst v1  }
0x3b: {  	s20 =	simm.s32 $0x180;
	s21 =	simm.s32 $0x200;
	s22 =	simm.s32 $0x280;
	[tilespmem:$0x770] =	vst v1  }
0x3c: {  	s23 =	simm.s32 $0x300;
	s25 =	simm.s32 $0x1;
	s24 =	simm.s32 $0x0;
	[tilespmem:$0x7F0] =	vst v0;
	v1 =	vlaneseq.u32  }
.LBB2_14:
0x3d: {  	v2 =	vld [tilespmem:$0x2F0];
	_ =	sdelay $0x4  }
0x3e: {  	(v2sf) =	vpush v2, $0xF;
	_ =	sdelay $0xe  }
0x3f: {  	s25 =	spop (v2sf)  }
0x40: {  	p0 =	sge.f32 s25, $5.000000000e-01  }
0x41: {  	s25 =	simm.s32 $0x1  }
0x42: {  	s25 =	simm.s32 @!p0 $0x0  }
.LBB2_15:
0x43: {  	s24 =	sadd.s32 $0x1, s24  }
0x44: {  	p0 =	sne.s32 s24, $0x9D  }
.Ltmp1:
0x45: {  	_ = 	snop;
	(pc) =	sbr.rel @!p0 .LBB2_16-.Ltmp1, $1  }
0x46: {  	_ =	sdelay $0x3  }
.LBB2_2:
0x47: {  	p0 =	sgt.s32 s4, $0x63  }
0x48: {  	p1 =	seq.s32 @!p0 s25, $0x0  }
0x49: {  	p1 =	por p0, p1  }
.Ltmp2:
0x4a: {  	_ = 	snop;
	(pc) =	sbr.rel @p1 .LBB2_3-.Ltmp2, $1  }
0x4b: {  	_ =	sdelay $0x3  }
0x4c: {  	s25 =	sshll.u32 s24, $0x4  }
0x4d: {  	s26 =	simm.s32 $0x0;
	s25 =	sadd.s32 s15, s25  }
0x4e: {  	[tilespmem:s26], [sflag:$0x2] =	stream.linear.gather [hbm4b:s25+s26], $0x80, $0x38;
	[tilespmem:$0x880] =	vst v63  }
0x4f: {  	_ =	swait.ge [sflag:s17], $0x80  }
0x50: {  	[sflag:s17] =	ssyncset.done $0x0  }
0x51: {  	[sflag:s17] =	ssyncadd.s32 $0xFFFFFF80  }
0x52: {  	[tilespmem:s18], [sflag:$0x1] =	stream.indirect.gather [hbm4b:s11+s18], $0x1, s26, s18, $0xb8;
	[tilespmem:$0x880] =	vst v63  }
0x53: {  	_ = 	snop  }
0x54: {  	[tilespmem:s19], [sflag:$0x1] =	stream.indirect.gather [hbm4b:s12+s18], $0x1, s26, s18, $0xb8;
	[tilespmem:$0x880] =	vst v63  }
0x55: {  	_ = 	snop  }
0x56: {  	[tilespmem:s20], [sflag:$0x1] =	stream.indirect.gather [hbm4b:s13+s18], $0x1, s26, s18, $0xb8;
	[tilespmem:$0x880] =	vst v63  }
0x57: {  	_ = 	snop  }
0x58: {  	[tilespmem:s21], [sflag:$0x1] =	stream.indirect.gather [hbm4b:s14+s18], $0x1, s26, s18, $0xb8;
	[tilespmem:$0x880] =	vst v63  }
0x59: {  	_ = 	snop  }
0x5a: {  	[tilespmem:s22], [sflag:$0x1] =	stream.indirect.gather [hbm4b:s2+s18], $0x1, s26, s18, $0xb8;
	[tilespmem:$0x880] =	vst v63  }
0x5b: {  	_ = 	snop  }
0x5c: {  	[tilespmem:s23], [sflag:$0x1] =	stream.indirect.gather [hbm4b:s3+s18], $0x1, s26, s18, $0xb8;
	[tilespmem:$0x880] =	vst v63  }
0x5d: {  	_ =	swait.ge [sflag:s16], $0x80  }
0x5e: {  	[sflag:s16] =	ssyncset.done $0x0  }
0x5f: {  	[sflag:s16] =	ssyncadd.s32 $0xFFFFFF80  }
0x60: {  	_ =	swait.ge [sflag:s16], $0x80  }
0x61: {  	[sflag:s16] =	ssyncset.done $0x0  }
0x62: {  	[sflag:s16] =	ssyncadd.s32 $0xFFFFFF80  }
0x63: {  	_ =	swait.ge [sflag:s16], $0x80  }
0x64: {  	[sflag:s16] =	ssyncset.done $0x0  }
0x65: {  	[sflag:s16] =	ssyncadd.s32 $0xFFFFFF80  }
0x66: {  	_ =	swait.ge [sflag:s16], $0x80  }
0x67: {  	[sflag:s16] =	ssyncset.done $0x0  }
0x68: {  	[sflag:s16] =	ssyncadd.s32 $0xFFFFFF80  }
0x69: {  	_ =	swait.ge [sflag:s16], $0x80  }
0x6a: {  	[sflag:s16] =	ssyncset.done $0x0  }
0x6b: {  	[sflag:s16] =	ssyncadd.s32 $0xFFFFFF80  }
0x6c: {  	_ =	swait.ge [sflag:s16], $0x80  }
0x6d: {  	[sflag:s16] =	ssyncset.done $0x0  }
0x6e: {  	[sflag:s16] =	ssyncadd.s32 $0xFFFFFF80  }
0x6f: {  	v2 =	vld [tilespmem:$0x180]  }
0x70: {  	v3 =	vld [tilespmem:$0x80]  }
0x71: {  	v4 =	vld [tilespmem:$0x200]  }
0x72: {  	v5 =	vld [tilespmem:$0x100]  }
0x73: {  	v6 =	vld [tilespmem:$0x280]  }
0x74: {  	v7 =	vld [tilespmem:$0x190]  }
0x75: {  	v8 =	vld [tilespmem:$0x90]  }
0x76: {  	v9 =	vld [tilespmem:$0x210]  }
0x77: {  	v10 =	vld [tilespmem:$0x110]  }
0x78: {  	v11 =	vld [tilespmem:$0x290]  }
0x79: {  	v12 =	vld [tilespmem:$0x1A0]  }
0x7a: {  	v13 =	vld [tilespmem:$0xA0]  }
0x7b: {  	v14 =	vld [tilespmem:$0x220]  }
0x7c: {  	v15 =	vld [tilespmem:$0x120]  }
0x7d: {  	v16 =	vld [tilespmem:$0x2A0]  }
0x7e: {  	v17 =	vld [tilespmem:$0x1B0]  }
0x7f: {  	v18 =	vld [tilespmem:$0xB0]  }
0x80: {  	v19 =	vld [tilespmem:$0x230]  }
0x81: {  	v20 =	vld [tilespmem:$0x130]  }
0x82: {  	v21 =	vld [tilespmem:$0x2B0]  }
0x83: {  	v22 =	vld [tilespmem:$0x1C0]  }
0x84: {  	v27 =	vld [tilespmem:$0x280]  }
0x85: {  	v23 =	vld [tilespmem:$0xC0]  }
0x86: {  	v24 =	vld [tilespmem:$0x240]  }
0x87: {  	v25 =	vld [tilespmem:$0x140]  }
0x88: {  	v26 =	vld [tilespmem:$0x2C0]  }
0x89: {  	s25 =	sshll.u32 s24, $0x7;
	v28 =	vld [tilespmem:$0x1D0];
	(v2sf) =	vpush v27, $0x0  }
0x8a: {  	s28 =	ssub.s32 $0x4E00, s25;
	s31 =	ssub.s32 $0x4DF0, s25;
	s29 =	ssub.s32 $0x4DE0, s25;
	v30 =	vld [tilespmem:$0xD0]  }
0x8b: {  	s30 =	ssub.s32 $0x4DD0, s25;
	v37 =	vmov s28;
	v44 =	vmov s31;
	v50 =	vmov s29;
	v33 =	vld [tilespmem:$0x250]  }
0x8c: {  	v58 =	vmov s30;
	s31 =	ssub.s32 $0x4DC0, s25;
	vm2 =	vgt.u32 v37, v1;
	vm7 =	vgt.s32 v44, v1;
	v34 =	vld [tilespmem:$0x2D0]  }
0x8d: {  	s25 =	ssub.s32 $0x4DB0, s25;
	vm9 =	vgt.s32 v50, v1;
	vm11 =	vgt.s32 v58, v1;
	v62 =	vmov s31;
	v38 =	vld [tilespmem:$0x1E0]  }
0x8e: {  	v63 =	vmov s25;
	v40 =	vld [tilespmem:$0xE0];
	v2 =	vsub.f32 v2, v3;
	v3 =	vsub.f32 v4, v5  }
0x8f: {  	v42 =	vld [tilespmem:$0x260];
	v31 =	vsub.f32 v7, v8;
	v32 =	vsub.f32 v9, v10;
	vm0 =	vge.f32 v6, $5.000000000e-01  }
0x90: {  	v45 =	vld [tilespmem:$0x160];
	vm1 =	vge.f32 v11, $5.000000000e-01;
	vm5 =	vge.f32 v16, $5.000000000e-01;
	v39 =	vsel vm0, $0x1, v0  }
0x91: {  	v47 =	vld [tilespmem:$0x1F0];
	vm8 =	vge.f32 v26, $5.000000000e-01;
	v41 =	vsel vm1, $0x1, v0;
	vm0 =	vmand vm2, vm5;
	[tilespmem:$0x400] =	vst v39  }
0x92: {  	vm1 =	vmand vm9, vm8;
	v2 =	vmul.f32 v3, v2;
	v3 =	vld [tilespmem:$0x150];
	v46 =	vsel vm0, $0x1, v0;
	[tilespmem:$0x410] =	vst v41  }
0x93: {  	v51 =	vld [tilespmem:$0xF0];
	v35 =	vsub.f32 v12, v13;
	v36 =	vsub.f32 v14, v15;
	v57 =	vsel vm1, $0x1, v0;
	[tilespmem:$0x420] =	vst v46  }
0x94: {  	v52 =	vld [tilespmem:$0x270];
	v43 =	vsub.f32 v19, v20;
	vm6 =	vge.f32 v21, $5.000000000e-01;
	v5 =	vmul.f32 v32, v31;
	[tilespmem:$0x440] =	vst v57  }
0x95: {  	v53 =	vld [tilespmem:$0x170];
	v48 =	vsub.f32 v22, v23;
	v7 =	vmul.f32 v36, v35;
	[tilespmem:$0x380] =	vst v2;
	v2 =	vsub.f32 v17, v18  }
0x96: {  	v55 =	vld [tilespmem:$0x2E0];
	v49 =	vsub.f32 v24, v25;
	v4 =	vsub.f32 v28, v30;
	vm0 =	vmand vm7, vm6;
	[tilespmem:$0x390] =	vst v5  }
0x97: {  	v56 =	vsel vm0, $0x1, v0;
	[tilespmem:$0x3A0] =	vst v7;
	v2 =	vmul.f32 v43, v2;
	v3 =	vsub.f32 v33, v3  }
0x98: {  	p0 =	slt.s32 s4, $0x1;
	vm13 =	vgt.s32 v62, v1;
	v59 =	vld [tilespmem:$0x2F0];
	v54 =	vsub.f32 v38, v40;
	v5 =	vmul.f32 v49, v48;
	[tilespmem:$0x430] =	vst v56;
	s25 =	spop (v2sf)  }
0x99: {  	vm10 =	vge.f32 v34, $5.000000000e-01;
	[tilespmem:$0x3B0] =	vst v2;
	v2 =	vsub.f32 v42, v45;
	v3 =	vmul.f32 v3, v4;
	p1 =	sge.f32 @!p0 s25, $5.000000000e-01  }
0x9a: {  	v60 =	vsub.f32 v47, v51;
	v61 =	vsub.f32 v52, v53;
	vm0 =	vmand vm11, vm10;
	[tilespmem:$0x3C0] =	vst v5  }
0x9b: {  	vm12 =	vge.f32 v55, $5.000000000e-01;
	v2 =	vmul.f32 v2, v54;
	[tilespmem:$0x3D0] =	vst v3;
	v3 =	vsel vm0, $0x1, v0;
	p0 =	por p0, !p1  }
.Ltmp3:
0x9c: {  	vm15 =	vgt.s32 v63, v1;
	vm0 =	vmand vm13, vm12;
	[tilespmem:$0x450] =	vst v3;
	(pc) =	sbr.rel @p0 .LBB2_8-.Ltmp3, $4  }
0x9d: {  	vm14 =	vge.f32 v59, $5.000000000e-01;
	v3 =	vmul.f32 v61, v60;
	[tilespmem:$0x3E0] =	vst v2;
	v2 =	vsel vm0, $0x1, v0  }
0x9e: {  	vm0 =	vmand vm15, vm14;
	[tilespmem:$0x460] =	vst v2  }
0x9f: {  	v2 =	vsel vm0, $0x1, v0;
	[tilespmem:$0x3F0] =	vst v3  }
0xa0: {  	[tilespmem:$0x470] =	vst v2  }
0xa1: {  	v3 =	vld [tilespmem:$0x130]  }
0xa2: {  	v4 =	vld [tilespmem:$0x160]  }
0xa3: {  	v5 =	vld [tilespmem:$0x1B0]  }
0xa4: {  	v6 =	vld [tilespmem:$0x1C0]  }
0xa5: {  	v8 =	vld [tilespmem:$0xE0]  }
0xa6: {  	v9 =	vld [tilespmem:$0x1D0]  }
0xa7: {  	v10 =	vld [tilespmem:$0x170]  }
0xa8: {  	v11 =	vld [tilespmem:$0xB0]  }
0xa9: {  	v12 =	vld [tilespmem:$0xF0]  }
0xaa: {  	v13 =	vld [tilespmem:$0x1E0]  }
0xab: {  	v14 =	vld [tilespmem:$0x260]  }
0xac: {  	v15 =	vld [tilespmem:$0x180]  }
0xad: {  	v17 =	vld [tilespmem:$0x270]  }
0xae: {  	v18 =	vld [tilespmem:$0x230]  }
0xaf: {  	v19 =	vld [tilespmem:$0x250]  }
0xb0: {  	v20 =	vld [tilespmem:$0x210]  }
0xb1: {  	s28 =	sand.u32 $0x7FFFFFF0, s26;
	v21 =	vld [tilespmem:$0x200]  }
0xb2: {  	v22 =	vld [tilespmem:s28+$0x680]  }
0xb3: {  	v23 =	vld [tilespmem:s28+$0x600]  }
0xb4: {  	v24 =	vld [tilespmem:s28+$0x500]  }
0xb5: {  	v28 =	vld [tilespmem:s28+$0x580]  }
0xb6: {  	s31 =	sand.u32 $0xF, s26;
	v25 =	vld [tilespmem:$0x1A0]  }
0xb7: {  	v27 =	vld [tilespmem:$0x240];
	v26 =	vmov s31  }
0xb8: {  	v16 =	vld [tilespmem:$0x1F0];
	v22 =	vperm.xlane v22, v26  }
0xb9: {  	v29 =	vld [tilespmem:$0xC0];
	v23 =	vperm.xlane v23, v26  }
0xba: {  	v30 =	vld [tilespmem:$0x190];
	v24 =	vperm.xlane v24, v26;
	v28 =	vperm.xlane v28, v26;
	v21 =	vmin.f32 v21, v22  }
0xbb: {  	v32 =	vld [tilespmem:$0x80];
	v20 =	vmin.f32 v20, v22;
	v31 =	vmin.f32 v19, v22;
	v25 =	vmin.f32 v25, v23  }
0xbc: {  	v7 =	vld [tilespmem:$0x90];
	v18 =	vmin.f32 v18, v22;
	v17 =	vmin.f32 v17, v22;
	v27 =	vmin.f32 v27, v22  }
0xbd: {  	v35 =	vld [tilespmem:$0x120];
	v16 =	vmin.f32 v16, v23;
	v15 =	vmin.f32 v15, v23;
	v14 =	vmin.f32 v14, v22  }
0xbe: {  	v34 =	vld [tilespmem:$0xA0];
	v29 =	vmax.f32 v29, v24;
	v13 =	vmin.f32 v13, v23;
	v12 =	vmax.f32 v12, v24  }
0xbf: {  	v19 =	vld [tilespmem:$0x110];
	v30 =	vmin.f32 v30, v23;
	v11 =	vmax.f32 v11, v24;
	v36 =	vmax.f32 v10, v28  }
0xc0: {  	v57 =	vld [tilespmem:s28+$0x800];
	v37 =	vmin.f32 v9, v23;
	v8 =	vmax.f32 v8, v24;
	v32 =	vmax.f32 v32, v24  }
0xc1: {  	v2 =	vld [tilespmem:$0x140];
	v7 =	vmax.f32 v7, v24;
	v6 =	vmin.f32 v6, v23;
	v5 =	vmin.f32 v5, v23  }
0xc2: {  	v60 =	vld [tilespmem:$0x3D0];
	v4 =	vmax.f32 v4, v28;
	v23 =	vmax.f32 v35, v28;
	v3 =	vmax.f32 v3, v28  }
0xc3: {  	v10 =	vld [tilespmem:$0x100];
	v16 =	vsub.f32 v16, v12;
	v12 =	vmax.f32 v34, v24;
	v5 =	vsub.f32 v5, v11  }
0xc4: {  	v33 =	vld [tilespmem:$0xD0];
	v18 =	vsub.f32 v18, v3;
	v4 =	vsub.f32 v14, v4;
	v19 =	vmax.f32 v19, v28  }
0xc5: {  	v14 =	vsub.f32 v15, v32;
	v3 =	vperm.xlane v57, v26;
	v9 =	vsub.f32 v20, v19;
	v20 =	vld [tilespmem:$0x220]  }
0xc6: {  	v11 =	vld [tilespmem:$0x150];
	v59 =	vmax.f32 v5, $0.0e+00;
	v5 =	vsub.f32 v30, v7;
	v7 =	vsub.f32 v13, v8  }
0xc7: {  	v15 =	vmax.f32 v14, $0.0e+00;
	v13 =	vsub.f32 v17, v36;
	v62 =	vmax.f32 v16, $0.0e+00  }
0xc8: {  	v61 =	vld [tilespmem:$0x390];
	v14 =	vadd.f32 v60, v3;
	v58 =	vmax.f32 v10, v28;
	v10 =	vsub.f32 v25, v12  }
0xc9: {  	v8 =	vld [tilespmem:$0x380];
	v12 =	vmax.f32 v2, v28;
	v19 =	vmax.f32 v33, v24;
	v2 =	vmax.f32 v9, $0.0e+00  }
0xca: {  	v9 =	vsub.f32 v6, v29;
	v6 =	vsub.f32 v27, v12;
	v12 =	vmin.f32 v20, v22;
	v20 =	vld [tilespmem:$0x3A0]  }
0xcb: {  	p0 =	sne.s32 s4, $0x1;
	v16 =	vld [tilespmem:$0x3F0];
	v63 =	vmax.f32 v13, $0.0e+00;
	v28 =	vmax.f32 v11, v28;
	v22 =	vsub.f32 v37, v19  }
.Ltmp4:
0xcc: {  	v11 =	vmax.f32 v6, $0.0e+00;
	v6 =	vsub.f32 v12, v23;
	v23 =	vsub.f32 v21, v58;
	v21 =	vld [tilespmem:$0x3B0];
	(pc) =	sbr.rel @!p0 .LBB2_7-.Ltmp4, $4  }
0xcd: {  	v10 =	vmax.f32 v10, $0.0e+00;
	v12 =	vmax.f32 v5, $0.0e+00;
	v5 =	vadd.f32 v61, v3  }
0xce: {  	v17 =	vmax.f32 v22, $0.0e+00;
	v19 =	vmax.f32 v6, $0.0e+00;
	v22 =	vmax.f32 v23, $0.0e+00  }
0xcf: {  	v23 =	vmax.f32 v18, $0.0e+00;
	v6 =	vmul.f32 v63, v62;
	v18 =	vld [tilespmem:$0x3C0];
	v13 =	vadd.f32 v20, v3  }
0xd0: {  	s26 =	simm.s32 $0x1;
	v20 =	vadd.f32 v8, v3;
	v8 =	vmul.f32 v23, v59;
	v23 =	vsub.f32 v31, v28  }
.LBB2_6:
0xd1: {  	v10 =	vmul.f32 v19, v10;
	v19 =	vadd.f32 v21, v3;
	v21 =	vld [tilespmem:$0x3E0];
	v16 =	vadd.f32 v16, v3;
	s28 =	smov.u32 s26;
	s26 =	sadd.s32 $0x1, s26  }
0xd2: {  	v15 =	vmul.f32 v22, v15;
	v9 =	vmax.f32 v9, $0.0e+00;
	p0 =	sne.s32 s4, s26;
	v22 =	vmax.f32 v23, $0.0e+00;
	v23 =	vld [tilespmem:$0x460]  }
0xd3: {  	v24 =	vld [tilespmem:$0x410];
	v19 =	vsub.f32 v19, v8;
	v17 =	vmul.f32 v22, v17;
	v16 =	vsub.f32 v16, v6  }
0xd4: {  	v9 =	vmul.f32 v11, v9;
	v20 =	vsub.f32 v20, v15;
	v22 =	vld [tilespmem:$0x430];
	v11 =	vadd.f32 v18, v3  }
0xd5: {  	v4 =	vmax.f32 v4, $0.0e+00;
	v18 =	vld [tilespmem:$0x420];
	v19 =	vadd.f32 $9.999999710e-10, v19;
	v14 =	vsub.f32 v14, v17  }
0xd6: {  	v12 =	vmul.f32 v2, v12;
	v25 =	vld [tilespmem:$0x400];
	v2 =	vsub.f32 v11, v9;
	v11 =	vadd.f32 $9.999999710e-10, v16  }
0xd7: {  	v7 =	vmax.f32 v7, $0.0e+00;
	v16 =	vld [tilespmem:$0x440];
	v14 =	vadd.f32 $9.999999710e-10, v14;
	(erf) = vrcp.f32 v19  }
0xd8: {  	v13 =	vsub.f32 v13, v10;
	v19 =	vadd.f32 $9.999999710e-10, v2;
	v26 =	vld [tilespmem:$0x470];
	(erf) = vrcp.f32 v11  }
0xd9: {  	v27 =	vmul.f32 v4, v7;
	v4 =	vadd.f32 v21, v3;
	v11 =	vld [tilespmem:$0x450];
	(erf) = vrcp.f32 v14  }
0xda: {  	v5 =	vsub.f32 v5, v12;
	v7 =	vadd.f32 $9.999999710e-10, v13;
	v2 =	vld [tilespmem:$0x140];
	(erf) = vrcp.f32 v19  }
0xdb: {  	v13 =	vadd.f32 $9.999999710e-10, v20;
	v14 =	vsub.f32 v4, v27;
	v3 =	vld [tilespmem:$0x130]  }
0xdc: {  	v19 =	vadd.f32 $9.999999710e-10, v5;
	v4 =	vld [tilespmem:$0x160];
	(erf) = vrcp.f32 v7  }
0xdd: {  	v14 =	vadd.f32 $9.999999710e-10, v14;
	v5 =	vld [tilespmem:$0x1B0];
	(erf) = vrcp.f32 v13  }
0xde: {  	v7 =	vld [tilespmem:$0x1C0];
	(erf) = vrcp.f32 v19  }
0xdf: {  	v13 =	vld [tilespmem:$0x90];
	(erf) = vrcp.f32 v14  }
0xe0: {  	v14 =	vld [tilespmem:$0xE0];
	v19 =	vpop (erf)  }
0xe1: {  	v20 =	vld [tilespmem:$0x1D0];
	v8 =	vmul.f32 v19, v8;
	v19 =	vpop (erf)  }
0xe2: {  	v21 =	vld [tilespmem:$0x170];
	v6 =	vmul.f32 v19, v6;
	v19 =	vpop (erf)  }
0xe3: {  	v28 =	vld [tilespmem:$0xB0];
	vm0 =	vgt.f32 v8, $5.000000000e-01;
	v30 =	vmul.f32 v19, v17;
	v17 =	vpop (erf)  }
0xe4: {  	v19 =	vld [tilespmem:$0xF0];
	v22 =	vsel vm0, $0x0, v22;
	v31 =	vmul.f32 v17, v9;
	vm0 =	vgt.f32 v6, $5.000000000e-01  }
0xe5: {  	v6 =	vld [tilespmem:$0x1E0];
	[tilespmem:$0x430] =	vst v22;
	vm1 =	vgt.f32 v30, $5.000000000e-01;
	v26 =	vsel vm0, $0x0, v26;
	v17 =	vpop (erf)  }
0xe6: {  	v22 =	vld [tilespmem:$0x260];
	v29 =	vmul.f32 v17, v10;
	vm0 =	vgt.f32 v31, $5.000000000e-01;
	v17 =	vsel vm1, $0x0, v11;
	[tilespmem:$0x470] =	vst v26;
	v8 =	vpop (erf)  }
0xe7: {  	v11 =	vld [tilespmem:$0x180];
	v8 =	vmul.f32 v8, v15;
	v15 =	vsel vm0, $0x0, v16;
	[tilespmem:$0x450] =	vst v17;
	v9 =	vpop (erf)  }
0xe8: {  	v16 =	vld [tilespmem:$0x1F0];
	v9 =	vmul.f32 v9, v12;
	vm0 =	vgt.f32 v29, $5.000000000e-01;
	[tilespmem:$0x440] =	vst v15;
	v10 =	vpop (erf)  }
0xe9: {  	v12 =	vld [tilespmem:$0x270];
	vm1 =	vgt.f32 v8, $5.000000000e-01;
	v8 =	vsel vm0, $0x0, v18;
	v10 =	vmul.f32 v10, v27  }
0xea: {  	v15 =	vld [tilespmem:$0x230];
	v17 =	vsel vm1, $0x0, v25;
	vm0 =	vgt.f32 v9, $5.000000000e-01;
	[tilespmem:$0x420] =	vst v8  }
0xeb: {  	v8 =	vld [tilespmem:$0x250];
	[tilespmem:$0x400] =	vst v17;
	v9 =	vsel vm0, $0x0, v24;
	vm0 =	vgt.f32 v10, $5.000000000e-01  }
0xec: {  	s29 =	sand.u32 $0x7FFFFFF0, s28;
	v10 =	vld [tilespmem:$0x210];
	[tilespmem:$0x410] =	vst v9;
	v9 =	vsel vm0, $0x0, v23  }
0xed: {  	v17 =	vld [tilespmem:$0x200];
	[tilespmem:$0x460] =	vst v9  }
0xee: {  	v9 =	vld [tilespmem:s29+$0x680]  }
0xef: {  	v18 =	vld [tilespmem:s29+$0x600]  }
0xf0: {  	v23 =	vld [tilespmem:s29+$0x500]  }
0xf1: {  	s28 =	sand.u32 $0xF, s28;
	v24 =	vld [tilespmem:$0x1A0]  }
0xf2: {  	v25 =	vmov s28;
	v26 =	vld [tilespmem:$0x240]  }
0xf3: {  	v27 =	vld [tilespmem:s29+$0x580];
	v29 =	vperm.xlane v9, v25  }
0xf4: {  	v9 =	vperm.xlane v18, v25;
	v18 =	vld [tilespmem:$0xC0]  }
0xf5: {  	v17 =	vmin.f32 v17, v29;
	v30 =	vld [tilespmem:$0x190];
	v10 =	vmin.f32 v10, v29;
	v31 =	vmin.f32 v8, v29  }
0xf6: {  	v15 =	vmin.f32 v15, v29;
	v12 =	vmin.f32 v12, v29;
	v8 =	vld [tilespmem:$0x110];
	v24 =	vmin.f32 v24, v9  }
0xf7: {  	v23 =	vperm.xlane v23, v25;
	v16 =	vmin.f32 v16, v9;
	v32 =	vld [tilespmem:$0x80];
	v26 =	vmin.f32 v26, v29  }
0xf8: {  	v22 =	vmin.f32 v22, v29;
	v11 =	vmin.f32 v11, v9;
	v27 =	vperm.xlane v27, v25;
	v33 =	vld [tilespmem:$0xD0]  }
0xf9: {  	v6 =	vmin.f32 v6, v9;
	v19 =	vmax.f32 v19, v23;
	v34 =	vld [tilespmem:$0xA0];
	v18 =	vmax.f32 v18, v23  }
0xfa: {  	v28 =	vmax.f32 v28, v23;
	v30 =	vmin.f32 v30, v9;
	v35 =	vld [tilespmem:$0x120];
	v21 =	vmax.f32 v21, v27  }
0xfb: {  	v20 =	vmin.f32 v20, v9;
	v14 =	vmax.f32 v14, v23;
	v36 =	vld [tilespmem:$0x100];
	v8 =	vmax.f32 v8, v27  }
0xfc: {  	v7 =	vmin.f32 v7, v9;
	v13 =	vmax.f32 v13, v23;
	v32 =	vmax.f32 v32, v23  }
0xfd: {  	v19 =	vsub.f32 v16, v19;
	v8 =	vsub.f32 v10, v8;
	v37 =	vld [tilespmem:s29+$0x800];
	v33 =	vmax.f32 v33, v23  }
0xfe: {  	v5 =	vmin.f32 v5, v9;
	v4 =	vmax.f32 v4, v27;
	v10 =	vmax.f32 v34, v23;
	v16 =	vld [tilespmem:$0x220]  }
0xff: {  	v5 =	vsub.f32 v5, v28;
	v3 =	vmax.f32 v3, v27;
	v23 =	vmax.f32 v35, v27;
	v28 =	vld [tilespmem:$0x150]  }
0x100: {  	v10 =	vsub.f32 v24, v10;
	v24 =	vmax.f32 v2, v27;
	v34 =	vmax.f32 v36, v27  }
0x101: {  	v9 =	vsub.f32 v7, v18;
	v2 =	vmax.f32 v8, $0.0e+00;
	v7 =	vsub.f32 v26, v24  }
0x102: {  	v18 =	vsub.f32 v15, v3;
	v8 =	vmax.f32 v5, $0.0e+00;
	v10 =	vmax.f32 v10, $0.0e+00;
	v24 =	vld [tilespmem:$0x3D0]  }
0x103: {  	v4 =	vsub.f32 v22, v4;
	v5 =	vsub.f32 v30, v13;
	v13 =	vld [tilespmem:$0x390];
	v26 =	vmin.f32 v16, v29  }
0x104: {  	v15 =	vsub.f32 v11, v32;
	v20 =	vsub.f32 v20, v33;
	v22 =	vld [tilespmem:$0x3A0];
	v27 =	vmax.f32 v28, v27  }
0x105: {  	v3 =	vperm.xlane v37, v25;
	v11 =	vmax.f32 v7, $0.0e+00;
	v7 =	vsub.f32 v6, v14;
	v16 =	vld [tilespmem:$0x3F0]  }
0x106: {  	v15 =	vmax.f32 v15, $0.0e+00;
	v6 =	vsub.f32 v26, v23;
	v23 =	vsub.f32 v12, v21;
	v25 =	vld [tilespmem:$0x380]  }
.Ltmp5:
0x107: {  	v26 =	vsub.f32 v17, v34;
	v12 =	vmax.f32 v5, $0.0e+00;
	v28 =	vmax.f32 v19, $0.0e+00;
	v21 =	vld [tilespmem:$0x3B0];
	(pc) =	sbr.rel @p0 .LBB2_6-.Ltmp5, $4  }
0x108: {  	v23 =	vmax.f32 v23, $0.0e+00;
	v14 =	vadd.f32 v24, v3;
	v5 =	vadd.f32 v13, v3  }
0x109: {  	v17 =	vmax.f32 v20, $0.0e+00;
	v19 =	vmax.f32 v6, $0.0e+00;
	v13 =	vadd.f32 v22, v3  }
0x10a: {  	v24 =	vmax.f32 v18, $0.0e+00;
	v6 =	vmul.f32 v23, v28;
	v22 =	vmax.f32 v26, $0.0e+00;
	v18 =	vld [tilespmem:$0x3C0]  }
0x10b: {  	v23 =	vsub.f32 v31, v27;
	v8 =	vmul.f32 v24, v8;
	v20 =	vadd.f32 v25, v3  }
.LBB2_7:
0x10c: {  	v21 =	vadd.f32 v21, v3;
	v16 =	vadd.f32 v16, v3  }
0x10d: {  	v15 =	vmul.f32 v22, v15;
	v9 =	vmax.f32 v9, $0.0e+00;
	v10 =	vmul.f32 v19, v10  }
0x10e: {  	v4 =	vmax.f32 v4, $0.0e+00;
	v2 =	vmul.f32 v2, v12;
	v36 =	vmax.f32 v23, $0.0e+00  }
0x10f: {  	v37 =	vld [tilespmem:$0x3E0];
	v21 =	vsub.f32 v21, v8;
	v17 =	vmul.f32 v36, v17;
	v16 =	vsub.f32 v16, v6  }
0x110: {  	v9 =	vmul.f32 v11, v9;
	v20 =	vsub.f32 v20, v15;
	v38 =	vadd.f32 v18, v3  }
0x111: {  	v7 =	vmax.f32 v7, $0.0e+00;
	v39 =	vadd.f32 $9.999999710e-10, v21;
	v14 =	vsub.f32 v14, v17  }
0x112: {  	v4 =	vmul.f32 v4, v7;
	v40 =	vadd.f32 $9.999999710e-10, v16;
	v11 =	vsub.f32 v38, v9  }
0x113: {  	v13 =	vsub.f32 v13, v10;
	v14 =	vadd.f32 $9.999999710e-10, v14;
	(erf) = vrcp.f32 v39  }
0x114: {  	v3 =	vadd.f32 v37, v3;
	v11 =	vadd.f32 $9.999999710e-10, v11;
	(erf) = vrcp.f32 v40  }
0x115: {  	v5 =	vsub.f32 v5, v2;
	v41 =	vadd.f32 $9.999999710e-10, v13;
	(erf) = vrcp.f32 v14  }
0x116: {  	v42 =	vadd.f32 $9.999999710e-10, v20;
	v3 =	vsub.f32 v3, v4;
	(erf) = vrcp.f32 v11  }
0x117: {  	v5 =	vadd.f32 $9.999999710e-10, v5;
	(erf) = vrcp.f32 v41  }
0x118: {  	v3 =	vadd.f32 $9.999999710e-10, v3;
	(erf) = vrcp.f32 v42  }
0x119: {  	(erf) = vrcp.f32 v5  }
0x11a: {  	(erf) = vrcp.f32 v3  }
0x11b: {  	v3 =	vld [tilespmem:$0x430]  }
0x11c: {  	v43 =	vld [tilespmem:$0x470];
	v44 =	vpop (erf)  }
0x11d: {  	v45 =	vld [tilespmem:$0x450];
	v7 =	vmul.f32 v44, v8;
	v46 =	vpop (erf)  }
0x11e: {  	v47 =	vld [tilespmem:$0x440];
	v48 =	vmul.f32 v46, v6;
	v49 =	vpop (erf)  }
0x11f: {  	v50 =	vld [tilespmem:$0x420];
	vm0 =	vgt.f32 v7, $5.000000000e-01;
	v51 =	vmul.f32 v49, v17;
	v52 =	vpop (erf)  }
0x120: {  	v53 =	vld [tilespmem:$0x400];
	v3 =	vsel vm0, $0x0, v3;
	v8 =	vmul.f32 v52, v9;
	vm10 =	vgt.f32 v48, $5.000000000e-01;
	v54 =	vpop (erf)  }
0x121: {  	v55 =	vld [tilespmem:$0x410];
	[tilespmem:$0x430] =	vst v3;
	vm1 =	vgt.f32 v51, $5.000000000e-01;
	v3 =	vsel vm10, $0x0, v43;
	v56 =	vmul.f32 v54, v10;
	v57 =	vpop (erf)  }
0x122: {  	v58 =	vld [tilespmem:$0x460];
	vm11 =	vgt.f32 v8, $5.000000000e-01;
	v59 =	vsel vm1, $0x0, v45;
	[tilespmem:$0x470] =	vst v3;
	v3 =	vmul.f32 v57, v15;
	v60 =	vpop (erf)  }
0x123: {  	v61 =	vsel vm11, $0x0, v47;
	[tilespmem:$0x450] =	vst v59;
	v2 =	vmul.f32 v60, v2;
	vm12 =	vgt.f32 v56, $5.000000000e-01;
	v62 =	vpop (erf)  }
0x124: {  	[tilespmem:$0x440] =	vst v61;
	vm13 =	vgt.f32 v3, $5.000000000e-01;
	v3 =	vsel vm12, $0x0, v50;
	v4 =	vmul.f32 v62, v4  }
0x125: {  	v63 =	vsel vm13, $0x0, v53;
	vm14 =	vgt.f32 v2, $5.000000000e-01;
	[tilespmem:$0x420] =	vst v3  }
0x126: {  	[tilespmem:$0x400] =	vst v63;
	v2 =	vsel vm14, $0x0, v55;
	vm15 =	vgt.f32 v4, $5.000000000e-01  }
0x127: {  	[tilespmem:$0x410] =	vst v2;
	v2 =	vsel vm15, $0x0, v58  }
0x128: {  	[tilespmem:$0x460] =	vst v2  }
.LBB2_8:
0x129: {  	p0 =	sge.f32 s25, $5.000000000e-01  }
.Ltmp6:
0x12a: {  	_ = 	snop;
	(pc) =	sbr.rel @!p0 .LBB2_14-.Ltmp6, $1  }
0x12b: {  	_ =	sdelay $0x3  }
0x12c: {  	v2 =	vld [tilespmem:$0x80]  }
0x12d: {  	v3 =	vld [tilespmem:$0x90]  }
0x12e: {  	v4 =	vld [tilespmem:$0xA0]  }
0x12f: {  	v5 =	vld [tilespmem:$0xB0]  }
0x130: {  	v6 =	vld [tilespmem:$0xC0]  }
0x131: {  	v7 =	vld [tilespmem:$0xD0]  }
0x132: {  	v8 =	vld [tilespmem:$0xE0]  }
0x133: {  	v9 =	vld [tilespmem:$0xF0]  }
0x134: {  	v10 =	vld [tilespmem:$0x100]  }
0x135: {  	v11 =	vld [tilespmem:$0x110]  }
0x136: {  	v12 =	vld [tilespmem:$0x120]  }
0x137: {  	v13 =	vld [tilespmem:$0x130]  }
0x138: {  	v14 =	vld [tilespmem:$0x140]  }
0x139: {  	v15 =	vld [tilespmem:$0x150]  }
0x13a: {  	v16 =	vld [tilespmem:$0x160]  }
0x13b: {  	v17 =	vld [tilespmem:$0x170]  }
0x13c: {  	v18 =	vld [tilespmem:$0x180]  }
0x13d: {  	v19 =	vld [tilespmem:$0x190]  }
0x13e: {  	v20 =	vld [tilespmem:$0x1A0]  }
0x13f: {  	v21 =	vld [tilespmem:$0x1B0]  }
0x140: {  	v22 =	vld [tilespmem:$0x1C0]  }
0x141: {  	v23 =	vld [tilespmem:$0x1D0]  }
0x142: {  	v24 =	vld [tilespmem:$0x1E0]  }
0x143: {  	v25 =	vld [tilespmem:$0x1F0]  }
0x144: {  	v26 =	vld [tilespmem:$0x200]  }
0x145: {  	v27 =	vld [tilespmem:$0x210]  }
0x146: {  	v28 =	vld [tilespmem:$0x220]  }
0x147: {  	v29 =	vld [tilespmem:$0x230]  }
0x148: {  	v30 =	vld [tilespmem:$0x240]  }
0x149: {  	v31 =	vld [tilespmem:$0x250]  }
0x14a: {  	v32 =	vld [tilespmem:$0x260]  }
0x14b: {  	v33 =	vld [tilespmem:$0x270]  }
0x14c: {  	v34 =	vld [tilespmem:$0x380]  }
0x14d: {  	v35 =	vld [tilespmem:$0x390]  }
0x14e: {  	v36 =	vld [tilespmem:$0x3A0]  }
.Ltmp7:
0x14f: {  	v37 =	vld [tilespmem:$0x3B0];
	(pc) =	sbr.rel .LBB2_10-.Ltmp7, $4  }
0x150: {  	v38 =	vld [tilespmem:$0x3C0]  }
0x151: {  	v39 =	vld [tilespmem:$0x3D0]  }
0x152: {  	v40 =	vld [tilespmem:$0x3E0]  }
0x153: {  	s25 =	simm.s32 $0x0;
	s26 =	simm.s32 $0x400;
	v41 =	vld [tilespmem:$0x3F0]  }
.LBB2_12:
0x154: {  	s29 =	sand.u32 $0x70, s25  }
0x155: {  	v42 =	vld [tilespmem:s29+$0x80]  }
0x156: {  	v43 =	vld [tilespmem:s29+$0x100]  }
0x157: {  	v44 =	vld [tilespmem:s29+$0x180]  }
0x158: {  	v45 =	vld [tilespmem:s29+$0x200]  }
0x159: {  	s28 =	sand.u32 $0xFFFFFFF0, s4;
	v46 =	vld [tilespmem:s29+$0x380]  }
0x15a: {  	v47 =	vld [tilespmem:s28+$0x500]  }
0x15b: {  	v49 =	vld [tilespmem:s28+$0x580]  }
0x15c: {  	s30 =	sand.u32 $0xF, s25;
	v50 =	vld [tilespmem:s28+$0x600]  }
0x15d: {  	s31 =	sand.u32 $0xF, s4;
	v48 =	vmov s30;
	v52 =	vld [tilespmem:s28+$0x680]  }
0x15e: {  	v51 =	vmov s31;
	v63 =	vld [tilespmem:s28+$0x800];
	v42 =	vperm.xlane v42, v48  }
0x15f: {  	vm0 =	veq.s32 v51, v1;
	v43 =	vperm.xlane v43, v48;
	v44 =	vperm.xlane v44, v48  }
0x160: {  	v45 =	vperm.xlane v45, v48;
	v46 =	vperm.xlane v46, v48;
	v53 =	vmax.f32 v2, v42  }
0x161: {  	v54 =	vmax.f32 v10, v43;
	v55 =	vmin.f32 v18, v44;
	v47 =	vsel vm0, v42, v47  }
0x162: {  	v56 =	vmin.f32 v26, v45;
	v58 =	vsel vm0, v43, v49;
	v59 =	vsel vm0, v44, v50;
	[tilespmem:s28+$0x500] =	vst v47  }
0x163: {  	v62 =	vsel vm0, v45, v52;
	v51 =	vsel vm0, v46, v63;
	v63 =	vadd.f32 v46, v34;
	[tilespmem:s28+$0x580] =	vst v58  }
0x164: {  	v57 =	vmin.f32 v19, v44;
	v53 =	vsub.f32 v55, v53;
	v54 =	vsub.f32 v56, v54;
	[tilespmem:s28+$0x600] =	vst v59  }
0x165: {  	[tilespmem:s28+$0x680] =	vst v62;
	v56 =	vmax.f32 v3, v42;
	v58 =	vmax.f32 v11, v43;
	v59 =	vmin.f32 v27, v45  }
0x166: {  	[tilespmem:s28+$0x800] =	vst v51;
	v50 =	vsub.f32 v57, v56;
	v51 =	vsub.f32 v59, v58  }
0x167: {  	v52 =	vld [tilespmem:s29+$0x280];
	v57 =	vmin.f32 v20, v44;
	v60 =	vmax.f32 v53, $0.0e+00;
	v61 =	vmax.f32 v54, $0.0e+00  }
0x168: {  	v58 =	vmin.f32 v28, v45;
	v59 =	vadd.f32 v46, v36;
	v49 =	vmul.f32 v61, v60  }
0x169: {  	v62 =	vld [tilespmem:s28+$0x700];
	v50 =	vmax.f32 v50, $0.0e+00;
	v51 =	vmax.f32 v51, $0.0e+00;
	v61 =	vmax.f32 v4, v42  }
0x16a: {  	v60 =	vadd.f32 v46, v35;
	v50 =	vmul.f32 v51, v50;
	v57 =	vsub.f32 v57, v61  }
0x16b: {  	v61 =	vmin.f32 v21, v44;
	v47 =	vsub.f32 v63, v49;
	v63 =	vmax.f32 v12, v43  }
0x16c: {  	v58 =	vsub.f32 v58, v63;
	v52 =	vperm.xlane v52, v48;
	v53 =	vsub.f32 v60, v50  }
0x16d: {  	v51 =	vmax.f32 v57, $0.0e+00;
	v60 =	vmax.f32 v5, v42;
	v63 =	vmin.f32 v29, v45  }
0x16e: {  	v47 =	vadd.f32 $9.999999710e-10, v47;
	v54 =	vmax.f32 v58, $0.0e+00;
	v52 =	vsel vm0, v52, v62  }
0x16f: {  	v62 =	vmax.f32 v13, v43;
	v58 =	vmax.f32 v7, v42;
	v51 =	vmul.f32 v54, v51  }
0x170: {  	(erf) = vrcp.f32 v47;
	v47 =	vadd.f32 $9.999999710e-10, v53;
	v54 =	vsub.f32 v61, v60  }
0x171: {  	v60 =	vsub.f32 v63, v62;
	v61 =	vmax.f32 v6, v42;
	v62 =	vmin.f32 v22, v44  }
0x172: {  	v63 =	vmax.f32 v14, v43;
	v56 =	vsub.f32 v62, v61;
	v61 =	vmin.f32 v31, v45  }
0x173: {  	v62 =	vmax.f32 v16, v43;
	v53 =	vsub.f32 v59, v51;
	v59 =	vmin.f32 v30, v45  }
0x174: {  	v54 =	vmax.f32 v54, $0.0e+00;
	v55 =	vmax.f32 v60, $0.0e+00;
	v60 =	vsub.f32 v59, v63  }
0x175: {  	v54 =	vmul.f32 v55, v54;
	v55 =	vadd.f32 v46, v37;
	v59 =	vmin.f32 v23, v44  }
0x176: {  	(erf) = vrcp.f32 v47;
	v56 =	vmax.f32 v56, $0.0e+00;
	v58 =	vsub.f32 v59, v58  }
0x177: {  	v57 =	vmax.f32 v60, $0.0e+00;
	v60 =	vmax.f32 v15, v43;
	v55 =	vsub.f32 v55, v54  }
0x178: {  	v43 =	vmax.f32 v17, v43;
	v59 =	vsub.f32 v61, v60;
	v60 =	vmax.f32 v8, v42  }
0x179: {  	v61 =	vmin.f32 v24, v44;
	v42 =	vmax.f32 v9, v42;
	v44 =	vmin.f32 v25, v44  }
0x17a: {  	v56 =	vmul.f32 v57, v56;
	v60 =	vsub.f32 v61, v60;
	v42 =	vsub.f32 v44, v42  }
0x17b: {  	v61 =	vmin.f32 v32, v45;
	v44 =	vadd.f32 $9.999999710e-10, v53;
	v47 =	vadd.f32 $9.999999710e-10, v55  }
0x17c: {  	v45 =	vmin.f32 v33, v45;
	v57 =	vsub.f32 v61, v62;
	v61 =	vadd.f32 v46, v38  }
0x17d: {  	v62 =	vmax.f32 v59, $0.0e+00;
	v43 =	vsub.f32 v45, v43;
	v63 =	vmax.f32 v60, $0.0e+00  }
0x17e: {  	[tilespmem:s28+$0x700] =	vst v52;
	v60 =	vadd.f32 v46, v39;
	v53 =	vsub.f32 v61, v56;
	v61 =	vmax.f32 v58, $0.0e+00  }
0x17f: {  	v45 =	vld [tilespmem:s29+$0x300];
	v42 =	vmax.f32 v42, $0.0e+00;
	v57 =	vmax.f32 v57, $0.0e+00;
	v55 =	vmul.f32 v62, v61  }
0x180: {  	v43 =	vmax.f32 v43, $0.0e+00;
	v52 =	vmul.f32 v57, v63;
	v61 =	vadd.f32 v46, v40  }
0x181: {  	v42 =	vmul.f32 v43, v42;
	v62 =	vld [tilespmem:s28+$0x780];
	v46 =	vadd.f32 v46, v41;
	v58 =	vsub.f32 v60, v55  }
0x182: {  	(erf) = vrcp.f32 v44;
	v63 =	vadd.f32 $9.999999710e-10, v53;
	v57 =	vsub.f32 v61, v52  }
0x183: {  	(erf) = vrcp.f32 v47;
	v46 =	vsub.f32 v46, v42;
	v58 =	vadd.f32 $9.999999710e-10, v58  }
0x184: {  	v45 =	vperm.xlane v45, v48;
	(erf) = vrcp.f32 v63;
	v59 =	vadd.f32 $9.999999710e-10, v57  }
0x185: {  	v46 =	vadd.f32 $9.999999710e-10, v46;
	(erf) = vrcp.f32 v58  }
0x186: {  	v43 =	vsel vm0, v45, v62;
	(erf) = vrcp.f32 v59  }
0x187: {  	[tilespmem:s28+$0x780] =	vst v43;
	(erf) = vrcp.f32 v46  }
0x188: {  	v43 =	vld [tilespmem:$0x400]  }
0x189: {  	v60 =	vpop (erf);
	v45 =	vld [tilespmem:$0x410]  }
0x18a: {  	v44 =	vmul.f32 v60, v49;
	v61 =	vpop (erf);
	v47 =	vld [tilespmem:$0x420]  }
0x18b: {  	v62 =	vpop (erf);
	v49 =	vld [tilespmem:$0x430];
	v46 =	vmul.f32 v61, v50  }
0x18c: {  	vm8 =	vgt.f32 v44, $5.000000000e-01;
	v48 =	vld [tilespmem:$0x440];
	v63 =	vpop (erf);
	v57 =	vmul.f32 v62, v51  }
0x18d: {  	v50 =	vld [tilespmem:$0x450];
	v59 =	vmul.f32 v63, v54;
	vm9 =	vgt.f32 v46, $5.000000000e-01;
	v58 =	vpop (erf);
	v43 =	vsel vm8, $0x0, v43  }
0x18e: {  	vm10 =	vgt.f32 v57, $5.000000000e-01;
	v61 =	vsel vm9, $0x0, v45;
	v45 =	vld [tilespmem:$0x460];
	[tilespmem:$0x400] =	vst v43;
	v62 =	vmul.f32 v58, v56;
	v60 =	vpop (erf)  }
0x18f: {  	v57 =	vld [tilespmem:$0x470];
	vm11 =	vgt.f32 v59, $5.000000000e-01;
	v54 =	vsel vm10, $0x0, v47;
	[tilespmem:$0x410] =	vst v61;
	v63 =	vpop (erf);
	v56 =	vmul.f32 v60, v55  }
0x190: {  	[tilespmem:$0x420] =	vst v54;
	v58 =	vsel vm11, $0x0, v49;
	vm12 =	vgt.f32 v62, $5.000000000e-01;
	v59 =	vmul.f32 v63, v52;
	v60 =	vpop (erf)  }
0x191: {  	[tilespmem:$0x430] =	vst v58;
	v61 =	vsel vm12, $0x0, v48;
	vm13 =	vgt.f32 v56, $5.000000000e-01;
	v42 =	vmul.f32 v60, v42  }
0x192: {  	[tilespmem:$0x440] =	vst v61;
	v62 =	vsel vm13, $0x0, v50;
	vm14 =	vgt.f32 v59, $5.000000000e-01  }
0x193: {  	[tilespmem:$0x450] =	vst v62;
	v63 =	vsel vm14, $0x0, v45;
	vm15 =	vgt.f32 v42, $5.000000000e-01  }
0x194: {  	[tilespmem:$0x460] =	vst v63;
	v42 =	vsel vm15, $0x0, v57  }
0x195: {  	s4 =	sadd.s32 $0x1, s4;
	[tilespmem:$0x470] =	vst v42  }
.LBB2_13:
0x196: {  	s25 =	sadd.s32 $0x1, s25  }
0x197: {  	p0 =	sne.s32 s25, $0x80  }
.Ltmp8:
0x198: {  	_ = 	snop;
	(pc) =	sbr.rel @!p0 .LBB2_14-.Ltmp8, $2  }
0x199: {  	_ =	sdelay $0x2  }
0x19a: {  	s26 =	sadd.s32 $0x1, s26  }
.LBB2_10:
0x19b: {  	v42 =	vld [tilespmem:s26+$0x0];
	_ =	sdelay $0x4  }
0x19c: {  	(v2sf) =	vpush v42, $0x0;
	_ =	sdelay $0xe  }
0x19d: {  	p0 =	sgt.s32 s4, $0x63;
	s28 =	spop (v2sf)  }
0x19e: {  	p1 =	seq.s32 @!p0 s28, $0x0  }
0x19f: {  	p1 =	por p0, p1  }
.Ltmp9:
0x1a0: {  	_ = 	snop;
	(pc) =	sbr.rel @!p1 .LBB2_12-.Ltmp9, $1  }
0x1a1: {  	_ =	sdelay $0x3  }
.Ltmp10:
0x1a2: {  	(pc) =	sbr.rel .LBB2_13-.Ltmp10, $2  }
0x1a3: {  	_ =	sdelay $0x2  }
0x1a4: {  	s4 =	smov.u32 @p0 s4  }
.LBB2_3:
.Ltmp11:
0x1a5: {  	(pc) =	sbr.rel .LBB2_15-.Ltmp11, $2  }
0x1a6: {  	_ =	sdelay $0x2  }
0x1a7: {  	s4 =	smov.u32 @p0 s4;
	s25 =	smov.u32 @p0 s25  }
.LBB2_16:
0x1a8: {  	s2 =	scvt.s32.f32 s4;
	_ =	sdelay $0x1  }
0x1a9: {  	v0 =	vmov s2  }
0x1aa: {  	[tilespmem:$0x380] =	vst v0  }
0x1ab: {  	[tilespmem:$0x390] =	vst v0  }
0x1ac: {  	[tilespmem:$0x3A0] =	vst v0  }
0x1ad: {  	[tilespmem:$0x3B0] =	vst v0  }
0x1ae: {  	[tilespmem:$0x3C0] =	vst v0  }
0x1af: {  	[tilespmem:$0x3D0] =	vst v0  }
0x1b0: {  	[tilespmem:$0x3E0] =	vst v0  }
0x1b1: {  	s23 =	simm.s32 $0x0;
	s3 =	simm.s32 $0x500;
	s24 =	simm.s32 $0x2;
	[tilespmem:$0x3F0] =	vst v0  }
0x1b2: {  	[hbm4b:s10+s23] =	stream.linear.scatter [tilespmem:s3], [sflag:$0x2], $0x80, $0x38;
	[tilespmem:$0x880] =	vst v63  }
0x1b3: {  	_ =	swait.ge [sflag:s24], $0x80  }
0x1b4: {  	[sflag:s24] =	ssyncset.done $0x0  }
0x1b5: {  	s25 =	simm.s32 $0x580;
	[sflag:s24] =	ssyncadd.s32 $0xFFFFFF80  }
0x1b6: {  	[hbm4b:s9+s23] =	stream.linear.scatter [tilespmem:s25], [sflag:$0x2], $0x80, $0x38;
	[tilespmem:$0x880] =	vst v63  }
0x1b7: {  	_ =	swait.ge [sflag:s24], $0x80  }
0x1b8: {  	[sflag:s24] =	ssyncset.done $0x0  }
0x1b9: {  	s26 =	simm.s32 $0x600;
	[sflag:s24] =	ssyncadd.s32 $0xFFFFFF80  }
0x1ba: {  	[hbm4b:s8+s23] =	stream.linear.scatter [tilespmem:s26], [sflag:$0x2], $0x80, $0x38;
	[tilespmem:$0x880] =	vst v63  }
0x1bb: {  	_ =	swait.ge [sflag:s24], $0x80  }
0x1bc: {  	[sflag:s24] =	ssyncset.done $0x0  }
0x1bd: {  	s28 =	simm.s32 $0x680;
	[sflag:s24] =	ssyncadd.s32 $0xFFFFFF80  }
0x1be: {  	[hbm4b:s7+s23] =	stream.linear.scatter [tilespmem:s28], [sflag:$0x2], $0x80, $0x38;
	[tilespmem:$0x880] =	vst v63  }
0x1bf: {  	_ =	swait.ge [sflag:s24], $0x80  }
0x1c0: {  	[sflag:s24] =	ssyncset.done $0x0  }
0x1c1: {  	s29 =	simm.s32 $0x700;
	[sflag:s24] =	ssyncadd.s32 $0xFFFFFF80  }
0x1c2: {  	[hbm4b:s6+s23] =	stream.linear.scatter [tilespmem:s29], [sflag:$0x2], $0x80, $0x38;
	[tilespmem:$0x880] =	vst v63  }
0x1c3: {  	_ =	swait.ge [sflag:s24], $0x80  }
0x1c4: {  	[sflag:s24] =	ssyncset.done $0x0  }
0x1c5: {  	s30 =	simm.s32 $0x380;
	[sflag:s24] =	ssyncadd.s32 $0xFFFFFF80  }
0x1c6: {  	[hbm4b:s5+s23] =	stream.linear.scatter [tilespmem:s30], [sflag:$0x2], $0x80, $0x38;
	[tilespmem:$0x880] =	vst v63  }
0x1c7: {  	_ =	swait.ge [sflag:s24], $0x80  }
0x1c8: {  	[sflag:s24] =	ssyncset.done $0x0  }
0x1c9: {  	s31 =	simm.s32 $0x780;
	[sflag:s24] =	ssyncadd.s32 $0xFFFFFF80  }
0x1ca: {  	[hbm4b:s1+s23] =	stream.linear.scatter [tilespmem:s31], [sflag:$0x2], $0x80, $0x38;
	[tilespmem:$0x880] =	vst v63  }
0x1cb: {  	_ =	swait.ge [sflag:s24], $0x80  }
0x1cc: {  	[sflag:s24] =	ssyncset.done $0x0  }
0x1cd: {  	[sflag:s24] =	ssyncadd.s32 $0xFFFFFF80  }
0x1ce: {  	_ =	sfence.sel $0x180000  }
0x1cf: {  	[bflag:$0x0] =	sbarrier.arrive $0xFFFF  }
0x1d0: {  	_ =	strace $0x9000004A  }
0x1d1: {  	s0 =	sadd.s32 $0x100000, s0;
	[bflag:$0x2] =	sbarrier.arrive $0xFFFF  }
0x1d2: {  	[sflag:s0] =	ssyncadd.tile.s32 $0x1;
	_ =	shalt  }
.Lfunc_end2:
_tile_overlayer_lowered:
.L_overlay_start_2:
0x1d3: {  	(tag) =	ssettag $0x2  }
0x1d4: {  	s0 =	rddreg [dreg:$0x0];
	s2 =	stileid.u32  }
0x1d5: {  	s1 =	rddreg [dreg:$0x1];
	p0 =	sne.s32 s2, $0x0  }
0x1d6: {  	s3 =	rddreg [dreg:$0x2];
	[bflag:$0x3] =	sbarrier.arrive $0xFFFF;
	s2 =	simm.s32 @!p0 $0x1C02  }
0x1d7: {  	[timem:s3], [sflag:s2] =	dma.local @!p0 [hbm:s0], s1  }
0x1d8: {  	s0 =	simm.s32 @!p0 $0x2  }
0x1d9: {  	_ =	swait.ge @!p0 [sflag:s0], s1  }
0x1da: {  	s1 =	ssub.s32 @!p0 $0x0, s1;
	[sflag:s0] =	ssyncset.done @!p0 $0x0  }
0x1db: {  	[sflag:s0] =	ssyncadd.s32 @!p0 s1  }
0x1dc: {  	[bflag:$0x3] =	sbarrier.arrive $0xFFFF  }
0x1dd: {  	_ =	shalt  }

// kernel: kernel.3.cloned.1.call-start
scs
__scs_entry_jumppad:
0x0: {  	(pc) =	sbr.rel $0x88, $3  }
0x1: {  	(tag) =	ssettag $0x0;
	lr =	simm.s32 $0x1  }
0x2: {  	[smem:$0x3F9D] =	sst lr;
	_ =	strace $0xD0000000  }
0x3: {  	_ = 	snop  }
0x4: {  	_ = 	snop  }
0x5: {  	_ = 	snop  }
0x6: {  	_ = 	snop  }
0x7: {  	_ = 	snop  }
__scs_overlays_trampoline_lowered:
0x8: {  	[smem:$0x3FAC] =	sst s0  }
0x9: {  	[smem:$0x3FAD] =	sst s1  }
0xa: {  	[smem:$0x3FAE] =	sst s2  }
0xb: {  	[smem:$0x3FAF] =	sst s3  }
0xc: {  	[smem:$0x3FB0] =	sst s4  }
0xd: {  	[smem:$0x3FB1] =	sst s5  }
0xe: {  	[smem:$0x3FB2] =	sst s6  }
0xf: {  	[smem:$0x3FB3] =	sst s7  }
0x10: {  	[smem:$0x3FB4] =	sst s8  }
0x11: {  	[smem:$0x3FB5] =	sst s9;
	s0 =	simm.s32 @!p0 $0x0  }
0x12: {  	s1 =	sld [smem:$0x3F9B];
	s0 =	simm.s32 @p0 $0x1  }
0x13: {  	[smem:$0x3FB6] =	sst s0;
	s0 =	simm.s32 @!p1 $0x0  }
0x14: {  	s2 =	sld [smem:$0x3F9A];
	s0 =	simm.s32 @p1 $0x1  }
0x15: {  	[smem:$0x3FB7] =	sst s0;
	s0 =	simm.s32 @!p2 $0x0  }
0x16: {  	s3 =	sld [smem:$0x3FDB];
	s0 =	simm.s32 @p2 $0x1  }
0x17: {  	s4 =	simm.s32 $0x1BF5;
	[smem:$0x3FB9] =	sst s0  }
0x18: {  	s0 =	sld [smem:$0x3F9C];
	_ =	swait.ge [sflag:s4], $0x0  }
0x19: {  	s7 =	sld [smem:$0x3F9D]  }
0x1a: {  	s8 =	sadd.s32 $0xFFFFE003, lr  }
0x1b: {  	s9 =	sadd.s32 $0xFFFFFEF7, lr;
	s5 =	simm.s32 $0xFFFFFFFF;
	p2 =	slt.u32 s8, $0xFFFFF086  }
0x1c: {  	p1 =	slt.u32 s9, $0xF7A;
	s5 =	simm.s32 @!p2 $0x0  }
0x1d: {  	s5 =	simm.s32 @p1 $0x1;
	p0 =	seq.s32 s7, s2  }
0x1e: {  	s7 =	smul.u32 @!p0 $0xF7A, s2;
	p2 =	seq.s32 @!p0 s5, $0x0  }
0x1f: {  	s9 =	smul.u32 $0xF7A, s1;
	s8 =	simm.s32 @!p0 $0x1BF5;
	p2 =	por !p2, p0  }
0x20: {  	[sflag:s8] =	ssyncset.s32 @!p0 $0xFFFFF086;
	s6 =	sadd.s32 @!p0 s3, s7;
	s7 =	simm.s32 @!p0 $0x108  }
0x21: {  	s3 =	sadd.s32 s3, s9;
	s6 =	sadd.s32 @!p0 $0x88, s6;
	s7 =	simm.s32 @p2 $0x1082  }
0x22: {  	[simem:s7], [sflag:s8] =	dma.local @!p0 [hbm:s6], $0xF7A  }
0x23: {  	s9 =	sor.u32 $0xD0000000, s2;
	s6 =	simm.s32 $0x108;
	_ =	swait.ge @!p0 [sflag:s8], $0x0  }
0x24: {  	s3 =	sadd.s32 $0x88, s3;
	s6 =	simm.s32 @!p1 $0x1082;
	[sflag:s4] =	ssyncset.s32 $0xFFFFF086  }
0x25: {  	[simem:s6], [sflag:s4] =	dma.local [hbm:s3], $0xF7A  }
0x26: {  	[smem:$0x3F9D] =	sst s1;
	(tag) =	ssettag s2;
	_ =	strace s9  }
0x27: {  	s1 =	sld [smem:$0x3FAD]  }
0x28: {  	s2 =	sld [smem:$0x3FAE]  }
0x29: {  	s4 =	sld [smem:$0x3FB0]  }
0x2a: {  	p0 =	seq.s32 s5, $0x0;
	s5 =	sld [smem:$0x3FB1]  }
0x2b: {  	s6 =	sld [smem:$0x3FB2]  }
0x2c: {  	s7 =	sld [smem:$0x3FB3]  }
0x2d: {  	s3 =	simm.s32 $0x108;
	s8 =	sld [smem:$0x3FB4]  }
0x2e: {  	s3 =	simm.s32 @!p0 $0x1082;
	s9 =	sld [smem:$0x3FB5]  }
0x2f: {  	lr =	sadd.s32 s0, s3;
	s0 =	sld [smem:$0x3FAC]  }
0x30: {  	s3 =	sld [smem:$0x3FAF]  }
0x31: {  	[smem:$0x3FB8] =	sst s10  }
0x32: {  	s10 =	sld [smem:$0x3FB6];
	_ =	sdelay $0x3  }
0x33: {  	p0 =	seq.s32 s10, $0x1;
	s10 =	sld [smem:$0x3FB8];
	_ =	sdelay $0x3  }
0x34: {  	[smem:$0x3FB8] =	sst s10  }
0x35: {  	s10 =	sld [smem:$0x3FB7];
	_ =	sdelay $0x3  }
0x36: {  	p1 =	seq.s32 s10, $0x1;
	s10 =	sld [smem:$0x3FB8];
	_ =	sdelay $0x3  }
0x37: {  	[smem:$0x3FB8] =	sst s10  }
0x38: {  	s10 =	sld [smem:$0x3FB9]  }
0x39: {  	_ = 	snop;
	(pc) =	sbr.ind lr, $3  }
0x3a: {  	_ = 	snop  }
0x3b: {  	_ = 	snop  }
0x3c: {  	p2 =	seq.s32 s10, $0x1;
	s10 =	sld [smem:$0x3FB8]  }
0x3d: {  	_ =	shalt  }
0x3e: {  	_ =	shalt  }
0x3f: {  	_ =	shalt  }
0x40: {  	_ =	shalt  }
0x41: {  	_ =	shalt  }
0x42: {  	_ =	shalt  }
0x43: {  	_ =	shalt  }
0x44: {  	_ =	shalt  }
0x45: {  	_ =	shalt  }
0x46: {  	_ =	shalt  }
0x47: {  	_ =	shalt  }
0x48: {  	_ =	shalt  }
0x49: {  	_ =	shalt  }
0x4a: {  	_ =	shalt  }
0x4b: {  	_ =	shalt  }
0x4c: {  	_ =	shalt  }
0x4d: {  	_ =	shalt  }
0x4e: {  	_ =	shalt  }
0x4f: {  	_ =	shalt  }
0x50: {  	_ =	shalt  }
0x51: {  	_ =	shalt  }
0x52: {  	_ =	shalt  }
0x53: {  	_ =	shalt  }
0x54: {  	_ =	shalt  }
0x55: {  	_ =	shalt  }
0x56: {  	_ =	shalt  }
0x57: {  	_ =	shalt  }
0x58: {  	_ =	shalt  }
0x59: {  	_ =	shalt  }
0x5a: {  	_ =	shalt  }
0x5b: {  	_ =	shalt  }
0x5c: {  	_ =	shalt  }
0x5d: {  	_ =	shalt  }
0x5e: {  	_ =	shalt  }
0x5f: {  	_ =	shalt  }
0x60: {  	_ =	shalt  }
0x61: {  	_ =	shalt  }
0x62: {  	_ =	shalt  }
0x63: {  	_ =	shalt  }
0x64: {  	_ =	shalt  }
0x65: {  	_ =	shalt  }
0x66: {  	_ =	shalt  }
0x67: {  	_ =	shalt  }
0x68: {  	_ =	shalt  }
0x69: {  	_ =	shalt  }
0x6a: {  	_ =	shalt  }
0x6b: {  	_ =	shalt  }
0x6c: {  	_ =	shalt  }
0x6d: {  	_ =	shalt  }
0x6e: {  	_ =	shalt  }
0x6f: {  	_ =	shalt  }
0x70: {  	_ =	shalt  }
0x71: {  	_ =	shalt  }
0x72: {  	_ =	shalt  }
0x73: {  	_ =	shalt  }
0x74: {  	_ =	shalt  }
0x75: {  	_ =	shalt  }
0x76: {  	_ =	shalt  }
0x77: {  	_ =	shalt  }
0x78: {  	_ =	shalt  }
0x79: {  	_ =	shalt  }
0x7a: {  	_ =	shalt  }
0x7b: {  	_ =	shalt  }
0x7c: {  	_ =	shalt  }
0x7d: {  	_ =	shalt  }
0x7e: {  	_ =	shalt  }
0x7f: {  	_ =	shalt  }
0x80: {  	_ =	shalt  }
0x81: {  	_ =	shalt  }
0x82: {  	_ =	shalt  }
0x83: {  	_ =	shalt  }
0x84: {  	_ =	shalt  }
0x85: {  	_ =	shalt  }
0x86: {  	_ =	shalt  }
0x87: {  	_ =	shalt  }
.Lfunc_end0:
.L_simem_size_0:
called_computation.1_lowered:
.L_overlay_start_0:
0x88: {  	s0 =	sld [smem:$0x3FD9]  }
0x89: {  	s1 =	sld [smem:$0x3FFE];
	_ =	sdelay $0x3  }
0x8a: {  	s0 =	sadd.s32 s1, s0  }
0x8b: {  	[smem:$0x3FC4] =	sst s0  }
0x8c: {  	_ = 	snop  }
0x8d: {  	s0 =	sld [smem:$0x3FD0];
	_ =	sdelay $0x1  }
0x8e: {  	s13 =	sld [smem:$0x3FC8]  }
0x8f: {  	s3 =	simm.s32 $0xA;
	s4 =	simm.s32 $0x10;
	s2 =	sld [smem:$0x3FC7]  }
0x90: {  	[smem:s4], [sflag:s3] =	dma.local [hbm:s0], $0x1  }
0x91: {  	_ =	swait.eq [sflag:s3], $0x1  }
0x92: {  	[sflag:s3] =	ssyncset.done $0x0  }
0x93: {  	[sflag:s3] =	ssyncadd.s32 $0xFFFFFFFF  }
0x94: {  	s14 =	sld [smem:$0x11];
	(tm) =	ssettm $0x1  }
0x95: {  	s15 =	sld [smem:$0x3FFB];
	_ =	sdelay $0x3  }
0x96: {  	_ =	strace s15  }
0x97: {  	s3 =	sld [smem:$0x3FFC];
	_ =	sdelay $0x3  }
0x98: {  	_ =	strace s3  }
0x99: {  	s3 =	sld [smem:$0x3FFD];
	_ =	sdelay $0x3  }
0x9a: {  	_ =	strace s3  }
0x9b: {  	_ =	strace $0x8FFFFFFF  }
0x9c: {  	s16 =	sld [smem:$0x3FDB];
	_ =	sdelay $0x1  }
0x9d: {  	s17 =	simm.s32 $_scs_section_size  }
0x9e: {  	s5 =	simm.s32 $_size__tile_overlayer_lowered;
	s6 =	simm.s32 $_tile_overlayer_lowered  }
0x9f: {  	s20 =	simm.s32 $0x1BFF;
	s19 =	sshll.u32 s6, $0x1;
	s3 =	sadd.s32 s17, s16  }
0xa0: {  	s7 =	simm.s32 $0x0;
	s18 =	sshll.u32 s5, $0x1;
	s5 =	sadd.s32 s19, s3  }
0xa1: {  	[timem:s7], [sflag:s20] =	dma.local [hbm:s5], s18  }
0xa2: {  	_ =	swait.ge [sflag:s20], s18  }
0xa3: {  	s4 =	ssub.s32 $0x0, s18;
	[sflag:s20] =	ssyncset.done $0x0  }
0xa4: {  	[sflag:s20] =	ssyncadd.s32 s4;
	_ =	sdelay $0x1  }
0xa5: {  	s21 =	simm.s32 $0x1B8B  }
0xa6: {  	_ =	swait.ge [sflag:s21], $0x1  }
0xa7: {  	[sflag:s21] =	ssyncset.done $0x0  }
0xa8: {  	s23 =	simm.s32 $0x1B8E;
	s22 =	sld [smem:$0x3FFE];
	[sflag:s21] =	ssyncadd.s32 $0xFFFFFFFF  }
0xa9: {  	s24 =	simm.s32 $execute0_lowered;
	[smem:$0x3FD2] =	sst s23  }
0xaa: {  	s5 =	sshll.u32 s24, $0x1;
	_ =	strace $0x80000046;
	[dreg:$0x1] =	wrdreg $0xFFFFFFFF  }
0xab: {  	s25 =	simm.s32 $_size_execute0_lowered;
	s3 =	sadd.s32 s3, s5;
	[dreg:$0x0] =	wrdreg $0x0  }
0xac: {  	s5 =	sshll.u32 s25, $0x1;
	[dreg:$0x2] =	wrdreg s3  }
0xad: {  	[dreg:$0x3] =	wrdreg s5  }
0xae: {  	[dreg:$0x4] =	wrdreg $0xC0  }
0xaf: {  	_ =	task [dreg:s7], $0x5FFFF  }
0xb0: {  	[dreg:$0x1] =	wrdreg $0xFFFFFFFF  }
0xb1: {  	[dreg:$0x0] =	wrdreg $0x60  }
0xb2: {  	[dreg:$0x2] =	wrdreg s22  }
0xb3: {  	[dreg:$0x3] =	wrdreg s13  }
0xb4: {  	[dreg:$0x4] =	wrdreg s2  }
0xb5: {  	[dreg:$0x5] =	wrdreg s14  }
0xb6: {  	[dreg:$0x6] =	wrdreg $0x9  }
0xb7: {  	_ =	task.clear_ibuf [dreg:s7], $0x7FFFF;
	_ =	strace $0x90000046  }
0xb8: {  	s26 =	simm.s32 $0x9;
	_ =	strace $0x80000048  }
0xb9: {  	_ =	swait.ge [sflag:s26], $0x1  }
0xba: {  	[sflag:s26] =	ssyncadd.s32 $0xFFFFFFFF  }
0xbb: {  	_ =	strace $0x90000048  }
0xbc: {  	_ =	sfence  }
0xbd: {  	s28 =	sld [smem:$0x0];
	_ =	sdelay $0x1  }
0xbe: {  	s29 =	srdreg.scid  }
0xbf: {  	s30 =	sshll.u32 s29, $0xD;
	s31 =	sshrl.u32 s29, $0x2  }
0xc0: {  	s1 =	sand.u32 $0x1, s29;
	s2 =	sand.u32 $0x4000, s30;
	s0 =	sadd.s32 s31, s28  }
0xc1: {  	s1 =	sor.u32 s2, s1;
	s0 =	sshll.u32 s0, $0x11  }
0xc2: {  	s0 =	sor.u32 s0, s1  }
0xc3: {  	s0 =	sadd.s32 $0x8F2B, s0  }
0xc4: {  	[sflag:s0] =	ssyncadd.remote.s32 $0x1  }
0xc5: {  	_ =	sfence.sel $0xFFFF  }
0xc6: {  	[dreg:$0x0] =	wrdreg $0xFFFFFFFF;
	(pc) =	sbr.abs _section_cstart, $3  }
0xc7: {  	[dreg:$0x1] =	wrdreg $0xFFFFFFFF  }
0xc8: {  	_ =	task.clear_ibuf [dreg:s7], $0x2FFFF;
	_ =	strace $0x9FFFFFFF  }
0xc9: {  	(tm) =	ssettm $0x7FFFFFFF  }
tec
execute0_lowered:
.L_overlay_start_1:
0x0: {  	(tag) =	ssettag $0x1  }
0x1: {  	s3 =	rddreg [dreg:$0x0]  }
0x2: {  	s4 =	rddreg [dreg:$0x1]  }
0x3: {  	s2 =	rddreg [dreg:$0x2]  }
0x4: {  	s1 =	rddreg [dreg:$0x3];
	s5 =	simm.s32 $0x0  }
0x5: {  	s6 =	stileid.u32;
	[smem:$0x7FF] =	sst s5  }
0x6: {  	s0 =	rddreg [dreg:$0x4];
	p0 =	sne.s32 s6, $0x0;
	_ =	strace $0x80000047  }
0x7: {  	_ =	sfence.sel @p0 $0x180000  }
0x8: {  	[bflag:$0x0] =	sbarrier.arrive @p0 $0xFFFF  }
0x9: {  	_ =	strace @p0 $0x90000047  }
0xa: {  	[bflag:$0x2] =	sbarrier.arrive @p0 $0xFFFF  }
0xb: {  	_ =	shalt @p0  }
.LBB2_1:
0xc: {  	v0 =	vimm.s32 $0x0  }
0xd: {  	v1 =	vimm.f32 $0.0e+00;
	[tilespmem:$0x480] =	vst v0  }
0xe: {  	[tilespmem:$0x500] =	vst v1  }
0xf: {  	[tilespmem:$0x580] =	vst v1  }
0x10: {  	[tilespmem:$0x600] =	vst v1  }
0x11: {  	[tilespmem:$0x680] =	vst v1  }
0x12: {  	[tilespmem:$0x700] =	vst v1  }
0x13: {  	[tilespmem:$0x780] =	vst v0  }
0x14: {  	[tilespmem:$0x510] =	vst v1  }
0x15: {  	[tilespmem:$0x590] =	vst v1  }
0x16: {  	[tilespmem:$0x610] =	vst v1  }
0x17: {  	[tilespmem:$0x690] =	vst v1  }
0x18: {  	[tilespmem:$0x710] =	vst v1  }
0x19: {  	[tilespmem:$0x790] =	vst v0  }
0x1a: {  	[tilespmem:$0x520] =	vst v1  }
0x1b: {  	[tilespmem:$0x5A0] =	vst v1  }
0x1c: {  	[tilespmem:$0x620] =	vst v1  }
0x1d: {  	[tilespmem:$0x6A0] =	vst v1  }
0x1e: {  	[tilespmem:$0x720] =	vst v1  }
0x1f: {  	[tilespmem:$0x7A0] =	vst v0  }
0x20: {  	[tilespmem:$0x530] =	vst v1  }
0x21: {  	[tilespmem:$0x5B0] =	vst v1  }
0x22: {  	[tilespmem:$0x630] =	vst v1  }
0x23: {  	[tilespmem:$0x6B0] =	vst v1  }
0x24: {  	[tilespmem:$0x730] =	vst v1  }
0x25: {  	[tilespmem:$0x7B0] =	vst v0  }
0x26: {  	[tilespmem:$0x540] =	vst v1  }
0x27: {  	[tilespmem:$0x5C0] =	vst v1  }
0x28: {  	[tilespmem:$0x640] =	vst v1  }
0x29: {  	[tilespmem:$0x6C0] =	vst v1  }
0x2a: {  	[tilespmem:$0x740] =	vst v1  }
0x2b: {  	[tilespmem:$0x7C0] =	vst v0  }
0x2c: {  	[tilespmem:$0x550] =	vst v1  }
0x2d: {  	[tilespmem:$0x5D0] =	vst v1  }
0x2e: {  	[tilespmem:$0x650] =	vst v1  }
0x2f: {  	[tilespmem:$0x6D0] =	vst v1  }
0x30: {  	[tilespmem:$0x750] =	vst v1  }
0x31: {  	[tilespmem:$0x7D0] =	vst v0  }
0x32: {  	[tilespmem:$0x560] =	vst v1  }
0x33: {  	[tilespmem:$0x5E0] =	vst v1  }
0x34: {  	[tilespmem:$0x660] =	vst v1  }
0x35: {  	[tilespmem:$0x6E0] =	vst v1  }
0x36: {  	[tilespmem:$0x760] =	vst v1  }
0x37: {  	[tilespmem:$0x7E0] =	vst v0  }
0x38: {  	[tilespmem:$0x570] =	vst v1  }
0x39: {  	[tilespmem:$0x5F0] =	vst v1  }
0x3a: {  	[tilespmem:$0x670] =	vst v1  }
0x3b: {  	[tilespmem:$0x6F0] =	vst v1  }
0x3c: {  	[tilespmem:$0x770] =	vst v1  }
0x3d: {  	[tilespmem:$0x7F0] =	vst v0  }
0x3e: {  	[tilespmem:s5], [sflag:$0x2] =	stream.linear.gather [hbm4b:s1+s5], $0x80, $0x38;
	[tilespmem:$0x880] =	vst v63  }
0x3f: {  	s1 =	simm.s32 $0x2  }
0x40: {  	_ =	swait.ge [sflag:s1], $0x80  }
0x41: {  	[sflag:s1] =	ssyncset.done $0x0  }
0x42: {  	s6 =	sadd.s32 $0x1E00, s3;
	s7 =	simm.s32 $0x80;
	[sflag:s1] =	ssyncadd.s32 $0xFFFFFF80  }
0x43: {  	[tilespmem:s7], [sflag:$0x1] =	stream.indirect.gather [hbm4b:s6+s7], $0x1, s5, s7, $0xb8;
	[tilespmem:$0x880] =	vst v63  }
0x44: {  	s23 =	sadd.s32 $0x1400, s3;
	s8 =	simm.s32 $0x100  }
0x45: {  	[tilespmem:s8], [sflag:$0x1] =	stream.indirect.gather [hbm4b:s23+s7], $0x1, s5, s7, $0xb8;
	[tilespmem:$0x880] =	vst v63  }
0x46: {  	s24 =	sadd.s32 $0xA00, s3;
	s25 =	simm.s32 $0x180  }
0x47: {  	[tilespmem:s25], [sflag:$0x1] =	stream.indirect.gather [hbm4b:s24+s7], $0x1, s5, s7, $0xb8;
	[tilespmem:$0x880] =	vst v63  }
0x48: {  	s26 =	simm.s32 $0x200  }
0x49: {  	[tilespmem:s26], [sflag:$0x1] =	stream.indirect.gather [hbm4b:s3+s7], $0x1, s5, s7, $0xb8;
	[tilespmem:$0x880] =	vst v63  }
0x4a: {  	s28 =	simm.s32 $0x280  }
0x4b: {  	[tilespmem:s28], [sflag:$0x1] =	stream.indirect.gather [hbm4b:s4+s7], $0x1, s5, s7, $0xb8;
	[tilespmem:$0x880] =	vst v63  }
0x4c: {  	s29 =	simm.s32 $0x300;
	s30 =	simm.s32 $0x1  }
0x4d: {  	[tilespmem:s29], [sflag:$0x1] =	stream.indirect.gather [hbm4b:s2+s7], $0x1, s5, s7, $0xb8;
	[tilespmem:$0x880] =	vst v63  }
0x4e: {  	_ =	swait.ge [sflag:s30], $0x80  }
0x4f: {  	[sflag:s30] =	ssyncset.done $0x0  }
0x50: {  	[sflag:s30] =	ssyncadd.s32 $0xFFFFFF80  }
0x51: {  	_ =	swait.ge [sflag:s30], $0x80  }
0x52: {  	[sflag:s30] =	ssyncset.done $0x0  }
0x53: {  	[sflag:s30] =	ssyncadd.s32 $0xFFFFFF80  }
0x54: {  	_ =	swait.ge [sflag:s30], $0x80  }
0x55: {  	[sflag:s30] =	ssyncset.done $0x0  }
0x56: {  	[sflag:s30] =	ssyncadd.s32 $0xFFFFFF80  }
0x57: {  	_ =	swait.ge [sflag:s30], $0x80  }
0x58: {  	[sflag:s30] =	ssyncset.done $0x0  }
0x59: {  	[sflag:s30] =	ssyncadd.s32 $0xFFFFFF80  }
0x5a: {  	_ =	swait.ge [sflag:s30], $0x80  }
0x5b: {  	[sflag:s30] =	ssyncset.done $0x0  }
0x5c: {  	[sflag:s30] =	ssyncadd.s32 $0xFFFFFF80  }
0x5d: {  	_ =	swait.ge [sflag:s30], $0x80  }
0x5e: {  	[sflag:s30] =	ssyncset.done $0x0  }
0x5f: {  	[sflag:s30] =	ssyncadd.s32 $0xFFFFFF80  }
0x60: {  	v62 =	vld [tilespmem:$0x180]  }
0x61: {  	v2 =	vld [tilespmem:$0x80]  }
0x62: {  	v3 =	vld [tilespmem:$0x200]  }
0x63: {  	v4 =	vld [tilespmem:$0x100]  }
0x64: {  	v5 =	vld [tilespmem:$0x280]  }
0x65: {  	v6 =	vld [tilespmem:$0x190]  }
0x66: {  	v7 =	vld [tilespmem:$0x90]  }
0x67: {  	v8 =	vld [tilespmem:$0x210]  }
0x68: {  	v9 =	vld [tilespmem:$0x110]  }
0x69: {  	v10 =	vld [tilespmem:$0x290]  }
0x6a: {  	v11 =	vld [tilespmem:$0x1A0]  }
0x6b: {  	v12 =	vld [tilespmem:$0xA0]  }
0x6c: {  	v13 =	vld [tilespmem:$0x220]  }
0x6d: {  	v14 =	vld [tilespmem:$0x120]  }
0x6e: {  	v15 =	vld [tilespmem:$0x2A0]  }
0x6f: {  	v16 =	vld [tilespmem:$0x1B0]  }
0x70: {  	v17 =	vld [tilespmem:$0xB0]  }
0x71: {  	v18 =	vld [tilespmem:$0x230]  }
0x72: {  	v19 =	vld [tilespmem:$0x130]  }
0x73: {  	v20 =	vld [tilespmem:$0x2B0]  }
0x74: {  	v21 =	vld [tilespmem:$0x1C0]  }
0x75: {  	v22 =	vld [tilespmem:$0xC0]  }
0x76: {  	v23 =	vld [tilespmem:$0x240]  }
0x77: {  	v26 =	vld [tilespmem:$0x280]  }
0x78: {  	v24 =	vld [tilespmem:$0x140]  }
0x79: {  	v25 =	vld [tilespmem:$0x2C0]  }
0x7a: {  	v27 =	vld [tilespmem:$0x1D0]  }
0x7b: {  	v28 =	vld [tilespmem:$0xD0]  }
0x7c: {  	v29 =	vld [tilespmem:$0x250];
	(v2sf) =	vpush v26, $0x0  }
0x7d: {  	v31 =	vld [tilespmem:$0x2D0]  }
0x7e: {  	v34 =	vld [tilespmem:$0x1E0]  }
0x7f: {  	v37 =	vld [tilespmem:$0xE0]  }
0x80: {  	v39 =	vld [tilespmem:$0x260];
	vm0 =	vge.f32 v5, $5.000000000e-01  }
0x81: {  	v55 =	vld [tilespmem:$0x2E0];
	vm9 =	vge.f32 v10, $5.000000000e-01;
	v38 =	vsel vm0, $0x1, v0  }
0x82: {  	v57 =	vld [tilespmem:$0x2F0];
	vm10 =	vge.f32 v15, $5.000000000e-01;
	v43 =	vsel vm9, $0x1, v0;
	[tilespmem:$0x400] =	vst v38  }
0x83: {  	v41 =	vld [tilespmem:$0x160];
	v1 =	vsub.f32 v62, v2;
	vm11 =	vge.f32 v20, $5.000000000e-01;
	v49 =	vsel vm10, $0x1, v0;
	[tilespmem:$0x410] =	vst v43  }
0x84: {  	v45 =	vld [tilespmem:$0x1F0];
	v63 =	vsub.f32 v3, v4;
	vm12 =	vge.f32 v25, $5.000000000e-01;
	v54 =	vsel vm11, $0x1, v0;
	[tilespmem:$0x420] =	vst v49  }
0x85: {  	v48 =	vld [tilespmem:$0xF0];
	v32 =	vsub.f32 v6, v7;
	vm13 =	vge.f32 v31, $5.000000000e-01;
	v56 =	vsel vm12, $0x1, v0;
	[tilespmem:$0x430] =	vst v54  }
0x86: {  	v50 =	vld [tilespmem:$0x270];
	v33 =	vsub.f32 v8, v9;
	vm14 =	vge.f32 v55, $5.000000000e-01;
	v61 =	vsel vm13, $0x1, v0;
	[tilespmem:$0x440] =	vst v56  }
0x87: {  	v52 =	vld [tilespmem:$0x170];
	vm15 =	vge.f32 v57, $5.000000000e-01;
	v1 =	vmul.f32 v63, v1;
	[tilespmem:$0x450] =	vst v61;
	v63 =	vsel vm14, $0x1, v0  }
0x88: {  	v30 =	vld [tilespmem:$0x150];
	v35 =	vsub.f32 v11, v12;
	v36 =	vsub.f32 v13, v14;
	v0 =	vsel vm15, $0x1, v0;
	[tilespmem:$0x460] =	vst v63  }
0x89: {  	v46 =	vsub.f32 v21, v22;
	v47 =	vsub.f32 v23, v24;
	v2 =	vmul.f32 v33, v32;
	[tilespmem:$0x470] =	vst v0  }
0x8a: {  	v7 =	vsub.f32 v34, v37;
	v5 =	vsub.f32 v39, v41;
	v40 =	vmul.f32 v36, v35;
	[tilespmem:$0x380] =	vst v1  }
0x8b: {  	v42 =	vsub.f32 v16, v17;
	v44 =	vsub.f32 v18, v19;
	v51 =	vmul.f32 v47, v46;
	[tilespmem:$0x390] =	vst v2;
	s31 =	spop (v2sf)  }
0x8c: {  	v59 =	vsub.f32 v45, v48;
	v60 =	vsub.f32 v50, v52;
	v58 =	vmul.f32 v5, v7;
	[tilespmem:$0x3A0] =	vst v40;
	p0 =	sge.f32 s31, $5.000000000e-01  }
.Ltmp0:
0x8d: {  	v53 =	vsub.f32 v27, v28;
	v3 =	vsub.f32 v29, v30;
	v2 =	vmul.f32 v44, v42;
	[tilespmem:$0x3C0] =	vst v51;
	(pc) =	sbr.rel @!p0 .LBB2_8-.Ltmp0, $4  }
0x8e: {  	v62 =	vmul.f32 v60, v59;
	[tilespmem:$0x3E0] =	vst v58  }
0x8f: {  	s9 =	simm.f32 $0.0e+00;
	s6 =	sadd.s32 $0x2A20, s3;
	[tilespmem:$0x3B0] =	vst v2;
	v2 =	vmul.f32 v3, v53  }
0x90: {  	s8 =	sadd.s32 $0x2A10, s3;
	s4 =	sadd.s32 $0x2A40, s3;
	s7 =	sadd.s32 $0x2A00, s3;
	[tilespmem:$0x3F0] =	vst v62  }
0x91: {  	s2 =	sadd.s32 $0x2800, s3;
	s5 =	sadd.s32 $0x2A30, s3;
	s3 =	sadd.s32 $0x2A50, s3;
	[tilespmem:$0x3D0] =	vst v2  }
0x92: {  	v0 =	vld [tilespmem:$0x80]  }
0x93: {  	v1 =	vld [tilespmem:$0x90]  }
0x94: {  	v2 =	vld [tilespmem:$0xA0]  }
0x95: {  	v3 =	vld [tilespmem:$0xB0]  }
0x96: {  	v4 =	vld [tilespmem:$0xC0]  }
0x97: {  	v5 =	vld [tilespmem:$0xD0]  }
0x98: {  	v6 =	vld [tilespmem:$0xE0]  }
0x99: {  	v7 =	vld [tilespmem:$0xF0]  }
0x9a: {  	v8 =	vld [tilespmem:$0x100]  }
0x9b: {  	v9 =	vld [tilespmem:$0x110]  }
0x9c: {  	v10 =	vld [tilespmem:$0x120]  }
0x9d: {  	v11 =	vld [tilespmem:$0x130]  }
0x9e: {  	v12 =	vld [tilespmem:$0x140]  }
0x9f: {  	v13 =	vld [tilespmem:$0x150]  }
0xa0: {  	v14 =	vld [tilespmem:$0x160]  }
0xa1: {  	v15 =	vld [tilespmem:$0x170]  }
0xa2: {  	v16 =	vld [tilespmem:$0x180]  }
0xa3: {  	v17 =	vld [tilespmem:$0x190]  }
0xa4: {  	v18 =	vld [tilespmem:$0x1A0]  }
0xa5: {  	v19 =	vld [tilespmem:$0x1B0]  }
0xa6: {  	v20 =	vld [tilespmem:$0x1C0]  }
0xa7: {  	v21 =	vld [tilespmem:$0x1D0]  }
0xa8: {  	v22 =	vld [tilespmem:$0x1E0]  }
0xa9: {  	v23 =	vld [tilespmem:$0x1F0]  }
0xaa: {  	v24 =	vld [tilespmem:$0x200]  }
0xab: {  	v25 =	vld [tilespmem:$0x210]  }
0xac: {  	v26 =	vld [tilespmem:$0x220]  }
0xad: {  	v27 =	vld [tilespmem:$0x230]  }
0xae: {  	v28 =	vld [tilespmem:$0x240]  }
0xaf: {  	v29 =	vld [tilespmem:$0x250]  }
0xb0: {  	v30 =	vld [tilespmem:$0x260]  }
0xb1: {  	v31 =	vld [tilespmem:$0x270]  }
0xb2: {  	v32 =	vld [tilespmem:$0x380]  }
0xb3: {  	v33 =	vld [tilespmem:$0x390]  }
0xb4: {  	v34 =	vld [tilespmem:$0x3A0]  }
.Ltmp1:
0xb5: {  	v35 =	vld [tilespmem:$0x3B0];
	(pc) =	sbr.rel .LBB2_3-.Ltmp1, $4  }
0xb6: {  	v36 =	vld [tilespmem:$0x3C0]  }
0xb7: {  	v37 =	vld [tilespmem:$0x3D0]  }
0xb8: {  	v38 =	vld [tilespmem:$0x3E0]  }
0xb9: {  	s9 =	simm.s32 $0x0;
	s10 =	simm.s32 $0x400;
	v39 =	vld [tilespmem:$0x3F0];
	v40 =	vlaneseq.u32;
	s11 =	simm.s32 $0x0  }
.LBB2_5:
0xba: {  	s13 =	sand.u32 $0x70, s11  }
0xbb: {  	v41 =	vld [tilespmem:s13+$0x80]  }
0xbc: {  	v42 =	vld [tilespmem:s13+$0x100]  }
0xbd: {  	v43 =	vld [tilespmem:s13+$0x180]  }
0xbe: {  	v44 =	vld [tilespmem:s13+$0x200]  }
0xbf: {  	s12 =	sand.u32 $0xFFFFFFF0, s9;
	v45 =	vld [tilespmem:s13+$0x380]  }
0xc0: {  	v46 =	vld [tilespmem:s12+$0x500]  }
0xc1: {  	v48 =	vld [tilespmem:s12+$0x580]  }
0xc2: {  	s14 =	sand.u32 $0xF, s11;
	v49 =	vld [tilespmem:s12+$0x600]  }
0xc3: {  	v47 =	vmov s14;
	v51 =	vld [tilespmem:s12+$0x680]  }
0xc4: {  	s31 =	sand.u32 $0xF, s9;
	v57 =	vld [tilespmem:s12+$0x800];
	v41 =	vperm.xlane v41, v47  }
0xc5: {  	v50 =	vmov s31;
	v42 =	vperm.xlane v42, v47;
	v43 =	vperm.xlane v43, v47  }
0xc6: {  	vm0 =	veq.s32 v50, v40;
	v44 =	vperm.xlane v44, v47;
	v45 =	vperm.xlane v45, v47  }
0xc7: {  	v52 =	vmax.f32 v0, v41;
	v53 =	vmax.f32 v8, v42;
	v46 =	vsel vm0, v41, v46  }
0xc8: {  	v54 =	vmin.f32 v16, v43;
	v55 =	vmin.f32 v24, v44;
	v58 =	vsel vm0, v42, v48;
	[tilespmem:s12+$0x500] =	vst v46  }
0xc9: {  	v59 =	vsel vm0, v43, v49;
	v62 =	vsel vm0, v44, v51;
	v50 =	vsel vm0, v45, v57;
	[tilespmem:s12+$0x580] =	vst v58  }
0xca: {  	v63 =	vadd.f32 v45, v32;
	v56 =	vmax.f32 v1, v41;
	v57 =	vmin.f32 v17, v43;
	[tilespmem:s12+$0x600] =	vst v59  }
0xcb: {  	v52 =	vsub.f32 v54, v52;
	v53 =	vsub.f32 v55, v53;
	[tilespmem:s12+$0x680] =	vst v62;
	v58 =	vmax.f32 v9, v42  }
0xcc: {  	[tilespmem:s12+$0x800] =	vst v50;
	v59 =	vmin.f32 v25, v44;
	v49 =	vsub.f32 v57, v56;
	v56 =	vmin.f32 v18, v43  }
0xcd: {  	v57 =	vmin.f32 v26, v44;
	v51 =	vld [tilespmem:s13+$0x280];
	v50 =	vsub.f32 v59, v58;
	v59 =	vadd.f32 v45, v34  }
0xce: {  	v60 =	vmax.f32 v52, $0.0e+00;
	v61 =	vmax.f32 v53, $0.0e+00;
	v49 =	vmax.f32 v49, $0.0e+00  }
0xcf: {  	v48 =	vmul.f32 v61, v60;
	v50 =	vmax.f32 v50, $0.0e+00;
	v61 =	vmax.f32 v2, v41  }
0xd0: {  	v62 =	vld [tilespmem:s12+$0x700];
	v60 =	vadd.f32 v45, v33;
	v49 =	vmul.f32 v50, v49;
	v56 =	vsub.f32 v56, v61  }
0xd1: {  	v61 =	vmin.f32 v19, v43;
	v46 =	vsub.f32 v63, v48;
	v63 =	vmax.f32 v10, v42  }
0xd2: {  	v58 =	vsub.f32 v57, v63;
	v51 =	vperm.xlane v51, v47;
	v52 =	vsub.f32 v60, v49  }
0xd3: {  	v50 =	vmax.f32 v56, $0.0e+00;
	v60 =	vmax.f32 v3, v41;
	v63 =	vmin.f32 v27, v44  }
0xd4: {  	v57 =	vmax.f32 v5, v41;
	v46 =	vadd.f32 $9.999999710e-10, v46;
	v53 =	vmax.f32 v58, $0.0e+00  }
0xd5: {  	v51 =	vsel vm0, v51, v62;
	v62 =	vmax.f32 v11, v42;
	v58 =	vmin.f32 v28, v44  }
0xd6: {  	v50 =	vmul.f32 v53, v50;
	(erf) = vrcp.f32 v46;
	v53 =	vsub.f32 v61, v60  }
0xd7: {  	v60 =	vsub.f32 v63, v62;
	v61 =	vmax.f32 v4, v41;
	v62 =	vmin.f32 v20, v43  }
0xd8: {  	v46 =	vadd.f32 $9.999999710e-10, v52;
	v63 =	vmax.f32 v12, v42;
	v55 =	vsub.f32 v62, v61  }
0xd9: {  	v61 =	vmax.f32 v14, v42;
	v52 =	vsub.f32 v59, v50;
	v53 =	vmax.f32 v53, $0.0e+00  }
0xda: {  	v54 =	vmax.f32 v60, $0.0e+00;
	v60 =	vsub.f32 v58, v63;
	v58 =	vmin.f32 v21, v43  }
0xdb: {  	v59 =	vmax.f32 v13, v42;
	(erf) = vrcp.f32 v46;
	v42 =	vmax.f32 v15, v42  }
0xdc: {  	v53 =	vmul.f32 v54, v53;
	v54 =	vadd.f32 v45, v35;
	v55 =	vmax.f32 v55, $0.0e+00  }
0xdd: {  	v57 =	vsub.f32 v58, v57;
	v56 =	vmax.f32 v60, $0.0e+00;
	v60 =	vmin.f32 v29, v44  }
0xde: {  	v58 =	vsub.f32 v60, v59;
	v59 =	vmax.f32 v6, v41;
	v60 =	vmin.f32 v22, v43  }
0xdf: {  	v54 =	vsub.f32 v54, v53;
	v41 =	vmax.f32 v7, v41;
	v43 =	vmin.f32 v23, v43  }
0xe0: {  	v59 =	vsub.f32 v60, v59;
	v60 =	vmin.f32 v30, v44;
	v41 =	vsub.f32 v43, v41  }
0xe1: {  	v55 =	vmul.f32 v56, v55;
	v43 =	vadd.f32 $9.999999710e-10, v52;
	v56 =	vsub.f32 v60, v61  }
0xe2: {  	v44 =	vmin.f32 v31, v44;
	v60 =	vadd.f32 v45, v36;
	v46 =	vadd.f32 $9.999999710e-10, v54  }
0xe3: {  	v61 =	vmax.f32 v57, $0.0e+00;
	v62 =	vmax.f32 v58, $0.0e+00;
	v42 =	vsub.f32 v44, v42  }
0xe4: {  	[tilespmem:s12+$0x700] =	vst v51;
	v63 =	vmax.f32 v59, $0.0e+00;
	v54 =	vmul.f32 v62, v61;
	v61 =	vadd.f32 v45, v38  }
0xe5: {  	v44 =	vld [tilespmem:s13+$0x300];
	v52 =	vsub.f32 v60, v55;
	v56 =	vmax.f32 v56, $0.0e+00;
	v60 =	vadd.f32 v45, v37  }
0xe6: {  	v41 =	vmax.f32 v41, $0.0e+00;
	v42 =	vmax.f32 v42, $0.0e+00;
	v51 =	vmul.f32 v56, v63  }
0xe7: {  	v62 =	vld [tilespmem:s12+$0x780];
	v45 =	vadd.f32 v45, v39;
	v41 =	vmul.f32 v42, v41;
	v57 =	vsub.f32 v60, v54  }
0xe8: {  	(erf) = vrcp.f32 v43;
	v63 =	vadd.f32 $9.999999710e-10, v52;
	v58 =	vsub.f32 v61, v51  }
0xe9: {  	(erf) = vrcp.f32 v46;
	v45 =	vsub.f32 v45, v41;
	v59 =	vadd.f32 $9.999999710e-10, v57  }
0xea: {  	v44 =	vperm.xlane v44, v47;
	(erf) = vrcp.f32 v63;
	v60 =	vadd.f32 $9.999999710e-10, v58  }
0xeb: {  	v45 =	vadd.f32 $9.999999710e-10, v45;
	(erf) = vrcp.f32 v59  }
0xec: {  	v42 =	vsel vm0, v44, v62;
	(erf) = vrcp.f32 v60  }
0xed: {  	[tilespmem:s12+$0x780] =	vst v42;
	(erf) = vrcp.f32 v45  }
0xee: {  	v42 =	vld [tilespmem:$0x400]  }
0xef: {  	v61 =	vpop (erf);
	v62 =	vld [tilespmem:$0x410]  }
0xf0: {  	v43 =	vmul.f32 v61, v48;
	v63 =	vpop (erf);
	v46 =	vld [tilespmem:$0x420]  }
0xf1: {  	v48 =	vld [tilespmem:$0x430];
	v52 =	vpop (erf);
	v45 =	vmul.f32 v63, v49  }
0xf2: {  	vm8 =	vgt.f32 v43, $5.000000000e-01;
	v47 =	vld [tilespmem:$0x440];
	v56 =	vpop (erf);
	v57 =	vmul.f32 v52, v50  }
0xf3: {  	v49 =	vld [tilespmem:$0x450];
	vm9 =	vgt.f32 v45, $5.000000000e-01;
	v59 =	vmul.f32 v56, v53;
	v42 =	vsel vm8, $0x0, v42;
	v58 =	vpop (erf)  }
0xf4: {  	v63 =	vld [tilespmem:$0x460];
	vm10 =	vgt.f32 v57, $5.000000000e-01;
	v61 =	vsel vm9, $0x0, v62;
	[tilespmem:$0x400] =	vst v42;
	v62 =	vmul.f32 v58, v55;
	v60 =	vpop (erf)  }
0xf5: {  	v57 =	vld [tilespmem:$0x470];
	vm11 =	vgt.f32 v59, $5.000000000e-01;
	[tilespmem:$0x410] =	vst v61;
	v55 =	vsel vm10, $0x0, v46;
	v53 =	vpop (erf);
	v56 =	vmul.f32 v60, v54  }
0xf6: {  	v58 =	vsel vm11, $0x0, v48;
	[tilespmem:$0x420] =	vst v55;
	vm12 =	vgt.f32 v62, $5.000000000e-01;
	v59 =	vmul.f32 v53, v51;
	v60 =	vpop (erf)  }
0xf7: {  	[tilespmem:$0x430] =	vst v58;
	v61 =	vsel vm12, $0x0, v47;
	vm13 =	vgt.f32 v56, $5.000000000e-01;
	v41 =	vmul.f32 v60, v41  }
0xf8: {  	[tilespmem:$0x440] =	vst v61;
	v62 =	vsel vm13, $0x0, v49;
	vm14 =	vgt.f32 v59, $5.000000000e-01  }
0xf9: {  	[tilespmem:$0x450] =	vst v62;
	v63 =	vsel vm14, $0x0, v63;
	vm15 =	vgt.f32 v41, $5.000000000e-01  }
0xfa: {  	[tilespmem:$0x460] =	vst v63;
	v41 =	vsel vm15, $0x0, v57  }
0xfb: {  	s9 =	sadd.s32 $0x1, s9;
	[tilespmem:$0x470] =	vst v41  }
.LBB2_6:
0xfc: {  	s11 =	sadd.s32 $0x1, s11  }
0xfd: {  	p0 =	sne.s32 s11, $0x80  }
.Ltmp2:
0xfe: {  	_ = 	snop;
	(pc) =	sbr.rel @!p0 .LBB2_7-.Ltmp2, $2  }
0xff: {  	_ =	sdelay $0x2  }
0x100: {  	s10 =	sadd.s32 $0x1, s10  }
.LBB2_3:
0x101: {  	v41 =	vld [tilespmem:s10+$0x0];
	_ =	sdelay $0x4  }
0x102: {  	(v2sf) =	vpush v41, $0x0;
	_ =	sdelay $0xe  }
0x103: {  	p0 =	sgt.s32 s9, $0x63;
	s12 =	spop (v2sf)  }
0x104: {  	p1 =	seq.s32 @!p0 s12, $0x0  }
0x105: {  	p1 =	por p0, p1  }
.Ltmp3:
0x106: {  	_ = 	snop;
	(pc) =	sbr.rel @!p1 .LBB2_5-.Ltmp3, $1  }
0x107: {  	_ =	sdelay $0x3  }
.Ltmp4:
0x108: {  	(pc) =	sbr.rel .LBB2_6-.Ltmp4, $2  }
0x109: {  	_ =	sdelay $0x2  }
0x10a: {  	s9 =	smov.u32 @p0 s9  }
.LBB2_7:
0x10b: {  	s9 =	scvt.s32.f32 s9  }
.LBB2_8:
0x10c: {  	_ = 	snop  }
0x10d: {  	v0 =	vmov s9  }
0x10e: {  	[tilespmem:$0x380] =	vst v0  }
0x10f: {  	[tilespmem:$0x390] =	vst v0  }
0x110: {  	[tilespmem:$0x3A0] =	vst v0  }
0x111: {  	[tilespmem:$0x3B0] =	vst v0  }
0x112: {  	[tilespmem:$0x3C0] =	vst v0  }
0x113: {  	[tilespmem:$0x3D0] =	vst v0  }
0x114: {  	[tilespmem:$0x3E0] =	vst v0  }
0x115: {  	s24 =	simm.s32 $0x0;
	s10 =	simm.s32 $0x500;
	[tilespmem:$0x3F0] =	vst v0  }
0x116: {  	[hbm4b:s7+s24] =	stream.linear.scatter [tilespmem:s10], [sflag:$0x2], $0x80, $0x38;
	[tilespmem:$0x880] =	vst v63  }
0x117: {  	_ =	swait.ge [sflag:s1], $0x80  }
0x118: {  	[sflag:s1] =	ssyncset.done $0x0  }
0x119: {  	s25 =	simm.s32 $0x580;
	[sflag:s1] =	ssyncadd.s32 $0xFFFFFF80  }
0x11a: {  	[hbm4b:s8+s24] =	stream.linear.scatter [tilespmem:s25], [sflag:$0x2], $0x80, $0x38;
	[tilespmem:$0x880] =	vst v63  }
0x11b: {  	_ =	swait.ge [sflag:s1], $0x80  }
0x11c: {  	[sflag:s1] =	ssyncset.done $0x0  }
0x11d: {  	s26 =	simm.s32 $0x600;
	[sflag:s1] =	ssyncadd.s32 $0xFFFFFF80  }
0x11e: {  	[hbm4b:s6+s24] =	stream.linear.scatter [tilespmem:s26], [sflag:$0x2], $0x80, $0x38;
	[tilespmem:$0x880] =	vst v63  }
0x11f: {  	_ =	swait.ge [sflag:s1], $0x80  }
0x120: {  	[sflag:s1] =	ssyncset.done $0x0  }
0x121: {  	s28 =	simm.s32 $0x680;
	[sflag:s1] =	ssyncadd.s32 $0xFFFFFF80  }
0x122: {  	[hbm4b:s5+s24] =	stream.linear.scatter [tilespmem:s28], [sflag:$0x2], $0x80, $0x38;
	[tilespmem:$0x880] =	vst v63  }
0x123: {  	_ =	swait.ge [sflag:s1], $0x80  }
0x124: {  	[sflag:s1] =	ssyncset.done $0x0  }
0x125: {  	s29 =	simm.s32 $0x700;
	[sflag:s1] =	ssyncadd.s32 $0xFFFFFF80  }
0x126: {  	[hbm4b:s4+s24] =	stream.linear.scatter [tilespmem:s29], [sflag:$0x2], $0x80, $0x38;
	[tilespmem:$0x880] =	vst v63  }
0x127: {  	_ =	swait.ge [sflag:s1], $0x80  }
0x128: {  	[sflag:s1] =	ssyncset.done $0x0  }
0x129: {  	s30 =	simm.s32 $0x380;
	[sflag:s1] =	ssyncadd.s32 $0xFFFFFF80  }
0x12a: {  	[hbm4b:s3+s24] =	stream.linear.scatter [tilespmem:s30], [sflag:$0x2], $0x80, $0x38;
	[tilespmem:$0x880] =	vst v63  }
0x12b: {  	_ =	swait.ge [sflag:s1], $0x80  }
0x12c: {  	[sflag:s1] =	ssyncset.done $0x0  }
0x12d: {  	s31 =	simm.s32 $0x780;
	[sflag:s1] =	ssyncadd.s32 $0xFFFFFF80  }
0x12e: {  	[hbm4b:s2+s24] =	stream.linear.scatter [tilespmem:s31], [sflag:$0x2], $0x80, $0x38;
	[tilespmem:$0x880] =	vst v63  }
0x12f: {  	_ =	swait.ge [sflag:s1], $0x80  }
0x130: {  	[sflag:s1] =	ssyncset.done $0x0  }
0x131: {  	[sflag:s1] =	ssyncadd.s32 $0xFFFFFF80  }
0x132: {  	_ =	sfence.sel $0x180000  }
0x133: {  	[bflag:$0x0] =	sbarrier.arrive $0xFFFF  }
0x134: {  	_ =	strace $0x90000047  }
0x135: {  	s0 =	sadd.s32 $0x100000, s0;
	[bflag:$0x2] =	sbarrier.arrive $0xFFFF  }
0x136: {  	[sflag:s0] =	ssyncadd.tile.s32 $0x1;
	_ =	shalt  }
.Lfunc_end2:
_tile_overlayer_lowered:
.L_overlay_start_2:
0x137: {  	(tag) =	ssettag $0x2  }
0x138: {  	s0 =	rddreg [dreg:$0x0];
	s2 =	stileid.u32  }
0x139: {  	s1 =	rddreg [dreg:$0x1];
	p0 =	sne.s32 s2, $0x0  }
0x13a: {  	s3 =	rddreg [dreg:$0x2];
	[bflag:$0x3] =	sbarrier.arrive $0xFFFF;
	s2 =	simm.s32 @!p0 $0x1C02  }
0x13b: {  	[timem:s3], [sflag:s2] =	dma.local @!p0 [hbm:s0], s1  }
0x13c: {  	s0 =	simm.s32 @!p0 $0x2  }
0x13d: {  	_ =	swait.ge @!p0 [sflag:s0], s1  }
0x13e: {  	s1 =	ssub.s32 @!p0 $0x0, s1;
	[sflag:s0] =	ssyncset.done @!p0 $0x0  }
0x13f: {  	[sflag:s0] =	ssyncadd.s32 @!p0 s1  }
0x140: {  	[bflag:$0x3] =	sbarrier.arrive $0xFFFF  }
0x141: {  	_ =	shalt  }

</sc_bundles>
